<compile_context>
chip_gen: v7x
topology: tpu7x:2x2x1
jax: 0.10.2.dev20260603
libtpu: 0.0.44.dev20260713+nightly
codegen_flags: <defaults>
</compile_context>

<pallas_src>
import jax
import jax.numpy as jnp
import numpy as np
from jax import lax
from jax.experimental import pallas as pl
from jax.experimental.pallas import tpu as pltpu
from jax.experimental.pallas import tpu_sc as plsc

V_DIM = 1000000
EMB = 32
BATCH = 16384
CTX = 20
NC, NS = 2, 16
NW = NC * NS
S_PER_W = BATCH // NW
CHUNK = 64
N_CHUNKS = S_PER_W // CHUNK
ROWS = CHUNK * CTX
INV_CTX = float(1.0 / CTX)

TR_COLS = 32768
TR_Q = TR_COLS // 8
TR_GRID = -(-V_DIM // TR_COLS)
V_PAD = TR_GRID * TR_COLS


_E_LO = np.zeros((256, 128), np.float32)
_E_HI = np.zeros((256, 128), np.float32)
for _w in range(128):
    _E_LO[2 * _w, _w] = 1.0
    _E_HI[2 * _w + 1, _w] = 1.0


def _tr_body(in_ref, elo_ref, ehi_ref, out_ref):
    x = in_ref[...]
    lhs = jnp.concatenate(
        [x[:, k * TR_Q:(k + 1) * TR_Q] for k in range(8)], axis=0)
    def sel(e_ref):
        y = lax.dot_general(
            lhs, e_ref[...],
            dimension_numbers=(((0,), (0,)), ((), ())),
            precision=lax.Precision.DEFAULT,
            preferred_element_type=jnp.float32)
        u = lax.bitcast_convert_type(
            lax.convert_element_type(y, jnp.bfloat16), jnp.uint16)
        return lax.convert_element_type(u, jnp.int32)
    out_ref[...] = sel(elo_ref) | (sel(ehi_ref) << 16)


_TR_Q_BITS = TR_Q.bit_length() - 1


def _relayout_table(tab):
    tab_t = tab.T
    lines = pl.pallas_call(
        _tr_body,
        grid=(TR_GRID,),
        in_specs=[
            pl.BlockSpec((EMB, TR_COLS), lambda i: (0, i)),
            pl.BlockSpec((256, 128), lambda i: (0, 0)),
            pl.BlockSpec((256, 128), lambda i: (0, 0)),
        ],
        out_specs=pl.BlockSpec((TR_Q, 128), lambda i: (i, 0)),
        out_shape=jax.ShapeDtypeStruct((TR_GRID * TR_Q, 128),
                                       jnp.int32),
        compiler_params=pltpu.CompilerParams(
            dimension_semantics=("arbitrary",)),
    )(tab_t, jnp.asarray(_E_LO), jnp.asarray(_E_HI))
    return lines.reshape(V_PAD, EMB // 2)


def _sc_body(x_hbm, tab_hbm, out_hbm, idx2_v, idx_va, idx_vb, rows_va,
             rows_vb, out_v, sem_a, sem_b):
    wid = lax.axis_index("s") * NC + lax.axis_index("c")
    base_out = wid * S_PER_W
    bufs = [(idx_va, rows_va, sem_a), (idx_vb, rows_vb, sem_b)]

    def stage(ci, idx_v):
        off_out = base_out + ci * CHUNK
        pltpu.sync_copy(x_hbm.at[pl.ds(off_out, CHUNK)], idx2_v)

        def repack_body(o, c2):
            for lo, st in ((0, o * CTX), (CTX - 16, o * CTX + CTX - 16)):
                v = idx2_v[o, pl.ds(lo, 16)]
                idx_v[pl.ds(st, 16)] = (
                    (v & ~(TR_COLS - 1)) + ((v & (TR_Q - 1)) << 3)
                    + ((v >> _TR_Q_BITS) & 7))
            return c2

        lax.fori_loop(0, CHUNK, repack_body, 0)

    def compute(ci, rows_v):
        off_out = base_out + ci * CHUNK

        def out_body(o, c2):
            base = o * CTX
            los, his = [], []
            for c in range(CTX):
                bf = plsc.bitcast(rows_v[base + c, pl.ds(0, 16)],
                                  jnp.bfloat16)
                lo, hi = plsc.unpack(
                    bf, format=plsc.PackFormat.INTERLEAVED,
                    preferred_element_type=jnp.float32)
                los.append(lo)
                his.append(hi)
            for vals in (los, his):
                while len(vals) > 1:
                    vals[:] = [a + b for a, b in
                               zip(vals[::2], vals[1::2])] + (
                        [vals[-1]] if len(vals) % 2 else [])
            out_v[o, :] = plsc.pack(
                los[0] * INV_CTX, his[0] * INV_CTX,
                format=plsc.PackFormat.INTERLEAVED)
            return c2

        lax.fori_loop(0, CHUNK, out_body, 0)
        pltpu.sync_copy(out_v, out_hbm.at[pl.ds(off_out, CHUNK)])

    pending = None
    for ci in range(N_CHUNKS):
        idx_v, rows_v, sem = bufs[ci % 2]
        stage(ci, idx_v)
        cp = pltpu.async_copy(tab_hbm.at[idx_v], rows_v, sem)
        if pending is not None:
            pending[0].wait()
            compute(pending[1], pending[2])
        pending = (cp, ci, rows_v)
    pending[0].wait()
    compute(pending[1], pending[2])


@jax.jit
def _cbow(x, tab):
    xp = jnp.pad(x, ((0, 0), (0, 128 - CTX)))
    tab_rows = _relayout_table(tab)
    mesh = plsc.VectorSubcoreMesh(core_axis_name="c", subcore_axis_name="s")
    f = pl.kernel(
        _sc_body,
        out_type=jax.ShapeDtypeStruct((BATCH, EMB), jnp.bfloat16),
        mesh=mesh,
        scratch_types=[
            pltpu.VMEM((CHUNK, 128), jnp.int32),
            pltpu.VMEM((ROWS,), jnp.int32),
            pltpu.VMEM((ROWS,), jnp.int32),
            pltpu.VMEM((ROWS, EMB // 2), jnp.int32),
            pltpu.VMEM((ROWS, EMB // 2), jnp.int32),
            pltpu.VMEM((CHUNK, EMB), jnp.bfloat16),
            pltpu.SemaphoreType.DMA,
            pltpu.SemaphoreType.DMA,
        ],
        compiler_params=pltpu.CompilerParams(
            use_tc_tiling_on_sc=False, needs_layout_passes=False),
    )
    return f(xp, tab_rows).astype(jnp.float32)


def kernel(x, emb_weight):
    return _cbow(x, emb_weight)

# --- scband reference (transcript-rebuilt; emitter-appended) ---
"""Pipeline reference for scband-cbow-47150150975674 (READ-ONLY COPY).

The authoritative reference and input builder live on the scoring server;
editing this copy changes nothing except your own understanding.
"""

import jax, jax.numpy as jnp
import numpy as np

V_DIM = 1000000
EMB_DIM = 32
BATCH = 16384
CTX = 20

def setup_inputs(seed: int = 0) -> dict:
    key = jax.random.key(seed)
    k1, k2 = jax.random.split(key)
    x = jax.random.randint(k1, (BATCH, CTX), 0, V_DIM, dtype=jnp.int64 if jax.config.jax_enable_x64 else jnp.int32)
    # embedding table initialized ~ N(0, 0.1) per the torch module
    emb_weight = jax.random.normal(k2, (V_DIM, EMB_DIM), dtype=jnp.float32) * 0.1
    return {"x": x, "emb_weight": emb_weight}

def reference(x, emb_weight):
    # o = embeddings(x); o = mean(o, dim=1)
    o = jnp.take(emb_weight, x, axis=0)  # [B, CTX, EMB]
    o = jnp.mean(o, axis=1)              # [B, EMB]
    return o

if __name__ == "__main__":
    import jax
    _d = setup_inputs()
    print(jax.jit(kernel)(*tuple(_d.values())))

</pallas_src>

<mosaic_0001>
#map = affine_map<(d0, d1) -> (0, 0)>
module attributes {stable_mosaic.version = 14 : i64} {
  func.func @_sc_body(%arg0: i32, %arg1: i32, %arg2: memref<16384x128xi32, #tpu.memory_space<hbm>>, %arg3: memref<1015808x16xi32, #tpu.memory_space<hbm>>, %arg4: memref<16384x32xbf16, #tpu.memory_space<hbm>>, %arg5: memref<64x128xi32, #tpu.memory_space<vmem>>, %arg6: memref<1280xi32, #tpu.memory_space<vmem>>, %arg7: memref<1280xi32, #tpu.memory_space<vmem>>, %arg8: memref<1280x16xi32, #tpu.memory_space<vmem>>, %arg9: memref<1280x16xi32, #tpu.memory_space<vmem>>, %arg10: memref<64x32xbf16, #tpu.memory_space<vmem>>, %arg11: memref<!tpu.dma_semaphore, #tpu.memory_space<semaphore_mem>>, %arg12: memref<!tpu.dma_semaphore, #tpu.memory_space<semaphore_mem>>) attributes {dimension_semantics = [#tpu.dimension_semantics<core_parallel>, #tpu.dimension_semantics<subcore_parallel>], iteration_bounds = array<i64: 2, 16>, scalar_prefetch = 0 : i64, scratch_operands = 8 : i64, tpu.core_type = #tpu.core_type<sc_vector_subcore>, window_params = [{transform_indices = #map}, {transform_indices = #map}, {transform_indices = #map}]} {
    %mul3A = arith.constant 2 : i32
    %mul3A_0 = arith.muli %arg1, %mul3A : i32
    %add3A = arith.addi %mul3A_0, %arg0 : i32
    %mul3A_1 = arith.constant 512 : i32
    %mul3A_2 = arith.muli %add3A, %mul3A_1 : i32
    %add3A_3 = arith.constant 0 : i32
    %add3A_4 = arith.addi %mul3A_2, %add3A_3 : i32
    "tpu.region"() ({
      %run_scoped3A = tpu.sem_alloc : memref<!tpu.dma_semaphore, #tpu.memory_space<semaphore_mem>>
      %dma_start3A_176 = arith.constant 0 : i32
      %dma_start3A_177 = tpu.memref_slice %arg2[%add3A_4, %dma_start3A_176] : memref<16384x128xi32, #tpu.memory_space<hbm>> -> memref<64x128xi32, #tpu.memory_space<hbm>>
      %dma_start3A_178 = arith.constant 0 : i32
      %dma_start3A_179 = tpu.memref_slice %arg2[%add3A_4, %dma_start3A_178] : memref<16384x128xi32, #tpu.memory_space<hbm>> -> memref<64x128xi32, #tpu.memory_space<hbm>>
      tpu.enqueue_dma source(%dma_start3A_179 : memref<64x128xi32, #tpu.memory_space<hbm>>) target(%arg5 : memref<64x128xi32, #tpu.memory_space<vmem>>) target_semaphore(%run_scoped3A : memref<!tpu.dma_semaphore, #tpu.memory_space<semaphore_mem>>)
      %dma_wait3A_180 = arith.constant 0 : i32
      %dma_wait3A_181 = tpu.memref_slice %arg2[%add3A_4, %dma_wait3A_180] : memref<16384x128xi32, #tpu.memory_space<hbm>> -> memref<64x128xi32, #tpu.memory_space<hbm>>
      %dma_wait3A_182 = arith.constant 0 : i32
      %dma_wait3A_183 = tpu.memref_slice %arg2[%add3A_4, %dma_wait3A_182] : memref<16384x128xi32, #tpu.memory_space<hbm>> -> memref<64x128xi32, #tpu.memory_space<hbm>>
      tpu.wait_dma2 semaphore(%run_scoped3A : memref<!tpu.dma_semaphore, #tpu.memory_space<semaphore_mem>>) src(%dma_wait3A_183 : memref<64x128xi32, #tpu.memory_space<hbm>>) dst(%arg5 : memref<64x128xi32, #tpu.memory_space<vmem>>)
      tpu.yield
    }) : () -> ()
    %scan3A = arith.constant 0 : i32
    %scan3A_5 = arith.constant 0 : i32
    %scan3A_6 = arith.constant 64 : i32
    %scan3A_7 = arith.addi %scan3A_5, %scan3A_6 : i32
    %scan3A_8 = arith.constant 1 : i32
    scf.for %scan3A_176 = %scan3A_5 to %scan3A_7 step %scan3A_8  : i32 {
      %mul3A_177 = arith.constant 20 : i32
      %mul3A_178 = arith.muli %scan3A_176, %mul3A_177 : i32
      %mul3A_179 = arith.constant 20 : i32
      %mul3A_180 = arith.muli %scan3A_176, %mul3A_179 : i32
      %add3A_181 = arith.constant 20 : i32
      %add3A_182 = arith.addi %mul3A_180, %add3A_181 : i32
      %sub3A = arith.constant 16 : i32
      %sub3A_183 = arith.subi %add3A_182, %sub3A : i32
      %get3A = arith.index_cast %scan3A_176 : i32 to index
      %get3A_184 = arith.constant 0 : index
      %get3A_185 = tpu.vector_load %arg5[%get3A, %get3A_184] {strides = array<i32>} : memref<64x128xi32, #tpu.memory_space<vmem>>, vector<16xi32>,
      %and3A = arith.constant -32768 : i32
      %and3A_186 = vector.broadcast %and3A : i32 to vector<16xi32>
      %and3A_187 = arith.andi %get3A_185, %and3A_186 : vector<16xi32>
      %and3A_188 = arith.constant 4095 : i32
      %and3A_189 = vector.broadcast %and3A_188 : i32 to vector<16xi32>
      %and3A_190 = arith.andi %get3A_185, %and3A_189 : vector<16xi32>
      %shift_left3A = arith.constant 3 : i32
      %shift_left3A_191 = vector.broadcast %shift_left3A : i32 to vector<16xi32>
      %shift_left3A_192 = arith.shli %and3A_190, %shift_left3A_191 : vector<16xi32>
      %add3A_193 = arith.addi %and3A_187, %shift_left3A_192 : vector<16xi32>
      %shift_right_arithmetic3A = arith.constant 12 : i32
      %shift_right_arithmetic3A_194 = vector.broadcast %shift_right_arithmetic3A : i32 to vector<16xi32>
      %shift_right_arithmetic3A_195 = arith.shrsi %get3A_185, %shift_right_arithmetic3A_194 : vector<16xi32>
      %and3A_196 = arith.constant 7 : i32
      %and3A_197 = vector.broadcast %and3A_196 : i32 to vector<16xi32>
      %and3A_198 = arith.andi %shift_right_arithmetic3A_195, %and3A_197 : vector<16xi32>
      %add3A_199 = arith.addi %add3A_193, %and3A_198 : vector<16xi32>
      %swap3A = arith.index_cast %mul3A_178 : i32 to index
      %swap3A_200 = tpu.vector_load %arg6[%swap3A] {strides = array<i32>} : memref<1280xi32, #tpu.memory_space<vmem>>, vector<16xi32>,
      tpu.vector_store %arg6[%swap3A], %add3A_199 {strides = array<i32>} : memref<1280xi32, #tpu.memory_space<vmem>>, vector<16xi32>,
      %get3A_201 = arith.index_cast %scan3A_176 : i32 to index
      %get3A_202 = arith.constant 4 : index
      %get3A_203 = tpu.vector_load %arg5[%get3A_201, %get3A_202] {strides = array<i32>} : memref<64x128xi32, #tpu.memory_space<vmem>>, vector<16xi32>,
      %and3A_204 = arith.constant -32768 : i32
      %and3A_205 = vector.broadcast %and3A_204 : i32 to vector<16xi32>
      %and3A_206 = arith.andi %get3A_203, %and3A_205 : vector<16xi32>
      %and3A_207 = arith.constant 4095 : i32
      %and3A_208 = vector.broadcast %and3A_207 : i32 to vector<16xi32>
      %and3A_209 = arith.andi %get3A_203, %and3A_208 : vector<16xi32>
      %shift_left3A_210 = arith.constant 3 : i32
      %shift_left3A_211 = vector.broadcast %shift_left3A_210 : i32 to vector<16xi32>
      %shift_left3A_212 = arith.shli %and3A_209, %shift_left3A_211 : vector<16xi32>
      %add3A_213 = arith.addi %and3A_206, %shift_left3A_212 : vector<16xi32>
      %shift_right_arithmetic3A_214 = arith.constant 12 : i32
      %shift_right_arithmetic3A_215 = vector.broadcast %shift_right_arithmetic3A_214 : i32 to vector<16xi32>
      %shift_right_arithmetic3A_216 = arith.shrsi %get3A_203, %shift_right_arithmetic3A_215 : vector<16xi32>
      %and3A_217 = arith.constant 7 : i32
      %and3A_218 = vector.broadcast %and3A_217 : i32 to vector<16xi32>
      %and3A_219 = arith.andi %shift_right_arithmetic3A_216, %and3A_218 : vector<16xi32>
      %add3A_220 = arith.addi %add3A_213, %and3A_219 : vector<16xi32>
      %swap3A_221 = arith.index_cast %sub3A_183 : i32 to index
      %swap3A_222 = tpu.vector_load %arg6[%swap3A_221] {strides = array<i32>} : memref<1280xi32, #tpu.memory_space<vmem>>, vector<16xi32>,
      tpu.vector_store %arg6[%swap3A_221], %add3A_220 {strides = array<i32>} : memref<1280xi32, #tpu.memory_space<vmem>>, vector<16xi32>,
    }
    %scan3A_9 = arith.constant 64 : i32
    %dma_start3A = arith.constant 0 : i32
    %dma_start3A_10 = arith.constant 0 : i32
    %dma_start3A_11 = tpu.memref_slice %arg3[%dma_start3A, %dma_start3A_10] : memref<1015808x16xi32, #tpu.memory_space<hbm>> -> memref<1015808x16xi32, #tpu.memory_space<hbm>>
    tpu.enqueue_indirect_dma source(%dma_start3A_11 : memref<1015808x16xi32, #tpu.memory_space<hbm>>) target(%arg8 : memref<1280x16xi32, #tpu.memory_space<vmem>>) offsets(%arg6 : memref<1280xi32, #tpu.memory_space<vmem>>) semaphore(%arg11 : memref<!tpu.dma_semaphore, #tpu.memory_space<semaphore_mem>>)
    %add3A_12 = arith.constant 64 : i32
    %add3A_13 = arith.addi %mul3A_2, %add3A_12 : i32
    "tpu.region"() ({
      %run_scoped3A = tpu.sem_alloc : memref<!tpu.dma_semaphore, #tpu.memory_space<semaphore_mem>>
      %dma_start3A_176 = arith.constant 0 : i32
      %dma_start3A_177 = tpu.memref_slice %arg2[%add3A_13, %dma_start3A_176] : memref<16384x128xi32, #tpu.memory_space<hbm>> -> memref<64x128xi32, #tpu.memory_space<hbm>>
      %dma_start3A_178 = arith.constant 0 : i32
      %dma_start3A_179 = tpu.memref_slice %arg2[%add3A_13, %dma_start3A_178] : memref<16384x128xi32, #tpu.memory_space<hbm>> -> memref<64x128xi32, #tpu.memory_space<hbm>>
      tpu.enqueue_dma source(%dma_start3A_179 : memref<64x128xi32, #tpu.memory_space<hbm>>) target(%arg5 : memref<64x128xi32, #tpu.memory_space<vmem>>) target_semaphore(%run_scoped3A : memref<!tpu.dma_semaphore, #tpu.memory_space<semaphore_mem>>)
      %dma_wait3A_180 = arith.constant 0 : i32
      %dma_wait3A_181 = tpu.memref_slice %arg2[%add3A_13, %dma_wait3A_180] : memref<16384x128xi32, #tpu.memory_space<hbm>> -> memref<64x128xi32, #tpu.memory_space<hbm>>
      %dma_wait3A_182 = arith.constant 0 : i32
      %dma_wait3A_183 = tpu.memref_slice %arg2[%add3A_13, %dma_wait3A_182] : memref<16384x128xi32, #tpu.memory_space<hbm>> -> memref<64x128xi32, #tpu.memory_space<hbm>>
      tpu.wait_dma2 semaphore(%run_scoped3A : memref<!tpu.dma_semaphore, #tpu.memory_space<semaphore_mem>>) src(%dma_wait3A_183 : memref<64x128xi32, #tpu.memory_space<hbm>>) dst(%arg5 : memref<64x128xi32, #tpu.memory_space<vmem>>)
      tpu.yield
    }) : () -> ()
    %scan3A_14 = arith.constant 0 : i32
    %scan3A_15 = arith.constant 0 : i32
    %scan3A_16 = arith.constant 64 : i32
    %scan3A_17 = arith.addi %scan3A_15, %scan3A_16 : i32
    %scan3A_18 = arith.constant 1 : i32
    scf.for %scan3A_176 = %scan3A_15 to %scan3A_17 step %scan3A_18  : i32 {
      %mul3A_177 = arith.constant 20 : i32
      %mul3A_178 = arith.muli %scan3A_176, %mul3A_177 : i32
      %mul3A_179 = arith.constant 20 : i32
      %mul3A_180 = arith.muli %scan3A_176, %mul3A_179 : i32
      %add3A_181 = arith.constant 20 : i32
      %add3A_182 = arith.addi %mul3A_180, %add3A_181 : i32
      %sub3A = arith.constant 16 : i32
      %sub3A_183 = arith.subi %add3A_182, %sub3A : i32
      %get3A = arith.index_cast %scan3A_176 : i32 to index
      %get3A_184 = arith.constant 0 : index
      %get3A_185 = tpu.vector_load %arg5[%get3A, %get3A_184] {strides = array<i32>} : memref<64x128xi32, #tpu.memory_space<vmem>>, vector<16xi32>,
      %and3A = arith.constant -32768 : i32
      %and3A_186 = vector.broadcast %and3A : i32 to vector<16xi32>
      %and3A_187 = arith.andi %get3A_185, %and3A_186 : vector<16xi32>
      %and3A_188 = arith.constant 4095 : i32
      %and3A_189 = vector.broadcast %and3A_188 : i32 to vector<16xi32>
      %and3A_190 = arith.andi %get3A_185, %and3A_189 : vector<16xi32>
      %shift_left3A = arith.constant 3 : i32
      %shift_left3A_191 = vector.broadcast %shift_left3A : i32 to vector<16xi32>
      %shift_left3A_192 = arith.shli %and3A_190, %shift_left3A_191 : vector<16xi32>
      %add3A_193 = arith.addi %and3A_187, %shift_left3A_192 : vector<16xi32>
      %shift_right_arithmetic3A = arith.constant 12 : i32
      %shift_right_arithmetic3A_194 = vector.broadcast %shift_right_arithmetic3A : i32 to vector<16xi32>
      %shift_right_arithmetic3A_195 = arith.shrsi %get3A_185, %shift_right_arithmetic3A_194 : vector<16xi32>
      %and3A_196 = arith.constant 7 : i32
      %and3A_197 = vector.broadcast %and3A_196 : i32 to vector<16xi32>
      %and3A_198 = arith.andi %shift_right_arithmetic3A_195, %and3A_197 : vector<16xi32>
      %add3A_199 = arith.addi %add3A_193, %and3A_198 : vector<16xi32>
      %swap3A = arith.index_cast %mul3A_178 : i32 to index
      %swap3A_200 = tpu.vector_load %arg7[%swap3A] {strides = array<i32>} : memref<1280xi32, #tpu.memory_space<vmem>>, vector<16xi32>,
      tpu.vector_store %arg7[%swap3A], %add3A_199 {strides = array<i32>} : memref<1280xi32, #tpu.memory_space<vmem>>, vector<16xi32>,
      %get3A_201 = arith.index_cast %scan3A_176 : i32 to index
      %get3A_202 = arith.constant 4 : index
      %get3A_203 = tpu.vector_load %arg5[%get3A_201, %get3A_202] {strides = array<i32>} : memref<64x128xi32, #tpu.memory_space<vmem>>, vector<16xi32>,
      %and3A_204 = arith.constant -32768 : i32
      %and3A_205 = vector.broadcast %and3A_204 : i32 to vector<16xi32>
      %and3A_206 = arith.andi %get3A_203, %and3A_205 : vector<16xi32>
      %and3A_207 = arith.constant 4095 : i32
      %and3A_208 = vector.broadcast %and3A_207 : i32 to vector<16xi32>
      %and3A_209 = arith.andi %get3A_203, %and3A_208 : vector<16xi32>
      %shift_left3A_210 = arith.constant 3 : i32
      %shift_left3A_211 = vector.broadcast %shift_left3A_210 : i32 to vector<16xi32>
      %shift_left3A_212 = arith.shli %and3A_209, %shift_left3A_211 : vector<16xi32>
      %add3A_213 = arith.addi %and3A_206, %shift_left3A_212 : vector<16xi32>
      %shift_right_arithmetic3A_214 = arith.constant 12 : i32
      %shift_right_arithmetic3A_215 = vector.broadcast %shift_right_arithmetic3A_214 : i32 to vector<16xi32>
      %shift_right_arithmetic3A_216 = arith.shrsi %get3A_203, %shift_right_arithmetic3A_215 : vector<16xi32>
      %and3A_217 = arith.constant 7 : i32
      %and3A_218 = vector.broadcast %and3A_217 : i32 to vector<16xi32>
      %and3A_219 = arith.andi %shift_right_arithmetic3A_216, %and3A_218 : vector<16xi32>
      %add3A_220 = arith.addi %add3A_213, %and3A_219 : vector<16xi32>
      %swap3A_221 = arith.index_cast %sub3A_183 : i32 to index
      %swap3A_222 = tpu.vector_load %arg7[%swap3A_221] {strides = array<i32>} : memref<1280xi32, #tpu.memory_space<vmem>>, vector<16xi32>,
      tpu.vector_store %arg7[%swap3A_221], %add3A_220 {strides = array<i32>} : memref<1280xi32, #tpu.memory_space<vmem>>, vector<16xi32>,
    }
    %scan3A_19 = arith.constant 64 : i32
    %dma_start3A_20 = arith.constant 0 : i32
    %dma_start3A_21 = arith.constant 0 : i32
    %dma_start3A_22 = tpu.memref_slice %arg3[%dma_start3A_20, %dma_start3A_21] : memref<1015808x16xi32, #tpu.memory_space<hbm>> -> memref<1015808x16xi32, #tpu.memory_space<hbm>>
    tpu.enqueue_indirect_dma source(%dma_start3A_22 : memref<1015808x16xi32, #tpu.memory_space<hbm>>) target(%arg9 : memref<1280x16xi32, #tpu.memory_space<vmem>>) offsets(%arg7 : memref<1280xi32, #tpu.memory_space<vmem>>) semaphore(%arg12 : memref<!tpu.dma_semaphore, #tpu.memory_space<semaphore_mem>>)
    %dma_wait3A = arith.constant 0 : i32
    %dma_wait3A_23 = arith.constant 0 : i32
    %dma_wait3A_24 = tpu.memref_slice %arg3[%dma_wait3A, %dma_wait3A_23] : memref<1015808x16xi32, #tpu.memory_space<hbm>> -> memref<1015808x16xi32, #tpu.memory_space<hbm>>
    tpu.wait_indirect_dma semaphore(%arg11 : memref<!tpu.dma_semaphore, #tpu.memory_space<semaphore_mem>>) src(%dma_wait3A_24 : memref<1015808x16xi32, #tpu.memory_space<hbm>>) dst(%arg8 : memref<1280x16xi32, #tpu.memory_space<vmem>>)
    %add3A_25 = arith.constant 0 : i32
    %add3A_26 = arith.addi %mul3A_2, %add3A_25 : i32
    %scan3A_27 = arith.constant 0 : i32
    %scan3A_28 = arith.constant 0 : i32
    %scan3A_29 = arith.constant 64 : i32
    %scan3A_30 = arith.addi %scan3A_28, %scan3A_29 : i32
    %scan3A_31 = arith.constant 1 : i32
    scf.for %scan3A_176 = %scan3A_28 to %scan3A_30 step %scan3A_31  : i32 {
      %mul3A_177 = arith.constant 20 : i32
      %mul3A_178 = arith.muli %scan3A_176, %mul3A_177 : i32
      %add3A_179 = arith.constant 0 : i32
      %add3A_180 = arith.addi %mul3A_178, %add3A_179 : i32
      %get3A = arith.index_cast %add3A_180 : i32 to index
      %get3A_181 = arith.constant 0 : index
      %get3A_182 = tpu.vector_load %arg8[%get3A, %get3A_181] {strides = array<i32>} : memref<1280x16xi32, #tpu.memory_space<vmem>>, vector<16xi32>,
      %bitcast3A = vector.bitcast %get3A_182 : vector<16xi32> to vector<32xbf16>
      %unpack3A = tpu.unpack_subelements %bitcast3A, 0 {pack_format = #tpu.pack_format<interleaved>} : vector<32xbf16> -> vector<16xf32>
      %unpack3A_183 = tpu.unpack_subelements %bitcast3A, 1 {pack_format = #tpu.pack_format<interleaved>} : vector<32xbf16> -> vector<16xf32>
      %add3A_184 = arith.constant 1 : i32
      %add3A_185 = arith.addi %mul3A_178, %add3A_184 : i32
      %get3A_186 = arith.index_cast %add3A_185 : i32 to index
      %get3A_187 = arith.constant 0 : index
      %get3A_188 = tpu.vector_load %arg8[%get3A_186, %get3A_187] {strides = array<i32>} : memref<1280x16xi32, #tpu.memory_space<vmem>>, vector<16xi32>,
      %bitcast3A_189 = vector.bitcast %get3A_188 : vector<16xi32> to vector<32xbf16>
      %unpack3A_190 = tpu.unpack_subelements %bitcast3A_189, 0 {pack_format = #tpu.pack_format<interleaved>} : vector<32xbf16> -> vector<16xf32>
      %unpack3A_191 = tpu.unpack_subelements %bitcast3A_189, 1 {pack_format = #tpu.pack_format<interleaved>} : vector<32xbf16> -> vector<16xf32>
      %add3A_192 = arith.constant 2 : i32
      %add3A_193 = arith.addi %mul3A_178, %add3A_192 : i32
      %get3A_194 = arith.index_cast %add3A_193 : i32 to index
      %get3A_195 = arith.constant 0 : index
      %get3A_196 = tpu.vector_load %arg8[%get3A_194, %get3A_195] {strides = array<i32>} : memref<1280x16xi32, #tpu.memory_space<vmem>>, vector<16xi32>,
      %bitcast3A_197 = vector.bitcast %get3A_196 : vector<16xi32> to vector<32xbf16>
      %unpack3A_198 = tpu.unpack_subelements %bitcast3A_197, 0 {pack_format = #tpu.pack_format<interleaved>} : vector<32xbf16> -> vector<16xf32>
      %unpack3A_199 = tpu.unpack_subelements %bitcast3A_197, 1 {pack_format = #tpu.pack_format<interleaved>} : vector<32xbf16> -> vector<16xf32>
      %add3A_200 = arith.constant 3 : i32
      %add3A_201 = arith.addi %mul3A_178, %add3A_200 : i32
      %get3A_202 = arith.index_cast %add3A_201 : i32 to index
      %get3A_203 = arith.constant 0 : index
      %get3A_204 = tpu.vector_load %arg8[%get3A_202, %get3A_203] {strides = array<i32>} : memref<1280x16xi32, #tpu.memory_space<vmem>>, vector<16xi32>,
      %bitcast3A_205 = vector.bitcast %get3A_204 : vector<16xi32> to vector<32xbf16>
      %unpack3A_206 = tpu.unpack_subelements %bitcast3A_205, 0 {pack_format = #tpu.pack_format<interleaved>} : vector<32xbf16> -> vector<16xf32>
      %unpack3A_207 = tpu.unpack_subelements %bitcast3A_205, 1 {pack_format = #tpu.pack_format<interleaved>} : vector<32xbf16> -> vector<16xf32>
      %add3A_208 = arith.constant 4 : i32
      %add3A_209 = arith.addi %mul3A_178, %add3A_208 : i32
      %get3A_210 = arith.index_cast %add3A_209 : i32 to index
      %get3A_211 = arith.constant 0 : index
      %get3A_212 = tpu.vector_load %arg8[%get3A_210, %get3A_211] {strides = array<i32>} : memref<1280x16xi32, #tpu.memory_space<vmem>>, vector<16xi32>,
      %bitcast3A_213 = vector.bitcast %get3A_212 : vector<16xi32> to vector<32xbf16>
      %unpack3A_214 = tpu.unpack_subelements %bitcast3A_213, 0 {pack_format = #tpu.pack_format<interleaved>} : vector<32xbf16> -> vector<16xf32>
      %unpack3A_215 = tpu.unpack_subelements %bitcast3A_213, 1 {pack_format = #tpu.pack_format<interleaved>} : vector<32xbf16> -> vector<16xf32>
      %add3A_216 = arith.constant 5 : i32
      %add3A_217 = arith.addi %mul3A_178, %add3A_216 : i32
      %get3A_218 = arith.index_cast %add3A_217 : i32 to index
      %get3A_219 = arith.constant 0 : index
      %get3A_220 = tpu.vector_load %arg8[%get3A_218, %get3A_219] {strides = array<i32>} : memref<1280x16xi32, #tpu.memory_space<vmem>>, vector<16xi32>,
      %bitcast3A_221 = vector.bitcast %get3A_220 : vector<16xi32> to vector<32xbf16>
      %unpack3A_222 = tpu.unpack_subelements %bitcast3A_221, 0 {pack_format = #tpu.pack_format<interleaved>} : vector<32xbf16> -> vector<16xf32>
      %unpack3A_223 = tpu.unpack_subelements %bitcast3A_221, 1 {pack_format = #tpu.pack_format<interleaved>} : vector<32xbf16> -> vector<16xf32>
      %add3A_224 = arith.constant 6 : i32
      %add3A_225 = arith.addi %mul3A_178, %add3A_224 : i32
      %get3A_226 = arith.index_cast %add3A_225 : i32 to index
      %get3A_227 = arith.constant 0 : index
      %get3A_228 = tpu.vector_load %arg8[%get3A_226, %get3A_227] {strides = array<i32>} : memref<1280x16xi32, #tpu.memory_space<vmem>>, vector<16xi32>,
      %bitcast3A_229 = vector.bitcast %get3A_228 : vector<16xi32> to vector<32xbf16>
      %unpack3A_230 = tpu.unpack_subelements %bitcast3A_229, 0 {pack_format = #tpu.pack_format<interleaved>} : vector<32xbf16> -> vector<16xf32>
      %unpack3A_231 = tpu.unpack_subelements %bitcast3A_229, 1 {pack_format = #tpu.pack_format<interleaved>} : vector<32xbf16> -> vector<16xf32>
      %add3A_232 = arith.constant 7 : i32
      %add3A_233 = arith.addi %mul3A_178, %add3A_232 : i32
      %get3A_234 = arith.index_cast %add3A_233 : i32 to index
      %get3A_235 = arith.constant 0 : index
      %get3A_236 = tpu.vector_load %arg8[%get3A_234, %get3A_235] {strides = array<i32>} : memref<1280x16xi32, #tpu.memory_space<vmem>>, vector<16xi32>,
      %bitcast3A_237 = vector.bitcast %get3A_236 : vector<16xi32> to vector<32xbf16>
      %unpack3A_238 = tpu.unpack_subelements %bitcast3A_237, 0 {pack_format = #tpu.pack_format<interleaved>} : vector<32xbf16> -> vector<16xf32>
      %unpack3A_239 = tpu.unpack_subelements %bitcast3A_237, 1 {pack_format = #tpu.pack_format<interleaved>} : vector<32xbf16> -> vector<16xf32>
      %add3A_240 = arith.constant 8 : i32
      %add3A_241 = arith.addi %mul3A_178, %add3A_240 : i32
      %get3A_242 = arith.index_cast %add3A_241 : i32 to index
      %get3A_243 = arith.constant 0 : index
      %get3A_244 = tpu.vector_load %arg8[%get3A_242, %get3A_243] {strides = array<i32>} : memref<1280x16xi32, #tpu.memory_space<vmem>>, vector<16xi32>,
      %bitcast3A_245 = vector.bitcast %get3A_244 : vector<16xi32> to vector<32xbf16>
      %unpack3A_246 = tpu.unpack_subelements %bitcast3A_245, 0 {pack_format = #tpu.pack_format<interleaved>} : vector<32xbf16> -> vector<16xf32>
      %unpack3A_247 = tpu.unpack_subelements %bitcast3A_245, 1 {pack_format = #tpu.pack_format<interleaved>} : vector<32xbf16> -> vector<16xf32>
      %add3A_248 = arith.constant 9 : i32
      %add3A_249 = arith.addi %mul3A_178, %add3A_248 : i32
      %get3A_250 = arith.index_cast %add3A_249 : i32 to index
      %get3A_251 = arith.constant 0 : index
      %get3A_252 = tpu.vector_load %arg8[%get3A_250, %get3A_251] {strides = array<i32>} : memref<1280x16xi32, #tpu.memory_space<vmem>>, vector<16xi32>,
      %bitcast3A_253 = vector.bitcast %get3A_252 : vector<16xi32> to vector<32xbf16>
      %unpack3A_254 = tpu.unpack_subelements %bitcast3A_253, 0 {pack_format = #tpu.pack_format<interleaved>} : vector<32xbf16> -> vector<16xf32>
      %unpack3A_255 = tpu.unpack_subelements %bitcast3A_253, 1 {pack_format = #tpu.pack_format<interleaved>} : vector<32xbf16> -> vector<16xf32>
      %add3A_256 = arith.constant 10 : i32
      %add3A_257 = arith.addi %mul3A_178, %add3A_256 : i32
      %get3A_258 = arith.index_cast %add3A_257 : i32 to index
      %get3A_259 = arith.constant 0 : index
      %get3A_260 = tpu.vector_load %arg8[%get3A_258, %get3A_259] {strides = array<i32>} : memref<1280x16xi32, #tpu.memory_space<vmem>>, vector<16xi32>,
      %bitcast3A_261 = vector.bitcast %get3A_260 : vector<16xi32> to vector<32xbf16>
      %unpack3A_262 = tpu.unpack_subelements %bitcast3A_261, 0 {pack_format = #tpu.pack_format<interleaved>} : vector<32xbf16> -> vector<16xf32>
      %unpack3A_263 = tpu.unpack_subelements %bitcast3A_261, 1 {pack_format = #tpu.pack_format<interleaved>} : vector<32xbf16> -> vector<16xf32>
      %add3A_264 = arith.constant 11 : i32
      %add3A_265 = arith.addi %mul3A_178, %add3A_264 : i32
      %get3A_266 = arith.index_cast %add3A_265 : i32 to index
      %get3A_267 = arith.constant 0 : index
      %get3A_268 = tpu.vector_load %arg8[%get3A_266, %get3A_267] {strides = array<i32>} : memref<1280x16xi32, #tpu.memory_space<vmem>>, vector<16xi32>,
      %bitcast3A_269 = vector.bitcast %get3A_268 : vector<16xi32> to vector<32xbf16>
      %unpack3A_270 = tpu.unpack_subelements %bitcast3A_269, 0 {pack_format = #tpu.pack_format<interleaved>} : vector<32xbf16> -> vector<16xf32>
      %unpack3A_271 = tpu.unpack_subelements %bitcast3A_269, 1 {pack_format = #tpu.pack_format<interleaved>} : vector<32xbf16> -> vector<16xf32>
      %add3A_272 = arith.constant 12 : i32
      %add3A_273 = arith.addi %mul3A_178, %add3A_272 : i32
      %get3A_274 = arith.index_cast %add3A_273 : i32 to index
      %get3A_275 = arith.constant 0 : index
      %get3A_276 = tpu.vector_load %arg8[%get3A_274, %get3A_275] {strides = array<i32>} : memref<1280x16xi32, #tpu.memory_space<vmem>>, vector<16xi32>,
      %bitcast3A_277 = vector.bitcast %get3A_276 : vector<16xi32> to vector<32xbf16>
      %unpack3A_278 = tpu.unpack_subelements %bitcast3A_277, 0 {pack_format = #tpu.pack_format<interleaved>} : vector<32xbf16> -> vector<16xf32>
      %unpack3A_279 = tpu.unpack_subelements %bitcast3A_277, 1 {pack_format = #tpu.pack_format<interleaved>} : vector<32xbf16> -> vector<16xf32>
      %add3A_280 = arith.constant 13 : i32
      %add3A_281 = arith.addi %mul3A_178, %add3A_280 : i32
      %get3A_282 = arith.index_cast %add3A_281 : i32 to index
      %get3A_283 = arith.constant 0 : index
      %get3A_284 = tpu.vector_load %arg8[%get3A_282, %get3A_283] {strides = array<i32>} : memref<1280x16xi32, #tpu.memory_space<vmem>>, vector<16xi32>,
      %bitcast3A_285 = vector.bitcast %get3A_284 : vector<16xi32> to vector<32xbf16>
      %unpack3A_286 = tpu.unpack_subelements %bitcast3A_285, 0 {pack_format = #tpu.pack_format<interleaved>} : vector<32xbf16> -> vector<16xf32>
      %unpack3A_287 = tpu.unpack_subelements %bitcast3A_285, 1 {pack_format = #tpu.pack_format<interleaved>} : vector<32xbf16> -> vector<16xf32>
      %add3A_288 = arith.constant 14 : i32
      %add3A_289 = arith.addi %mul3A_178, %add3A_288 : i32
      %get3A_290 = arith.index_cast %add3A_289 : i32 to index
      %get3A_291 = arith.constant 0 : index
      %get3A_292 = tpu.vector_load %arg8[%get3A_290, %get3A_291] {strides = array<i32>} : memref<1280x16xi32, #tpu.memory_space<vmem>>, vector<16xi32>,
      %bitcast3A_293 = vector.bitcast %get3A_292 : vector<16xi32> to vector<32xbf16>
      %unpack3A_294 = tpu.unpack_subelements %bitcast3A_293, 0 {pack_format = #tpu.pack_format<interleaved>} : vector<32xbf16> -> vector<16xf32>
      %unpack3A_295 = tpu.unpack_subelements %bitcast3A_293, 1 {pack_format = #tpu.pack_format<interleaved>} : vector<32xbf16> -> vector<16xf32>
      %add3A_296 = arith.constant 15 : i32
      %add3A_297 = arith.addi %mul3A_178, %add3A_296 : i32
      %get3A_298 = arith.index_cast %add3A_297 : i32 to index
      %get3A_299 = arith.constant 0 : index
      %get3A_300 = tpu.vector_load %arg8[%get3A_298, %get3A_299] {strides = array<i32>} : memref<1280x16xi32, #tpu.memory_space<vmem>>, vector<16xi32>,
      %bitcast3A_301 = vector.bitcast %get3A_300 : vector<16xi32> to vector<32xbf16>
      %unpack3A_302 = tpu.unpack_subelements %bitcast3A_301, 0 {pack_format = #tpu.pack_format<interleaved>} : vector<32xbf16> -> vector<16xf32>
      %unpack3A_303 = tpu.unpack_subelements %bitcast3A_301, 1 {pack_format = #tpu.pack_format<interleaved>} : vector<32xbf16> -> vector<16xf32>
      %add3A_304 = arith.constant 16 : i32
      %add3A_305 = arith.addi %mul3A_178, %add3A_304 : i32
      %get3A_306 = arith.index_cast %add3A_305 : i32 to index
      %get3A_307 = arith.constant 0 : index
      %get3A_308 = tpu.vector_load %arg8[%get3A_306, %get3A_307] {strides = array<i32>} : memref<1280x16xi32, #tpu.memory_space<vmem>>, vector<16xi32>,
      %bitcast3A_309 = vector.bitcast %get3A_308 : vector<16xi32> to vector<32xbf16>
      %unpack3A_310 = tpu.unpack_subelements %bitcast3A_309, 0 {pack_format = #tpu.pack_format<interleaved>} : vector<32xbf16> -> vector<16xf32>
      %unpack3A_311 = tpu.unpack_subelements %bitcast3A_309, 1 {pack_format = #tpu.pack_format<interleaved>} : vector<32xbf16> -> vector<16xf32>
      %add3A_312 = arith.constant 17 : i32
      %add3A_313 = arith.addi %mul3A_178, %add3A_312 : i32
      %get3A_314 = arith.index_cast %add3A_313 : i32 to index
      %get3A_315 = arith.constant 0 : index
      %get3A_316 = tpu.vector_load %arg8[%get3A_314, %get3A_315] {strides = array<i32>} : memref<1280x16xi32, #tpu.memory_space<vmem>>, vector<16xi32>,
      %bitcast3A_317 = vector.bitcast %get3A_316 : vector<16xi32> to vector<32xbf16>
      %unpack3A_318 = tpu.unpack_subelements %bitcast3A_317, 0 {pack_format = #tpu.pack_format<interleaved>} : vector<32xbf16> -> vector<16xf32>
      %unpack3A_319 = tpu.unpack_subelements %bitcast3A_317, 1 {pack_format = #tpu.pack_format<interleaved>} : vector<32xbf16> -> vector<16xf32>
      %add3A_320 = arith.constant 18 : i32
      %add3A_321 = arith.addi %mul3A_178, %add3A_320 : i32
      %get3A_322 = arith.index_cast %add3A_321 : i32 to index
      %get3A_323 = arith.constant 0 : index
      %get3A_324 = tpu.vector_load %arg8[%get3A_322, %get3A_323] {strides = array<i32>} : memref<1280x16xi32, #tpu.memory_space<vmem>>, vector<16xi32>,
      %bitcast3A_325 = vector.bitcast %get3A_324 : vector<16xi32> to vector<32xbf16>
      %unpack3A_326 = tpu.unpack_subelements %bitcast3A_325, 0 {pack_format = #tpu.pack_format<interleaved>} : vector<32xbf16> -> vector<16xf32>
      %unpack3A_327 = tpu.unpack_subelements %bitcast3A_325, 1 {pack_format = #tpu.pack_format<interleaved>} : vector<32xbf16> -> vector<16xf32>
      %add3A_328 = arith.constant 19 : i32
      %add3A_329 = arith.addi %mul3A_178, %add3A_328 : i32
      %get3A_330 = arith.index_cast %add3A_329 : i32 to index
      %get3A_331 = arith.constant 0 : index
      %get3A_332 = tpu.vector_load %arg8[%get3A_330, %get3A_331] {strides = array<i32>} : memref<1280x16xi32, #tpu.memory_space<vmem>>, vector<16xi32>,
      %bitcast3A_333 = vector.bitcast %get3A_332 : vector<16xi32> to vector<32xbf16>
      %unpack3A_334 = tpu.unpack_subelements %bitcast3A_333, 0 {pack_format = #tpu.pack_format<interleaved>} : vector<32xbf16> -> vector<16xf32>
      %unpack3A_335 = tpu.unpack_subelements %bitcast3A_333, 1 {pack_format = #tpu.pack_format<interleaved>} : vector<32xbf16> -> vector<16xf32>
      %add3A_336 = arith.addf %unpack3A, %unpack3A_190 : vector<16xf32>
      %add3A_337 = arith.addf %unpack3A_198, %unpack3A_206 : vector<16xf32>
      %add3A_338 = arith.addf %unpack3A_214, %unpack3A_222 : vector<16xf32>
      %add3A_339 = arith.addf %unpack3A_230, %unpack3A_238 : vector<16xf32>
      %add3A_340 = arith.addf %unpack3A_246, %unpack3A_254 : vector<16xf32>
      %add3A_341 = arith.addf %unpack3A_262, %unpack3A_270 : vector<16xf32>
      %add3A_342 = arith.addf %unpack3A_278, %unpack3A_286 : vector<16xf32>
      %add3A_343 = arith.addf %unpack3A_294, %unpack3A_302 : vector<16xf32>
      %add3A_344 = arith.addf %unpack3A_310, %unpack3A_318 : vector<16xf32>
      %add3A_345 = arith.addf %unpack3A_326, %unpack3A_334 : vector<16xf32>
      %add3A_346 = arith.addf %add3A_336, %add3A_337 : vector<16xf32>
      %add3A_347 = arith.addf %add3A_338, %add3A_339 : vector<16xf32>
      %add3A_348 = arith.addf %add3A_340, %add3A_341 : vector<16xf32>
      %add3A_349 = arith.addf %add3A_342, %add3A_343 : vector<16xf32>
      %add3A_350 = arith.addf %add3A_344, %add3A_345 : vector<16xf32>
      %add3A_351 = arith.addf %add3A_346, %add3A_347 : vector<16xf32>
      %add3A_352 = arith.addf %add3A_348, %add3A_349 : vector<16xf32>
      %add3A_353 = arith.addf %add3A_351, %add3A_352 : vector<16xf32>
      %add3A_354 = arith.addf %add3A_353, %add3A_350 : vector<16xf32>
      %add3A_355 = arith.addf %unpack3A_183, %unpack3A_191 : vector<16xf32>
      %add3A_356 = arith.addf %unpack3A_199, %unpack3A_207 : vector<16xf32>
      %add3A_357 = arith.addf %unpack3A_215, %unpack3A_223 : vector<16xf32>
      %add3A_358 = arith.addf %unpack3A_231, %unpack3A_239 : vector<16xf32>
      %add3A_359 = arith.addf %unpack3A_247, %unpack3A_255 : vector<16xf32>
      %add3A_360 = arith.addf %unpack3A_263, %unpack3A_271 : vector<16xf32>
      %add3A_361 = arith.addf %unpack3A_279, %unpack3A_287 : vector<16xf32>
      %add3A_362 = arith.addf %unpack3A_295, %unpack3A_303 : vector<16xf32>
      %add3A_363 = arith.addf %unpack3A_311, %unpack3A_319 : vector<16xf32>
      %add3A_364 = arith.addf %unpack3A_327, %unpack3A_335 : vector<16xf32>
      %add3A_365 = arith.addf %add3A_355, %add3A_356 : vector<16xf32>
      %add3A_366 = arith.addf %add3A_357, %add3A_358 : vector<16xf32>
      %add3A_367 = arith.addf %add3A_359, %add3A_360 : vector<16xf32>
      %add3A_368 = arith.addf %add3A_361, %add3A_362 : vector<16xf32>
      %add3A_369 = arith.addf %add3A_363, %add3A_364 : vector<16xf32>
      %add3A_370 = arith.addf %add3A_365, %add3A_366 : vector<16xf32>
      %add3A_371 = arith.addf %add3A_367, %add3A_368 : vector<16xf32>
      %add3A_372 = arith.addf %add3A_370, %add3A_371 : vector<16xf32>
      %add3A_373 = arith.addf %add3A_372, %add3A_369 : vector<16xf32>
      %mul3A_374 = arith.constant 5.000000e-02 : f32
      %mul3A_375 = vector.broadcast %mul3A_374 : f32 to vector<16xf32>
      %mul3A_376 = arith.mulf %add3A_354, %mul3A_375 : vector<16xf32>
      %mul3A_377 = arith.constant 5.000000e-02 : f32
      %mul3A_378 = vector.broadcast %mul3A_377 : f32 to vector<16xf32>
      %mul3A_379 = arith.mulf %add3A_373, %mul3A_378 : vector<16xf32>
      %pack3A = tpu.pack_subelements %mul3A_376, %mul3A_379 {pack_format = #tpu.pack_format<interleaved>, positions = array<i32: 0, 1>} : vector<16xf32>, vector<16xf32> -> vector<32xbf16>
      %swap3A = arith.index_cast %scan3A_176 : i32 to index
      %swap3A_380 = arith.constant 0 : index
      %swap3A_381 = tpu.vector_load %arg10[%swap3A, %swap3A_380] {strides = array<i32>} : memref<64x32xbf16, #tpu.memory_space<vmem>>, vector<32xbf16>,
      tpu.vector_store %arg10[%swap3A, %swap3A_380], %pack3A {strides = array<i32>} : memref<64x32xbf16, #tpu.memory_space<vmem>>, vector<32xbf16>,
    }
    %scan3A_32 = arith.constant 64 : i32
    "tpu.region"() ({
      %run_scoped3A = tpu.sem_alloc : memref<!tpu.dma_semaphore, #tpu.memory_space<semaphore_mem>>
      %dma_start3A_176 = arith.constant 0 : i32
      %dma_start3A_177 = tpu.memref_slice %arg4[%add3A_26, %dma_start3A_176] : memref<16384x32xbf16, #tpu.memory_space<hbm>> -> memref<64x32xbf16, #tpu.memory_space<hbm>>
      %dma_start3A_178 = arith.constant 0 : i32
      %dma_start3A_179 = tpu.memref_slice %arg4[%add3A_26, %dma_start3A_178] : memref<16384x32xbf16, #tpu.memory_space<hbm>> -> memref<64x32xbf16, #tpu.memory_space<hbm>>
      tpu.enqueue_dma source(%arg10 : memref<64x32xbf16, #tpu.memory_space<vmem>>) target(%dma_start3A_179 : memref<64x32xbf16, #tpu.memory_space<hbm>>) target_semaphore(%run_scoped3A : memref<!tpu.dma_semaphore, #tpu.memory_space<semaphore_mem>>)
      %dma_wait3A_180 = arith.constant 0 : i32
      %dma_wait3A_181 = tpu.memref_slice %arg4[%add3A_26, %dma_wait3A_180] : memref<16384x32xbf16, #tpu.memory_space<hbm>> -> memref<64x32xbf16, #tpu.memory_space<hbm>>
      %dma_wait3A_182 = arith.constant 0 : i32
      %dma_wait3A_183 = tpu.memref_slice %arg4[%add3A_26, %dma_wait3A_182] : memref<16384x32xbf16, #tpu.memory_space<hbm>> -> memref<64x32xbf16, #tpu.memory_space<hbm>>
      tpu.wait_dma2 semaphore(%run_scoped3A : memref<!tpu.dma_semaphore, #tpu.memory_space<semaphore_mem>>) src(%arg10 : memref<64x32xbf16, #tpu.memory_space<vmem>>) dst(%dma_wait3A_183 : memref<64x32xbf16, #tpu.memory_space<hbm>>)
      tpu.yield
    }) : () -> ()
    %add3A_33 = arith.constant 128 : i32
    %add3A_34 = arith.addi %mul3A_2, %add3A_33 : i32
    "tpu.region"() ({
      %run_scoped3A = tpu.sem_alloc : memref<!tpu.dma_semaphore, #tpu.memory_space<semaphore_mem>>
      %dma_start3A_176 = arith.constant 0 : i32
      %dma_start3A_177 = tpu.memref_slice %arg2[%add3A_34, %dma_start3A_176] : memref<16384x128xi32, #tpu.memory_space<hbm>> -> memref<64x128xi32, #tpu.memory_space<hbm>>
      %dma_start3A_178 = arith.constant 0 : i32
      %dma_start3A_179 = tpu.memref_slice %arg2[%add3A_34, %dma_start3A_178] : memref<16384x128xi32, #tpu.memory_space<hbm>> -> memref<64x128xi32, #tpu.memory_space<hbm>>
      tpu.enqueue_dma source(%dma_start3A_179 : memref<64x128xi32, #tpu.memory_space<hbm>>) target(%arg5 : memref<64x128xi32, #tpu.memory_space<vmem>>) target_semaphore(%run_scoped3A : memref<!tpu.dma_semaphore, #tpu.memory_space<semaphore_mem>>)
      %dma_wait3A_180 = arith.constant 0 : i32
      %dma_wait3A_181 = tpu.memref_slice %arg2[%add3A_34, %dma_wait3A_180] : memref<16384x128xi32, #tpu.memory_space<hbm>> -> memref<64x128xi32, #tpu.memory_space<hbm>>
      %dma_wait3A_182 = arith.constant 0 : i32
      %dma_wait3A_183 = tpu.memref_slice %arg2[%add3A_34, %dma_wait3A_182] : memref<16384x128xi32, #tpu.memory_space<hbm>> -> memref<64x128xi32, #tpu.memory_space<hbm>>
      tpu.wait_dma2 semaphore(%run_scoped3A : memref<!tpu.dma_semaphore, #tpu.memory_space<semaphore_mem>>) src(%dma_wait3A_183 : memref<64x128xi32, #tpu.memory_space<hbm>>) dst(%arg5 : memref<64x128xi32, #tpu.memory_space<vmem>>)
      tpu.yield
    }) : () -> ()
    %scan3A_35 = arith.constant 0 : i32
    %scan3A_36 = arith.constant 0 : i32
    %scan3A_37 = arith.constant 64 : i32
    %scan3A_38 = arith.addi %scan3A_36, %scan3A_37 : i32
    %scan3A_39 = arith.constant 1 : i32
    scf.for %scan3A_176 = %scan3A_36 to %scan3A_38 step %scan3A_39  : i32 {
      %mul3A_177 = arith.constant 20 : i32
      %mul3A_178 = arith.muli %scan3A_176, %mul3A_177 : i32
      %mul3A_179 = arith.constant 20 : i32
      %mul3A_180 = arith.muli %scan3A_176, %mul3A_179 : i32
      %add3A_181 = arith.constant 20 : i32
      %add3A_182 = arith.addi %mul3A_180, %add3A_181 : i32
      %sub3A = arith.constant 16 : i32
      %sub3A_183 = arith.subi %add3A_182, %sub3A : i32
      %get3A = arith.index_cast %scan3A_176 : i32 to index
      %get3A_184 = arith.constant 0 : index
      %get3A_185 = tpu.vector_load %arg5[%get3A, %get3A_184] {strides = array<i32>} : memref<64x128xi32, #tpu.memory_space<vmem>>, vector<16xi32>,
      %and3A = arith.constant -32768 : i32
      %and3A_186 = vector.broadcast %and3A : i32 to vector<16xi32>
      %and3A_187 = arith.andi %get3A_185, %and3A_186 : vector<16xi32>
      %and3A_188 = arith.constant 4095 : i32
      %and3A_189 = vector.broadcast %and3A_188 : i32 to vector<16xi32>
      %and3A_190 = arith.andi %get3A_185, %and3A_189 : vector<16xi32>
      %shift_left3A = arith.constant 3 : i32
      %shift_left3A_191 = vector.broadcast %shift_left3A : i32 to vector<16xi32>
      %shift_left3A_192 = arith.shli %and3A_190, %shift_left3A_191 : vector<16xi32>
      %add3A_193 = arith.addi %and3A_187, %shift_left3A_192 : vector<16xi32>
      %shift_right_arithmetic3A = arith.constant 12 : i32
      %shift_right_arithmetic3A_194 = vector.broadcast %shift_right_arithmetic3A : i32 to vector<16xi32>
      %shift_right_arithmetic3A_195 = arith.shrsi %get3A_185, %shift_right_arithmetic3A_194 : vector<16xi32>
      %and3A_196 = arith.constant 7 : i32
      %and3A_197 = vector.broadcast %and3A_196 : i32 to vector<16xi32>
      %and3A_198 = arith.andi %shift_right_arithmetic3A_195, %and3A_197 : vector<16xi32>
      %add3A_199 = arith.addi %add3A_193, %and3A_198 : vector<16xi32>
      %swap3A = arith.index_cast %mul3A_178 : i32 to index
      %swap3A_200 = tpu.vector_load %arg6[%swap3A] {strides = array<i32>} : memref<1280xi32, #tpu.memory_space<vmem>>, vector<16xi32>,
      tpu.vector_store %arg6[%swap3A], %add3A_199 {strides = array<i32>} : memref<1280xi32, #tpu.memory_space<vmem>>, vector<16xi32>,
      %get3A_201 = arith.index_cast %scan3A_176 : i32 to index
      %get3A_202 = arith.constant 4 : index
      %get3A_203 = tpu.vector_load %arg5[%get3A_201, %get3A_202] {strides = array<i32>} : memref<64x128xi32, #tpu.memory_space<vmem>>, vector<16xi32>,
      %and3A_204 = arith.constant -32768 : i32
      %and3A_205 = vector.broadcast %and3A_204 : i32 to vector<16xi32>
      %and3A_206 = arith.andi %get3A_203, %and3A_205 : vector<16xi32>
      %and3A_207 = arith.constant 4095 : i32
      %and3A_208 = vector.broadcast %and3A_207 : i32 to vector<16xi32>
      %and3A_209 = arith.andi %get3A_203, %and3A_208 : vector<16xi32>
      %shift_left3A_210 = arith.constant 3 : i32
      %shift_left3A_211 = vector.broadcast %shift_left3A_210 : i32 to vector<16xi32>
      %shift_left3A_212 = arith.shli %and3A_209, %shift_left3A_211 : vector<16xi32>
      %add3A_213 = arith.addi %and3A_206, %shift_left3A_212 : vector<16xi32>
      %shift_right_arithmetic3A_214 = arith.constant 12 : i32
      %shift_right_arithmetic3A_215 = vector.broadcast %shift_right_arithmetic3A_214 : i32 to vector<16xi32>
      %shift_right_arithmetic3A_216 = arith.shrsi %get3A_203, %shift_right_arithmetic3A_215 : vector<16xi32>
      %and3A_217 = arith.constant 7 : i32
      %and3A_218 = vector.broadcast %and3A_217 : i32 to vector<16xi32>
      %and3A_219 = arith.andi %shift_right_arithmetic3A_216, %and3A_218 : vector<16xi32>
      %add3A_220 = arith.addi %add3A_213, %and3A_219 : vector<16xi32>
      %swap3A_221 = arith.index_cast %sub3A_183 : i32 to index
      %swap3A_222 = tpu.vector_load %arg6[%swap3A_221] {strides = array<i32>} : memref<1280xi32, #tpu.memory_space<vmem>>, vector<16xi32>,
      tpu.vector_store %arg6[%swap3A_221], %add3A_220 {strides = array<i32>} : memref<1280xi32, #tpu.memory_space<vmem>>, vector<16xi32>,
    }
    %scan3A_40 = arith.constant 64 : i32
    %dma_start3A_41 = arith.constant 0 : i32
    %dma_start3A_42 = arith.constant 0 : i32
    %dma_start3A_43 = tpu.memref_slice %arg3[%dma_start3A_41, %dma_start3A_42] : memref<1015808x16xi32, #tpu.memory_space<hbm>> -> memref<1015808x16xi32, #tpu.memory_space<hbm>>
    tpu.enqueue_indirect_dma source(%dma_start3A_43 : memref<1015808x16xi32, #tpu.memory_space<hbm>>) target(%arg8 : memref<1280x16xi32, #tpu.memory_space<vmem>>) offsets(%arg6 : memref<1280xi32, #tpu.memory_space<vmem>>) semaphore(%arg11 : memref<!tpu.dma_semaphore, #tpu.memory_space<semaphore_mem>>)
    %dma_wait3A_44 = arith.constant 0 : i32
    %dma_wait3A_45 = arith.constant 0 : i32
    %dma_wait3A_46 = tpu.memref_slice %arg3[%dma_wait3A_44, %dma_wait3A_45] : memref<1015808x16xi32, #tpu.memory_space<hbm>> -> memref<1015808x16xi32, #tpu.memory_space<hbm>>
    tpu.wait_indirect_dma semaphore(%arg12 : memref<!tpu.dma_semaphore, #tpu.memory_space<semaphore_mem>>) src(%dma_wait3A_46 : memref<1015808x16xi32, #tpu.memory_space<hbm>>) dst(%arg9 : memref<1280x16xi32, #tpu.memory_space<vmem>>)
    %add3A_47 = arith.constant 64 : i32
    %add3A_48 = arith.addi %mul3A_2, %add3A_47 : i32
    %scan3A_49 = arith.constant 0 : i32
    %scan3A_50 = arith.constant 0 : i32
    %scan3A_51 = arith.constant 64 : i32
    %scan3A_52 = arith.addi %scan3A_50, %scan3A_51 : i32
    %scan3A_53 = arith.constant 1 : i32
    scf.for %scan3A_176 = %scan3A_50 to %scan3A_52 step %scan3A_53  : i32 {
      %mul3A_177 = arith.constant 20 : i32
      %mul3A_178 = arith.muli %scan3A_176, %mul3A_177 : i32
      %add3A_179 = arith.constant 0 : i32
      %add3A_180 = arith.addi %mul3A_178, %add3A_179 : i32
      %get3A = arith.index_cast %add3A_180 : i32 to index
      %get3A_181 = arith.constant 0 : index
      %get3A_182 = tpu.vector_load %arg9[%get3A, %get3A_181] {strides = array<i32>} : memref<1280x16xi32, #tpu.memory_space<vmem>>, vector<16xi32>,
      %bitcast3A = vector.bitcast %get3A_182 : vector<16xi32> to vector<32xbf16>
      %unpack3A = tpu.unpack_subelements %bitcast3A, 0 {pack_format = #tpu.pack_format<interleaved>} : vector<32xbf16> -> vector<16xf32>
      %unpack3A_183 = tpu.unpack_subelements %bitcast3A, 1 {pack_format = #tpu.pack_format<interleaved>} : vector<32xbf16> -> vector<16xf32>
      %add3A_184 = arith.constant 1 : i32
      %add3A_185 = arith.addi %mul3A_178, %add3A_184 : i32
      %get3A_186 = arith.index_cast %add3A_185 : i32 to index
      %get3A_187 = arith.constant 0 : index
      %get3A_188 = tpu.vector_load %arg9[%get3A_186, %get3A_187] {strides = array<i32>} : memref<1280x16xi32, #tpu.memory_space<vmem>>, vector<16xi32>,
      %bitcast3A_189 = vector.bitcast %get3A_188 : vector<16xi32> to vector<32xbf16>
      %unpack3A_190 = tpu.unpack_subelements %bitcast3A_189, 0 {pack_format = #tpu.pack_format<interleaved>} : vector<32xbf16> -> vector<16xf32>
      %unpack3A_191 = tpu.unpack_subelements %bitcast3A_189, 1 {pack_format = #tpu.pack_format<interleaved>} : vector<32xbf16> -> vector<16xf32>
      %add3A_192 = arith.constant 2 : i32
      %add3A_193 = arith.addi %mul3A_178, %add3A_192 : i32
      %get3A_194 = arith.index_cast %add3A_193 : i32 to index
      %get3A_195 = arith.constant 0 : index
      %get3A_196 = tpu.vector_load %arg9[%get3A_194, %get3A_195] {strides = array<i32>} : memref<1280x16xi32, #tpu.memory_space<vmem>>, vector<16xi32>,
      %bitcast3A_197 = vector.bitcast %get3A_196 : vector<16xi32> to vector<32xbf16>
      %unpack3A_198 = tpu.unpack_subelements %bitcast3A_197, 0 {pack_format = #tpu.pack_format<interleaved>} : vector<32xbf16> -> vector<16xf32>
      %unpack3A_199 = tpu.unpack_subelements %bitcast3A_197, 1 {pack_format = #tpu.pack_format<interleaved>} : vector<32xbf16> -> vector<16xf32>
      %add3A_200 = arith.constant 3 : i32
      %add3A_201 = arith.addi %mul3A_178, %add3A_200 : i32
      %get3A_202 = arith.index_cast %add3A_201 : i32 to index
      %get3A_203 = arith.constant 0 : index
      %get3A_204 = tpu.vector_load %arg9[%get3A_202, %get3A_203] {strides = array<i32>} : memref<1280x16xi32, #tpu.memory_space<vmem>>, vector<16xi32>,
      %bitcast3A_205 = vector.bitcast %get3A_204 : vector<16xi32> to vector<32xbf16>
      %unpack3A_206 = tpu.unpack_subelements %bitcast3A_205, 0 {pack_format = #tpu.pack_format<interleaved>} : vector<32xbf16> -> vector<16xf32>
      %unpack3A_207 = tpu.unpack_subelements %bitcast3A_205, 1 {pack_format = #tpu.pack_format<interleaved>} : vector<32xbf16> -> vector<16xf32>
      %add3A_208 = arith.constant 4 : i32
      %add3A_209 = arith.addi %mul3A_178, %add3A_208 : i32
      %get3A_210 = arith.index_cast %add3A_209 : i32 to index
      %get3A_211 = arith.constant 0 : index
      %get3A_212 = tpu.vector_load %arg9[%get3A_210, %get3A_211] {strides = array<i32>} : memref<1280x16xi32, #tpu.memory_space<vmem>>, vector<16xi32>,
      %bitcast3A_213 = vector.bitcast %get3A_212 : vector<16xi32> to vector<32xbf16>
      %unpack3A_214 = tpu.unpack_subelements %bitcast3A_213, 0 {pack_format = #tpu.pack_format<interleaved>} : vector<32xbf16> -> vector<16xf32>
      %unpack3A_215 = tpu.unpack_subelements %bitcast3A_213, 1 {pack_format = #tpu.pack_format<interleaved>} : vector<32xbf16> -> vector<16xf32>
      %add3A_216 = arith.constant 5 : i32
      %add3A_217 = arith.addi %mul3A_178, %add3A_216 : i32
      %get3A_218 = arith.index_cast %add3A_217 : i32 to index
      %get3A_219 = arith.constant 0 : index
      %get3A_220 = tpu.vector_load %arg9[%get3A_218, %get3A_219] {strides = array<i32>} : memref<1280x16xi32, #tpu.memory_space<vmem>>, vector<16xi32>,
      %bitcast3A_221 = vector.bitcast %get3A_220 : vector<16xi32> to vector<32xbf16>
      %unpack3A_222 = tpu.unpack_subelements %bitcast3A_221, 0 {pack_format = #tpu.pack_format<interleaved>} : vector<32xbf16> -> vector<16xf32>
      %unpack3A_223 = tpu.unpack_subelements %bitcast3A_221, 1 {pack_format = #tpu.pack_format<interleaved>} : vector<32xbf16> -> vector<16xf32>
      %add3A_224 = arith.constant 6 : i32
      %add3A_225 = arith.addi %mul3A_178, %add3A_224 : i32
      %get3A_226 = arith.index_cast %add3A_225 : i32 to index
      %get3A_227 = arith.constant 0 : index
      %get3A_228 = tpu.vector_load %arg9[%get3A_226, %get3A_227] {strides = array<i32>} : memref<1280x16xi32, #tpu.memory_space<vmem>>, vector<16xi32>,
      %bitcast3A_229 = vector.bitcast %get3A_228 : vector<16xi32> to vector<32xbf16>
      %unpack3A_230 = tpu.unpack_subelements %bitcast3A_229, 0 {pack_format = #tpu.pack_format<interleaved>} : vector<32xbf16> -> vector<16xf32>
      %unpack3A_231 = tpu.unpack_subelements %bitcast3A_229, 1 {pack_format = #tpu.pack_format<interleaved>} : vector<32xbf16> -> vector<16xf32>
      %add3A_232 = arith.constant 7 : i32
      %add3A_233 = arith.addi %mul3A_178, %add3A_232 : i32
      %get3A_234 = arith.index_cast %add3A_233 : i32 to index
      %get3A_235 = arith.constant 0 : index
      %get3A_236 = tpu.vector_load %arg9[%get3A_234, %get3A_235] {strides = array<i32>} : memref<1280x16xi32, #tpu.memory_space<vmem>>, vector<16xi32>,
      %bitcast3A_237 = vector.bitcast %get3A_236 : vector<16xi32> to vector<32xbf16>
      %unpack3A_238 = tpu.unpack_subelements %bitcast3A_237, 0 {pack_format = #tpu.pack_format<interleaved>} : vector<32xbf16> -> vector<16xf32>
      %unpack3A_239 = tpu.unpack_subelements %bitcast3A_237, 1 {pack_format = #tpu.pack_format<interleaved>} : vector<32xbf16> -> vector<16xf32>
      %add3A_240 = arith.constant 8 : i32
      %add3A_241 = arith.addi %mul3A_178, %add3A_240 : i32
      %get3A_242 = arith.index_cast %add3A_241 : i32 to index
      %get3A_243 = arith.constant 0 : index
      %get3A_244 = tpu.vector_load %arg9[%get3A_242, %get3A_243] {strides = array<i32>} : memref<1280x16xi32, #tpu.memory_space<vmem>>, vector<16xi32>,
      %bitcast3A_245 = vector.bitcast %get3A_244 : vector<16xi32> to vector<32xbf16>
      %unpack3A_246 = tpu.unpack_subelements %bitcast3A_245, 0 {pack_format = #tpu.pack_format<interleaved>} : vector<32xbf16> -> vector<16xf32>
      %unpack3A_247 = tpu.unpack_subelements %bitcast3A_245, 1 {pack_format = #tpu.pack_format<interleaved>} : vector<32xbf16> -> vector<16xf32>
      %add3A_248 = arith.constant 9 : i32
      %add3A_249 = arith.addi %mul3A_178, %add3A_248 : i32
      %get3A_250 = arith.index_cast %add3A_249 : i32 to index
      %get3A_251 = arith.constant 0 : index
      %get3A_252 = tpu.vector_load %arg9[%get3A_250, %get3A_251] {strides = array<i32>} : memref<1280x16xi32, #tpu.memory_space<vmem>>, vector<16xi32>,
      %bitcast3A_253 = vector.bitcast %get3A_252 : vector<16xi32> to vector<32xbf16>
      %unpack3A_254 = tpu.unpack_subelements %bitcast3A_253, 0 {pack_format = #tpu.pack_format<interleaved>} : vector<32xbf16> -> vector<16xf32>
      %unpack3A_255 = tpu.unpack_subelements %bitcast3A_253, 1 {pack_format = #tpu.pack_format<interleaved>} : vector<32xbf16> -> vector<16xf32>
      %add3A_256 = arith.constant 10 : i32
      %add3A_257 = arith.addi %mul3A_178, %add3A_256 : i32
      %get3A_258 = arith.index_cast %add3A_257 : i32 to index
      %get3A_259 = arith.constant 0 : index
      %get3A_260 = tpu.vector_load %arg9[%get3A_258, %get3A_259] {strides = array<i32>} : memref<1280x16xi32, #tpu.memory_space<vmem>>, vector<16xi32>,
      %bitcast3A_261 = vector.bitcast %get3A_260 : vector<16xi32> to vector<32xbf16>
      %unpack3A_262 = tpu.unpack_subelements %bitcast3A_261, 0 {pack_format = #tpu.pack_format<interleaved>} : vector<32xbf16> -> vector<16xf32>
      %unpack3A_263 = tpu.unpack_subelements %bitcast3A_261, 1 {pack_format = #tpu.pack_format<interleaved>} : vector<32xbf16> -> vector<16xf32>
      %add3A_264 = arith.constant 11 : i32
      %add3A_265 = arith.addi %mul3A_178, %add3A_264 : i32
      %get3A_266 = arith.index_cast %add3A_265 : i32 to index
      %get3A_267 = arith.constant 0 : index
      %get3A_268 = tpu.vector_load %arg9[%get3A_266, %get3A_267] {strides = array<i32>} : memref<1280x16xi32, #tpu.memory_space<vmem>>, vector<16xi32>,
      %bitcast3A_269 = vector.bitcast %get3A_268 : vector<16xi32> to vector<32xbf16>
      %unpack3A_270 = tpu.unpack_subelements %bitcast3A_269, 0 {pack_format = #tpu.pack_format<interleaved>} : vector<32xbf16> -> vector<16xf32>
      %unpack3A_271 = tpu.unpack_subelements %bitcast3A_269, 1 {pack_format = #tpu.pack_format<interleaved>} : vector<32xbf16> -> vector<16xf32>
      %add3A_272 = arith.constant 12 : i32
      %add3A_273 = arith.addi %mul3A_178, %add3A_272 : i32
      %get3A_274 = arith.index_cast %add3A_273 : i32 to index
      %get3A_275 = arith.constant 0 : index
      %get3A_276 = tpu.vector_load %arg9[%get3A_274, %get3A_275] {strides = array<i32>} : memref<1280x16xi32, #tpu.memory_space<vmem>>, vector<16xi32>,
      %bitcast3A_277 = vector.bitcast %get3A_276 : vector<16xi32> to vector<32xbf16>
      %unpack3A_278 = tpu.unpack_subelements %bitcast3A_277, 0 {pack_format = #tpu.pack_format<interleaved>} : vector<32xbf16> -> vector<16xf32>
      %unpack3A_279 = tpu.unpack_subelements %bitcast3A_277, 1 {pack_format = #tpu.pack_format<interleaved>} : vector<32xbf16> -> vector<16xf32>
      %add3A_280 = arith.constant 13 : i32
      %add3A_281 = arith.addi %mul3A_178, %add3A_280 : i32
      %get3A_282 = arith.index_cast %add3A_281 : i32 to index
      %get3A_283 = arith.constant 0 : index
      %get3A_284 = tpu.vector_load %arg9[%get3A_282, %get3A_283] {strides = array<i32>} : memref<1280x16xi32, #tpu.memory_space<vmem>>, vector<16xi32>,
      %bitcast3A_285 = vector.bitcast %get3A_284 : vector<16xi32> to vector<32xbf16>
      %unpack3A_286 = tpu.unpack_subelements %bitcast3A_285, 0 {pack_format = #tpu.pack_format<interleaved>} : vector<32xbf16> -> vector<16xf32>
      %unpack3A_287 = tpu.unpack_subelements %bitcast3A_285, 1 {pack_format = #tpu.pack_format<interleaved>} : vector<32xbf16> -> vector<16xf32>
      %add3A_288 = arith.constant 14 : i32
      %add3A_289 = arith.addi %mul3A_178, %add3A_288 : i32
      %get3A_290 = arith.index_cast %add3A_289 : i32 to index
      %get3A_291 = arith.constant 0 : index
      %get3A_292 = tpu.vector_load %arg9[%get3A_290, %get3A_291] {strides = array<i32>} : memref<1280x16xi32, #tpu.memory_space<vmem>>, vector<16xi32>,
      %bitcast3A_293 = vector.bitcast %get3A_292 : vector<16xi32> to vector<32xbf16>
      %unpack3A_294 = tpu.unpack_subelements %bitcast3A_293, 0 {pack_format = #tpu.pack_format<interleaved>} : vector<32xbf16> -> vector<16xf32>
      %unpack3A_295 = tpu.unpack_subelements %bitcast3A_293, 1 {pack_format = #tpu.pack_format<interleaved>} : vector<32xbf16> -> vector<16xf32>
      %add3A_296 = arith.constant 15 : i32
      %add3A_297 = arith.addi %mul3A_178, %add3A_296 : i32
      %get3A_298 = arith.index_cast %add3A_297 : i32 to index
      %get3A_299 = arith.constant 0 : index
      %get3A_300 = tpu.vector_load %arg9[%get3A_298, %get3A_299] {strides = array<i32>} : memref<1280x16xi32, #tpu.memory_space<vmem>>, vector<16xi32>,
      %bitcast3A_301 = vector.bitcast %get3A_300 : vector<16xi32> to vector<32xbf16>
      %unpack3A_302 = tpu.unpack_subelements %bitcast3A_301, 0 {pack_format = #tpu.pack_format<interleaved>} : vector<32xbf16> -> vector<16xf32>
      %unpack3A_303 = tpu.unpack_subelements %bitcast3A_301, 1 {pack_format = #tpu.pack_format<interleaved>} : vector<32xbf16> -> vector<16xf32>
      %add3A_304 = arith.constant 16 : i32
      %add3A_305 = arith.addi %mul3A_178, %add3A_304 : i32
      %get3A_306 = arith.index_cast %add3A_305 : i32 to index
      %get3A_307 = arith.constant 0 : index
      %get3A_308 = tpu.vector_load %arg9[%get3A_306, %get3A_307] {strides = array<i32>} : memref<1280x16xi32, #tpu.memory_space<vmem>>, vector<16xi32>,
      %bitcast3A_309 = vector.bitcast %get3A_308 : vector<16xi32> to vector<32xbf16>
      %unpack3A_310 = tpu.unpack_subelements %bitcast3A_309, 0 {pack_format = #tpu.pack_format<interleaved>} : vector<32xbf16> -> vector<16xf32>
      %unpack3A_311 = tpu.unpack_subelements %bitcast3A_309, 1 {pack_format = #tpu.pack_format<interleaved>} : vector<32xbf16> -> vector<16xf32>
      %add3A_312 = arith.constant 17 : i32
      %add3A_313 = arith.addi %mul3A_178, %add3A_312 : i32
      %get3A_314 = arith.index_cast %add3A_313 : i32 to index
      %get3A_315 = arith.constant 0 : index
      %get3A_316 = tpu.vector_load %arg9[%get3A_314, %get3A_315] {strides = array<i32>} : memref<1280x16xi32, #tpu.memory_space<vmem>>, vector<16xi32>,
      %bitcast3A_317 = vector.bitcast %get3A_316 : vector<16xi32> to vector<32xbf16>
      %unpack3A_318 = tpu.unpack_subelements %bitcast3A_317, 0 {pack_format = #tpu.pack_format<interleaved>} : vector<32xbf16> -> vector<16xf32>
      %unpack3A_319 = tpu.unpack_subelements %bitcast3A_317, 1 {pack_format = #tpu.pack_format<interleaved>} : vector<32xbf16> -> vector<16xf32>
      %add3A_320 = arith.constant 18 : i32
      %add3A_321 = arith.addi %mul3A_178, %add3A_320 : i32
      %get3A_322 = arith.index_cast %add3A_321 : i32 to index
      %get3A_323 = arith.constant 0 : index
      %get3A_324 = tpu.vector_load %arg9[%get3A_322, %get3A_323] {strides = array<i32>} : memref<1280x16xi32, #tpu.memory_space<vmem>>, vector<16xi32>,
      %bitcast3A_325 = vector.bitcast %get3A_324 : vector<16xi32> to vector<32xbf16>
      %unpack3A_326 = tpu.unpack_subelements %bitcast3A_325, 0 {pack_format = #tpu.pack_format<interleaved>} : vector<32xbf16> -> vector<16xf32>
      %unpack3A_327 = tpu.unpack_subelements %bitcast3A_325, 1 {pack_format = #tpu.pack_format<interleaved>} : vector<32xbf16> -> vector<16xf32>
      %add3A_328 = arith.constant 19 : i32
      %add3A_329 = arith.addi %mul3A_178, %add3A_328 : i32
      %get3A_330 = arith.index_cast %add3A_329 : i32 to index
      %get3A_331 = arith.constant 0 : index
      %get3A_332 = tpu.vector_load %arg9[%get3A_330, %get3A_331] {strides = array<i32>} : memref<1280x16xi32, #tpu.memory_space<vmem>>, vector<16xi32>,
      %bitcast3A_333 = vector.bitcast %get3A_332 : vector<16xi32> to vector<32xbf16>
      %unpack3A_334 = tpu.unpack_subelements %bitcast3A_333, 0 {pack_format = #tpu.pack_format<interleaved>} : vector<32xbf16> -> vector<16xf32>
      %unpack3A_335 = tpu.unpack_subelements %bitcast3A_333, 1 {pack_format = #tpu.pack_format<interleaved>} : vector<32xbf16> -> vector<16xf32>
      %add3A_336 = arith.addf %unpack3A, %unpack3A_190 : vector<16xf32>
      %add3A_337 = arith.addf %unpack3A_198, %unpack3A_206 : vector<16xf32>
      %add3A_338 = arith.addf %unpack3A_214, %unpack3A_222 : vector<16xf32>
      %add3A_339 = arith.addf %unpack3A_230, %unpack3A_238 : vector<16xf32>
      %add3A_340 = arith.addf %unpack3A_246, %unpack3A_254 : vector<16xf32>
      %add3A_341 = arith.addf %unpack3A_262, %unpack3A_270 : vector<16xf32>
      %add3A_342 = arith.addf %unpack3A_278, %unpack3A_286 : vector<16xf32>
      %add3A_343 = arith.addf %unpack3A_294, %unpack3A_302 : vector<16xf32>
      %add3A_344 = arith.addf %unpack3A_310, %unpack3A_318 : vector<16xf32>
      %add3A_345 = arith.addf %unpack3A_326, %unpack3A_334 : vector<16xf32>
      %add3A_346 = arith.addf %add3A_336, %add3A_337 : vector<16xf32>
      %add3A_347 = arith.addf %add3A_338, %add3A_339 : vector<16xf32>
      %add3A_348 = arith.addf %add3A_340, %add3A_341 : vector<16xf32>
      %add3A_349 = arith.addf %add3A_342, %add3A_343 : vector<16xf32>
      %add3A_350 = arith.addf %add3A_344, %add3A_345 : vector<16xf32>
      %add3A_351 = arith.addf %add3A_346, %add3A_347 : vector<16xf32>
      %add3A_352 = arith.addf %add3A_348, %add3A_349 : vector<16xf32>
      %add3A_353 = arith.addf %add3A_351, %add3A_352 : vector<16xf32>
      %add3A_354 = arith.addf %add3A_353, %add3A_350 : vector<16xf32>
      %add3A_355 = arith.addf %unpack3A_183, %unpack3A_191 : vector<16xf32>
      %add3A_356 = arith.addf %unpack3A_199, %unpack3A_207 : vector<16xf32>
      %add3A_357 = arith.addf %unpack3A_215, %unpack3A_223 : vector<16xf32>
      %add3A_358 = arith.addf %unpack3A_231, %unpack3A_239 : vector<16xf32>
      %add3A_359 = arith.addf %unpack3A_247, %unpack3A_255 : vector<16xf32>
      %add3A_360 = arith.addf %unpack3A_263, %unpack3A_271 : vector<16xf32>
      %add3A_361 = arith.addf %unpack3A_279, %unpack3A_287 : vector<16xf32>
      %add3A_362 = arith.addf %unpack3A_295, %unpack3A_303 : vector<16xf32>
      %add3A_363 = arith.addf %unpack3A_311, %unpack3A_319 : vector<16xf32>
      %add3A_364 = arith.addf %unpack3A_327, %unpack3A_335 : vector<16xf32>
      %add3A_365 = arith.addf %add3A_355, %add3A_356 : vector<16xf32>
      %add3A_366 = arith.addf %add3A_357, %add3A_358 : vector<16xf32>
      %add3A_367 = arith.addf %add3A_359, %add3A_360 : vector<16xf32>
      %add3A_368 = arith.addf %add3A_361, %add3A_362 : vector<16xf32>
      %add3A_369 = arith.addf %add3A_363, %add3A_364 : vector<16xf32>
      %add3A_370 = arith.addf %add3A_365, %add3A_366 : vector<16xf32>
      %add3A_371 = arith.addf %add3A_367, %add3A_368 : vector<16xf32>
      %add3A_372 = arith.addf %add3A_370, %add3A_371 : vector<16xf32>
      %add3A_373 = arith.addf %add3A_372, %add3A_369 : vector<16xf32>
      %mul3A_374 = arith.constant 5.000000e-02 : f32
      %mul3A_375 = vector.broadcast %mul3A_374 : f32 to vector<16xf32>
      %mul3A_376 = arith.mulf %add3A_354, %mul3A_375 : vector<16xf32>
      %mul3A_377 = arith.constant 5.000000e-02 : f32
      %mul3A_378 = vector.broadcast %mul3A_377 : f32 to vector<16xf32>
      %mul3A_379 = arith.mulf %add3A_373, %mul3A_378 : vector<16xf32>
      %pack3A = tpu.pack_subelements %mul3A_376, %mul3A_379 {pack_format = #tpu.pack_format<interleaved>, positions = array<i32: 0, 1>} : vector<16xf32>, vector<16xf32> -> vector<32xbf16>
      %swap3A = arith.index_cast %scan3A_176 : i32 to index
      %swap3A_380 = arith.constant 0 : index
      %swap3A_381 = tpu.vector_load %arg10[%swap3A, %swap3A_380] {strides = array<i32>} : memref<64x32xbf16, #tpu.memory_space<vmem>>, vector<32xbf16>,
      tpu.vector_store %arg10[%swap3A, %swap3A_380], %pack3A {strides = array<i32>} : memref<64x32xbf16, #tpu.memory_space<vmem>>, vector<32xbf16>,
    }
    %scan3A_54 = arith.constant 64 : i32
    "tpu.region"() ({
      %run_scoped3A = tpu.sem_alloc : memref<!tpu.dma_semaphore, #tpu.memory_space<semaphore_mem>>
      %dma_start3A_176 = arith.constant 0 : i32
      %dma_start3A_177 = tpu.memref_slice %arg4[%add3A_48, %dma_start3A_176] : memref<16384x32xbf16, #tpu.memory_space<hbm>> -> memref<64x32xbf16, #tpu.memory_space<hbm>>
      %dma_start3A_178 = arith.constant 0 : i32
      %dma_start3A_179 = tpu.memref_slice %arg4[%add3A_48, %dma_start3A_178] : memref<16384x32xbf16, #tpu.memory_space<hbm>> -> memref<64x32xbf16, #tpu.memory_space<hbm>>
      tpu.enqueue_dma source(%arg10 : memref<64x32xbf16, #tpu.memory_space<vmem>>) target(%dma_start3A_179 : memref<64x32xbf16, #tpu.memory_space<hbm>>) target_semaphore(%run_scoped3A : memref<!tpu.dma_semaphore, #tpu.memory_space<semaphore_mem>>)
      %dma_wait3A_180 = arith.constant 0 : i32
      %dma_wait3A_181 = tpu.memref_slice %arg4[%add3A_48, %dma_wait3A_180] : memref<16384x32xbf16, #tpu.memory_space<hbm>> -> memref<64x32xbf16, #tpu.memory_space<hbm>>
      %dma_wait3A_182 = arith.constant 0 : i32
      %dma_wait3A_183 = tpu.memref_slice %arg4[%add3A_48, %dma_wait3A_182] : memref<16384x32xbf16, #tpu.memory_space<hbm>> -> memref<64x32xbf16, #tpu.memory_space<hbm>>
      tpu.wait_dma2 semaphore(%run_scoped3A : memref<!tpu.dma_semaphore, #tpu.memory_space<semaphore_mem>>) src(%arg10 : memref<64x32xbf16, #tpu.memory_space<vmem>>) dst(%dma_wait3A_183 : memref<64x32xbf16, #tpu.memory_space<hbm>>)
      tpu.yield
    }) : () -> ()
    %add3A_55 = arith.constant 192 : i32
    %add3A_56 = arith.addi %mul3A_2, %add3A_55 : i32
    "tpu.region"() ({
      %run_scoped3A = tpu.sem_alloc : memref<!tpu.dma_semaphore, #tpu.memory_space<semaphore_mem>>
      %dma_start3A_176 = arith.constant 0 : i32
      %dma_start3A_177 = tpu.memref_slice %arg2[%add3A_56, %dma_start3A_176] : memref<16384x128xi32, #tpu.memory_space<hbm>> -> memref<64x128xi32, #tpu.memory_space<hbm>>
      %dma_start3A_178 = arith.constant 0 : i32
      %dma_start3A_179 = tpu.memref_slice %arg2[%add3A_56, %dma_start3A_178] : memref<16384x128xi32, #tpu.memory_space<hbm>> -> memref<64x128xi32, #tpu.memory_space<hbm>>
      tpu.enqueue_dma source(%dma_start3A_179 : memref<64x128xi32, #tpu.memory_space<hbm>>) target(%arg5 : memref<64x128xi32, #tpu.memory_space<vmem>>) target_semaphore(%run_scoped3A : memref<!tpu.dma_semaphore, #tpu.memory_space<semaphore_mem>>)
      %dma_wait3A_180 = arith.constant 0 : i32
      %dma_wait3A_181 = tpu.memref_slice %arg2[%add3A_56, %dma_wait3A_180] : memref<16384x128xi32, #tpu.memory_space<hbm>> -> memref<64x128xi32, #tpu.memory_space<hbm>>
      %dma_wait3A_182 = arith.constant 0 : i32
      %dma_wait3A_183 = tpu.memref_slice %arg2[%add3A_56, %dma_wait3A_182] : memref<16384x128xi32, #tpu.memory_space<hbm>> -> memref<64x128xi32, #tpu.memory_space<hbm>>
      tpu.wait_dma2 semaphore(%run_scoped3A : memref<!tpu.dma_semaphore, #tpu.memory_space<semaphore_mem>>) src(%dma_wait3A_183 : memref<64x128xi32, #tpu.memory_space<hbm>>) dst(%arg5 : memref<64x128xi32, #tpu.memory_space<vmem>>)
      tpu.yield
    }) : () -> ()
    %scan3A_57 = arith.constant 0 : i32
    %scan3A_58 = arith.constant 0 : i32
    %scan3A_59 = arith.constant 64 : i32
    %scan3A_60 = arith.addi %scan3A_58, %scan3A_59 : i32
    %scan3A_61 = arith.constant 1 : i32
    scf.for %scan3A_176 = %scan3A_58 to %scan3A_60 step %scan3A_61  : i32 {
      %mul3A_177 = arith.constant 20 : i32
      %mul3A_178 = arith.muli %scan3A_176, %mul3A_177 : i32
      %mul3A_179 = arith.constant 20 : i32
      %mul3A_180 = arith.muli %scan3A_176, %mul3A_179 : i32
      %add3A_181 = arith.constant 20 : i32
      %add3A_182 = arith.addi %mul3A_180, %add3A_181 : i32
      %sub3A = arith.constant 16 : i32
      %sub3A_183 = arith.subi %add3A_182, %sub3A : i32
      %get3A = arith.index_cast %scan3A_176 : i32 to index
      %get3A_184 = arith.constant 0 : index
      %get3A_185 = tpu.vector_load %arg5[%get3A, %get3A_184] {strides = array<i32>} : memref<64x128xi32, #tpu.memory_space<vmem>>, vector<16xi32>,
      %and3A = arith.constant -32768 : i32
      %and3A_186 = vector.broadcast %and3A : i32 to vector<16xi32>
      %and3A_187 = arith.andi %get3A_185, %and3A_186 : vector<16xi32>
      %and3A_188 = arith.constant 4095 : i32
      %and3A_189 = vector.broadcast %and3A_188 : i32 to vector<16xi32>
      %and3A_190 = arith.andi %get3A_185, %and3A_189 : vector<16xi32>
      %shift_left3A = arith.constant 3 : i32
      %shift_left3A_191 = vector.broadcast %shift_left3A : i32 to vector<16xi32>
      %shift_left3A_192 = arith.shli %and3A_190, %shift_left3A_191 : vector<16xi32>
      %add3A_193 = arith.addi %and3A_187, %shift_left3A_192 : vector<16xi32>
      %shift_right_arithmetic3A = arith.constant 12 : i32
      %shift_right_arithmetic3A_194 = vector.broadcast %shift_right_arithmetic3A : i32 to vector<16xi32>
      %shift_right_arithmetic3A_195 = arith.shrsi %get3A_185, %shift_right_arithmetic3A_194 : vector<16xi32>
      %and3A_196 = arith.constant 7 : i32
      %and3A_197 = vector.broadcast %and3A_196 : i32 to vector<16xi32>
      %and3A_198 = arith.andi %shift_right_arithmetic3A_195, %and3A_197 : vector<16xi32>
      %add3A_199 = arith.addi %add3A_193, %and3A_198 : vector<16xi32>
      %swap3A = arith.index_cast %mul3A_178 : i32 to index
      %swap3A_200 = tpu.vector_load %arg7[%swap3A] {strides = array<i32>} : memref<1280xi32, #tpu.memory_space<vmem>>, vector<16xi32>,
      tpu.vector_store %arg7[%swap3A], %add3A_199 {strides = array<i32>} : memref<1280xi32, #tpu.memory_space<vmem>>, vector<16xi32>,
      %get3A_201 = arith.index_cast %scan3A_176 : i32 to index
      %get3A_202 = arith.constant 4 : index
      %get3A_203 = tpu.vector_load %arg5[%get3A_201, %get3A_202] {strides = array<i32>} : memref<64x128xi32, #tpu.memory_space<vmem>>, vector<16xi32>,
      %and3A_204 = arith.constant -32768 : i32
      %and3A_205 = vector.broadcast %and3A_204 : i32 to vector<16xi32>
      %and3A_206 = arith.andi %get3A_203, %and3A_205 : vector<16xi32>
      %and3A_207 = arith.constant 4095 : i32
      %and3A_208 = vector.broadcast %and3A_207 : i32 to vector<16xi32>
      %and3A_209 = arith.andi %get3A_203, %and3A_208 : vector<16xi32>
      %shift_left3A_210 = arith.constant 3 : i32
      %shift_left3A_211 = vector.broadcast %shift_left3A_210 : i32 to vector<16xi32>
      %shift_left3A_212 = arith.shli %and3A_209, %shift_left3A_211 : vector<16xi32>
      %add3A_213 = arith.addi %and3A_206, %shift_left3A_212 : vector<16xi32>
      %shift_right_arithmetic3A_214 = arith.constant 12 : i32
      %shift_right_arithmetic3A_215 = vector.broadcast %shift_right_arithmetic3A_214 : i32 to vector<16xi32>
      %shift_right_arithmetic3A_216 = arith.shrsi %get3A_203, %shift_right_arithmetic3A_215 : vector<16xi32>
      %and3A_217 = arith.constant 7 : i32
      %and3A_218 = vector.broadcast %and3A_217 : i32 to vector<16xi32>
      %and3A_219 = arith.andi %shift_right_arithmetic3A_216, %and3A_218 : vector<16xi32>
      %add3A_220 = arith.addi %add3A_213, %and3A_219 : vector<16xi32>
      %swap3A_221 = arith.index_cast %sub3A_183 : i32 to index
      %swap3A_222 = tpu.vector_load %arg7[%swap3A_221] {strides = array<i32>} : memref<1280xi32, #tpu.memory_space<vmem>>, vector<16xi32>,
      tpu.vector_store %arg7[%swap3A_221], %add3A_220 {strides = array<i32>} : memref<1280xi32, #tpu.memory_space<vmem>>, vector<16xi32>,
    }
    %scan3A_62 = arith.constant 64 : i32
    %dma_start3A_63 = arith.constant 0 : i32
    %dma_start3A_64 = arith.constant 0 : i32
    %dma_start3A_65 = tpu.memref_slice %arg3[%dma_start3A_63, %dma_start3A_64] : memref<1015808x16xi32, #tpu.memory_space<hbm>> -> memref<1015808x16xi32, #tpu.memory_space<hbm>>
    tpu.enqueue_indirect_dma source(%dma_start3A_65 : memref<1015808x16xi32, #tpu.memory_space<hbm>>) target(%arg9 : memref<1280x16xi32, #tpu.memory_space<vmem>>) offsets(%arg7 : memref<1280xi32, #tpu.memory_space<vmem>>) semaphore(%arg12 : memref<!tpu.dma_semaphore, #tpu.memory_space<semaphore_mem>>)
    %dma_wait3A_66 = arith.constant 0 : i32
    %dma_wait3A_67 = arith.constant 0 : i32
    %dma_wait3A_68 = tpu.memref_slice %arg3[%dma_wait3A_66, %dma_wait3A_67] : memref<1015808x16xi32, #tpu.memory_space<hbm>> -> memref<1015808x16xi32, #tpu.memory_space<hbm>>
    tpu.wait_indirect_dma semaphore(%arg11 : memref<!tpu.dma_semaphore, #tpu.memory_space<semaphore_mem>>) src(%dma_wait3A_68 : memref<1015808x16xi32, #tpu.memory_space<hbm>>) dst(%arg8 : memref<1280x16xi32, #tpu.memory_space<vmem>>)
    %add3A_69 = arith.constant 128 : i32
    %add3A_70 = arith.addi %mul3A_2, %add3A_69 : i32
    %scan3A_71 = arith.constant 0 : i32
    %scan3A_72 = arith.constant 0 : i32
    %scan3A_73 = arith.constant 64 : i32
    %scan3A_74 = arith.addi %scan3A_72, %scan3A_73 : i32
    %scan3A_75 = arith.constant 1 : i32
    scf.for %scan3A_176 = %scan3A_72 to %scan3A_74 step %scan3A_75  : i32 {
      %mul3A_177 = arith.constant 20 : i32
      %mul3A_178 = arith.muli %scan3A_176, %mul3A_177 : i32
      %add3A_179 = arith.constant 0 : i32
      %add3A_180 = arith.addi %mul3A_178, %add3A_179 : i32
      %get3A = arith.index_cast %add3A_180 : i32 to index
      %get3A_181 = arith.constant 0 : index
      %get3A_182 = tpu.vector_load %arg8[%get3A, %get3A_181] {strides = array<i32>} : memref<1280x16xi32, #tpu.memory_space<vmem>>, vector<16xi32>,
      %bitcast3A = vector.bitcast %get3A_182 : vector<16xi32> to vector<32xbf16>
      %unpack3A = tpu.unpack_subelements %bitcast3A, 0 {pack_format = #tpu.pack_format<interleaved>} : vector<32xbf16> -> vector<16xf32>
      %unpack3A_183 = tpu.unpack_subelements %bitcast3A, 1 {pack_format = #tpu.pack_format<interleaved>} : vector<32xbf16> -> vector<16xf32>
      %add3A_184 = arith.constant 1 : i32
      %add3A_185 = arith.addi %mul3A_178, %add3A_184 : i32
      %get3A_186 = arith.index_cast %add3A_185 : i32 to index
      %get3A_187 = arith.constant 0 : index
      %get3A_188 = tpu.vector_load %arg8[%get3A_186, %get3A_187] {strides = array<i32>} : memref<1280x16xi32, #tpu.memory_space<vmem>>, vector<16xi32>,
      %bitcast3A_189 = vector.bitcast %get3A_188 : vector<16xi32> to vector<32xbf16>
      %unpack3A_190 = tpu.unpack_subelements %bitcast3A_189, 0 {pack_format = #tpu.pack_format<interleaved>} : vector<32xbf16> -> vector<16xf32>
      %unpack3A_191 = tpu.unpack_subelements %bitcast3A_189, 1 {pack_format = #tpu.pack_format<interleaved>} : vector<32xbf16> -> vector<16xf32>
      %add3A_192 = arith.constant 2 : i32
      %add3A_193 = arith.addi %mul3A_178, %add3A_192 : i32
      %get3A_194 = arith.index_cast %add3A_193 : i32 to index
      %get3A_195 = arith.constant 0 : index
      %get3A_196 = tpu.vector_load %arg8[%get3A_194, %get3A_195] {strides = array<i32>} : memref<1280x16xi32, #tpu.memory_space<vmem>>, vector<16xi32>,
      %bitcast3A_197 = vector.bitcast %get3A_196 : vector<16xi32> to vector<32xbf16>
      %unpack3A_198 = tpu.unpack_subelements %bitcast3A_197, 0 {pack_format = #tpu.pack_format<interleaved>} : vector<32xbf16> -> vector<16xf32>
      %unpack3A_199 = tpu.unpack_subelements %bitcast3A_197, 1 {pack_format = #tpu.pack_format<interleaved>} : vector<32xbf16> -> vector<16xf32>
      %add3A_200 = arith.constant 3 : i32
      %add3A_201 = arith.addi %mul3A_178, %add3A_200 : i32
      %get3A_202 = arith.index_cast %add3A_201 : i32 to index
      %get3A_203 = arith.constant 0 : index
      %get3A_204 = tpu.vector_load %arg8[%get3A_202, %get3A_203] {strides = array<i32>} : memref<1280x16xi32, #tpu.memory_space<vmem>>, vector<16xi32>,
      %bitcast3A_205 = vector.bitcast %get3A_204 : vector<16xi32> to vector<32xbf16>
      %unpack3A_206 = tpu.unpack_subelements %bitcast3A_205, 0 {pack_format = #tpu.pack_format<interleaved>} : vector<32xbf16> -> vector<16xf32>
      %unpack3A_207 = tpu.unpack_subelements %bitcast3A_205, 1 {pack_format = #tpu.pack_format<interleaved>} : vector<32xbf16> -> vector<16xf32>
      %add3A_208 = arith.constant 4 : i32
      %add3A_209 = arith.addi %mul3A_178, %add3A_208 : i32
      %get3A_210 = arith.index_cast %add3A_209 : i32 to index
      %get3A_211 = arith.constant 0 : index
      %get3A_212 = tpu.vector_load %arg8[%get3A_210, %get3A_211] {strides = array<i32>} : memref<1280x16xi32, #tpu.memory_space<vmem>>, vector<16xi32>,
      %bitcast3A_213 = vector.bitcast %get3A_212 : vector<16xi32> to vector<32xbf16>
      %unpack3A_214 = tpu.unpack_subelements %bitcast3A_213, 0 {pack_format = #tpu.pack_format<interleaved>} : vector<32xbf16> -> vector<16xf32>
      %unpack3A_215 = tpu.unpack_subelements %bitcast3A_213, 1 {pack_format = #tpu.pack_format<interleaved>} : vector<32xbf16> -> vector<16xf32>
      %add3A_216 = arith.constant 5 : i32
      %add3A_217 = arith.addi %mul3A_178, %add3A_216 : i32
      %get3A_218 = arith.index_cast %add3A_217 : i32 to index
      %get3A_219 = arith.constant 0 : index
      %get3A_220 = tpu.vector_load %arg8[%get3A_218, %get3A_219] {strides = array<i32>} : memref<1280x16xi32, #tpu.memory_space<vmem>>, vector<16xi32>,
      %bitcast3A_221 = vector.bitcast %get3A_220 : vector<16xi32> to vector<32xbf16>
      %unpack3A_222 = tpu.unpack_subelements %bitcast3A_221, 0 {pack_format = #tpu.pack_format<interleaved>} : vector<32xbf16> -> vector<16xf32>
      %unpack3A_223 = tpu.unpack_subelements %bitcast3A_221, 1 {pack_format = #tpu.pack_format<interleaved>} : vector<32xbf16> -> vector<16xf32>
      %add3A_224 = arith.constant 6 : i32
      %add3A_225 = arith.addi %mul3A_178, %add3A_224 : i32
      %get3A_226 = arith.index_cast %add3A_225 : i32 to index
      %get3A_227 = arith.constant 0 : index
      %get3A_228 = tpu.vector_load %arg8[%get3A_226, %get3A_227] {strides = array<i32>} : memref<1280x16xi32, #tpu.memory_space<vmem>>, vector<16xi32>,
      %bitcast3A_229 = vector.bitcast %get3A_228 : vector<16xi32> to vector<32xbf16>
      %unpack3A_230 = tpu.unpack_subelements %bitcast3A_229, 0 {pack_format = #tpu.pack_format<interleaved>} : vector<32xbf16> -> vector<16xf32>
      %unpack3A_231 = tpu.unpack_subelements %bitcast3A_229, 1 {pack_format = #tpu.pack_format<interleaved>} : vector<32xbf16> -> vector<16xf32>
      %add3A_232 = arith.constant 7 : i32
      %add3A_233 = arith.addi %mul3A_178, %add3A_232 : i32
      %get3A_234 = arith.index_cast %add3A_233 : i32 to index
      %get3A_235 = arith.constant 0 : index
      %get3A_236 = tpu.vector_load %arg8[%get3A_234, %get3A_235] {strides = array<i32>} : memref<1280x16xi32, #tpu.memory_space<vmem>>, vector<16xi32>,
      %bitcast3A_237 = vector.bitcast %get3A_236 : vector<16xi32> to vector<32xbf16>
      %unpack3A_238 = tpu.unpack_subelements %bitcast3A_237, 0 {pack_format = #tpu.pack_format<interleaved>} : vector<32xbf16> -> vector<16xf32>
      %unpack3A_239 = tpu.unpack_subelements %bitcast3A_237, 1 {pack_format = #tpu.pack_format<interleaved>} : vector<32xbf16> -> vector<16xf32>
      %add3A_240 = arith.constant 8 : i32
      %add3A_241 = arith.addi %mul3A_178, %add3A_240 : i32
      %get3A_242 = arith.index_cast %add3A_241 : i32 to index
      %get3A_243 = arith.constant 0 : index
      %get3A_244 = tpu.vector_load %arg8[%get3A_242, %get3A_243] {strides = array<i32>} : memref<1280x16xi32, #tpu.memory_space<vmem>>, vector<16xi32>,
      %bitcast3A_245 = vector.bitcast %get3A_244 : vector<16xi32> to vector<32xbf16>
      %unpack3A_246 = tpu.unpack_subelements %bitcast3A_245, 0 {pack_format = #tpu.pack_format<interleaved>} : vector<32xbf16> -> vector<16xf32>
      %unpack3A_247 = tpu.unpack_subelements %bitcast3A_245, 1 {pack_format = #tpu.pack_format<interleaved>} : vector<32xbf16> -> vector<16xf32>
      %add3A_248 = arith.constant 9 : i32
      %add3A_249 = arith.addi %mul3A_178, %add3A_248 : i32
      %get3A_250 = arith.index_cast %add3A_249 : i32 to index
      %get3A_251 = arith.constant 0 : index
      %get3A_252 = tpu.vector_load %arg8[%get3A_250, %get3A_251] {strides = array<i32>} : memref<1280x16xi32, #tpu.memory_space<vmem>>, vector<16xi32>,
      %bitcast3A_253 = vector.bitcast %get3A_252 : vector<16xi32> to vector<32xbf16>
      %unpack3A_254 = tpu.unpack_subelements %bitcast3A_253, 0 {pack_format = #tpu.pack_format<interleaved>} : vector<32xbf16> -> vector<16xf32>
      %unpack3A_255 = tpu.unpack_subelements %bitcast3A_253, 1 {pack_format = #tpu.pack_format<interleaved>} : vector<32xbf16> -> vector<16xf32>
      %add3A_256 = arith.constant 10 : i32
      %add3A_257 = arith.addi %mul3A_178, %add3A_256 : i32
      %get3A_258 = arith.index_cast %add3A_257 : i32 to index
      %get3A_259 = arith.constant 0 : index
      %get3A_260 = tpu.vector_load %arg8[%get3A_258, %get3A_259] {strides = array<i32>} : memref<1280x16xi32, #tpu.memory_space<vmem>>, vector<16xi32>,
      %bitcast3A_261 = vector.bitcast %get3A_260 : vector<16xi32> to vector<32xbf16>
      %unpack3A_262 = tpu.unpack_subelements %bitcast3A_261, 0 {pack_format = #tpu.pack_format<interleaved>} : vector<32xbf16> -> vector<16xf32>
      %unpack3A_263 = tpu.unpack_subelements %bitcast3A_261, 1 {pack_format = #tpu.pack_format<interleaved>} : vector<32xbf16> -> vector<16xf32>
      %add3A_264 = arith.constant 11 : i32
      %add3A_265 = arith.addi %mul3A_178, %add3A_264 : i32
      %get3A_266 = arith.index_cast %add3A_265 : i32 to index
      %get3A_267 = arith.constant 0 : index
      %get3A_268 = tpu.vector_load %arg8[%get3A_266, %get3A_267] {strides = array<i32>} : memref<1280x16xi32, #tpu.memory_space<vmem>>, vector<16xi32>,
      %bitcast3A_269 = vector.bitcast %get3A_268 : vector<16xi32> to vector<32xbf16>
      %unpack3A_270 = tpu.unpack_subelements %bitcast3A_269, 0 {pack_format = #tpu.pack_format<interleaved>} : vector<32xbf16> -> vector<16xf32>
      %unpack3A_271 = tpu.unpack_subelements %bitcast3A_269, 1 {pack_format = #tpu.pack_format<interleaved>} : vector<32xbf16> -> vector<16xf32>
      %add3A_272 = arith.constant 12 : i32
      %add3A_273 = arith.addi %mul3A_178, %add3A_272 : i32
      %get3A_274 = arith.index_cast %add3A_273 : i32 to index
      %get3A_275 = arith.constant 0 : index
      %get3A_276 = tpu.vector_load %arg8[%get3A_274, %get3A_275] {strides = array<i32>} : memref<1280x16xi32, #tpu.memory_space<vmem>>, vector<16xi32>,
      %bitcast3A_277 = vector.bitcast %get3A_276 : vector<16xi32> to vector<32xbf16>
      %unpack3A_278 = tpu.unpack_subelements %bitcast3A_277, 0 {pack_format = #tpu.pack_format<interleaved>} : vector<32xbf16> -> vector<16xf32>
      %unpack3A_279 = tpu.unpack_subelements %bitcast3A_277, 1 {pack_format = #tpu.pack_format<interleaved>} : vector<32xbf16> -> vector<16xf32>
      %add3A_280 = arith.constant 13 : i32
      %add3A_281 = arith.addi %mul3A_178, %add3A_280 : i32
      %get3A_282 = arith.index_cast %add3A_281 : i32 to index
      %get3A_283 = arith.constant 0 : index
      %get3A_284 = tpu.vector_load %arg8[%get3A_282, %get3A_283] {strides = array<i32>} : memref<1280x16xi32, #tpu.memory_space<vmem>>, vector<16xi32>,
      %bitcast3A_285 = vector.bitcast %get3A_284 : vector<16xi32> to vector<32xbf16>
      %unpack3A_286 = tpu.unpack_subelements %bitcast3A_285, 0 {pack_format = #tpu.pack_format<interleaved>} : vector<32xbf16> -> vector<16xf32>
      %unpack3A_287 = tpu.unpack_subelements %bitcast3A_285, 1 {pack_format = #tpu.pack_format<interleaved>} : vector<32xbf16> -> vector<16xf32>
      %add3A_288 = arith.constant 14 : i32
      %add3A_289 = arith.addi %mul3A_178, %add3A_288 : i32
      %get3A_290 = arith.index_cast %add3A_289 : i32 to index
      %get3A_291 = arith.constant 0 : index
      %get3A_292 = tpu.vector_load %arg8[%get3A_290, %get3A_291] {strides = array<i32>} : memref<1280x16xi32, #tpu.memory_space<vmem>>, vector<16xi32>,
      %bitcast3A_293 = vector.bitcast %get3A_292 : vector<16xi32> to vector<32xbf16>
      %unpack3A_294 = tpu.unpack_subelements %bitcast3A_293, 0 {pack_format = #tpu.pack_format<interleaved>} : vector<32xbf16> -> vector<16xf32>
      %unpack3A_295 = tpu.unpack_subelements %bitcast3A_293, 1 {pack_format = #tpu.pack_format<interleaved>} : vector<32xbf16> -> vector<16xf32>
      %add3A_296 = arith.constant 15 : i32
      %add3A_297 = arith.addi %mul3A_178, %add3A_296 : i32
      %get3A_298 = arith.index_cast %add3A_297 : i32 to index
      %get3A_299 = arith.constant 0 : index
      %get3A_300 = tpu.vector_load %arg8[%get3A_298, %get3A_299] {strides = array<i32>} : memref<1280x16xi32, #tpu.memory_space<vmem>>, vector<16xi32>,
      %bitcast3A_301 = vector.bitcast %get3A_300 : vector<16xi32> to vector<32xbf16>
      %unpack3A_302 = tpu.unpack_subelements %bitcast3A_301, 0 {pack_format = #tpu.pack_format<interleaved>} : vector<32xbf16> -> vector<16xf32>
      %unpack3A_303 = tpu.unpack_subelements %bitcast3A_301, 1 {pack_format = #tpu.pack_format<interleaved>} : vector<32xbf16> -> vector<16xf32>
      %add3A_304 = arith.constant 16 : i32
      %add3A_305 = arith.addi %mul3A_178, %add3A_304 : i32
      %get3A_306 = arith.index_cast %add3A_305 : i32 to index
      %get3A_307 = arith.constant 0 : index
      %get3A_308 = tpu.vector_load %arg8[%get3A_306, %get3A_307] {strides = array<i32>} : memref<1280x16xi32, #tpu.memory_space<vmem>>, vector<16xi32>,
      %bitcast3A_309 = vector.bitcast %get3A_308 : vector<16xi32> to vector<32xbf16>
      %unpack3A_310 = tpu.unpack_subelements %bitcast3A_309, 0 {pack_format = #tpu.pack_format<interleaved>} : vector<32xbf16> -> vector<16xf32>
      %unpack3A_311 = tpu.unpack_subelements %bitcast3A_309, 1 {pack_format = #tpu.pack_format<interleaved>} : vector<32xbf16> -> vector<16xf32>
      %add3A_312 = arith.constant 17 : i32
      %add3A_313 = arith.addi %mul3A_178, %add3A_312 : i32
      %get3A_314 = arith.index_cast %add3A_313 : i32 to index
      %get3A_315 = arith.constant 0 : index
      %get3A_316 = tpu.vector_load %arg8[%get3A_314, %get3A_315] {strides = array<i32>} : memref<1280x16xi32, #tpu.memory_space<vmem>>, vector<16xi32>,
      %bitcast3A_317 = vector.bitcast %get3A_316 : vector<16xi32> to vector<32xbf16>
      %unpack3A_318 = tpu.unpack_subelements %bitcast3A_317, 0 {pack_format = #tpu.pack_format<interleaved>} : vector<32xbf16> -> vector<16xf32>
      %unpack3A_319 = tpu.unpack_subelements %bitcast3A_317, 1 {pack_format = #tpu.pack_format<interleaved>} : vector<32xbf16> -> vector<16xf32>
      %add3A_320 = arith.constant 18 : i32
      %add3A_321 = arith.addi %mul3A_178, %add3A_320 : i32
      %get3A_322 = arith.index_cast %add3A_321 : i32 to index
      %get3A_323 = arith.constant 0 : index
      %get3A_324 = tpu.vector_load %arg8[%get3A_322, %get3A_323] {strides = array<i32>} : memref<1280x16xi32, #tpu.memory_space<vmem>>, vector<16xi32>,
      %bitcast3A_325 = vector.bitcast %get3A_324 : vector<16xi32> to vector<32xbf16>
      %unpack3A_326 = tpu.unpack_subelements %bitcast3A_325, 0 {pack_format = #tpu.pack_format<interleaved>} : vector<32xbf16> -> vector<16xf32>
      %unpack3A_327 = tpu.unpack_subelements %bitcast3A_325, 1 {pack_format = #tpu.pack_format<interleaved>} : vector<32xbf16> -> vector<16xf32>
      %add3A_328 = arith.constant 19 : i32
      %add3A_329 = arith.addi %mul3A_178, %add3A_328 : i32
      %get3A_330 = arith.index_cast %add3A_329 : i32 to index
      %get3A_331 = arith.constant 0 : index
      %get3A_332 = tpu.vector_load %arg8[%get3A_330, %get3A_331] {strides = array<i32>} : memref<1280x16xi32, #tpu.memory_space<vmem>>, vector<16xi32>,
      %bitcast3A_333 = vector.bitcast %get3A_332 : vector<16xi32> to vector<32xbf16>
      %unpack3A_334 = tpu.unpack_subelements %bitcast3A_333, 0 {pack_format = #tpu.pack_format<interleaved>} : vector<32xbf16> -> vector<16xf32>
      %unpack3A_335 = tpu.unpack_subelements %bitcast3A_333, 1 {pack_format = #tpu.pack_format<interleaved>} : vector<32xbf16> -> vector<16xf32>
      %add3A_336 = arith.addf %unpack3A, %unpack3A_190 : vector<16xf32>
      %add3A_337 = arith.addf %unpack3A_198, %unpack3A_206 : vector<16xf32>
      %add3A_338 = arith.addf %unpack3A_214, %unpack3A_222 : vector<16xf32>
      %add3A_339 = arith.addf %unpack3A_230, %unpack3A_238 : vector<16xf32>
      %add3A_340 = arith.addf %unpack3A_246, %unpack3A_254 : vector<16xf32>
      %add3A_341 = arith.addf %unpack3A_262, %unpack3A_270 : vector<16xf32>
      %add3A_342 = arith.addf %unpack3A_278, %unpack3A_286 : vector<16xf32>
      %add3A_343 = arith.addf %unpack3A_294, %unpack3A_302 : vector<16xf32>
      %add3A_344 = arith.addf %unpack3A_310, %unpack3A_318 : vector<16xf32>
      %add3A_345 = arith.addf %unpack3A_326, %unpack3A_334 : vector<16xf32>
      %add3A_346 = arith.addf %add3A_336, %add3A_337 : vector<16xf32>
      %add3A_347 = arith.addf %add3A_338, %add3A_339 : vector<16xf32>
      %add3A_348 = arith.addf %add3A_340, %add3A_341 : vector<16xf32>
      %add3A_349 = arith.addf %add3A_342, %add3A_343 : vector<16xf32>
      %add3A_350 = arith.addf %add3A_344, %add3A_345 : vector<16xf32>
      %add3A_351 = arith.addf %add3A_346, %add3A_347 : vector<16xf32>
      %add3A_352 = arith.addf %add3A_348, %add3A_349 : vector<16xf32>
      %add3A_353 = arith.addf %add3A_351, %add3A_352 : vector<16xf32>
      %add3A_354 = arith.addf %add3A_353, %add3A_350 : vector<16xf32>
      %add3A_355 = arith.addf %unpack3A_183, %unpack3A_191 : vector<16xf32>
      %add3A_356 = arith.addf %unpack3A_199, %unpack3A_207 : vector<16xf32>
      %add3A_357 = arith.addf %unpack3A_215, %unpack3A_223 : vector<16xf32>
      %add3A_358 = arith.addf %unpack3A_231, %unpack3A_239 : vector<16xf32>
      %add3A_359 = arith.addf %unpack3A_247, %unpack3A_255 : vector<16xf32>
      %add3A_360 = arith.addf %unpack3A_263, %unpack3A_271 : vector<16xf32>
      %add3A_361 = arith.addf %unpack3A_279, %unpack3A_287 : vector<16xf32>
      %add3A_362 = arith.addf %unpack3A_295, %unpack3A_303 : vector<16xf32>
      %add3A_363 = arith.addf %unpack3A_311, %unpack3A_319 : vector<16xf32>
      %add3A_364 = arith.addf %unpack3A_327, %unpack3A_335 : vector<16xf32>
      %add3A_365 = arith.addf %add3A_355, %add3A_356 : vector<16xf32>
      %add3A_366 = arith.addf %add3A_357, %add3A_358 : vector<16xf32>
      %add3A_367 = arith.addf %add3A_359, %add3A_360 : vector<16xf32>
      %add3A_368 = arith.addf %add3A_361, %add3A_362 : vector<16xf32>
      %add3A_369 = arith.addf %add3A_363, %add3A_364 : vector<16xf32>
      %add3A_370 = arith.addf %add3A_365, %add3A_366 : vector<16xf32>
      %add3A_371 = arith.addf %add3A_367, %add3A_368 : vector<16xf32>
      %add3A_372 = arith.addf %add3A_370, %add3A_371 : vector<16xf32>
      %add3A_373 = arith.addf %add3A_372, %add3A_369 : vector<16xf32>
      %mul3A_374 = arith.constant 5.000000e-02 : f32
      %mul3A_375 = vector.broadcast %mul3A_374 : f32 to vector<16xf32>
      %mul3A_376 = arith.mulf %add3A_354, %mul3A_375 : vector<16xf32>
      %mul3A_377 = arith.constant 5.000000e-02 : f32
      %mul3A_378 = vector.broadcast %mul3A_377 : f32 to vector<16xf32>
      %mul3A_379 = arith.mulf %add3A_373, %mul3A_378 : vector<16xf32>
      %pack3A = tpu.pack_subelements %mul3A_376, %mul3A_379 {pack_format = #tpu.pack_format<interleaved>, positions = array<i32: 0, 1>} : vector<16xf32>, vector<16xf32> -> vector<32xbf16>
      %swap3A = arith.index_cast %scan3A_176 : i32 to index
      %swap3A_380 = arith.constant 0 : index
      %swap3A_381 = tpu.vector_load %arg10[%swap3A, %swap3A_380] {strides = array<i32>} : memref<64x32xbf16, #tpu.memory_space<vmem>>, vector<32xbf16>,
      tpu.vector_store %arg10[%swap3A, %swap3A_380], %pack3A {strides = array<i32>} : memref<64x32xbf16, #tpu.memory_space<vmem>>, vector<32xbf16>,
    }
    %scan3A_76 = arith.constant 64 : i32
    "tpu.region"() ({
      %run_scoped3A = tpu.sem_alloc : memref<!tpu.dma_semaphore, #tpu.memory_space<semaphore_mem>>
      %dma_start3A_176 = arith.constant 0 : i32
      %dma_start3A_177 = tpu.memref_slice %arg4[%add3A_70, %dma_start3A_176] : memref<16384x32xbf16, #tpu.memory_space<hbm>> -> memref<64x32xbf16, #tpu.memory_space<hbm>>
      %dma_start3A_178 = arith.constant 0 : i32
      %dma_start3A_179 = tpu.memref_slice %arg4[%add3A_70, %dma_start3A_178] : memref<16384x32xbf16, #tpu.memory_space<hbm>> -> memref<64x32xbf16, #tpu.memory_space<hbm>>
      tpu.enqueue_dma source(%arg10 : memref<64x32xbf16, #tpu.memory_space<vmem>>) target(%dma_start3A_179 : memref<64x32xbf16, #tpu.memory_space<hbm>>) target_semaphore(%run_scoped3A : memref<!tpu.dma_semaphore, #tpu.memory_space<semaphore_mem>>)
      %dma_wait3A_180 = arith.constant 0 : i32
      %dma_wait3A_181 = tpu.memref_slice %arg4[%add3A_70, %dma_wait3A_180] : memref<16384x32xbf16, #tpu.memory_space<hbm>> -> memref<64x32xbf16, #tpu.memory_space<hbm>>
      %dma_wait3A_182 = arith.constant 0 : i32
      %dma_wait3A_183 = tpu.memref_slice %arg4[%add3A_70, %dma_wait3A_182] : memref<16384x32xbf16, #tpu.memory_space<hbm>> -> memref<64x32xbf16, #tpu.memory_space<hbm>>
      tpu.wait_dma2 semaphore(%run_scoped3A : memref<!tpu.dma_semaphore, #tpu.memory_space<semaphore_mem>>) src(%arg10 : memref<64x32xbf16, #tpu.memory_space<vmem>>) dst(%dma_wait3A_183 : memref<64x32xbf16, #tpu.memory_space<hbm>>)
      tpu.yield
    }) : () -> ()
    %add3A_77 = arith.constant 256 : i32
    %add3A_78 = arith.addi %mul3A_2, %add3A_77 : i32
    "tpu.region"() ({
      %run_scoped3A = tpu.sem_alloc : memref<!tpu.dma_semaphore, #tpu.memory_space<semaphore_mem>>
      %dma_start3A_176 = arith.constant 0 : i32
      %dma_start3A_177 = tpu.memref_slice %arg2[%add3A_78, %dma_start3A_176] : memref<16384x128xi32, #tpu.memory_space<hbm>> -> memref<64x128xi32, #tpu.memory_space<hbm>>
      %dma_start3A_178 = arith.constant 0 : i32
      %dma_start3A_179 = tpu.memref_slice %arg2[%add3A_78, %dma_start3A_178] : memref<16384x128xi32, #tpu.memory_space<hbm>> -> memref<64x128xi32, #tpu.memory_space<hbm>>
      tpu.enqueue_dma source(%dma_start3A_179 : memref<64x128xi32, #tpu.memory_space<hbm>>) target(%arg5 : memref<64x128xi32, #tpu.memory_space<vmem>>) target_semaphore(%run_scoped3A : memref<!tpu.dma_semaphore, #tpu.memory_space<semaphore_mem>>)
      %dma_wait3A_180 = arith.constant 0 : i32
      %dma_wait3A_181 = tpu.memref_slice %arg2[%add3A_78, %dma_wait3A_180] : memref<16384x128xi32, #tpu.memory_space<hbm>> -> memref<64x128xi32, #tpu.memory_space<hbm>>
      %dma_wait3A_182 = arith.constant 0 : i32
      %dma_wait3A_183 = tpu.memref_slice %arg2[%add3A_78, %dma_wait3A_182] : memref<16384x128xi32, #tpu.memory_space<hbm>> -> memref<64x128xi32, #tpu.memory_space<hbm>>
      tpu.wait_dma2 semaphore(%run_scoped3A : memref<!tpu.dma_semaphore, #tpu.memory_space<semaphore_mem>>) src(%dma_wait3A_183 : memref<64x128xi32, #tpu.memory_space<hbm>>) dst(%arg5 : memref<64x128xi32, #tpu.memory_space<vmem>>)
      tpu.yield
    }) : () -> ()
    %scan3A_79 = arith.constant 0 : i32
    %scan3A_80 = arith.constant 0 : i32
    %scan3A_81 = arith.constant 64 : i32
    %scan3A_82 = arith.addi %scan3A_80, %scan3A_81 : i32
    %scan3A_83 = arith.constant 1 : i32
    scf.for %scan3A_176 = %scan3A_80 to %scan3A_82 step %scan3A_83  : i32 {
      %mul3A_177 = arith.constant 20 : i32
      %mul3A_178 = arith.muli %scan3A_176, %mul3A_177 : i32
      %mul3A_179 = arith.constant 20 : i32
      %mul3A_180 = arith.muli %scan3A_176, %mul3A_179 : i32
      %add3A_181 = arith.constant 20 : i32
      %add3A_182 = arith.addi %mul3A_180, %add3A_181 : i32
      %sub3A = arith.constant 16 : i32
      %sub3A_183 = arith.subi %add3A_182, %sub3A : i32
      %get3A = arith.index_cast %scan3A_176 : i32 to index
      %get3A_184 = arith.constant 0 : index
      %get3A_185 = tpu.vector_load %arg5[%get3A, %get3A_184] {strides = array<i32>} : memref<64x128xi32, #tpu.memory_space<vmem>>, vector<16xi32>,
      %and3A = arith.constant -32768 : i32
      %and3A_186 = vector.broadcast %and3A : i32 to vector<16xi32>
      %and3A_187 = arith.andi %get3A_185, %and3A_186 : vector<16xi32>
      %and3A_188 = arith.constant 4095 : i32
      %and3A_189 = vector.broadcast %and3A_188 : i32 to vector<16xi32>
      %and3A_190 = arith.andi %get3A_185, %and3A_189 : vector<16xi32>
      %shift_left3A = arith.constant 3 : i32
      %shift_left3A_191 = vector.broadcast %shift_left3A : i32 to vector<16xi32>
      %shift_left3A_192 = arith.shli %and3A_190, %shift_left3A_191 : vector<16xi32>
      %add3A_193 = arith.addi %and3A_187, %shift_left3A_192 : vector<16xi32>
      %shift_right_arithmetic3A = arith.constant 12 : i32
      %shift_right_arithmetic3A_194 = vector.broadcast %shift_right_arithmetic3A : i32 to vector<16xi32>
      %shift_right_arithmetic3A_195 = arith.shrsi %get3A_185, %shift_right_arithmetic3A_194 : vector<16xi32>
      %and3A_196 = arith.constant 7 : i32
      %and3A_197 = vector.broadcast %and3A_196 : i32 to vector<16xi32>
      %and3A_198 = arith.andi %shift_right_arithmetic3A_195, %and3A_197 : vector<16xi32>
      %add3A_199 = arith.addi %add3A_193, %and3A_198 : vector<16xi32>
      %swap3A = arith.index_cast %mul3A_178 : i32 to index
      %swap3A_200 = tpu.vector_load %arg6[%swap3A] {strides = array<i32>} : memref<1280xi32, #tpu.memory_space<vmem>>, vector<16xi32>,
      tpu.vector_store %arg6[%swap3A], %add3A_199 {strides = array<i32>} : memref<1280xi32, #tpu.memory_space<vmem>>, vector<16xi32>,
      %get3A_201 = arith.index_cast %scan3A_176 : i32 to index
      %get3A_202 = arith.constant 4 : index
      %get3A_203 = tpu.vector_load %arg5[%get3A_201, %get3A_202] {strides = array<i32>} : memref<64x128xi32, #tpu.memory_space<vmem>>, vector<16xi32>,
      %and3A_204 = arith.constant -32768 : i32
      %and3A_205 = vector.broadcast %and3A_204 : i32 to vector<16xi32>
      %and3A_206 = arith.andi %get3A_203, %and3A_205 : vector<16xi32>
      %and3A_207 = arith.constant 4095 : i32
      %and3A_208 = vector.broadcast %and3A_207 : i32 to vector<16xi32>
      %and3A_209 = arith.andi %get3A_203, %and3A_208 : vector<16xi32>
      %shift_left3A_210 = arith.constant 3 : i32
      %shift_left3A_211 = vector.broadcast %shift_left3A_210 : i32 to vector<16xi32>
      %shift_left3A_212 = arith.shli %and3A_209, %shift_left3A_211 : vector<16xi32>
      %add3A_213 = arith.addi %and3A_206, %shift_left3A_212 : vector<16xi32>
      %shift_right_arithmetic3A_214 = arith.constant 12 : i32
      %shift_right_arithmetic3A_215 = vector.broadcast %shift_right_arithmetic3A_214 : i32 to vector<16xi32>
      %shift_right_arithmetic3A_216 = arith.shrsi %get3A_203, %shift_right_arithmetic3A_215 : vector<16xi32>
      %and3A_217 = arith.constant 7 : i32
      %and3A_218 = vector.broadcast %and3A_217 : i32 to vector<16xi32>
      %and3A_219 = arith.andi %shift_right_arithmetic3A_216, %and3A_218 : vector<16xi32>
      %add3A_220 = arith.addi %add3A_213, %and3A_219 : vector<16xi32>
      %swap3A_221 = arith.index_cast %sub3A_183 : i32 to index
      %swap3A_222 = tpu.vector_load %arg6[%swap3A_221] {strides = array<i32>} : memref<1280xi32, #tpu.memory_space<vmem>>, vector<16xi32>,
      tpu.vector_store %arg6[%swap3A_221], %add3A_220 {strides = array<i32>} : memref<1280xi32, #tpu.memory_space<vmem>>, vector<16xi32>,
    }
    %scan3A_84 = arith.constant 64 : i32
    %dma_start3A_85 = arith.constant 0 : i32
    %dma_start3A_86 = arith.constant 0 : i32
    %dma_start3A_87 = tpu.memref_slice %arg3[%dma_start3A_85, %dma_start3A_86] : memref<1015808x16xi32, #tpu.memory_space<hbm>> -> memref<1015808x16xi32, #tpu.memory_space<hbm>>
    tpu.enqueue_indirect_dma source(%dma_start3A_87 : memref<1015808x16xi32, #tpu.memory_space<hbm>>) target(%arg8 : memref<1280x16xi32, #tpu.memory_space<vmem>>) offsets(%arg6 : memref<1280xi32, #tpu.memory_space<vmem>>) semaphore(%arg11 : memref<!tpu.dma_semaphore, #tpu.memory_space<semaphore_mem>>)
    %dma_wait3A_88 = arith.constant 0 : i32
    %dma_wait3A_89 = arith.constant 0 : i32
    %dma_wait3A_90 = tpu.memref_slice %arg3[%dma_wait3A_88, %dma_wait3A_89] : memref<1015808x16xi32, #tpu.memory_space<hbm>> -> memref<1015808x16xi32, #tpu.memory_space<hbm>>
    tpu.wait_indirect_dma semaphore(%arg12 : memref<!tpu.dma_semaphore, #tpu.memory_space<semaphore_mem>>) src(%dma_wait3A_90 : memref<1015808x16xi32, #tpu.memory_space<hbm>>) dst(%arg9 : memref<1280x16xi32, #tpu.memory_space<vmem>>)
    %add3A_91 = arith.constant 192 : i32
    %add3A_92 = arith.addi %mul3A_2, %add3A_91 : i32
    %scan3A_93 = arith.constant 0 : i32
    %scan3A_94 = arith.constant 0 : i32
    %scan3A_95 = arith.constant 64 : i32
    %scan3A_96 = arith.addi %scan3A_94, %scan3A_95 : i32
    %scan3A_97 = arith.constant 1 : i32
    scf.for %scan3A_176 = %scan3A_94 to %scan3A_96 step %scan3A_97  : i32 {
      %mul3A_177 = arith.constant 20 : i32
      %mul3A_178 = arith.muli %scan3A_176, %mul3A_177 : i32
      %add3A_179 = arith.constant 0 : i32
      %add3A_180 = arith.addi %mul3A_178, %add3A_179 : i32
      %get3A = arith.index_cast %add3A_180 : i32 to index
      %get3A_181 = arith.constant 0 : index
      %get3A_182 = tpu.vector_load %arg9[%get3A, %get3A_181] {strides = array<i32>} : memref<1280x16xi32, #tpu.memory_space<vmem>>, vector<16xi32>,
      %bitcast3A = vector.bitcast %get3A_182 : vector<16xi32> to vector<32xbf16>
      %unpack3A = tpu.unpack_subelements %bitcast3A, 0 {pack_format = #tpu.pack_format<interleaved>} : vector<32xbf16> -> vector<16xf32>
      %unpack3A_183 = tpu.unpack_subelements %bitcast3A, 1 {pack_format = #tpu.pack_format<interleaved>} : vector<32xbf16> -> vector<16xf32>
      %add3A_184 = arith.constant 1 : i32
      %add3A_185 = arith.addi %mul3A_178, %add3A_184 : i32
      %get3A_186 = arith.index_cast %add3A_185 : i32 to index
      %get3A_187 = arith.constant 0 : index
      %get3A_188 = tpu.vector_load %arg9[%get3A_186, %get3A_187] {strides = array<i32>} : memref<1280x16xi32, #tpu.memory_space<vmem>>, vector<16xi32>,
      %bitcast3A_189 = vector.bitcast %get3A_188 : vector<16xi32> to vector<32xbf16>
      %unpack3A_190 = tpu.unpack_subelements %bitcast3A_189, 0 {pack_format = #tpu.pack_format<interleaved>} : vector<32xbf16> -> vector<16xf32>
      %unpack3A_191 = tpu.unpack_subelements %bitcast3A_189, 1 {pack_format = #tpu.pack_format<interleaved>} : vector<32xbf16> -> vector<16xf32>
      %add3A_192 = arith.constant 2 : i32
      %add3A_193 = arith.addi %mul3A_178, %add3A_192 : i32
      %get3A_194 = arith.index_cast %add3A_193 : i32 to index
      %get3A_195 = arith.constant 0 : index
      %get3A_196 = tpu.vector_load %arg9[%get3A_194, %get3A_195] {strides = array<i32>} : memref<1280x16xi32, #tpu.memory_space<vmem>>, vector<16xi32>,
      %bitcast3A_197 = vector.bitcast %get3A_196 : vector<16xi32> to vector<32xbf16>
      %unpack3A_198 = tpu.unpack_subelements %bitcast3A_197, 0 {pack_format = #tpu.pack_format<interleaved>} : vector<32xbf16> -> vector<16xf32>
      %unpack3A_199 = tpu.unpack_subelements %bitcast3A_197, 1 {pack_format = #tpu.pack_format<interleaved>} : vector<32xbf16> -> vector<16xf32>
      %add3A_200 = arith.constant 3 : i32
      %add3A_201 = arith.addi %mul3A_178, %add3A_200 : i32
      %get3A_202 = arith.index_cast %add3A_201 : i32 to index
      %get3A_203 = arith.constant 0 : index
      %get3A_204 = tpu.vector_load %arg9[%get3A_202, %get3A_203] {strides = array<i32>} : memref<1280x16xi32, #tpu.memory_space<vmem>>, vector<16xi32>,
      %bitcast3A_205 = vector.bitcast %get3A_204 : vector<16xi32> to vector<32xbf16>
      %unpack3A_206 = tpu.unpack_subelements %bitcast3A_205, 0 {pack_format = #tpu.pack_format<interleaved>} : vector<32xbf16> -> vector<16xf32>
      %unpack3A_207 = tpu.unpack_subelements %bitcast3A_205, 1 {pack_format = #tpu.pack_format<interleaved>} : vector<32xbf16> -> vector<16xf32>
      %add3A_208 = arith.constant 4 : i32
      %add3A_209 = arith.addi %mul3A_178, %add3A_208 : i32
      %get3A_210 = arith.index_cast %add3A_209 : i32 to index
      %get3A_211 = arith.constant 0 : index
      %get3A_212 = tpu.vector_load %arg9[%get3A_210, %get3A_211] {strides = array<i32>} : memref<1280x16xi32, #tpu.memory_space<vmem>>, vector<16xi32>,
      %bitcast3A_213 = vector.bitcast %get3A_212 : vector<16xi32> to vector<32xbf16>
      %unpack3A_214 = tpu.unpack_subelements %bitcast3A_213, 0 {pack_format = #tpu.pack_format<interleaved>} : vector<32xbf16> -> vector<16xf32>
      %unpack3A_215 = tpu.unpack_subelements %bitcast3A_213, 1 {pack_format = #tpu.pack_format<interleaved>} : vector<32xbf16> -> vector<16xf32>
      %add3A_216 = arith.constant 5 : i32
      %add3A_217 = arith.addi %mul3A_178, %add3A_216 : i32
      %get3A_218 = arith.index_cast %add3A_217 : i32 to index
      %get3A_219 = arith.constant 0 : index
      %get3A_220 = tpu.vector_load %arg9[%get3A_218, %get3A_219] {strides = array<i32>} : memref<1280x16xi32, #tpu.memory_space<vmem>>, vector<16xi32>,
      %bitcast3A_221 = vector.bitcast %get3A_220 : vector<16xi32> to vector<32xbf16>
      %unpack3A_222 = tpu.unpack_subelements %bitcast3A_221, 0 {pack_format = #tpu.pack_format<interleaved>} : vector<32xbf16> -> vector<16xf32>
      %unpack3A_223 = tpu.unpack_subelements %bitcast3A_221, 1 {pack_format = #tpu.pack_format<interleaved>} : vector<32xbf16> -> vector<16xf32>
      %add3A_224 = arith.constant 6 : i32
      %add3A_225 = arith.addi %mul3A_178, %add3A_224 : i32
      %get3A_226 = arith.index_cast %add3A_225 : i32 to index
      %get3A_227 = arith.constant 0 : index
      %get3A_228 = tpu.vector_load %arg9[%get3A_226, %get3A_227] {strides = array<i32>} : memref<1280x16xi32, #tpu.memory_space<vmem>>, vector<16xi32>,
      %bitcast3A_229 = vector.bitcast %get3A_228 : vector<16xi32> to vector<32xbf16>
      %unpack3A_230 = tpu.unpack_subelements %bitcast3A_229, 0 {pack_format = #tpu.pack_format<interleaved>} : vector<32xbf16> -> vector<16xf32>
      %unpack3A_231 = tpu.unpack_subelements %bitcast3A_229, 1 {pack_format = #tpu.pack_format<interleaved>} : vector<32xbf16> -> vector<16xf32>
      %add3A_232 = arith.constant 7 : i32
      %add3A_233 = arith.addi %mul3A_178, %add3A_232 : i32
      %get3A_234 = arith.index_cast %add3A_233 : i32 to index
      %get3A_235 = arith.constant 0 : index
      %get3A_236 = tpu.vector_load %arg9[%get3A_234, %get3A_235] {strides = array<i32>} : memref<1280x16xi32, #tpu.memory_space<vmem>>, vector<16xi32>,
      %bitcast3A_237 = vector.bitcast %get3A_236 : vector<16xi32> to vector<32xbf16>
      %unpack3A_238 = tpu.unpack_subelements %bitcast3A_237, 0 {pack_format = #tpu.pack_format<interleaved>} : vector<32xbf16> -> vector<16xf32>
      %unpack3A_239 = tpu.unpack_subelements %bitcast3A_237, 1 {pack_format = #tpu.pack_format<interleaved>} : vector<32xbf16> -> vector<16xf32>
      %add3A_240 = arith.constant 8 : i32
      %add3A_241 = arith.addi %mul3A_178, %add3A_240 : i32
      %get3A_242 = arith.index_cast %add3A_241 : i32 to index
      %get3A_243 = arith.constant 0 : index
      %get3A_244 = tpu.vector_load %arg9[%get3A_242, %get3A_243] {strides = array<i32>} : memref<1280x16xi32, #tpu.memory_space<vmem>>, vector<16xi32>,
      %bitcast3A_245 = vector.bitcast %get3A_244 : vector<16xi32> to vector<32xbf16>
      %unpack3A_246 = tpu.unpack_subelements %bitcast3A_245, 0 {pack_format = #tpu.pack_format<interleaved>} : vector<32xbf16> -> vector<16xf32>
      %unpack3A_247 = tpu.unpack_subelements %bitcast3A_245, 1 {pack_format = #tpu.pack_format<interleaved>} : vector<32xbf16> -> vector<16xf32>
      %add3A_248 = arith.constant 9 : i32
      %add3A_249 = arith.addi %mul3A_178, %add3A_248 : i32
      %get3A_250 = arith.index_cast %add3A_249 : i32 to index
      %get3A_251 = arith.constant 0 : index
      %get3A_252 = tpu.vector_load %arg9[%get3A_250, %get3A_251] {strides = array<i32>} : memref<1280x16xi32, #tpu.memory_space<vmem>>, vector<16xi32>,
      %bitcast3A_253 = vector.bitcast %get3A_252 : vector<16xi32> to vector<32xbf16>
      %unpack3A_254 = tpu.unpack_subelements %bitcast3A_253, 0 {pack_format = #tpu.pack_format<interleaved>} : vector<32xbf16> -> vector<16xf32>
      %unpack3A_255 = tpu.unpack_subelements %bitcast3A_253, 1 {pack_format = #tpu.pack_format<interleaved>} : vector<32xbf16> -> vector<16xf32>
      %add3A_256 = arith.constant 10 : i32
      %add3A_257 = arith.addi %mul3A_178, %add3A_256 : i32
      %get3A_258 = arith.index_cast %add3A_257 : i32 to index
      %get3A_259 = arith.constant 0 : index
      %get3A_260 = tpu.vector_load %arg9[%get3A_258, %get3A_259] {strides = array<i32>} : memref<1280x16xi32, #tpu.memory_space<vmem>>, vector<16xi32>,
      %bitcast3A_261 = vector.bitcast %get3A_260 : vector<16xi32> to vector<32xbf16>
      %unpack3A_262 = tpu.unpack_subelements %bitcast3A_261, 0 {pack_format = #tpu.pack_format<interleaved>} : vector<32xbf16> -> vector<16xf32>
      %unpack3A_263 = tpu.unpack_subelements %bitcast3A_261, 1 {pack_format = #tpu.pack_format<interleaved>} : vector<32xbf16> -> vector<16xf32>
      %add3A_264 = arith.constant 11 : i32
      %add3A_265 = arith.addi %mul3A_178, %add3A_264 : i32
      %get3A_266 = arith.index_cast %add3A_265 : i32 to index
      %get3A_267 = arith.constant 0 : index
      %get3A_268 = tpu.vector_load %arg9[%get3A_266, %get3A_267] {strides = array<i32>} : memref<1280x16xi32, #tpu.memory_space<vmem>>, vector<16xi32>,
      %bitcast3A_269 = vector.bitcast %get3A_268 : vector<16xi32> to vector<32xbf16>
      %unpack3A_270 = tpu.unpack_subelements %bitcast3A_269, 0 {pack_format = #tpu.pack_format<interleaved>} : vector<32xbf16> -> vector<16xf32>
      %unpack3A_271 = tpu.unpack_subelements %bitcast3A_269, 1 {pack_format = #tpu.pack_format<interleaved>} : vector<32xbf16> -> vector<16xf32>
      %add3A_272 = arith.constant 12 : i32
      %add3A_273 = arith.addi %mul3A_178, %add3A_272 : i32
      %get3A_274 = arith.index_cast %add3A_273 : i32 to index
      %get3A_275 = arith.constant 0 : index
      %get3A_276 = tpu.vector_load %arg9[%get3A_274, %get3A_275] {strides = array<i32>} : memref<1280x16xi32, #tpu.memory_space<vmem>>, vector<16xi32>,
      %bitcast3A_277 = vector.bitcast %get3A_276 : vector<16xi32> to vector<32xbf16>
      %unpack3A_278 = tpu.unpack_subelements %bitcast3A_277, 0 {pack_format = #tpu.pack_format<interleaved>} : vector<32xbf16> -> vector<16xf32>
      %unpack3A_279 = tpu.unpack_subelements %bitcast3A_277, 1 {pack_format = #tpu.pack_format<interleaved>} : vector<32xbf16> -> vector<16xf32>
      %add3A_280 = arith.constant 13 : i32
      %add3A_281 = arith.addi %mul3A_178, %add3A_280 : i32
      %get3A_282 = arith.index_cast %add3A_281 : i32 to index
      %get3A_283 = arith.constant 0 : index
      %get3A_284 = tpu.vector_load %arg9[%get3A_282, %get3A_283] {strides = array<i32>} : memref<1280x16xi32, #tpu.memory_space<vmem>>, vector<16xi32>,
      %bitcast3A_285 = vector.bitcast %get3A_284 : vector<16xi32> to vector<32xbf16>
      %unpack3A_286 = tpu.unpack_subelements %bitcast3A_285, 0 {pack_format = #tpu.pack_format<interleaved>} : vector<32xbf16> -> vector<16xf32>
      %unpack3A_287 = tpu.unpack_subelements %bitcast3A_285, 1 {pack_format = #tpu.pack_format<interleaved>} : vector<32xbf16> -> vector<16xf32>
      %add3A_288 = arith.constant 14 : i32
      %add3A_289 = arith.addi %mul3A_178, %add3A_288 : i32
      %get3A_290 = arith.index_cast %add3A_289 : i32 to index
      %get3A_291 = arith.constant 0 : index
      %get3A_292 = tpu.vector_load %arg9[%get3A_290, %get3A_291] {strides = array<i32>} : memref<1280x16xi32, #tpu.memory_space<vmem>>, vector<16xi32>,
      %bitcast3A_293 = vector.bitcast %get3A_292 : vector<16xi32> to vector<32xbf16>
      %unpack3A_294 = tpu.unpack_subelements %bitcast3A_293, 0 {pack_format = #tpu.pack_format<interleaved>} : vector<32xbf16> -> vector<16xf32>
      %unpack3A_295 = tpu.unpack_subelements %bitcast3A_293, 1 {pack_format = #tpu.pack_format<interleaved>} : vector<32xbf16> -> vector<16xf32>
      %add3A_296 = arith.constant 15 : i32
      %add3A_297 = arith.addi %mul3A_178, %add3A_296 : i32
      %get3A_298 = arith.index_cast %add3A_297 : i32 to index
      %get3A_299 = arith.constant 0 : index
      %get3A_300 = tpu.vector_load %arg9[%get3A_298, %get3A_299] {strides = array<i32>} : memref<1280x16xi32, #tpu.memory_space<vmem>>, vector<16xi32>,
      %bitcast3A_301 = vector.bitcast %get3A_300 : vector<16xi32> to vector<32xbf16>
      %unpack3A_302 = tpu.unpack_subelements %bitcast3A_301, 0 {pack_format = #tpu.pack_format<interleaved>} : vector<32xbf16> -> vector<16xf32>
      %unpack3A_303 = tpu.unpack_subelements %bitcast3A_301, 1 {pack_format = #tpu.pack_format<interleaved>} : vector<32xbf16> -> vector<16xf32>
      %add3A_304 = arith.constant 16 : i32
      %add3A_305 = arith.addi %mul3A_178, %add3A_304 : i32
      %get3A_306 = arith.index_cast %add3A_305 : i32 to index
      %get3A_307 = arith.constant 0 : index
      %get3A_308 = tpu.vector_load %arg9[%get3A_306, %get3A_307] {strides = array<i32>} : memref<1280x16xi32, #tpu.memory_space<vmem>>, vector<16xi32>,
      %bitcast3A_309 = vector.bitcast %get3A_308 : vector<16xi32> to vector<32xbf16>
      %unpack3A_310 = tpu.unpack_subelements %bitcast3A_309, 0 {pack_format = #tpu.pack_format<interleaved>} : vector<32xbf16> -> vector<16xf32>
      %unpack3A_311 = tpu.unpack_subelements %bitcast3A_309, 1 {pack_format = #tpu.pack_format<interleaved>} : vector<32xbf16> -> vector<16xf32>
      %add3A_312 = arith.constant 17 : i32
      %add3A_313 = arith.addi %mul3A_178, %add3A_312 : i32
      %get3A_314 = arith.index_cast %add3A_313 : i32 to index
      %get3A_315 = arith.constant 0 : index
      %get3A_316 = tpu.vector_load %arg9[%get3A_314, %get3A_315] {strides = array<i32>} : memref<1280x16xi32, #tpu.memory_space<vmem>>, vector<16xi32>,
      %bitcast3A_317 = vector.bitcast %get3A_316 : vector<16xi32> to vector<32xbf16>
      %unpack3A_318 = tpu.unpack_subelements %bitcast3A_317, 0 {pack_format = #tpu.pack_format<interleaved>} : vector<32xbf16> -> vector<16xf32>
      %unpack3A_319 = tpu.unpack_subelements %bitcast3A_317, 1 {pack_format = #tpu.pack_format<interleaved>} : vector<32xbf16> -> vector<16xf32>
      %add3A_320 = arith.constant 18 : i32
      %add3A_321 = arith.addi %mul3A_178, %add3A_320 : i32
      %get3A_322 = arith.index_cast %add3A_321 : i32 to index
      %get3A_323 = arith.constant 0 : index
      %get3A_324 = tpu.vector_load %arg9[%get3A_322, %get3A_323] {strides = array<i32>} : memref<1280x16xi32, #tpu.memory_space<vmem>>, vector<16xi32>,
      %bitcast3A_325 = vector.bitcast %get3A_324 : vector<16xi32> to vector<32xbf16>
      %unpack3A_326 = tpu.unpack_subelements %bitcast3A_325, 0 {pack_format = #tpu.pack_format<interleaved>} : vector<32xbf16> -> vector<16xf32>
      %unpack3A_327 = tpu.unpack_subelements %bitcast3A_325, 1 {pack_format = #tpu.pack_format<interleaved>} : vector<32xbf16> -> vector<16xf32>
      %add3A_328 = arith.constant 19 : i32
      %add3A_329 = arith.addi %mul3A_178, %add3A_328 : i32
      %get3A_330 = arith.index_cast %add3A_329 : i32 to index
      %get3A_331 = arith.constant 0 : index
      %get3A_332 = tpu.vector_load %arg9[%get3A_330, %get3A_331] {strides = array<i32>} : memref<1280x16xi32, #tpu.memory_space<vmem>>, vector<16xi32>,
      %bitcast3A_333 = vector.bitcast %get3A_332 : vector<16xi32> to vector<32xbf16>
      %unpack3A_334 = tpu.unpack_subelements %bitcast3A_333, 0 {pack_format = #tpu.pack_format<interleaved>} : vector<32xbf16> -> vector<16xf32>
      %unpack3A_335 = tpu.unpack_subelements %bitcast3A_333, 1 {pack_format = #tpu.pack_format<interleaved>} : vector<32xbf16> -> vector<16xf32>
      %add3A_336 = arith.addf %unpack3A, %unpack3A_190 : vector<16xf32>
      %add3A_337 = arith.addf %unpack3A_198, %unpack3A_206 : vector<16xf32>
      %add3A_338 = arith.addf %unpack3A_214, %unpack3A_222 : vector<16xf32>
      %add3A_339 = arith.addf %unpack3A_230, %unpack3A_238 : vector<16xf32>
      %add3A_340 = arith.addf %unpack3A_246, %unpack3A_254 : vector<16xf32>
      %add3A_341 = arith.addf %unpack3A_262, %unpack3A_270 : vector<16xf32>
      %add3A_342 = arith.addf %unpack3A_278, %unpack3A_286 : vector<16xf32>
      %add3A_343 = arith.addf %unpack3A_294, %unpack3A_302 : vector<16xf32>
      %add3A_344 = arith.addf %unpack3A_310, %unpack3A_318 : vector<16xf32>
      %add3A_345 = arith.addf %unpack3A_326, %unpack3A_334 : vector<16xf32>
      %add3A_346 = arith.addf %add3A_336, %add3A_337 : vector<16xf32>
      %add3A_347 = arith.addf %add3A_338, %add3A_339 : vector<16xf32>
      %add3A_348 = arith.addf %add3A_340, %add3A_341 : vector<16xf32>
      %add3A_349 = arith.addf %add3A_342, %add3A_343 : vector<16xf32>
      %add3A_350 = arith.addf %add3A_344, %add3A_345 : vector<16xf32>
      %add3A_351 = arith.addf %add3A_346, %add3A_347 : vector<16xf32>
      %add3A_352 = arith.addf %add3A_348, %add3A_349 : vector<16xf32>
      %add3A_353 = arith.addf %add3A_351, %add3A_352 : vector<16xf32>
      %add3A_354 = arith.addf %add3A_353, %add3A_350 : vector<16xf32>
      %add3A_355 = arith.addf %unpack3A_183, %unpack3A_191 : vector<16xf32>
      %add3A_356 = arith.addf %unpack3A_199, %unpack3A_207 : vector<16xf32>
      %add3A_357 = arith.addf %unpack3A_215, %unpack3A_223 : vector<16xf32>
      %add3A_358 = arith.addf %unpack3A_231, %unpack3A_239 : vector<16xf32>
      %add3A_359 = arith.addf %unpack3A_247, %unpack3A_255 : vector<16xf32>
      %add3A_360 = arith.addf %unpack3A_263, %unpack3A_271 : vector<16xf32>
      %add3A_361 = arith.addf %unpack3A_279, %unpack3A_287 : vector<16xf32>
      %add3A_362 = arith.addf %unpack3A_295, %unpack3A_303 : vector<16xf32>
      %add3A_363 = arith.addf %unpack3A_311, %unpack3A_319 : vector<16xf32>
      %add3A_364 = arith.addf %unpack3A_327, %unpack3A_335 : vector<16xf32>
      %add3A_365 = arith.addf %add3A_355, %add3A_356 : vector<16xf32>
      %add3A_366 = arith.addf %add3A_357, %add3A_358 : vector<16xf32>
      %add3A_367 = arith.addf %add3A_359, %add3A_360 : vector<16xf32>
      %add3A_368 = arith.addf %add3A_361, %add3A_362 : vector<16xf32>
      %add3A_369 = arith.addf %add3A_363, %add3A_364 : vector<16xf32>
      %add3A_370 = arith.addf %add3A_365, %add3A_366 : vector<16xf32>
      %add3A_371 = arith.addf %add3A_367, %add3A_368 : vector<16xf32>
      %add3A_372 = arith.addf %add3A_370, %add3A_371 : vector<16xf32>
      %add3A_373 = arith.addf %add3A_372, %add3A_369 : vector<16xf32>
      %mul3A_374 = arith.constant 5.000000e-02 : f32
      %mul3A_375 = vector.broadcast %mul3A_374 : f32 to vector<16xf32>
      %mul3A_376 = arith.mulf %add3A_354, %mul3A_375 : vector<16xf32>
      %mul3A_377 = arith.constant 5.000000e-02 : f32
      %mul3A_378 = vector.broadcast %mul3A_377 : f32 to vector<16xf32>
      %mul3A_379 = arith.mulf %add3A_373, %mul3A_378 : vector<16xf32>
      %pack3A = tpu.pack_subelements %mul3A_376, %mul3A_379 {pack_format = #tpu.pack_format<interleaved>, positions = array<i32: 0, 1>} : vector<16xf32>, vector<16xf32> -> vector<32xbf16>
      %swap3A = arith.index_cast %scan3A_176 : i32 to index
      %swap3A_380 = arith.constant 0 : index
      %swap3A_381 = tpu.vector_load %arg10[%swap3A, %swap3A_380] {strides = array<i32>} : memref<64x32xbf16, #tpu.memory_space<vmem>>, vector<32xbf16>,
      tpu.vector_store %arg10[%swap3A, %swap3A_380], %pack3A {strides = array<i32>} : memref<64x32xbf16, #tpu.memory_space<vmem>>, vector<32xbf16>,
    }
    %scan3A_98 = arith.constant 64 : i32
    "tpu.region"() ({
      %run_scoped3A = tpu.sem_alloc : memref<!tpu.dma_semaphore, #tpu.memory_space<semaphore_mem>>
      %dma_start3A_176 = arith.constant 0 : i32
      %dma_start3A_177 = tpu.memref_slice %arg4[%add3A_92, %dma_start3A_176] : memref<16384x32xbf16, #tpu.memory_space<hbm>> -> memref<64x32xbf16, #tpu.memory_space<hbm>>
      %dma_start3A_178 = arith.constant 0 : i32
      %dma_start3A_179 = tpu.memref_slice %arg4[%add3A_92, %dma_start3A_178] : memref<16384x32xbf16, #tpu.memory_space<hbm>> -> memref<64x32xbf16, #tpu.memory_space<hbm>>
      tpu.enqueue_dma source(%arg10 : memref<64x32xbf16, #tpu.memory_space<vmem>>) target(%dma_start3A_179 : memref<64x32xbf16, #tpu.memory_space<hbm>>) target_semaphore(%run_scoped3A : memref<!tpu.dma_semaphore, #tpu.memory_space<semaphore_mem>>)
      %dma_wait3A_180 = arith.constant 0 : i32
      %dma_wait3A_181 = tpu.memref_slice %arg4[%add3A_92, %dma_wait3A_180] : memref<16384x32xbf16, #tpu.memory_space<hbm>> -> memref<64x32xbf16, #tpu.memory_space<hbm>>
      %dma_wait3A_182 = arith.constant 0 : i32
      %dma_wait3A_183 = tpu.memref_slice %arg4[%add3A_92, %dma_wait3A_182] : memref<16384x32xbf16, #tpu.memory_space<hbm>> -> memref<64x32xbf16, #tpu.memory_space<hbm>>
      tpu.wait_dma2 semaphore(%run_scoped3A : memref<!tpu.dma_semaphore, #tpu.memory_space<semaphore_mem>>) src(%arg10 : memref<64x32xbf16, #tpu.memory_space<vmem>>) dst(%dma_wait3A_183 : memref<64x32xbf16, #tpu.memory_space<hbm>>)
      tpu.yield
    }) : () -> ()
    %add3A_99 = arith.constant 320 : i32
    %add3A_100 = arith.addi %mul3A_2, %add3A_99 : i32
    "tpu.region"() ({
      %run_scoped3A = tpu.sem_alloc : memref<!tpu.dma_semaphore, #tpu.memory_space<semaphore_mem>>
      %dma_start3A_176 = arith.constant 0 : i32
      %dma_start3A_177 = tpu.memref_slice %arg2[%add3A_100, %dma_start3A_176] : memref<16384x128xi32, #tpu.memory_space<hbm>> -> memref<64x128xi32, #tpu.memory_space<hbm>>
      %dma_start3A_178 = arith.constant 0 : i32
      %dma_start3A_179 = tpu.memref_slice %arg2[%add3A_100, %dma_start3A_178] : memref<16384x128xi32, #tpu.memory_space<hbm>> -> memref<64x128xi32, #tpu.memory_space<hbm>>
      tpu.enqueue_dma source(%dma_start3A_179 : memref<64x128xi32, #tpu.memory_space<hbm>>) target(%arg5 : memref<64x128xi32, #tpu.memory_space<vmem>>) target_semaphore(%run_scoped3A : memref<!tpu.dma_semaphore, #tpu.memory_space<semaphore_mem>>)
      %dma_wait3A_180 = arith.constant 0 : i32
      %dma_wait3A_181 = tpu.memref_slice %arg2[%add3A_100, %dma_wait3A_180] : memref<16384x128xi32, #tpu.memory_space<hbm>> -> memref<64x128xi32, #tpu.memory_space<hbm>>
      %dma_wait3A_182 = arith.constant 0 : i32
      %dma_wait3A_183 = tpu.memref_slice %arg2[%add3A_100, %dma_wait3A_182] : memref<16384x128xi32, #tpu.memory_space<hbm>> -> memref<64x128xi32, #tpu.memory_space<hbm>>
      tpu.wait_dma2 semaphore(%run_scoped3A : memref<!tpu.dma_semaphore, #tpu.memory_space<semaphore_mem>>) src(%dma_wait3A_183 : memref<64x128xi32, #tpu.memory_space<hbm>>) dst(%arg5 : memref<64x128xi32, #tpu.memory_space<vmem>>)
      tpu.yield
    }) : () -> ()
    %scan3A_101 = arith.constant 0 : i32
    %scan3A_102 = arith.constant 0 : i32
    %scan3A_103 = arith.constant 64 : i32
    %scan3A_104 = arith.addi %scan3A_102, %scan3A_103 : i32
    %scan3A_105 = arith.constant 1 : i32
    scf.for %scan3A_176 = %scan3A_102 to %scan3A_104 step %scan3A_105  : i32 {
      %mul3A_177 = arith.constant 20 : i32
      %mul3A_178 = arith.muli %scan3A_176, %mul3A_177 : i32
      %mul3A_179 = arith.constant 20 : i32
      %mul3A_180 = arith.muli %scan3A_176, %mul3A_179 : i32
      %add3A_181 = arith.constant 20 : i32
      %add3A_182 = arith.addi %mul3A_180, %add3A_181 : i32
      %sub3A = arith.constant 16 : i32
      %sub3A_183 = arith.subi %add3A_182, %sub3A : i32
      %get3A = arith.index_cast %scan3A_176 : i32 to index
      %get3A_184 = arith.constant 0 : index
      %get3A_185 = tpu.vector_load %arg5[%get3A, %get3A_184] {strides = array<i32>} : memref<64x128xi32, #tpu.memory_space<vmem>>, vector<16xi32>,
      %and3A = arith.constant -32768 : i32
      %and3A_186 = vector.broadcast %and3A : i32 to vector<16xi32>
      %and3A_187 = arith.andi %get3A_185, %and3A_186 : vector<16xi32>
      %and3A_188 = arith.constant 4095 : i32
      %and3A_189 = vector.broadcast %and3A_188 : i32 to vector<16xi32>
      %and3A_190 = arith.andi %get3A_185, %and3A_189 : vector<16xi32>
      %shift_left3A = arith.constant 3 : i32
      %shift_left3A_191 = vector.broadcast %shift_left3A : i32 to vector<16xi32>
      %shift_left3A_192 = arith.shli %and3A_190, %shift_left3A_191 : vector<16xi32>
      %add3A_193 = arith.addi %and3A_187, %shift_left3A_192 : vector<16xi32>
      %shift_right_arithmetic3A = arith.constant 12 : i32
      %shift_right_arithmetic3A_194 = vector.broadcast %shift_right_arithmetic3A : i32 to vector<16xi32>
      %shift_right_arithmetic3A_195 = arith.shrsi %get3A_185, %shift_right_arithmetic3A_194 : vector<16xi32>
      %and3A_196 = arith.constant 7 : i32
      %and3A_197 = vector.broadcast %and3A_196 : i32 to vector<16xi32>
      %and3A_198 = arith.andi %shift_right_arithmetic3A_195, %and3A_197 : vector<16xi32>
      %add3A_199 = arith.addi %add3A_193, %and3A_198 : vector<16xi32>
      %swap3A = arith.index_cast %mul3A_178 : i32 to index
      %swap3A_200 = tpu.vector_load %arg7[%swap3A] {strides = array<i32>} : memref<1280xi32, #tpu.memory_space<vmem>>, vector<16xi32>,
      tpu.vector_store %arg7[%swap3A], %add3A_199 {strides = array<i32>} : memref<1280xi32, #tpu.memory_space<vmem>>, vector<16xi32>,
      %get3A_201 = arith.index_cast %scan3A_176 : i32 to index
      %get3A_202 = arith.constant 4 : index
      %get3A_203 = tpu.vector_load %arg5[%get3A_201, %get3A_202] {strides = array<i32>} : memref<64x128xi32, #tpu.memory_space<vmem>>, vector<16xi32>,
      %and3A_204 = arith.constant -32768 : i32
      %and3A_205 = vector.broadcast %and3A_204 : i32 to vector<16xi32>
      %and3A_206 = arith.andi %get3A_203, %and3A_205 : vector<16xi32>
      %and3A_207 = arith.constant 4095 : i32
      %and3A_208 = vector.broadcast %and3A_207 : i32 to vector<16xi32>
      %and3A_209 = arith.andi %get3A_203, %and3A_208 : vector<16xi32>
      %shift_left3A_210 = arith.constant 3 : i32
      %shift_left3A_211 = vector.broadcast %shift_left3A_210 : i32 to vector<16xi32>
      %shift_left3A_212 = arith.shli %and3A_209, %shift_left3A_211 : vector<16xi32>
      %add3A_213 = arith.addi %and3A_206, %shift_left3A_212 : vector<16xi32>
      %shift_right_arithmetic3A_214 = arith.constant 12 : i32
      %shift_right_arithmetic3A_215 = vector.broadcast %shift_right_arithmetic3A_214 : i32 to vector<16xi32>
      %shift_right_arithmetic3A_216 = arith.shrsi %get3A_203, %shift_right_arithmetic3A_215 : vector<16xi32>
      %and3A_217 = arith.constant 7 : i32
      %and3A_218 = vector.broadcast %and3A_217 : i32 to vector<16xi32>
      %and3A_219 = arith.andi %shift_right_arithmetic3A_216, %and3A_218 : vector<16xi32>
      %add3A_220 = arith.addi %add3A_213, %and3A_219 : vector<16xi32>
      %swap3A_221 = arith.index_cast %sub3A_183 : i32 to index
      %swap3A_222 = tpu.vector_load %arg7[%swap3A_221] {strides = array<i32>} : memref<1280xi32, #tpu.memory_space<vmem>>, vector<16xi32>,
      tpu.vector_store %arg7[%swap3A_221], %add3A_220 {strides = array<i32>} : memref<1280xi32, #tpu.memory_space<vmem>>, vector<16xi32>,
    }
    %scan3A_106 = arith.constant 64 : i32
    %dma_start3A_107 = arith.constant 0 : i32
    %dma_start3A_108 = arith.constant 0 : i32
    %dma_start3A_109 = tpu.memref_slice %arg3[%dma_start3A_107, %dma_start3A_108] : memref<1015808x16xi32, #tpu.memory_space<hbm>> -> memref<1015808x16xi32, #tpu.memory_space<hbm>>
    tpu.enqueue_indirect_dma source(%dma_start3A_109 : memref<1015808x16xi32, #tpu.memory_space<hbm>>) target(%arg9 : memref<1280x16xi32, #tpu.memory_space<vmem>>) offsets(%arg7 : memref<1280xi32, #tpu.memory_space<vmem>>) semaphore(%arg12 : memref<!tpu.dma_semaphore, #tpu.memory_space<semaphore_mem>>)
    %dma_wait3A_110 = arith.constant 0 : i32
    %dma_wait3A_111 = arith.constant 0 : i32
    %dma_wait3A_112 = tpu.memref_slice %arg3[%dma_wait3A_110, %dma_wait3A_111] : memref<1015808x16xi32, #tpu.memory_space<hbm>> -> memref<1015808x16xi32, #tpu.memory_space<hbm>>
    tpu.wait_indirect_dma semaphore(%arg11 : memref<!tpu.dma_semaphore, #tpu.memory_space<semaphore_mem>>) src(%dma_wait3A_112 : memref<1015808x16xi32, #tpu.memory_space<hbm>>) dst(%arg8 : memref<1280x16xi32, #tpu.memory_space<vmem>>)
    %add3A_113 = arith.constant 256 : i32
    %add3A_114 = arith.addi %mul3A_2, %add3A_113 : i32
    %scan3A_115 = arith.constant 0 : i32
    %scan3A_116 = arith.constant 0 : i32
    %scan3A_117 = arith.constant 64 : i32
    %scan3A_118 = arith.addi %scan3A_116, %scan3A_117 : i32
    %scan3A_119 = arith.constant 1 : i32
    scf.for %scan3A_176 = %scan3A_116 to %scan3A_118 step %scan3A_119  : i32 {
      %mul3A_177 = arith.constant 20 : i32
      %mul3A_178 = arith.muli %scan3A_176, %mul3A_177 : i32
      %add3A_179 = arith.constant 0 : i32
      %add3A_180 = arith.addi %mul3A_178, %add3A_179 : i32
      %get3A = arith.index_cast %add3A_180 : i32 to index
      %get3A_181 = arith.constant 0 : index
      %get3A_182 = tpu.vector_load %arg8[%get3A, %get3A_181] {strides = array<i32>} : memref<1280x16xi32, #tpu.memory_space<vmem>>, vector<16xi32>,
      %bitcast3A = vector.bitcast %get3A_182 : vector<16xi32> to vector<32xbf16>
      %unpack3A = tpu.unpack_subelements %bitcast3A, 0 {pack_format = #tpu.pack_format<interleaved>} : vector<32xbf16> -> vector<16xf32>
      %unpack3A_183 = tpu.unpack_subelements %bitcast3A, 1 {pack_format = #tpu.pack_format<interleaved>} : vector<32xbf16> -> vector<16xf32>
      %add3A_184 = arith.constant 1 : i32
      %add3A_185 = arith.addi %mul3A_178, %add3A_184 : i32
      %get3A_186 = arith.index_cast %add3A_185 : i32 to index
      %get3A_187 = arith.constant 0 : index
      %get3A_188 = tpu.vector_load %arg8[%get3A_186, %get3A_187] {strides = array<i32>} : memref<1280x16xi32, #tpu.memory_space<vmem>>, vector<16xi32>,
      %bitcast3A_189 = vector.bitcast %get3A_188 : vector<16xi32> to vector<32xbf16>
      %unpack3A_190 = tpu.unpack_subelements %bitcast3A_189, 0 {pack_format = #tpu.pack_format<interleaved>} : vector<32xbf16> -> vector<16xf32>
      %unpack3A_191 = tpu.unpack_subelements %bitcast3A_189, 1 {pack_format = #tpu.pack_format<interleaved>} : vector<32xbf16> -> vector<16xf32>
      %add3A_192 = arith.constant 2 : i32
      %add3A_193 = arith.addi %mul3A_178, %add3A_192 : i32
      %get3A_194 = arith.index_cast %add3A_193 : i32 to index
      %get3A_195 = arith.constant 0 : index
      %get3A_196 = tpu.vector_load %arg8[%get3A_194, %get3A_195] {strides = array<i32>} : memref<1280x16xi32, #tpu.memory_space<vmem>>, vector<16xi32>,
      %bitcast3A_197 = vector.bitcast %get3A_196 : vector<16xi32> to vector<32xbf16>
      %unpack3A_198 = tpu.unpack_subelements %bitcast3A_197, 0 {pack_format = #tpu.pack_format<interleaved>} : vector<32xbf16> -> vector<16xf32>
      %unpack3A_199 = tpu.unpack_subelements %bitcast3A_197, 1 {pack_format = #tpu.pack_format<interleaved>} : vector<32xbf16> -> vector<16xf32>
      %add3A_200 = arith.constant 3 : i32
      %add3A_201 = arith.addi %mul3A_178, %add3A_200 : i32
      %get3A_202 = arith.index_cast %add3A_201 : i32 to index
      %get3A_203 = arith.constant 0 : index
      %get3A_204 = tpu.vector_load %arg8[%get3A_202, %get3A_203] {strides = array<i32>} : memref<1280x16xi32, #tpu.memory_space<vmem>>, vector<16xi32>,
      %bitcast3A_205 = vector.bitcast %get3A_204 : vector<16xi32> to vector<32xbf16>
      %unpack3A_206 = tpu.unpack_subelements %bitcast3A_205, 0 {pack_format = #tpu.pack_format<interleaved>} : vector<32xbf16> -> vector<16xf32>
      %unpack3A_207 = tpu.unpack_subelements %bitcast3A_205, 1 {pack_format = #tpu.pack_format<interleaved>} : vector<32xbf16> -> vector<16xf32>
      %add3A_208 = arith.constant 4 : i32
      %add3A_209 = arith.addi %mul3A_178, %add3A_208 : i32
      %get3A_210 = arith.index_cast %add3A_209 : i32 to index
      %get3A_211 = arith.constant 0 : index
      %get3A_212 = tpu.vector_load %arg8[%get3A_210, %get3A_211] {strides = array<i32>} : memref<1280x16xi32, #tpu.memory_space<vmem>>, vector<16xi32>,
      %bitcast3A_213 = vector.bitcast %get3A_212 : vector<16xi32> to vector<32xbf16>
      %unpack3A_214 = tpu.unpack_subelements %bitcast3A_213, 0 {pack_format = #tpu.pack_format<interleaved>} : vector<32xbf16> -> vector<16xf32>
      %unpack3A_215 = tpu.unpack_subelements %bitcast3A_213, 1 {pack_format = #tpu.pack_format<interleaved>} : vector<32xbf16> -> vector<16xf32>
      %add3A_216 = arith.constant 5 : i32
      %add3A_217 = arith.addi %mul3A_178, %add3A_216 : i32
      %get3A_218 = arith.index_cast %add3A_217 : i32 to index
      %get3A_219 = arith.constant 0 : index
      %get3A_220 = tpu.vector_load %arg8[%get3A_218, %get3A_219] {strides = array<i32>} : memref<1280x16xi32, #tpu.memory_space<vmem>>, vector<16xi32>,
      %bitcast3A_221 = vector.bitcast %get3A_220 : vector<16xi32> to vector<32xbf16>
      %unpack3A_222 = tpu.unpack_subelements %bitcast3A_221, 0 {pack_format = #tpu.pack_format<interleaved>} : vector<32xbf16> -> vector<16xf32>
      %unpack3A_223 = tpu.unpack_subelements %bitcast3A_221, 1 {pack_format = #tpu.pack_format<interleaved>} : vector<32xbf16> -> vector<16xf32>
      %add3A_224 = arith.constant 6 : i32
      %add3A_225 = arith.addi %mul3A_178, %add3A_224 : i32
      %get3A_226 = arith.index_cast %add3A_225 : i32 to index
      %get3A_227 = arith.constant 0 : index
      %get3A_228 = tpu.vector_load %arg8[%get3A_226, %get3A_227] {strides = array<i32>} : memref<1280x16xi32, #tpu.memory_space<vmem>>, vector<16xi32>,
      %bitcast3A_229 = vector.bitcast %get3A_228 : vector<16xi32> to vector<32xbf16>
      %unpack3A_230 = tpu.unpack_subelements %bitcast3A_229, 0 {pack_format = #tpu.pack_format<interleaved>} : vector<32xbf16> -> vector<16xf32>
      %unpack3A_231 = tpu.unpack_subelements %bitcast3A_229, 1 {pack_format = #tpu.pack_format<interleaved>} : vector<32xbf16> -> vector<16xf32>
      %add3A_232 = arith.constant 7 : i32
      %add3A_233 = arith.addi %mul3A_178, %add3A_232 : i32
      %get3A_234 = arith.index_cast %add3A_233 : i32 to index
      %get3A_235 = arith.constant 0 : index
      %get3A_236 = tpu.vector_load %arg8[%get3A_234, %get3A_235] {strides = array<i32>} : memref<1280x16xi32, #tpu.memory_space<vmem>>, vector<16xi32>,
      %bitcast3A_237 = vector.bitcast %get3A_236 : vector<16xi32> to vector<32xbf16>
      %unpack3A_238 = tpu.unpack_subelements %bitcast3A_237, 0 {pack_format = #tpu.pack_format<interleaved>} : vector<32xbf16> -> vector<16xf32>
      %unpack3A_239 = tpu.unpack_subelements %bitcast3A_237, 1 {pack_format = #tpu.pack_format<interleaved>} : vector<32xbf16> -> vector<16xf32>
      %add3A_240 = arith.constant 8 : i32
      %add3A_241 = arith.addi %mul3A_178, %add3A_240 : i32
      %get3A_242 = arith.index_cast %add3A_241 : i32 to index
      %get3A_243 = arith.constant 0 : index
      %get3A_244 = tpu.vector_load %arg8[%get3A_242, %get3A_243] {strides = array<i32>} : memref<1280x16xi32, #tpu.memory_space<vmem>>, vector<16xi32>,
      %bitcast3A_245 = vector.bitcast %get3A_244 : vector<16xi32> to vector<32xbf16>
      %unpack3A_246 = tpu.unpack_subelements %bitcast3A_245, 0 {pack_format = #tpu.pack_format<interleaved>} : vector<32xbf16> -> vector<16xf32>
      %unpack3A_247 = tpu.unpack_subelements %bitcast3A_245, 1 {pack_format = #tpu.pack_format<interleaved>} : vector<32xbf16> -> vector<16xf32>
      %add3A_248 = arith.constant 9 : i32
      %add3A_249 = arith.addi %mul3A_178, %add3A_248 : i32
      %get3A_250 = arith.index_cast %add3A_249 : i32 to index
      %get3A_251 = arith.constant 0 : index
      %get3A_252 = tpu.vector_load %arg8[%get3A_250, %get3A_251] {strides = array<i32>} : memref<1280x16xi32, #tpu.memory_space<vmem>>, vector<16xi32>,
      %bitcast3A_253 = vector.bitcast %get3A_252 : vector<16xi32> to vector<32xbf16>
      %unpack3A_254 = tpu.unpack_subelements %bitcast3A_253, 0 {pack_format = #tpu.pack_format<interleaved>} : vector<32xbf16> -> vector<16xf32>
      %unpack3A_255 = tpu.unpack_subelements %bitcast3A_253, 1 {pack_format = #tpu.pack_format<interleaved>} : vector<32xbf16> -> vector<16xf32>
      %add3A_256 = arith.constant 10 : i32
      %add3A_257 = arith.addi %mul3A_178, %add3A_256 : i32
      %get3A_258 = arith.index_cast %add3A_257 : i32 to index
      %get3A_259 = arith.constant 0 : index
      %get3A_260 = tpu.vector_load %arg8[%get3A_258, %get3A_259] {strides = array<i32>} : memref<1280x16xi32, #tpu.memory_space<vmem>>, vector<16xi32>,
      %bitcast3A_261 = vector.bitcast %get3A_260 : vector<16xi32> to vector<32xbf16>
      %unpack3A_262 = tpu.unpack_subelements %bitcast3A_261, 0 {pack_format = #tpu.pack_format<interleaved>} : vector<32xbf16> -> vector<16xf32>
      %unpack3A_263 = tpu.unpack_subelements %bitcast3A_261, 1 {pack_format = #tpu.pack_format<interleaved>} : vector<32xbf16> -> vector<16xf32>
      %add3A_264 = arith.constant 11 : i32
      %add3A_265 = arith.addi %mul3A_178, %add3A_264 : i32
      %get3A_266 = arith.index_cast %add3A_265 : i32 to index
      %get3A_267 = arith.constant 0 : index
      %get3A_268 = tpu.vector_load %arg8[%get3A_266, %get3A_267] {strides = array<i32>} : memref<1280x16xi32, #tpu.memory_space<vmem>>, vector<16xi32>,
      %bitcast3A_269 = vector.bitcast %get3A_268 : vector<16xi32> to vector<32xbf16>
      %unpack3A_270 = tpu.unpack_subelements %bitcast3A_269, 0 {pack_format = #tpu.pack_format<interleaved>} : vector<32xbf16> -> vector<16xf32>
      %unpack3A_271 = tpu.unpack_subelements %bitcast3A_269, 1 {pack_format = #tpu.pack_format<interleaved>} : vector<32xbf16> -> vector<16xf32>
      %add3A_272 = arith.constant 12 : i32
      %add3A_273 = arith.addi %mul3A_178, %add3A_272 : i32
      %get3A_274 = arith.index_cast %add3A_273 : i32 to index
      %get3A_275 = arith.constant 0 : index
      %get3A_276 = tpu.vector_load %arg8[%get3A_274, %get3A_275] {strides = array<i32>} : memref<1280x16xi32, #tpu.memory_space<vmem>>, vector<16xi32>,
      %bitcast3A_277 = vector.bitcast %get3A_276 : vector<16xi32> to vector<32xbf16>
      %unpack3A_278 = tpu.unpack_subelements %bitcast3A_277, 0 {pack_format = #tpu.pack_format<interleaved>} : vector<32xbf16> -> vector<16xf32>
      %unpack3A_279 = tpu.unpack_subelements %bitcast3A_277, 1 {pack_format = #tpu.pack_format<interleaved>} : vector<32xbf16> -> vector<16xf32>
      %add3A_280 = arith.constant 13 : i32
      %add3A_281 = arith.addi %mul3A_178, %add3A_280 : i32
      %get3A_282 = arith.index_cast %add3A_281 : i32 to index
      %get3A_283 = arith.constant 0 : index
      %get3A_284 = tpu.vector_load %arg8[%get3A_282, %get3A_283] {strides = array<i32>} : memref<1280x16xi32, #tpu.memory_space<vmem>>, vector<16xi32>,
      %bitcast3A_285 = vector.bitcast %get3A_284 : vector<16xi32> to vector<32xbf16>
      %unpack3A_286 = tpu.unpack_subelements %bitcast3A_285, 0 {pack_format = #tpu.pack_format<interleaved>} : vector<32xbf16> -> vector<16xf32>
      %unpack3A_287 = tpu.unpack_subelements %bitcast3A_285, 1 {pack_format = #tpu.pack_format<interleaved>} : vector<32xbf16> -> vector<16xf32>
      %add3A_288 = arith.constant 14 : i32
      %add3A_289 = arith.addi %mul3A_178, %add3A_288 : i32
      %get3A_290 = arith.index_cast %add3A_289 : i32 to index
      %get3A_291 = arith.constant 0 : index
      %get3A_292 = tpu.vector_load %arg8[%get3A_290, %get3A_291] {strides = array<i32>} : memref<1280x16xi32, #tpu.memory_space<vmem>>, vector<16xi32>,
      %bitcast3A_293 = vector.bitcast %get3A_292 : vector<16xi32> to vector<32xbf16>
      %unpack3A_294 = tpu.unpack_subelements %bitcast3A_293, 0 {pack_format = #tpu.pack_format<interleaved>} : vector<32xbf16> -> vector<16xf32>
      %unpack3A_295 = tpu.unpack_subelements %bitcast3A_293, 1 {pack_format = #tpu.pack_format<interleaved>} : vector<32xbf16> -> vector<16xf32>
      %add3A_296 = arith.constant 15 : i32
      %add3A_297 = arith.addi %mul3A_178, %add3A_296 : i32
      %get3A_298 = arith.index_cast %add3A_297 : i32 to index
      %get3A_299 = arith.constant 0 : index
      %get3A_300 = tpu.vector_load %arg8[%get3A_298, %get3A_299] {strides = array<i32>} : memref<1280x16xi32, #tpu.memory_space<vmem>>, vector<16xi32>,
      %bitcast3A_301 = vector.bitcast %get3A_300 : vector<16xi32> to vector<32xbf16>
      %unpack3A_302 = tpu.unpack_subelements %bitcast3A_301, 0 {pack_format = #tpu.pack_format<interleaved>} : vector<32xbf16> -> vector<16xf32>
      %unpack3A_303 = tpu.unpack_subelements %bitcast3A_301, 1 {pack_format = #tpu.pack_format<interleaved>} : vector<32xbf16> -> vector<16xf32>
      %add3A_304 = arith.constant 16 : i32
      %add3A_305 = arith.addi %mul3A_178, %add3A_304 : i32
      %get3A_306 = arith.index_cast %add3A_305 : i32 to index
      %get3A_307 = arith.constant 0 : index
      %get3A_308 = tpu.vector_load %arg8[%get3A_306, %get3A_307] {strides = array<i32>} : memref<1280x16xi32, #tpu.memory_space<vmem>>, vector<16xi32>,
      %bitcast3A_309 = vector.bitcast %get3A_308 : vector<16xi32> to vector<32xbf16>
      %unpack3A_310 = tpu.unpack_subelements %bitcast3A_309, 0 {pack_format = #tpu.pack_format<interleaved>} : vector<32xbf16> -> vector<16xf32>
      %unpack3A_311 = tpu.unpack_subelements %bitcast3A_309, 1 {pack_format = #tpu.pack_format<interleaved>} : vector<32xbf16> -> vector<16xf32>
      %add3A_312 = arith.constant 17 : i32
      %add3A_313 = arith.addi %mul3A_178, %add3A_312 : i32
      %get3A_314 = arith.index_cast %add3A_313 : i32 to index
      %get3A_315 = arith.constant 0 : index
      %get3A_316 = tpu.vector_load %arg8[%get3A_314, %get3A_315] {strides = array<i32>} : memref<1280x16xi32, #tpu.memory_space<vmem>>, vector<16xi32>,
      %bitcast3A_317 = vector.bitcast %get3A_316 : vector<16xi32> to vector<32xbf16>
      %unpack3A_318 = tpu.unpack_subelements %bitcast3A_317, 0 {pack_format = #tpu.pack_format<interleaved>} : vector<32xbf16> -> vector<16xf32>
      %unpack3A_319 = tpu.unpack_subelements %bitcast3A_317, 1 {pack_format = #tpu.pack_format<interleaved>} : vector<32xbf16> -> vector<16xf32>
      %add3A_320 = arith.constant 18 : i32
      %add3A_321 = arith.addi %mul3A_178, %add3A_320 : i32
      %get3A_322 = arith.index_cast %add3A_321 : i32 to index
      %get3A_323 = arith.constant 0 : index
      %get3A_324 = tpu.vector_load %arg8[%get3A_322, %get3A_323] {strides = array<i32>} : memref<1280x16xi32, #tpu.memory_space<vmem>>, vector<16xi32>,
      %bitcast3A_325 = vector.bitcast %get3A_324 : vector<16xi32> to vector<32xbf16>
      %unpack3A_326 = tpu.unpack_subelements %bitcast3A_325, 0 {pack_format = #tpu.pack_format<interleaved>} : vector<32xbf16> -> vector<16xf32>
      %unpack3A_327 = tpu.unpack_subelements %bitcast3A_325, 1 {pack_format = #tpu.pack_format<interleaved>} : vector<32xbf16> -> vector<16xf32>
      %add3A_328 = arith.constant 19 : i32
      %add3A_329 = arith.addi %mul3A_178, %add3A_328 : i32
      %get3A_330 = arith.index_cast %add3A_329 : i32 to index
      %get3A_331 = arith.constant 0 : index
      %get3A_332 = tpu.vector_load %arg8[%get3A_330, %get3A_331] {strides = array<i32>} : memref<1280x16xi32, #tpu.memory_space<vmem>>, vector<16xi32>,
      %bitcast3A_333 = vector.bitcast %get3A_332 : vector<16xi32> to vector<32xbf16>
      %unpack3A_334 = tpu.unpack_subelements %bitcast3A_333, 0 {pack_format = #tpu.pack_format<interleaved>} : vector<32xbf16> -> vector<16xf32>
      %unpack3A_335 = tpu.unpack_subelements %bitcast3A_333, 1 {pack_format = #tpu.pack_format<interleaved>} : vector<32xbf16> -> vector<16xf32>
      %add3A_336 = arith.addf %unpack3A, %unpack3A_190 : vector<16xf32>
      %add3A_337 = arith.addf %unpack3A_198, %unpack3A_206 : vector<16xf32>
      %add3A_338 = arith.addf %unpack3A_214, %unpack3A_222 : vector<16xf32>
      %add3A_339 = arith.addf %unpack3A_230, %unpack3A_238 : vector<16xf32>
      %add3A_340 = arith.addf %unpack3A_246, %unpack3A_254 : vector<16xf32>
      %add3A_341 = arith.addf %unpack3A_262, %unpack3A_270 : vector<16xf32>
      %add3A_342 = arith.addf %unpack3A_278, %unpack3A_286 : vector<16xf32>
      %add3A_343 = arith.addf %unpack3A_294, %unpack3A_302 : vector<16xf32>
      %add3A_344 = arith.addf %unpack3A_310, %unpack3A_318 : vector<16xf32>
      %add3A_345 = arith.addf %unpack3A_326, %unpack3A_334 : vector<16xf32>
      %add3A_346 = arith.addf %add3A_336, %add3A_337 : vector<16xf32>
      %add3A_347 = arith.addf %add3A_338, %add3A_339 : vector<16xf32>
      %add3A_348 = arith.addf %add3A_340, %add3A_341 : vector<16xf32>
      %add3A_349 = arith.addf %add3A_342, %add3A_343 : vector<16xf32>
      %add3A_350 = arith.addf %add3A_344, %add3A_345 : vector<16xf32>
      %add3A_351 = arith.addf %add3A_346, %add3A_347 : vector<16xf32>
      %add3A_352 = arith.addf %add3A_348, %add3A_349 : vector<16xf32>
      %add3A_353 = arith.addf %add3A_351, %add3A_352 : vector<16xf32>
      %add3A_354 = arith.addf %add3A_353, %add3A_350 : vector<16xf32>
      %add3A_355 = arith.addf %unpack3A_183, %unpack3A_191 : vector<16xf32>
      %add3A_356 = arith.addf %unpack3A_199, %unpack3A_207 : vector<16xf32>
      %add3A_357 = arith.addf %unpack3A_215, %unpack3A_223 : vector<16xf32>
      %add3A_358 = arith.addf %unpack3A_231, %unpack3A_239 : vector<16xf32>
      %add3A_359 = arith.addf %unpack3A_247, %unpack3A_255 : vector<16xf32>
      %add3A_360 = arith.addf %unpack3A_263, %unpack3A_271 : vector<16xf32>
      %add3A_361 = arith.addf %unpack3A_279, %unpack3A_287 : vector<16xf32>
      %add3A_362 = arith.addf %unpack3A_295, %unpack3A_303 : vector<16xf32>
      %add3A_363 = arith.addf %unpack3A_311, %unpack3A_319 : vector<16xf32>
      %add3A_364 = arith.addf %unpack3A_327, %unpack3A_335 : vector<16xf32>
      %add3A_365 = arith.addf %add3A_355, %add3A_356 : vector<16xf32>
      %add3A_366 = arith.addf %add3A_357, %add3A_358 : vector<16xf32>
      %add3A_367 = arith.addf %add3A_359, %add3A_360 : vector<16xf32>
      %add3A_368 = arith.addf %add3A_361, %add3A_362 : vector<16xf32>
      %add3A_369 = arith.addf %add3A_363, %add3A_364 : vector<16xf32>
      %add3A_370 = arith.addf %add3A_365, %add3A_366 : vector<16xf32>
      %add3A_371 = arith.addf %add3A_367, %add3A_368 : vector<16xf32>
      %add3A_372 = arith.addf %add3A_370, %add3A_371 : vector<16xf32>
      %add3A_373 = arith.addf %add3A_372, %add3A_369 : vector<16xf32>
      %mul3A_374 = arith.constant 5.000000e-02 : f32
      %mul3A_375 = vector.broadcast %mul3A_374 : f32 to vector<16xf32>
      %mul3A_376 = arith.mulf %add3A_354, %mul3A_375 : vector<16xf32>
      %mul3A_377 = arith.constant 5.000000e-02 : f32
      %mul3A_378 = vector.broadcast %mul3A_377 : f32 to vector<16xf32>
      %mul3A_379 = arith.mulf %add3A_373, %mul3A_378 : vector<16xf32>
      %pack3A = tpu.pack_subelements %mul3A_376, %mul3A_379 {pack_format = #tpu.pack_format<interleaved>, positions = array<i32: 0, 1>} : vector<16xf32>, vector<16xf32> -> vector<32xbf16>
      %swap3A = arith.index_cast %scan3A_176 : i32 to index
      %swap3A_380 = arith.constant 0 : index
      %swap3A_381 = tpu.vector_load %arg10[%swap3A, %swap3A_380] {strides = array<i32>} : memref<64x32xbf16, #tpu.memory_space<vmem>>, vector<32xbf16>,
      tpu.vector_store %arg10[%swap3A, %swap3A_380], %pack3A {strides = array<i32>} : memref<64x32xbf16, #tpu.memory_space<vmem>>, vector<32xbf16>,
    }
    %scan3A_120 = arith.constant 64 : i32
    "tpu.region"() ({
      %run_scoped3A = tpu.sem_alloc : memref<!tpu.dma_semaphore, #tpu.memory_space<semaphore_mem>>
      %dma_start3A_176 = arith.constant 0 : i32
      %dma_start3A_177 = tpu.memref_slice %arg4[%add3A_114, %dma_start3A_176] : memref<16384x32xbf16, #tpu.memory_space<hbm>> -> memref<64x32xbf16, #tpu.memory_space<hbm>>
      %dma_start3A_178 = arith.constant 0 : i32
      %dma_start3A_179 = tpu.memref_slice %arg4[%add3A_114, %dma_start3A_178] : memref<16384x32xbf16, #tpu.memory_space<hbm>> -> memref<64x32xbf16, #tpu.memory_space<hbm>>
      tpu.enqueue_dma source(%arg10 : memref<64x32xbf16, #tpu.memory_space<vmem>>) target(%dma_start3A_179 : memref<64x32xbf16, #tpu.memory_space<hbm>>) target_semaphore(%run_scoped3A : memref<!tpu.dma_semaphore, #tpu.memory_space<semaphore_mem>>)
      %dma_wait3A_180 = arith.constant 0 : i32
      %dma_wait3A_181 = tpu.memref_slice %arg4[%add3A_114, %dma_wait3A_180] : memref<16384x32xbf16, #tpu.memory_space<hbm>> -> memref<64x32xbf16, #tpu.memory_space<hbm>>
      %dma_wait3A_182 = arith.constant 0 : i32
      %dma_wait3A_183 = tpu.memref_slice %arg4[%add3A_114, %dma_wait3A_182] : memref<16384x32xbf16, #tpu.memory_space<hbm>> -> memref<64x32xbf16, #tpu.memory_space<hbm>>
      tpu.wait_dma2 semaphore(%run_scoped3A : memref<!tpu.dma_semaphore, #tpu.memory_space<semaphore_mem>>) src(%arg10 : memref<64x32xbf16, #tpu.memory_space<vmem>>) dst(%dma_wait3A_183 : memref<64x32xbf16, #tpu.memory_space<hbm>>)
      tpu.yield
    }) : () -> ()
    %add3A_121 = arith.constant 384 : i32
    %add3A_122 = arith.addi %mul3A_2, %add3A_121 : i32
    "tpu.region"() ({
      %run_scoped3A = tpu.sem_alloc : memref<!tpu.dma_semaphore, #tpu.memory_space<semaphore_mem>>
      %dma_start3A_176 = arith.constant 0 : i32
      %dma_start3A_177 = tpu.memref_slice %arg2[%add3A_122, %dma_start3A_176] : memref<16384x128xi32, #tpu.memory_space<hbm>> -> memref<64x128xi32, #tpu.memory_space<hbm>>
      %dma_start3A_178 = arith.constant 0 : i32
      %dma_start3A_179 = tpu.memref_slice %arg2[%add3A_122, %dma_start3A_178] : memref<16384x128xi32, #tpu.memory_space<hbm>> -> memref<64x128xi32, #tpu.memory_space<hbm>>
      tpu.enqueue_dma source(%dma_start3A_179 : memref<64x128xi32, #tpu.memory_space<hbm>>) target(%arg5 : memref<64x128xi32, #tpu.memory_space<vmem>>) target_semaphore(%run_scoped3A : memref<!tpu.dma_semaphore, #tpu.memory_space<semaphore_mem>>)
      %dma_wait3A_180 = arith.constant 0 : i32
      %dma_wait3A_181 = tpu.memref_slice %arg2[%add3A_122, %dma_wait3A_180] : memref<16384x128xi32, #tpu.memory_space<hbm>> -> memref<64x128xi32, #tpu.memory_space<hbm>>
      %dma_wait3A_182 = arith.constant 0 : i32
      %dma_wait3A_183 = tpu.memref_slice %arg2[%add3A_122, %dma_wait3A_182] : memref<16384x128xi32, #tpu.memory_space<hbm>> -> memref<64x128xi32, #tpu.memory_space<hbm>>
      tpu.wait_dma2 semaphore(%run_scoped3A : memref<!tpu.dma_semaphore, #tpu.memory_space<semaphore_mem>>) src(%dma_wait3A_183 : memref<64x128xi32, #tpu.memory_space<hbm>>) dst(%arg5 : memref<64x128xi32, #tpu.memory_space<vmem>>)
      tpu.yield
    }) : () -> ()
    %scan3A_123 = arith.constant 0 : i32
    %scan3A_124 = arith.constant 0 : i32
    %scan3A_125 = arith.constant 64 : i32
    %scan3A_126 = arith.addi %scan3A_124, %scan3A_125 : i32
    %scan3A_127 = arith.constant 1 : i32
    scf.for %scan3A_176 = %scan3A_124 to %scan3A_126 step %scan3A_127  : i32 {
      %mul3A_177 = arith.constant 20 : i32
      %mul3A_178 = arith.muli %scan3A_176, %mul3A_177 : i32
      %mul3A_179 = arith.constant 20 : i32
      %mul3A_180 = arith.muli %scan3A_176, %mul3A_179 : i32
      %add3A_181 = arith.constant 20 : i32
      %add3A_182 = arith.addi %mul3A_180, %add3A_181 : i32
      %sub3A = arith.constant 16 : i32
      %sub3A_183 = arith.subi %add3A_182, %sub3A : i32
      %get3A = arith.index_cast %scan3A_176 : i32 to index
      %get3A_184 = arith.constant 0 : index
      %get3A_185 = tpu.vector_load %arg5[%get3A, %get3A_184] {strides = array<i32>} : memref<64x128xi32, #tpu.memory_space<vmem>>, vector<16xi32>,
      %and3A = arith.constant -32768 : i32
      %and3A_186 = vector.broadcast %and3A : i32 to vector<16xi32>
      %and3A_187 = arith.andi %get3A_185, %and3A_186 : vector<16xi32>
      %and3A_188 = arith.constant 4095 : i32
      %and3A_189 = vector.broadcast %and3A_188 : i32 to vector<16xi32>
      %and3A_190 = arith.andi %get3A_185, %and3A_189 : vector<16xi32>
      %shift_left3A = arith.constant 3 : i32
      %shift_left3A_191 = vector.broadcast %shift_left3A : i32 to vector<16xi32>
      %shift_left3A_192 = arith.shli %and3A_190, %shift_left3A_191 : vector<16xi32>
      %add3A_193 = arith.addi %and3A_187, %shift_left3A_192 : vector<16xi32>
      %shift_right_arithmetic3A = arith.constant 12 : i32
      %shift_right_arithmetic3A_194 = vector.broadcast %shift_right_arithmetic3A : i32 to vector<16xi32>
      %shift_right_arithmetic3A_195 = arith.shrsi %get3A_185, %shift_right_arithmetic3A_194 : vector<16xi32>
      %and3A_196 = arith.constant 7 : i32
      %and3A_197 = vector.broadcast %and3A_196 : i32 to vector<16xi32>
      %and3A_198 = arith.andi %shift_right_arithmetic3A_195, %and3A_197 : vector<16xi32>
      %add3A_199 = arith.addi %add3A_193, %and3A_198 : vector<16xi32>
      %swap3A = arith.index_cast %mul3A_178 : i32 to index
      %swap3A_200 = tpu.vector_load %arg6[%swap3A] {strides = array<i32>} : memref<1280xi32, #tpu.memory_space<vmem>>, vector<16xi32>,
      tpu.vector_store %arg6[%swap3A], %add3A_199 {strides = array<i32>} : memref<1280xi32, #tpu.memory_space<vmem>>, vector<16xi32>,
      %get3A_201 = arith.index_cast %scan3A_176 : i32 to index
      %get3A_202 = arith.constant 4 : index
      %get3A_203 = tpu.vector_load %arg5[%get3A_201, %get3A_202] {strides = array<i32>} : memref<64x128xi32, #tpu.memory_space<vmem>>, vector<16xi32>,
      %and3A_204 = arith.constant -32768 : i32
      %and3A_205 = vector.broadcast %and3A_204 : i32 to vector<16xi32>
      %and3A_206 = arith.andi %get3A_203, %and3A_205 : vector<16xi32>
      %and3A_207 = arith.constant 4095 : i32
      %and3A_208 = vector.broadcast %and3A_207 : i32 to vector<16xi32>
      %and3A_209 = arith.andi %get3A_203, %and3A_208 : vector<16xi32>
      %shift_left3A_210 = arith.constant 3 : i32
      %shift_left3A_211 = vector.broadcast %shift_left3A_210 : i32 to vector<16xi32>
      %shift_left3A_212 = arith.shli %and3A_209, %shift_left3A_211 : vector<16xi32>
      %add3A_213 = arith.addi %and3A_206, %shift_left3A_212 : vector<16xi32>
      %shift_right_arithmetic3A_214 = arith.constant 12 : i32
      %shift_right_arithmetic3A_215 = vector.broadcast %shift_right_arithmetic3A_214 : i32 to vector<16xi32>
      %shift_right_arithmetic3A_216 = arith.shrsi %get3A_203, %shift_right_arithmetic3A_215 : vector<16xi32>
      %and3A_217 = arith.constant 7 : i32
      %and3A_218 = vector.broadcast %and3A_217 : i32 to vector<16xi32>
      %and3A_219 = arith.andi %shift_right_arithmetic3A_216, %and3A_218 : vector<16xi32>
      %add3A_220 = arith.addi %add3A_213, %and3A_219 : vector<16xi32>
      %swap3A_221 = arith.index_cast %sub3A_183 : i32 to index
      %swap3A_222 = tpu.vector_load %arg6[%swap3A_221] {strides = array<i32>} : memref<1280xi32, #tpu.memory_space<vmem>>, vector<16xi32>,
      tpu.vector_store %arg6[%swap3A_221], %add3A_220 {strides = array<i32>} : memref<1280xi32, #tpu.memory_space<vmem>>, vector<16xi32>,
    }
    %scan3A_128 = arith.constant 64 : i32
    %dma_start3A_129 = arith.constant 0 : i32
    %dma_start3A_130 = arith.constant 0 : i32
    %dma_start3A_131 = tpu.memref_slice %arg3[%dma_start3A_129, %dma_start3A_130] : memref<1015808x16xi32, #tpu.memory_space<hbm>> -> memref<1015808x16xi32, #tpu.memory_space<hbm>>
    tpu.enqueue_indirect_dma source(%dma_start3A_131 : memref<1015808x16xi32, #tpu.memory_space<hbm>>) target(%arg8 : memref<1280x16xi32, #tpu.memory_space<vmem>>) offsets(%arg6 : memref<1280xi32, #tpu.memory_space<vmem>>) semaphore(%arg11 : memref<!tpu.dma_semaphore, #tpu.memory_space<semaphore_mem>>)
    %dma_wait3A_132 = arith.constant 0 : i32
    %dma_wait3A_133 = arith.constant 0 : i32
    %dma_wait3A_134 = tpu.memref_slice %arg3[%dma_wait3A_132, %dma_wait3A_133] : memref<1015808x16xi32, #tpu.memory_space<hbm>> -> memref<1015808x16xi32, #tpu.memory_space<hbm>>
    tpu.wait_indirect_dma semaphore(%arg12 : memref<!tpu.dma_semaphore, #tpu.memory_space<semaphore_mem>>) src(%dma_wait3A_134 : memref<1015808x16xi32, #tpu.memory_space<hbm>>) dst(%arg9 : memref<1280x16xi32, #tpu.memory_space<vmem>>)
    %add3A_135 = arith.constant 320 : i32
    %add3A_136 = arith.addi %mul3A_2, %add3A_135 : i32
    %scan3A_137 = arith.constant 0 : i32
    %scan3A_138 = arith.constant 0 : i32
    %scan3A_139 = arith.constant 64 : i32
    %scan3A_140 = arith.addi %scan3A_138, %scan3A_139 : i32
    %scan3A_141 = arith.constant 1 : i32
    scf.for %scan3A_176 = %scan3A_138 to %scan3A_140 step %scan3A_141  : i32 {
      %mul3A_177 = arith.constant 20 : i32
      %mul3A_178 = arith.muli %scan3A_176, %mul3A_177 : i32
      %add3A_179 = arith.constant 0 : i32
      %add3A_180 = arith.addi %mul3A_178, %add3A_179 : i32
      %get3A = arith.index_cast %add3A_180 : i32 to index
      %get3A_181 = arith.constant 0 : index
      %get3A_182 = tpu.vector_load %arg9[%get3A, %get3A_181] {strides = array<i32>} : memref<1280x16xi32, #tpu.memory_space<vmem>>, vector<16xi32>,
      %bitcast3A = vector.bitcast %get3A_182 : vector<16xi32> to vector<32xbf16>
      %unpack3A = tpu.unpack_subelements %bitcast3A, 0 {pack_format = #tpu.pack_format<interleaved>} : vector<32xbf16> -> vector<16xf32>
      %unpack3A_183 = tpu.unpack_subelements %bitcast3A, 1 {pack_format = #tpu.pack_format<interleaved>} : vector<32xbf16> -> vector<16xf32>
      %add3A_184 = arith.constant 1 : i32
      %add3A_185 = arith.addi %mul3A_178, %add3A_184 : i32
      %get3A_186 = arith.index_cast %add3A_185 : i32 to index
      %get3A_187 = arith.constant 0 : index
      %get3A_188 = tpu.vector_load %arg9[%get3A_186, %get3A_187] {strides = array<i32>} : memref<1280x16xi32, #tpu.memory_space<vmem>>, vector<16xi32>,
      %bitcast3A_189 = vector.bitcast %get3A_188 : vector<16xi32> to vector<32xbf16>
      %unpack3A_190 = tpu.unpack_subelements %bitcast3A_189, 0 {pack_format = #tpu.pack_format<interleaved>} : vector<32xbf16> -> vector<16xf32>
      %unpack3A_191 = tpu.unpack_subelements %bitcast3A_189, 1 {pack_format = #tpu.pack_format<interleaved>} : vector<32xbf16> -> vector<16xf32>
      %add3A_192 = arith.constant 2 : i32
      %add3A_193 = arith.addi %mul3A_178, %add3A_192 : i32
      %get3A_194 = arith.index_cast %add3A_193 : i32 to index
      %get3A_195 = arith.constant 0 : index
      %get3A_196 = tpu.vector_load %arg9[%get3A_194, %get3A_195] {strides = array<i32>} : memref<1280x16xi32, #tpu.memory_space<vmem>>, vector<16xi32>,
      %bitcast3A_197 = vector.bitcast %get3A_196 : vector<16xi32> to vector<32xbf16>
      %unpack3A_198 = tpu.unpack_subelements %bitcast3A_197, 0 {pack_format = #tpu.pack_format<interleaved>} : vector<32xbf16> -> vector<16xf32>
      %unpack3A_199 = tpu.unpack_subelements %bitcast3A_197, 1 {pack_format = #tpu.pack_format<interleaved>} : vector<32xbf16> -> vector<16xf32>
      %add3A_200 = arith.constant 3 : i32
      %add3A_201 = arith.addi %mul3A_178, %add3A_200 : i32
      %get3A_202 = arith.index_cast %add3A_201 : i32 to index
      %get3A_203 = arith.constant 0 : index
      %get3A_204 = tpu.vector_load %arg9[%get3A_202, %get3A_203] {strides = array<i32>} : memref<1280x16xi32, #tpu.memory_space<vmem>>, vector<16xi32>,
      %bitcast3A_205 = vector.bitcast %get3A_204 : vector<16xi32> to vector<32xbf16>
      %unpack3A_206 = tpu.unpack_subelements %bitcast3A_205, 0 {pack_format = #tpu.pack_format<interleaved>} : vector<32xbf16> -> vector<16xf32>
      %unpack3A_207 = tpu.unpack_subelements %bitcast3A_205, 1 {pack_format = #tpu.pack_format<interleaved>} : vector<32xbf16> -> vector<16xf32>
      %add3A_208 = arith.constant 4 : i32
      %add3A_209 = arith.addi %mul3A_178, %add3A_208 : i32
      %get3A_210 = arith.index_cast %add3A_209 : i32 to index
      %get3A_211 = arith.constant 0 : index
      %get3A_212 = tpu.vector_load %arg9[%get3A_210, %get3A_211] {strides = array<i32>} : memref<1280x16xi32, #tpu.memory_space<vmem>>, vector<16xi32>,
      %bitcast3A_213 = vector.bitcast %get3A_212 : vector<16xi32> to vector<32xbf16>
      %unpack3A_214 = tpu.unpack_subelements %bitcast3A_213, 0 {pack_format = #tpu.pack_format<interleaved>} : vector<32xbf16> -> vector<16xf32>
      %unpack3A_215 = tpu.unpack_subelements %bitcast3A_213, 1 {pack_format = #tpu.pack_format<interleaved>} : vector<32xbf16> -> vector<16xf32>
      %add3A_216 = arith.constant 5 : i32
      %add3A_217 = arith.addi %mul3A_178, %add3A_216 : i32
      %get3A_218 = arith.index_cast %add3A_217 : i32 to index
      %get3A_219 = arith.constant 0 : index
      %get3A_220 = tpu.vector_load %arg9[%get3A_218, %get3A_219] {strides = array<i32>} : memref<1280x16xi32, #tpu.memory_space<vmem>>, vector<16xi32>,
      %bitcast3A_221 = vector.bitcast %get3A_220 : vector<16xi32> to vector<32xbf16>
      %unpack3A_222 = tpu.unpack_subelements %bitcast3A_221, 0 {pack_format = #tpu.pack_format<interleaved>} : vector<32xbf16> -> vector<16xf32>
      %unpack3A_223 = tpu.unpack_subelements %bitcast3A_221, 1 {pack_format = #tpu.pack_format<interleaved>} : vector<32xbf16> -> vector<16xf32>
      %add3A_224 = arith.constant 6 : i32
      %add3A_225 = arith.addi %mul3A_178, %add3A_224 : i32
      %get3A_226 = arith.index_cast %add3A_225 : i32 to index
      %get3A_227 = arith.constant 0 : index
      %get3A_228 = tpu.vector_load %arg9[%get3A_226, %get3A_227] {strides = array<i32>} : memref<1280x16xi32, #tpu.memory_space<vmem>>, vector<16xi32>,
      %bitcast3A_229 = vector.bitcast %get3A_228 : vector<16xi32> to vector<32xbf16>
      %unpack3A_230 = tpu.unpack_subelements %bitcast3A_229, 0 {pack_format = #tpu.pack_format<interleaved>} : vector<32xbf16> -> vector<16xf32>
      %unpack3A_231 = tpu.unpack_subelements %bitcast3A_229, 1 {pack_format = #tpu.pack_format<interleaved>} : vector<32xbf16> -> vector<16xf32>
      %add3A_232 = arith.constant 7 : i32
      %add3A_233 = arith.addi %mul3A_178, %add3A_232 : i32
      %get3A_234 = arith.index_cast %add3A_233 : i32 to index
      %get3A_235 = arith.constant 0 : index
      %get3A_236 = tpu.vector_load %arg9[%get3A_234, %get3A_235] {strides = array<i32>} : memref<1280x16xi32, #tpu.memory_space<vmem>>, vector<16xi32>,
      %bitcast3A_237 = vector.bitcast %get3A_236 : vector<16xi32> to vector<32xbf16>
      %unpack3A_238 = tpu.unpack_subelements %bitcast3A_237, 0 {pack_format = #tpu.pack_format<interleaved>} : vector<32xbf16> -> vector<16xf32>
      %unpack3A_239 = tpu.unpack_subelements %bitcast3A_237, 1 {pack_format = #tpu.pack_format<interleaved>} : vector<32xbf16> -> vector<16xf32>
      %add3A_240 = arith.constant 8 : i32
      %add3A_241 = arith.addi %mul3A_178, %add3A_240 : i32
      %get3A_242 = arith.index_cast %add3A_241 : i32 to index
      %get3A_243 = arith.constant 0 : index
      %get3A_244 = tpu.vector_load %arg9[%get3A_242, %get3A_243] {strides = array<i32>} : memref<1280x16xi32, #tpu.memory_space<vmem>>, vector<16xi32>,
      %bitcast3A_245 = vector.bitcast %get3A_244 : vector<16xi32> to vector<32xbf16>
      %unpack3A_246 = tpu.unpack_subelements %bitcast3A_245, 0 {pack_format = #tpu.pack_format<interleaved>} : vector<32xbf16> -> vector<16xf32>
      %unpack3A_247 = tpu.unpack_subelements %bitcast3A_245, 1 {pack_format = #tpu.pack_format<interleaved>} : vector<32xbf16> -> vector<16xf32>
      %add3A_248 = arith.constant 9 : i32
      %add3A_249 = arith.addi %mul3A_178, %add3A_248 : i32
      %get3A_250 = arith.index_cast %add3A_249 : i32 to index
      %get3A_251 = arith.constant 0 : index
      %get3A_252 = tpu.vector_load %arg9[%get3A_250, %get3A_251] {strides = array<i32>} : memref<1280x16xi32, #tpu.memory_space<vmem>>, vector<16xi32>,
      %bitcast3A_253 = vector.bitcast %get3A_252 : vector<16xi32> to vector<32xbf16>
      %unpack3A_254 = tpu.unpack_subelements %bitcast3A_253, 0 {pack_format = #tpu.pack_format<interleaved>} : vector<32xbf16> -> vector<16xf32>
      %unpack3A_255 = tpu.unpack_subelements %bitcast3A_253, 1 {pack_format = #tpu.pack_format<interleaved>} : vector<32xbf16> -> vector<16xf32>
      %add3A_256 = arith.constant 10 : i32
      %add3A_257 = arith.addi %mul3A_178, %add3A_256 : i32
      %get3A_258 = arith.index_cast %add3A_257 : i32 to index
      %get3A_259 = arith.constant 0 : index
      %get3A_260 = tpu.vector_load %arg9[%get3A_258, %get3A_259] {strides = array<i32>} : memref<1280x16xi32, #tpu.memory_space<vmem>>, vector<16xi32>,
      %bitcast3A_261 = vector.bitcast %get3A_260 : vector<16xi32> to vector<32xbf16>
      %unpack3A_262 = tpu.unpack_subelements %bitcast3A_261, 0 {pack_format = #tpu.pack_format<interleaved>} : vector<32xbf16> -> vector<16xf32>
      %unpack3A_263 = tpu.unpack_subelements %bitcast3A_261, 1 {pack_format = #tpu.pack_format<interleaved>} : vector<32xbf16> -> vector<16xf32>
      %add3A_264 = arith.constant 11 : i32
      %add3A_265 = arith.addi %mul3A_178, %add3A_264 : i32
      %get3A_266 = arith.index_cast %add3A_265 : i32 to index
      %get3A_267 = arith.constant 0 : index
      %get3A_268 = tpu.vector_load %arg9[%get3A_266, %get3A_267] {strides = array<i32>} : memref<1280x16xi32, #tpu.memory_space<vmem>>, vector<16xi32>,
      %bitcast3A_269 = vector.bitcast %get3A_268 : vector<16xi32> to vector<32xbf16>
      %unpack3A_270 = tpu.unpack_subelements %bitcast3A_269, 0 {pack_format = #tpu.pack_format<interleaved>} : vector<32xbf16> -> vector<16xf32>
      %unpack3A_271 = tpu.unpack_subelements %bitcast3A_269, 1 {pack_format = #tpu.pack_format<interleaved>} : vector<32xbf16> -> vector<16xf32>
      %add3A_272 = arith.constant 12 : i32
      %add3A_273 = arith.addi %mul3A_178, %add3A_272 : i32
      %get3A_274 = arith.index_cast %add3A_273 : i32 to index
      %get3A_275 = arith.constant 0 : index
      %get3A_276 = tpu.vector_load %arg9[%get3A_274, %get3A_275] {strides = array<i32>} : memref<1280x16xi32, #tpu.memory_space<vmem>>, vector<16xi32>,
      %bitcast3A_277 = vector.bitcast %get3A_276 : vector<16xi32> to vector<32xbf16>
      %unpack3A_278 = tpu.unpack_subelements %bitcast3A_277, 0 {pack_format = #tpu.pack_format<interleaved>} : vector<32xbf16> -> vector<16xf32>
      %unpack3A_279 = tpu.unpack_subelements %bitcast3A_277, 1 {pack_format = #tpu.pack_format<interleaved>} : vector<32xbf16> -> vector<16xf32>
      %add3A_280 = arith.constant 13 : i32
      %add3A_281 = arith.addi %mul3A_178, %add3A_280 : i32
      %get3A_282 = arith.index_cast %add3A_281 : i32 to index
      %get3A_283 = arith.constant 0 : index
      %get3A_284 = tpu.vector_load %arg9[%get3A_282, %get3A_283] {strides = array<i32>} : memref<1280x16xi32, #tpu.memory_space<vmem>>, vector<16xi32>,
      %bitcast3A_285 = vector.bitcast %get3A_284 : vector<16xi32> to vector<32xbf16>
      %unpack3A_286 = tpu.unpack_subelements %bitcast3A_285, 0 {pack_format = #tpu.pack_format<interleaved>} : vector<32xbf16> -> vector<16xf32>
      %unpack3A_287 = tpu.unpack_subelements %bitcast3A_285, 1 {pack_format = #tpu.pack_format<interleaved>} : vector<32xbf16> -> vector<16xf32>
      %add3A_288 = arith.constant 14 : i32
      %add3A_289 = arith.addi %mul3A_178, %add3A_288 : i32
      %get3A_290 = arith.index_cast %add3A_289 : i32 to index
      %get3A_291 = arith.constant 0 : index
      %get3A_292 = tpu.vector_load %arg9[%get3A_290, %get3A_291] {strides = array<i32>} : memref<1280x16xi32, #tpu.memory_space<vmem>>, vector<16xi32>,
      %bitcast3A_293 = vector.bitcast %get3A_292 : vector<16xi32> to vector<32xbf16>
      %unpack3A_294 = tpu.unpack_subelements %bitcast3A_293, 0 {pack_format = #tpu.pack_format<interleaved>} : vector<32xbf16> -> vector<16xf32>
      %unpack3A_295 = tpu.unpack_subelements %bitcast3A_293, 1 {pack_format = #tpu.pack_format<interleaved>} : vector<32xbf16> -> vector<16xf32>
      %add3A_296 = arith.constant 15 : i32
      %add3A_297 = arith.addi %mul3A_178, %add3A_296 : i32
      %get3A_298 = arith.index_cast %add3A_297 : i32 to index
      %get3A_299 = arith.constant 0 : index
      %get3A_300 = tpu.vector_load %arg9[%get3A_298, %get3A_299] {strides = array<i32>} : memref<1280x16xi32, #tpu.memory_space<vmem>>, vector<16xi32>,
      %bitcast3A_301 = vector.bitcast %get3A_300 : vector<16xi32> to vector<32xbf16>
      %unpack3A_302 = tpu.unpack_subelements %bitcast3A_301, 0 {pack_format = #tpu.pack_format<interleaved>} : vector<32xbf16> -> vector<16xf32>
      %unpack3A_303 = tpu.unpack_subelements %bitcast3A_301, 1 {pack_format = #tpu.pack_format<interleaved>} : vector<32xbf16> -> vector<16xf32>
      %add3A_304 = arith.constant 16 : i32
      %add3A_305 = arith.addi %mul3A_178, %add3A_304 : i32
      %get3A_306 = arith.index_cast %add3A_305 : i32 to index
      %get3A_307 = arith.constant 0 : index
      %get3A_308 = tpu.vector_load %arg9[%get3A_306, %get3A_307] {strides = array<i32>} : memref<1280x16xi32, #tpu.memory_space<vmem>>, vector<16xi32>,
      %bitcast3A_309 = vector.bitcast %get3A_308 : vector<16xi32> to vector<32xbf16>
      %unpack3A_310 = tpu.unpack_subelements %bitcast3A_309, 0 {pack_format = #tpu.pack_format<interleaved>} : vector<32xbf16> -> vector<16xf32>
      %unpack3A_311 = tpu.unpack_subelements %bitcast3A_309, 1 {pack_format = #tpu.pack_format<interleaved>} : vector<32xbf16> -> vector<16xf32>
      %add3A_312 = arith.constant 17 : i32
      %add3A_313 = arith.addi %mul3A_178, %add3A_312 : i32
      %get3A_314 = arith.index_cast %add3A_313 : i32 to index
      %get3A_315 = arith.constant 0 : index
      %get3A_316 = tpu.vector_load %arg9[%get3A_314, %get3A_315] {strides = array<i32>} : memref<1280x16xi32, #tpu.memory_space<vmem>>, vector<16xi32>,
      %bitcast3A_317 = vector.bitcast %get3A_316 : vector<16xi32> to vector<32xbf16>
      %unpack3A_318 = tpu.unpack_subelements %bitcast3A_317, 0 {pack_format = #tpu.pack_format<interleaved>} : vector<32xbf16> -> vector<16xf32>
      %unpack3A_319 = tpu.unpack_subelements %bitcast3A_317, 1 {pack_format = #tpu.pack_format<interleaved>} : vector<32xbf16> -> vector<16xf32>
      %add3A_320 = arith.constant 18 : i32
      %add3A_321 = arith.addi %mul3A_178, %add3A_320 : i32
      %get3A_322 = arith.index_cast %add3A_321 : i32 to index
      %get3A_323 = arith.constant 0 : index
      %get3A_324 = tpu.vector_load %arg9[%get3A_322, %get3A_323] {strides = array<i32>} : memref<1280x16xi32, #tpu.memory_space<vmem>>, vector<16xi32>,
      %bitcast3A_325 = vector.bitcast %get3A_324 : vector<16xi32> to vector<32xbf16>
      %unpack3A_326 = tpu.unpack_subelements %bitcast3A_325, 0 {pack_format = #tpu.pack_format<interleaved>} : vector<32xbf16> -> vector<16xf32>
      %unpack3A_327 = tpu.unpack_subelements %bitcast3A_325, 1 {pack_format = #tpu.pack_format<interleaved>} : vector<32xbf16> -> vector<16xf32>
      %add3A_328 = arith.constant 19 : i32
      %add3A_329 = arith.addi %mul3A_178, %add3A_328 : i32
      %get3A_330 = arith.index_cast %add3A_329 : i32 to index
      %get3A_331 = arith.constant 0 : index
      %get3A_332 = tpu.vector_load %arg9[%get3A_330, %get3A_331] {strides = array<i32>} : memref<1280x16xi32, #tpu.memory_space<vmem>>, vector<16xi32>,
      %bitcast3A_333 = vector.bitcast %get3A_332 : vector<16xi32> to vector<32xbf16>
      %unpack3A_334 = tpu.unpack_subelements %bitcast3A_333, 0 {pack_format = #tpu.pack_format<interleaved>} : vector<32xbf16> -> vector<16xf32>
      %unpack3A_335 = tpu.unpack_subelements %bitcast3A_333, 1 {pack_format = #tpu.pack_format<interleaved>} : vector<32xbf16> -> vector<16xf32>
      %add3A_336 = arith.addf %unpack3A, %unpack3A_190 : vector<16xf32>
      %add3A_337 = arith.addf %unpack3A_198, %unpack3A_206 : vector<16xf32>
      %add3A_338 = arith.addf %unpack3A_214, %unpack3A_222 : vector<16xf32>
      %add3A_339 = arith.addf %unpack3A_230, %unpack3A_238 : vector<16xf32>
      %add3A_340 = arith.addf %unpack3A_246, %unpack3A_254 : vector<16xf32>
      %add3A_341 = arith.addf %unpack3A_262, %unpack3A_270 : vector<16xf32>
      %add3A_342 = arith.addf %unpack3A_278, %unpack3A_286 : vector<16xf32>
      %add3A_343 = arith.addf %unpack3A_294, %unpack3A_302 : vector<16xf32>
      %add3A_344 = arith.addf %unpack3A_310, %unpack3A_318 : vector<16xf32>
      %add3A_345 = arith.addf %unpack3A_326, %unpack3A_334 : vector<16xf32>
      %add3A_346 = arith.addf %add3A_336, %add3A_337 : vector<16xf32>
      %add3A_347 = arith.addf %add3A_338, %add3A_339 : vector<16xf32>
      %add3A_348 = arith.addf %add3A_340, %add3A_341 : vector<16xf32>
      %add3A_349 = arith.addf %add3A_342, %add3A_343 : vector<16xf32>
      %add3A_350 = arith.addf %add3A_344, %add3A_345 : vector<16xf32>
      %add3A_351 = arith.addf %add3A_346, %add3A_347 : vector<16xf32>
      %add3A_352 = arith.addf %add3A_348, %add3A_349 : vector<16xf32>
      %add3A_353 = arith.addf %add3A_351, %add3A_352 : vector<16xf32>
      %add3A_354 = arith.addf %add3A_353, %add3A_350 : vector<16xf32>
      %add3A_355 = arith.addf %unpack3A_183, %unpack3A_191 : vector<16xf32>
      %add3A_356 = arith.addf %unpack3A_199, %unpack3A_207 : vector<16xf32>
      %add3A_357 = arith.addf %unpack3A_215, %unpack3A_223 : vector<16xf32>
      %add3A_358 = arith.addf %unpack3A_231, %unpack3A_239 : vector<16xf32>
      %add3A_359 = arith.addf %unpack3A_247, %unpack3A_255 : vector<16xf32>
      %add3A_360 = arith.addf %unpack3A_263, %unpack3A_271 : vector<16xf32>
      %add3A_361 = arith.addf %unpack3A_279, %unpack3A_287 : vector<16xf32>
      %add3A_362 = arith.addf %unpack3A_295, %unpack3A_303 : vector<16xf32>
      %add3A_363 = arith.addf %unpack3A_311, %unpack3A_319 : vector<16xf32>
      %add3A_364 = arith.addf %unpack3A_327, %unpack3A_335 : vector<16xf32>
      %add3A_365 = arith.addf %add3A_355, %add3A_356 : vector<16xf32>
      %add3A_366 = arith.addf %add3A_357, %add3A_358 : vector<16xf32>
      %add3A_367 = arith.addf %add3A_359, %add3A_360 : vector<16xf32>
      %add3A_368 = arith.addf %add3A_361, %add3A_362 : vector<16xf32>
      %add3A_369 = arith.addf %add3A_363, %add3A_364 : vector<16xf32>
      %add3A_370 = arith.addf %add3A_365, %add3A_366 : vector<16xf32>
      %add3A_371 = arith.addf %add3A_367, %add3A_368 : vector<16xf32>
      %add3A_372 = arith.addf %add3A_370, %add3A_371 : vector<16xf32>
      %add3A_373 = arith.addf %add3A_372, %add3A_369 : vector<16xf32>
      %mul3A_374 = arith.constant 5.000000e-02 : f32
      %mul3A_375 = vector.broadcast %mul3A_374 : f32 to vector<16xf32>
      %mul3A_376 = arith.mulf %add3A_354, %mul3A_375 : vector<16xf32>
      %mul3A_377 = arith.constant 5.000000e-02 : f32
      %mul3A_378 = vector.broadcast %mul3A_377 : f32 to vector<16xf32>
      %mul3A_379 = arith.mulf %add3A_373, %mul3A_378 : vector<16xf32>
      %pack3A = tpu.pack_subelements %mul3A_376, %mul3A_379 {pack_format = #tpu.pack_format<interleaved>, positions = array<i32: 0, 1>} : vector<16xf32>, vector<16xf32> -> vector<32xbf16>
      %swap3A = arith.index_cast %scan3A_176 : i32 to index
      %swap3A_380 = arith.constant 0 : index
      %swap3A_381 = tpu.vector_load %arg10[%swap3A, %swap3A_380] {strides = array<i32>} : memref<64x32xbf16, #tpu.memory_space<vmem>>, vector<32xbf16>,
      tpu.vector_store %arg10[%swap3A, %swap3A_380], %pack3A {strides = array<i32>} : memref<64x32xbf16, #tpu.memory_space<vmem>>, vector<32xbf16>,
    }
    %scan3A_142 = arith.constant 64 : i32
    "tpu.region"() ({
      %run_scoped3A = tpu.sem_alloc : memref<!tpu.dma_semaphore, #tpu.memory_space<semaphore_mem>>
      %dma_start3A_176 = arith.constant 0 : i32
      %dma_start3A_177 = tpu.memref_slice %arg4[%add3A_136, %dma_start3A_176] : memref<16384x32xbf16, #tpu.memory_space<hbm>> -> memref<64x32xbf16, #tpu.memory_space<hbm>>
      %dma_start3A_178 = arith.constant 0 : i32
      %dma_start3A_179 = tpu.memref_slice %arg4[%add3A_136, %dma_start3A_178] : memref<16384x32xbf16, #tpu.memory_space<hbm>> -> memref<64x32xbf16, #tpu.memory_space<hbm>>
      tpu.enqueue_dma source(%arg10 : memref<64x32xbf16, #tpu.memory_space<vmem>>) target(%dma_start3A_179 : memref<64x32xbf16, #tpu.memory_space<hbm>>) target_semaphore(%run_scoped3A : memref<!tpu.dma_semaphore, #tpu.memory_space<semaphore_mem>>)
      %dma_wait3A_180 = arith.constant 0 : i32
      %dma_wait3A_181 = tpu.memref_slice %arg4[%add3A_136, %dma_wait3A_180] : memref<16384x32xbf16, #tpu.memory_space<hbm>> -> memref<64x32xbf16, #tpu.memory_space<hbm>>
      %dma_wait3A_182 = arith.constant 0 : i32
      %dma_wait3A_183 = tpu.memref_slice %arg4[%add3A_136, %dma_wait3A_182] : memref<16384x32xbf16, #tpu.memory_space<hbm>> -> memref<64x32xbf16, #tpu.memory_space<hbm>>
      tpu.wait_dma2 semaphore(%run_scoped3A : memref<!tpu.dma_semaphore, #tpu.memory_space<semaphore_mem>>) src(%arg10 : memref<64x32xbf16, #tpu.memory_space<vmem>>) dst(%dma_wait3A_183 : memref<64x32xbf16, #tpu.memory_space<hbm>>)
      tpu.yield
    }) : () -> ()
    %add3A_143 = arith.constant 448 : i32
    %add3A_144 = arith.addi %mul3A_2, %add3A_143 : i32
    "tpu.region"() ({
      %run_scoped3A = tpu.sem_alloc : memref<!tpu.dma_semaphore, #tpu.memory_space<semaphore_mem>>
      %dma_start3A_176 = arith.constant 0 : i32
      %dma_start3A_177 = tpu.memref_slice %arg2[%add3A_144, %dma_start3A_176] : memref<16384x128xi32, #tpu.memory_space<hbm>> -> memref<64x128xi32, #tpu.memory_space<hbm>>
      %dma_start3A_178 = arith.constant 0 : i32
      %dma_start3A_179 = tpu.memref_slice %arg2[%add3A_144, %dma_start3A_178] : memref<16384x128xi32, #tpu.memory_space<hbm>> -> memref<64x128xi32, #tpu.memory_space<hbm>>
      tpu.enqueue_dma source(%dma_start3A_179 : memref<64x128xi32, #tpu.memory_space<hbm>>) target(%arg5 : memref<64x128xi32, #tpu.memory_space<vmem>>) target_semaphore(%run_scoped3A : memref<!tpu.dma_semaphore, #tpu.memory_space<semaphore_mem>>)
      %dma_wait3A_180 = arith.constant 0 : i32
      %dma_wait3A_181 = tpu.memref_slice %arg2[%add3A_144, %dma_wait3A_180] : memref<16384x128xi32, #tpu.memory_space<hbm>> -> memref<64x128xi32, #tpu.memory_space<hbm>>
      %dma_wait3A_182 = arith.constant 0 : i32
      %dma_wait3A_183 = tpu.memref_slice %arg2[%add3A_144, %dma_wait3A_182] : memref<16384x128xi32, #tpu.memory_space<hbm>> -> memref<64x128xi32, #tpu.memory_space<hbm>>
      tpu.wait_dma2 semaphore(%run_scoped3A : memref<!tpu.dma_semaphore, #tpu.memory_space<semaphore_mem>>) src(%dma_wait3A_183 : memref<64x128xi32, #tpu.memory_space<hbm>>) dst(%arg5 : memref<64x128xi32, #tpu.memory_space<vmem>>)
      tpu.yield
    }) : () -> ()
    %scan3A_145 = arith.constant 0 : i32
    %scan3A_146 = arith.constant 0 : i32
    %scan3A_147 = arith.constant 64 : i32
    %scan3A_148 = arith.addi %scan3A_146, %scan3A_147 : i32
    %scan3A_149 = arith.constant 1 : i32
    scf.for %scan3A_176 = %scan3A_146 to %scan3A_148 step %scan3A_149  : i32 {
      %mul3A_177 = arith.constant 20 : i32
      %mul3A_178 = arith.muli %scan3A_176, %mul3A_177 : i32
      %mul3A_179 = arith.constant 20 : i32
      %mul3A_180 = arith.muli %scan3A_176, %mul3A_179 : i32
      %add3A_181 = arith.constant 20 : i32
      %add3A_182 = arith.addi %mul3A_180, %add3A_181 : i32
      %sub3A = arith.constant 16 : i32
      %sub3A_183 = arith.subi %add3A_182, %sub3A : i32
      %get3A = arith.index_cast %scan3A_176 : i32 to index
      %get3A_184 = arith.constant 0 : index
      %get3A_185 = tpu.vector_load %arg5[%get3A, %get3A_184] {strides = array<i32>} : memref<64x128xi32, #tpu.memory_space<vmem>>, vector<16xi32>,
      %and3A = arith.constant -32768 : i32
      %and3A_186 = vector.broadcast %and3A : i32 to vector<16xi32>
      %and3A_187 = arith.andi %get3A_185, %and3A_186 : vector<16xi32>
      %and3A_188 = arith.constant 4095 : i32
      %and3A_189 = vector.broadcast %and3A_188 : i32 to vector<16xi32>
      %and3A_190 = arith.andi %get3A_185, %and3A_189 : vector<16xi32>
      %shift_left3A = arith.constant 3 : i32
      %shift_left3A_191 = vector.broadcast %shift_left3A : i32 to vector<16xi32>
      %shift_left3A_192 = arith.shli %and3A_190, %shift_left3A_191 : vector<16xi32>
      %add3A_193 = arith.addi %and3A_187, %shift_left3A_192 : vector<16xi32>
      %shift_right_arithmetic3A = arith.constant 12 : i32
      %shift_right_arithmetic3A_194 = vector.broadcast %shift_right_arithmetic3A : i32 to vector<16xi32>
      %shift_right_arithmetic3A_195 = arith.shrsi %get3A_185, %shift_right_arithmetic3A_194 : vector<16xi32>
      %and3A_196 = arith.constant 7 : i32
      %and3A_197 = vector.broadcast %and3A_196 : i32 to vector<16xi32>
      %and3A_198 = arith.andi %shift_right_arithmetic3A_195, %and3A_197 : vector<16xi32>
      %add3A_199 = arith.addi %add3A_193, %and3A_198 : vector<16xi32>
      %swap3A = arith.index_cast %mul3A_178 : i32 to index
      %swap3A_200 = tpu.vector_load %arg7[%swap3A] {strides = array<i32>} : memref<1280xi32, #tpu.memory_space<vmem>>, vector<16xi32>,
      tpu.vector_store %arg7[%swap3A], %add3A_199 {strides = array<i32>} : memref<1280xi32, #tpu.memory_space<vmem>>, vector<16xi32>,
      %get3A_201 = arith.index_cast %scan3A_176 : i32 to index
      %get3A_202 = arith.constant 4 : index
      %get3A_203 = tpu.vector_load %arg5[%get3A_201, %get3A_202] {strides = array<i32>} : memref<64x128xi32, #tpu.memory_space<vmem>>, vector<16xi32>,
      %and3A_204 = arith.constant -32768 : i32
      %and3A_205 = vector.broadcast %and3A_204 : i32 to vector<16xi32>
      %and3A_206 = arith.andi %get3A_203, %and3A_205 : vector<16xi32>
      %and3A_207 = arith.constant 4095 : i32
      %and3A_208 = vector.broadcast %and3A_207 : i32 to vector<16xi32>
      %and3A_209 = arith.andi %get3A_203, %and3A_208 : vector<16xi32>
      %shift_left3A_210 = arith.constant 3 : i32
      %shift_left3A_211 = vector.broadcast %shift_left3A_210 : i32 to vector<16xi32>
      %shift_left3A_212 = arith.shli %and3A_209, %shift_left3A_211 : vector<16xi32>
      %add3A_213 = arith.addi %and3A_206, %shift_left3A_212 : vector<16xi32>
      %shift_right_arithmetic3A_214 = arith.constant 12 : i32
      %shift_right_arithmetic3A_215 = vector.broadcast %shift_right_arithmetic3A_214 : i32 to vector<16xi32>
      %shift_right_arithmetic3A_216 = arith.shrsi %get3A_203, %shift_right_arithmetic3A_215 : vector<16xi32>
      %and3A_217 = arith.constant 7 : i32
      %and3A_218 = vector.broadcast %and3A_217 : i32 to vector<16xi32>
      %and3A_219 = arith.andi %shift_right_arithmetic3A_216, %and3A_218 : vector<16xi32>
      %add3A_220 = arith.addi %add3A_213, %and3A_219 : vector<16xi32>
      %swap3A_221 = arith.index_cast %sub3A_183 : i32 to index
      %swap3A_222 = tpu.vector_load %arg7[%swap3A_221] {strides = array<i32>} : memref<1280xi32, #tpu.memory_space<vmem>>, vector<16xi32>,
      tpu.vector_store %arg7[%swap3A_221], %add3A_220 {strides = array<i32>} : memref<1280xi32, #tpu.memory_space<vmem>>, vector<16xi32>,
    }
    %scan3A_150 = arith.constant 64 : i32
    %dma_start3A_151 = arith.constant 0 : i32
    %dma_start3A_152 = arith.constant 0 : i32
    %dma_start3A_153 = tpu.memref_slice %arg3[%dma_start3A_151, %dma_start3A_152] : memref<1015808x16xi32, #tpu.memory_space<hbm>> -> memref<1015808x16xi32, #tpu.memory_space<hbm>>
    tpu.enqueue_indirect_dma source(%dma_start3A_153 : memref<1015808x16xi32, #tpu.memory_space<hbm>>) target(%arg9 : memref<1280x16xi32, #tpu.memory_space<vmem>>) offsets(%arg7 : memref<1280xi32, #tpu.memory_space<vmem>>) semaphore(%arg12 : memref<!tpu.dma_semaphore, #tpu.memory_space<semaphore_mem>>)
    %dma_wait3A_154 = arith.constant 0 : i32
    %dma_wait3A_155 = arith.constant 0 : i32
    %dma_wait3A_156 = tpu.memref_slice %arg3[%dma_wait3A_154, %dma_wait3A_155] : memref<1015808x16xi32, #tpu.memory_space<hbm>> -> memref<1015808x16xi32, #tpu.memory_space<hbm>>
    tpu.wait_indirect_dma semaphore(%arg11 : memref<!tpu.dma_semaphore, #tpu.memory_space<semaphore_mem>>) src(%dma_wait3A_156 : memref<1015808x16xi32, #tpu.memory_space<hbm>>) dst(%arg8 : memref<1280x16xi32, #tpu.memory_space<vmem>>)
    %add3A_157 = arith.constant 384 : i32
    %add3A_158 = arith.addi %mul3A_2, %add3A_157 : i32
    %scan3A_159 = arith.constant 0 : i32
    %scan3A_160 = arith.constant 0 : i32
    %scan3A_161 = arith.constant 64 : i32
    %scan3A_162 = arith.addi %scan3A_160, %scan3A_161 : i32
    %scan3A_163 = arith.constant 1 : i32
    scf.for %scan3A_176 = %scan3A_160 to %scan3A_162 step %scan3A_163  : i32 {
      %mul3A_177 = arith.constant 20 : i32
      %mul3A_178 = arith.muli %scan3A_176, %mul3A_177 : i32
      %add3A_179 = arith.constant 0 : i32
      %add3A_180 = arith.addi %mul3A_178, %add3A_179 : i32
      %get3A = arith.index_cast %add3A_180 : i32 to index
      %get3A_181 = arith.constant 0 : index
      %get3A_182 = tpu.vector_load %arg8[%get3A, %get3A_181] {strides = array<i32>} : memref<1280x16xi32, #tpu.memory_space<vmem>>, vector<16xi32>,
      %bitcast3A = vector.bitcast %get3A_182 : vector<16xi32> to vector<32xbf16>
      %unpack3A = tpu.unpack_subelements %bitcast3A, 0 {pack_format = #tpu.pack_format<interleaved>} : vector<32xbf16> -> vector<16xf32>
      %unpack3A_183 = tpu.unpack_subelements %bitcast3A, 1 {pack_format = #tpu.pack_format<interleaved>} : vector<32xbf16> -> vector<16xf32>
      %add3A_184 = arith.constant 1 : i32
      %add3A_185 = arith.addi %mul3A_178, %add3A_184 : i32
      %get3A_186 = arith.index_cast %add3A_185 : i32 to index
      %get3A_187 = arith.constant 0 : index
      %get3A_188 = tpu.vector_load %arg8[%get3A_186, %get3A_187] {strides = array<i32>} : memref<1280x16xi32, #tpu.memory_space<vmem>>, vector<16xi32>,
      %bitcast3A_189 = vector.bitcast %get3A_188 : vector<16xi32> to vector<32xbf16>
      %unpack3A_190 = tpu.unpack_subelements %bitcast3A_189, 0 {pack_format = #tpu.pack_format<interleaved>} : vector<32xbf16> -> vector<16xf32>
      %unpack3A_191 = tpu.unpack_subelements %bitcast3A_189, 1 {pack_format = #tpu.pack_format<interleaved>} : vector<32xbf16> -> vector<16xf32>
      %add3A_192 = arith.constant 2 : i32
      %add3A_193 = arith.addi %mul3A_178, %add3A_192 : i32
      %get3A_194 = arith.index_cast %add3A_193 : i32 to index
      %get3A_195 = arith.constant 0 : index
      %get3A_196 = tpu.vector_load %arg8[%get3A_194, %get3A_195] {strides = array<i32>} : memref<1280x16xi32, #tpu.memory_space<vmem>>, vector<16xi32>,
      %bitcast3A_197 = vector.bitcast %get3A_196 : vector<16xi32> to vector<32xbf16>
      %unpack3A_198 = tpu.unpack_subelements %bitcast3A_197, 0 {pack_format = #tpu.pack_format<interleaved>} : vector<32xbf16> -> vector<16xf32>
      %unpack3A_199 = tpu.unpack_subelements %bitcast3A_197, 1 {pack_format = #tpu.pack_format<interleaved>} : vector<32xbf16> -> vector<16xf32>
      %add3A_200 = arith.constant 3 : i32
      %add3A_201 = arith.addi %mul3A_178, %add3A_200 : i32
      %get3A_202 = arith.index_cast %add3A_201 : i32 to index
      %get3A_203 = arith.constant 0 : index
      %get3A_204 = tpu.vector_load %arg8[%get3A_202, %get3A_203] {strides = array<i32>} : memref<1280x16xi32, #tpu.memory_space<vmem>>, vector<16xi32>,
      %bitcast3A_205 = vector.bitcast %get3A_204 : vector<16xi32> to vector<32xbf16>
      %unpack3A_206 = tpu.unpack_subelements %bitcast3A_205, 0 {pack_format = #tpu.pack_format<interleaved>} : vector<32xbf16> -> vector<16xf32>
      %unpack3A_207 = tpu.unpack_subelements %bitcast3A_205, 1 {pack_format = #tpu.pack_format<interleaved>} : vector<32xbf16> -> vector<16xf32>
      %add3A_208 = arith.constant 4 : i32
      %add3A_209 = arith.addi %mul3A_178, %add3A_208 : i32
      %get3A_210 = arith.index_cast %add3A_209 : i32 to index
      %get3A_211 = arith.constant 0 : index
      %get3A_212 = tpu.vector_load %arg8[%get3A_210, %get3A_211] {strides = array<i32>} : memref<1280x16xi32, #tpu.memory_space<vmem>>, vector<16xi32>,
      %bitcast3A_213 = vector.bitcast %get3A_212 : vector<16xi32> to vector<32xbf16>
      %unpack3A_214 = tpu.unpack_subelements %bitcast3A_213, 0 {pack_format = #tpu.pack_format<interleaved>} : vector<32xbf16> -> vector<16xf32>
      %unpack3A_215 = tpu.unpack_subelements %bitcast3A_213, 1 {pack_format = #tpu.pack_format<interleaved>} : vector<32xbf16> -> vector<16xf32>
      %add3A_216 = arith.constant 5 : i32
      %add3A_217 = arith.addi %mul3A_178, %add3A_216 : i32
      %get3A_218 = arith.index_cast %add3A_217 : i32 to index
      %get3A_219 = arith.constant 0 : index
      %get3A_220 = tpu.vector_load %arg8[%get3A_218, %get3A_219] {strides = array<i32>} : memref<1280x16xi32, #tpu.memory_space<vmem>>, vector<16xi32>,
      %bitcast3A_221 = vector.bitcast %get3A_220 : vector<16xi32> to vector<32xbf16>
      %unpack3A_222 = tpu.unpack_subelements %bitcast3A_221, 0 {pack_format = #tpu.pack_format<interleaved>} : vector<32xbf16> -> vector<16xf32>
      %unpack3A_223 = tpu.unpack_subelements %bitcast3A_221, 1 {pack_format = #tpu.pack_format<interleaved>} : vector<32xbf16> -> vector<16xf32>
      %add3A_224 = arith.constant 6 : i32
      %add3A_225 = arith.addi %mul3A_178, %add3A_224 : i32
      %get3A_226 = arith.index_cast %add3A_225 : i32 to index
      %get3A_227 = arith.constant 0 : index
      %get3A_228 = tpu.vector_load %arg8[%get3A_226, %get3A_227] {strides = array<i32>} : memref<1280x16xi32, #tpu.memory_space<vmem>>, vector<16xi32>,
      %bitcast3A_229 = vector.bitcast %get3A_228 : vector<16xi32> to vector<32xbf16>
      %unpack3A_230 = tpu.unpack_subelements %bitcast3A_229, 0 {pack_format = #tpu.pack_format<interleaved>} : vector<32xbf16> -> vector<16xf32>
      %unpack3A_231 = tpu.unpack_subelements %bitcast3A_229, 1 {pack_format = #tpu.pack_format<interleaved>} : vector<32xbf16> -> vector<16xf32>
      %add3A_232 = arith.constant 7 : i32
      %add3A_233 = arith.addi %mul3A_178, %add3A_232 : i32
      %get3A_234 = arith.index_cast %add3A_233 : i32 to index
      %get3A_235 = arith.constant 0 : index
      %get3A_236 = tpu.vector_load %arg8[%get3A_234, %get3A_235] {strides = array<i32>} : memref<1280x16xi32, #tpu.memory_space<vmem>>, vector<16xi32>,
      %bitcast3A_237 = vector.bitcast %get3A_236 : vector<16xi32> to vector<32xbf16>
      %unpack3A_238 = tpu.unpack_subelements %bitcast3A_237, 0 {pack_format = #tpu.pack_format<interleaved>} : vector<32xbf16> -> vector<16xf32>
      %unpack3A_239 = tpu.unpack_subelements %bitcast3A_237, 1 {pack_format = #tpu.pack_format<interleaved>} : vector<32xbf16> -> vector<16xf32>
      %add3A_240 = arith.constant 8 : i32
      %add3A_241 = arith.addi %mul3A_178, %add3A_240 : i32
      %get3A_242 = arith.index_cast %add3A_241 : i32 to index
      %get3A_243 = arith.constant 0 : index
      %get3A_244 = tpu.vector_load %arg8[%get3A_242, %get3A_243] {strides = array<i32>} : memref<1280x16xi32, #tpu.memory_space<vmem>>, vector<16xi32>,
      %bitcast3A_245 = vector.bitcast %get3A_244 : vector<16xi32> to vector<32xbf16>
      %unpack3A_246 = tpu.unpack_subelements %bitcast3A_245, 0 {pack_format = #tpu.pack_format<interleaved>} : vector<32xbf16> -> vector<16xf32>
      %unpack3A_247 = tpu.unpack_subelements %bitcast3A_245, 1 {pack_format = #tpu.pack_format<interleaved>} : vector<32xbf16> -> vector<16xf32>
      %add3A_248 = arith.constant 9 : i32
      %add3A_249 = arith.addi %mul3A_178, %add3A_248 : i32
      %get3A_250 = arith.index_cast %add3A_249 : i32 to index
      %get3A_251 = arith.constant 0 : index
      %get3A_252 = tpu.vector_load %arg8[%get3A_250, %get3A_251] {strides = array<i32>} : memref<1280x16xi32, #tpu.memory_space<vmem>>, vector<16xi32>,
      %bitcast3A_253 = vector.bitcast %get3A_252 : vector<16xi32> to vector<32xbf16>
      %unpack3A_254 = tpu.unpack_subelements %bitcast3A_253, 0 {pack_format = #tpu.pack_format<interleaved>} : vector<32xbf16> -> vector<16xf32>
      %unpack3A_255 = tpu.unpack_subelements %bitcast3A_253, 1 {pack_format = #tpu.pack_format<interleaved>} : vector<32xbf16> -> vector<16xf32>
      %add3A_256 = arith.constant 10 : i32
      %add3A_257 = arith.addi %mul3A_178, %add3A_256 : i32
      %get3A_258 = arith.index_cast %add3A_257 : i32 to index
      %get3A_259 = arith.constant 0 : index
      %get3A_260 = tpu.vector_load %arg8[%get3A_258, %get3A_259] {strides = array<i32>} : memref<1280x16xi32, #tpu.memory_space<vmem>>, vector<16xi32>,
      %bitcast3A_261 = vector.bitcast %get3A_260 : vector<16xi32> to vector<32xbf16>
      %unpack3A_262 = tpu.unpack_subelements %bitcast3A_261, 0 {pack_format = #tpu.pack_format<interleaved>} : vector<32xbf16> -> vector<16xf32>
      %unpack3A_263 = tpu.unpack_subelements %bitcast3A_261, 1 {pack_format = #tpu.pack_format<interleaved>} : vector<32xbf16> -> vector<16xf32>
      %add3A_264 = arith.constant 11 : i32
      %add3A_265 = arith.addi %mul3A_178, %add3A_264 : i32
      %get3A_266 = arith.index_cast %add3A_265 : i32 to index
      %get3A_267 = arith.constant 0 : index
      %get3A_268 = tpu.vector_load %arg8[%get3A_266, %get3A_267] {strides = array<i32>} : memref<1280x16xi32, #tpu.memory_space<vmem>>, vector<16xi32>,
      %bitcast3A_269 = vector.bitcast %get3A_268 : vector<16xi32> to vector<32xbf16>
      %unpack3A_270 = tpu.unpack_subelements %bitcast3A_269, 0 {pack_format = #tpu.pack_format<interleaved>} : vector<32xbf16> -> vector<16xf32>
      %unpack3A_271 = tpu.unpack_subelements %bitcast3A_269, 1 {pack_format = #tpu.pack_format<interleaved>} : vector<32xbf16> -> vector<16xf32>
      %add3A_272 = arith.constant 12 : i32
      %add3A_273 = arith.addi %mul3A_178, %add3A_272 : i32
      %get3A_274 = arith.index_cast %add3A_273 : i32 to index
      %get3A_275 = arith.constant 0 : index
      %get3A_276 = tpu.vector_load %arg8[%get3A_274, %get3A_275] {strides = array<i32>} : memref<1280x16xi32, #tpu.memory_space<vmem>>, vector<16xi32>,
      %bitcast3A_277 = vector.bitcast %get3A_276 : vector<16xi32> to vector<32xbf16>
      %unpack3A_278 = tpu.unpack_subelements %bitcast3A_277, 0 {pack_format = #tpu.pack_format<interleaved>} : vector<32xbf16> -> vector<16xf32>
      %unpack3A_279 = tpu.unpack_subelements %bitcast3A_277, 1 {pack_format = #tpu.pack_format<interleaved>} : vector<32xbf16> -> vector<16xf32>
      %add3A_280 = arith.constant 13 : i32
      %add3A_281 = arith.addi %mul3A_178, %add3A_280 : i32
      %get3A_282 = arith.index_cast %add3A_281 : i32 to index
      %get3A_283 = arith.constant 0 : index
      %get3A_284 = tpu.vector_load %arg8[%get3A_282, %get3A_283] {strides = array<i32>} : memref<1280x16xi32, #tpu.memory_space<vmem>>, vector<16xi32>,
      %bitcast3A_285 = vector.bitcast %get3A_284 : vector<16xi32> to vector<32xbf16>
      %unpack3A_286 = tpu.unpack_subelements %bitcast3A_285, 0 {pack_format = #tpu.pack_format<interleaved>} : vector<32xbf16> -> vector<16xf32>
      %unpack3A_287 = tpu.unpack_subelements %bitcast3A_285, 1 {pack_format = #tpu.pack_format<interleaved>} : vector<32xbf16> -> vector<16xf32>
      %add3A_288 = arith.constant 14 : i32
      %add3A_289 = arith.addi %mul3A_178, %add3A_288 : i32
      %get3A_290 = arith.index_cast %add3A_289 : i32 to index
      %get3A_291 = arith.constant 0 : index
      %get3A_292 = tpu.vector_load %arg8[%get3A_290, %get3A_291] {strides = array<i32>} : memref<1280x16xi32, #tpu.memory_space<vmem>>, vector<16xi32>,
      %bitcast3A_293 = vector.bitcast %get3A_292 : vector<16xi32> to vector<32xbf16>
      %unpack3A_294 = tpu.unpack_subelements %bitcast3A_293, 0 {pack_format = #tpu.pack_format<interleaved>} : vector<32xbf16> -> vector<16xf32>
      %unpack3A_295 = tpu.unpack_subelements %bitcast3A_293, 1 {pack_format = #tpu.pack_format<interleaved>} : vector<32xbf16> -> vector<16xf32>
      %add3A_296 = arith.constant 15 : i32
      %add3A_297 = arith.addi %mul3A_178, %add3A_296 : i32
      %get3A_298 = arith.index_cast %add3A_297 : i32 to index
      %get3A_299 = arith.constant 0 : index
      %get3A_300 = tpu.vector_load %arg8[%get3A_298, %get3A_299] {strides = array<i32>} : memref<1280x16xi32, #tpu.memory_space<vmem>>, vector<16xi32>,
      %bitcast3A_301 = vector.bitcast %get3A_300 : vector<16xi32> to vector<32xbf16>
      %unpack3A_302 = tpu.unpack_subelements %bitcast3A_301, 0 {pack_format = #tpu.pack_format<interleaved>} : vector<32xbf16> -> vector<16xf32>
      %unpack3A_303 = tpu.unpack_subelements %bitcast3A_301, 1 {pack_format = #tpu.pack_format<interleaved>} : vector<32xbf16> -> vector<16xf32>
      %add3A_304 = arith.constant 16 : i32
      %add3A_305 = arith.addi %mul3A_178, %add3A_304 : i32
      %get3A_306 = arith.index_cast %add3A_305 : i32 to index
      %get3A_307 = arith.constant 0 : index
      %get3A_308 = tpu.vector_load %arg8[%get3A_306, %get3A_307] {strides = array<i32>} : memref<1280x16xi32, #tpu.memory_space<vmem>>, vector<16xi32>,
      %bitcast3A_309 = vector.bitcast %get3A_308 : vector<16xi32> to vector<32xbf16>
      %unpack3A_310 = tpu.unpack_subelements %bitcast3A_309, 0 {pack_format = #tpu.pack_format<interleaved>} : vector<32xbf16> -> vector<16xf32>
      %unpack3A_311 = tpu.unpack_subelements %bitcast3A_309, 1 {pack_format = #tpu.pack_format<interleaved>} : vector<32xbf16> -> vector<16xf32>
      %add3A_312 = arith.constant 17 : i32
      %add3A_313 = arith.addi %mul3A_178, %add3A_312 : i32
      %get3A_314 = arith.index_cast %add3A_313 : i32 to index
      %get3A_315 = arith.constant 0 : index
      %get3A_316 = tpu.vector_load %arg8[%get3A_314, %get3A_315] {strides = array<i32>} : memref<1280x16xi32, #tpu.memory_space<vmem>>, vector<16xi32>,
      %bitcast3A_317 = vector.bitcast %get3A_316 : vector<16xi32> to vector<32xbf16>
      %unpack3A_318 = tpu.unpack_subelements %bitcast3A_317, 0 {pack_format = #tpu.pack_format<interleaved>} : vector<32xbf16> -> vector<16xf32>
      %unpack3A_319 = tpu.unpack_subelements %bitcast3A_317, 1 {pack_format = #tpu.pack_format<interleaved>} : vector<32xbf16> -> vector<16xf32>
      %add3A_320 = arith.constant 18 : i32
      %add3A_321 = arith.addi %mul3A_178, %add3A_320 : i32
      %get3A_322 = arith.index_cast %add3A_321 : i32 to index
      %get3A_323 = arith.constant 0 : index
      %get3A_324 = tpu.vector_load %arg8[%get3A_322, %get3A_323] {strides = array<i32>} : memref<1280x16xi32, #tpu.memory_space<vmem>>, vector<16xi32>,
      %bitcast3A_325 = vector.bitcast %get3A_324 : vector<16xi32> to vector<32xbf16>
      %unpack3A_326 = tpu.unpack_subelements %bitcast3A_325, 0 {pack_format = #tpu.pack_format<interleaved>} : vector<32xbf16> -> vector<16xf32>
      %unpack3A_327 = tpu.unpack_subelements %bitcast3A_325, 1 {pack_format = #tpu.pack_format<interleaved>} : vector<32xbf16> -> vector<16xf32>
      %add3A_328 = arith.constant 19 : i32
      %add3A_329 = arith.addi %mul3A_178, %add3A_328 : i32
      %get3A_330 = arith.index_cast %add3A_329 : i32 to index
      %get3A_331 = arith.constant 0 : index
      %get3A_332 = tpu.vector_load %arg8[%get3A_330, %get3A_331] {strides = array<i32>} : memref<1280x16xi32, #tpu.memory_space<vmem>>, vector<16xi32>,
      %bitcast3A_333 = vector.bitcast %get3A_332 : vector<16xi32> to vector<32xbf16>
      %unpack3A_334 = tpu.unpack_subelements %bitcast3A_333, 0 {pack_format = #tpu.pack_format<interleaved>} : vector<32xbf16> -> vector<16xf32>
      %unpack3A_335 = tpu.unpack_subelements %bitcast3A_333, 1 {pack_format = #tpu.pack_format<interleaved>} : vector<32xbf16> -> vector<16xf32>
      %add3A_336 = arith.addf %unpack3A, %unpack3A_190 : vector<16xf32>
      %add3A_337 = arith.addf %unpack3A_198, %unpack3A_206 : vector<16xf32>
      %add3A_338 = arith.addf %unpack3A_214, %unpack3A_222 : vector<16xf32>
      %add3A_339 = arith.addf %unpack3A_230, %unpack3A_238 : vector<16xf32>
      %add3A_340 = arith.addf %unpack3A_246, %unpack3A_254 : vector<16xf32>
      %add3A_341 = arith.addf %unpack3A_262, %unpack3A_270 : vector<16xf32>
      %add3A_342 = arith.addf %unpack3A_278, %unpack3A_286 : vector<16xf32>
      %add3A_343 = arith.addf %unpack3A_294, %unpack3A_302 : vector<16xf32>
      %add3A_344 = arith.addf %unpack3A_310, %unpack3A_318 : vector<16xf32>
      %add3A_345 = arith.addf %unpack3A_326, %unpack3A_334 : vector<16xf32>
      %add3A_346 = arith.addf %add3A_336, %add3A_337 : vector<16xf32>
      %add3A_347 = arith.addf %add3A_338, %add3A_339 : vector<16xf32>
      %add3A_348 = arith.addf %add3A_340, %add3A_341 : vector<16xf32>
      %add3A_349 = arith.addf %add3A_342, %add3A_343 : vector<16xf32>
      %add3A_350 = arith.addf %add3A_344, %add3A_345 : vector<16xf32>
      %add3A_351 = arith.addf %add3A_346, %add3A_347 : vector<16xf32>
      %add3A_352 = arith.addf %add3A_348, %add3A_349 : vector<16xf32>
      %add3A_353 = arith.addf %add3A_351, %add3A_352 : vector<16xf32>
      %add3A_354 = arith.addf %add3A_353, %add3A_350 : vector<16xf32>
      %add3A_355 = arith.addf %unpack3A_183, %unpack3A_191 : vector<16xf32>
      %add3A_356 = arith.addf %unpack3A_199, %unpack3A_207 : vector<16xf32>
      %add3A_357 = arith.addf %unpack3A_215, %unpack3A_223 : vector<16xf32>
      %add3A_358 = arith.addf %unpack3A_231, %unpack3A_239 : vector<16xf32>
      %add3A_359 = arith.addf %unpack3A_247, %unpack3A_255 : vector<16xf32>
      %add3A_360 = arith.addf %unpack3A_263, %unpack3A_271 : vector<16xf32>
      %add3A_361 = arith.addf %unpack3A_279, %unpack3A_287 : vector<16xf32>
      %add3A_362 = arith.addf %unpack3A_295, %unpack3A_303 : vector<16xf32>
      %add3A_363 = arith.addf %unpack3A_311, %unpack3A_319 : vector<16xf32>
      %add3A_364 = arith.addf %unpack3A_327, %unpack3A_335 : vector<16xf32>
      %add3A_365 = arith.addf %add3A_355, %add3A_356 : vector<16xf32>
      %add3A_366 = arith.addf %add3A_357, %add3A_358 : vector<16xf32>
      %add3A_367 = arith.addf %add3A_359, %add3A_360 : vector<16xf32>
      %add3A_368 = arith.addf %add3A_361, %add3A_362 : vector<16xf32>
      %add3A_369 = arith.addf %add3A_363, %add3A_364 : vector<16xf32>
      %add3A_370 = arith.addf %add3A_365, %add3A_366 : vector<16xf32>
      %add3A_371 = arith.addf %add3A_367, %add3A_368 : vector<16xf32>
      %add3A_372 = arith.addf %add3A_370, %add3A_371 : vector<16xf32>
      %add3A_373 = arith.addf %add3A_372, %add3A_369 : vector<16xf32>
      %mul3A_374 = arith.constant 5.000000e-02 : f32
      %mul3A_375 = vector.broadcast %mul3A_374 : f32 to vector<16xf32>
      %mul3A_376 = arith.mulf %add3A_354, %mul3A_375 : vector<16xf32>
      %mul3A_377 = arith.constant 5.000000e-02 : f32
      %mul3A_378 = vector.broadcast %mul3A_377 : f32 to vector<16xf32>
      %mul3A_379 = arith.mulf %add3A_373, %mul3A_378 : vector<16xf32>
      %pack3A = tpu.pack_subelements %mul3A_376, %mul3A_379 {pack_format = #tpu.pack_format<interleaved>, positions = array<i32: 0, 1>} : vector<16xf32>, vector<16xf32> -> vector<32xbf16>
      %swap3A = arith.index_cast %scan3A_176 : i32 to index
      %swap3A_380 = arith.constant 0 : index
      %swap3A_381 = tpu.vector_load %arg10[%swap3A, %swap3A_380] {strides = array<i32>} : memref<64x32xbf16, #tpu.memory_space<vmem>>, vector<32xbf16>,
      tpu.vector_store %arg10[%swap3A, %swap3A_380], %pack3A {strides = array<i32>} : memref<64x32xbf16, #tpu.memory_space<vmem>>, vector<32xbf16>,
    }
    %scan3A_164 = arith.constant 64 : i32
    "tpu.region"() ({
      %run_scoped3A = tpu.sem_alloc : memref<!tpu.dma_semaphore, #tpu.memory_space<semaphore_mem>>
      %dma_start3A_176 = arith.constant 0 : i32
      %dma_start3A_177 = tpu.memref_slice %arg4[%add3A_158, %dma_start3A_176] : memref<16384x32xbf16, #tpu.memory_space<hbm>> -> memref<64x32xbf16, #tpu.memory_space<hbm>>
      %dma_start3A_178 = arith.constant 0 : i32
      %dma_start3A_179 = tpu.memref_slice %arg4[%add3A_158, %dma_start3A_178] : memref<16384x32xbf16, #tpu.memory_space<hbm>> -> memref<64x32xbf16, #tpu.memory_space<hbm>>
      tpu.enqueue_dma source(%arg10 : memref<64x32xbf16, #tpu.memory_space<vmem>>) target(%dma_start3A_179 : memref<64x32xbf16, #tpu.memory_space<hbm>>) target_semaphore(%run_scoped3A : memref<!tpu.dma_semaphore, #tpu.memory_space<semaphore_mem>>)
      %dma_wait3A_180 = arith.constant 0 : i32
      %dma_wait3A_181 = tpu.memref_slice %arg4[%add3A_158, %dma_wait3A_180] : memref<16384x32xbf16, #tpu.memory_space<hbm>> -> memref<64x32xbf16, #tpu.memory_space<hbm>>
      %dma_wait3A_182 = arith.constant 0 : i32
      %dma_wait3A_183 = tpu.memref_slice %arg4[%add3A_158, %dma_wait3A_182] : memref<16384x32xbf16, #tpu.memory_space<hbm>> -> memref<64x32xbf16, #tpu.memory_space<hbm>>
      tpu.wait_dma2 semaphore(%run_scoped3A : memref<!tpu.dma_semaphore, #tpu.memory_space<semaphore_mem>>) src(%arg10 : memref<64x32xbf16, #tpu.memory_space<vmem>>) dst(%dma_wait3A_183 : memref<64x32xbf16, #tpu.memory_space<hbm>>)
      tpu.yield
    }) : () -> ()
    %dma_wait3A_165 = arith.constant 0 : i32
    %dma_wait3A_166 = arith.constant 0 : i32
    %dma_wait3A_167 = tpu.memref_slice %arg3[%dma_wait3A_165, %dma_wait3A_166] : memref<1015808x16xi32, #tpu.memory_space<hbm>> -> memref<1015808x16xi32, #tpu.memory_space<hbm>>
    tpu.wait_indirect_dma semaphore(%arg12 : memref<!tpu.dma_semaphore, #tpu.memory_space<semaphore_mem>>) src(%dma_wait3A_167 : memref<1015808x16xi32, #tpu.memory_space<hbm>>) dst(%arg9 : memref<1280x16xi32, #tpu.memory_space<vmem>>)
    %add3A_168 = arith.constant 448 : i32
    %add3A_169 = arith.addi %mul3A_2, %add3A_168 : i32
    %scan3A_170 = arith.constant 0 : i32
    %scan3A_171 = arith.constant 0 : i32
    %scan3A_172 = arith.constant 64 : i32
    %scan3A_173 = arith.addi %scan3A_171, %scan3A_172 : i32
    %scan3A_174 = arith.constant 1 : i32
    scf.for %scan3A_176 = %scan3A_171 to %scan3A_173 step %scan3A_174  : i32 {
      %mul3A_177 = arith.constant 20 : i32
      %mul3A_178 = arith.muli %scan3A_176, %mul3A_177 : i32
      %add3A_179 = arith.constant 0 : i32
      %add3A_180 = arith.addi %mul3A_178, %add3A_179 : i32
      %get3A = arith.index_cast %add3A_180 : i32 to index
      %get3A_181 = arith.constant 0 : index
      %get3A_182 = tpu.vector_load %arg9[%get3A, %get3A_181] {strides = array<i32>} : memref<1280x16xi32, #tpu.memory_space<vmem>>, vector<16xi32>,
      %bitcast3A = vector.bitcast %get3A_182 : vector<16xi32> to vector<32xbf16>
      %unpack3A = tpu.unpack_subelements %bitcast3A, 0 {pack_format = #tpu.pack_format<interleaved>} : vector<32xbf16> -> vector<16xf32>
      %unpack3A_183 = tpu.unpack_subelements %bitcast3A, 1 {pack_format = #tpu.pack_format<interleaved>} : vector<32xbf16> -> vector<16xf32>
      %add3A_184 = arith.constant 1 : i32
      %add3A_185 = arith.addi %mul3A_178, %add3A_184 : i32
      %get3A_186 = arith.index_cast %add3A_185 : i32 to index
      %get3A_187 = arith.constant 0 : index
      %get3A_188 = tpu.vector_load %arg9[%get3A_186, %get3A_187] {strides = array<i32>} : memref<1280x16xi32, #tpu.memory_space<vmem>>, vector<16xi32>,
      %bitcast3A_189 = vector.bitcast %get3A_188 : vector<16xi32> to vector<32xbf16>
      %unpack3A_190 = tpu.unpack_subelements %bitcast3A_189, 0 {pack_format = #tpu.pack_format<interleaved>} : vector<32xbf16> -> vector<16xf32>
      %unpack3A_191 = tpu.unpack_subelements %bitcast3A_189, 1 {pack_format = #tpu.pack_format<interleaved>} : vector<32xbf16> -> vector<16xf32>
      %add3A_192 = arith.constant 2 : i32
      %add3A_193 = arith.addi %mul3A_178, %add3A_192 : i32
      %get3A_194 = arith.index_cast %add3A_193 : i32 to index
      %get3A_195 = arith.constant 0 : index
      %get3A_196 = tpu.vector_load %arg9[%get3A_194, %get3A_195] {strides = array<i32>} : memref<1280x16xi32, #tpu.memory_space<vmem>>, vector<16xi32>,
      %bitcast3A_197 = vector.bitcast %get3A_196 : vector<16xi32> to vector<32xbf16>
      %unpack3A_198 = tpu.unpack_subelements %bitcast3A_197, 0 {pack_format = #tpu.pack_format<interleaved>} : vector<32xbf16> -> vector<16xf32>
      %unpack3A_199 = tpu.unpack_subelements %bitcast3A_197, 1 {pack_format = #tpu.pack_format<interleaved>} : vector<32xbf16> -> vector<16xf32>
      %add3A_200 = arith.constant 3 : i32
      %add3A_201 = arith.addi %mul3A_178, %add3A_200 : i32
      %get3A_202 = arith.index_cast %add3A_201 : i32 to index
      %get3A_203 = arith.constant 0 : index
      %get3A_204 = tpu.vector_load %arg9[%get3A_202, %get3A_203] {strides = array<i32>} : memref<1280x16xi32, #tpu.memory_space<vmem>>, vector<16xi32>,
      %bitcast3A_205 = vector.bitcast %get3A_204 : vector<16xi32> to vector<32xbf16>
      %unpack3A_206 = tpu.unpack_subelements %bitcast3A_205, 0 {pack_format = #tpu.pack_format<interleaved>} : vector<32xbf16> -> vector<16xf32>
      %unpack3A_207 = tpu.unpack_subelements %bitcast3A_205, 1 {pack_format = #tpu.pack_format<interleaved>} : vector<32xbf16> -> vector<16xf32>
      %add3A_208 = arith.constant 4 : i32
      %add3A_209 = arith.addi %mul3A_178, %add3A_208 : i32
      %get3A_210 = arith.index_cast %add3A_209 : i32 to index
      %get3A_211 = arith.constant 0 : index
      %get3A_212 = tpu.vector_load %arg9[%get3A_210, %get3A_211] {strides = array<i32>} : memref<1280x16xi32, #tpu.memory_space<vmem>>, vector<16xi32>,
      %bitcast3A_213 = vector.bitcast %get3A_212 : vector<16xi32> to vector<32xbf16>
      %unpack3A_214 = tpu.unpack_subelements %bitcast3A_213, 0 {pack_format = #tpu.pack_format<interleaved>} : vector<32xbf16> -> vector<16xf32>
      %unpack3A_215 = tpu.unpack_subelements %bitcast3A_213, 1 {pack_format = #tpu.pack_format<interleaved>} : vector<32xbf16> -> vector<16xf32>
      %add3A_216 = arith.constant 5 : i32
      %add3A_217 = arith.addi %mul3A_178, %add3A_216 : i32
      %get3A_218 = arith.index_cast %add3A_217 : i32 to index
      %get3A_219 = arith.constant 0 : index
      %get3A_220 = tpu.vector_load %arg9[%get3A_218, %get3A_219] {strides = array<i32>} : memref<1280x16xi32, #tpu.memory_space<vmem>>, vector<16xi32>,
      %bitcast3A_221 = vector.bitcast %get3A_220 : vector<16xi32> to vector<32xbf16>
      %unpack3A_222 = tpu.unpack_subelements %bitcast3A_221, 0 {pack_format = #tpu.pack_format<interleaved>} : vector<32xbf16> -> vector<16xf32>
      %unpack3A_223 = tpu.unpack_subelements %bitcast3A_221, 1 {pack_format = #tpu.pack_format<interleaved>} : vector<32xbf16> -> vector<16xf32>
      %add3A_224 = arith.constant 6 : i32
      %add3A_225 = arith.addi %mul3A_178, %add3A_224 : i32
      %get3A_226 = arith.index_cast %add3A_225 : i32 to index
      %get3A_227 = arith.constant 0 : index
      %get3A_228 = tpu.vector_load %arg9[%get3A_226, %get3A_227] {strides = array<i32>} : memref<1280x16xi32, #tpu.memory_space<vmem>>, vector<16xi32>,
      %bitcast3A_229 = vector.bitcast %get3A_228 : vector<16xi32> to vector<32xbf16>
      %unpack3A_230 = tpu.unpack_subelements %bitcast3A_229, 0 {pack_format = #tpu.pack_format<interleaved>} : vector<32xbf16> -> vector<16xf32>
      %unpack3A_231 = tpu.unpack_subelements %bitcast3A_229, 1 {pack_format = #tpu.pack_format<interleaved>} : vector<32xbf16> -> vector<16xf32>
      %add3A_232 = arith.constant 7 : i32
      %add3A_233 = arith.addi %mul3A_178, %add3A_232 : i32
      %get3A_234 = arith.index_cast %add3A_233 : i32 to index
      %get3A_235 = arith.constant 0 : index
      %get3A_236 = tpu.vector_load %arg9[%get3A_234, %get3A_235] {strides = array<i32>} : memref<1280x16xi32, #tpu.memory_space<vmem>>, vector<16xi32>,
      %bitcast3A_237 = vector.bitcast %get3A_236 : vector<16xi32> to vector<32xbf16>
      %unpack3A_238 = tpu.unpack_subelements %bitcast3A_237, 0 {pack_format = #tpu.pack_format<interleaved>} : vector<32xbf16> -> vector<16xf32>
      %unpack3A_239 = tpu.unpack_subelements %bitcast3A_237, 1 {pack_format = #tpu.pack_format<interleaved>} : vector<32xbf16> -> vector<16xf32>
      %add3A_240 = arith.constant 8 : i32
      %add3A_241 = arith.addi %mul3A_178, %add3A_240 : i32
      %get3A_242 = arith.index_cast %add3A_241 : i32 to index
      %get3A_243 = arith.constant 0 : index
      %get3A_244 = tpu.vector_load %arg9[%get3A_242, %get3A_243] {strides = array<i32>} : memref<1280x16xi32, #tpu.memory_space<vmem>>, vector<16xi32>,
      %bitcast3A_245 = vector.bitcast %get3A_244 : vector<16xi32> to vector<32xbf16>
      %unpack3A_246 = tpu.unpack_subelements %bitcast3A_245, 0 {pack_format = #tpu.pack_format<interleaved>} : vector<32xbf16> -> vector<16xf32>
      %unpack3A_247 = tpu.unpack_subelements %bitcast3A_245, 1 {pack_format = #tpu.pack_format<interleaved>} : vector<32xbf16> -> vector<16xf32>
      %add3A_248 = arith.constant 9 : i32
      %add3A_249 = arith.addi %mul3A_178, %add3A_248 : i32
      %get3A_250 = arith.index_cast %add3A_249 : i32 to index
      %get3A_251 = arith.constant 0 : index
      %get3A_252 = tpu.vector_load %arg9[%get3A_250, %get3A_251] {strides = array<i32>} : memref<1280x16xi32, #tpu.memory_space<vmem>>, vector<16xi32>,
      %bitcast3A_253 = vector.bitcast %get3A_252 : vector<16xi32> to vector<32xbf16>
      %unpack3A_254 = tpu.unpack_subelements %bitcast3A_253, 0 {pack_format = #tpu.pack_format<interleaved>} : vector<32xbf16> -> vector<16xf32>
      %unpack3A_255 = tpu.unpack_subelements %bitcast3A_253, 1 {pack_format = #tpu.pack_format<interleaved>} : vector<32xbf16> -> vector<16xf32>
      %add3A_256 = arith.constant 10 : i32
      %add3A_257 = arith.addi %mul3A_178, %add3A_256 : i32
      %get3A_258 = arith.index_cast %add3A_257 : i32 to index
      %get3A_259 = arith.constant 0 : index
      %get3A_260 = tpu.vector_load %arg9[%get3A_258, %get3A_259] {strides = array<i32>} : memref<1280x16xi32, #tpu.memory_space<vmem>>, vector<16xi32>,
      %bitcast3A_261 = vector.bitcast %get3A_260 : vector<16xi32> to vector<32xbf16>
      %unpack3A_262 = tpu.unpack_subelements %bitcast3A_261, 0 {pack_format = #tpu.pack_format<interleaved>} : vector<32xbf16> -> vector<16xf32>
      %unpack3A_263 = tpu.unpack_subelements %bitcast3A_261, 1 {pack_format = #tpu.pack_format<interleaved>} : vector<32xbf16> -> vector<16xf32>
      %add3A_264 = arith.constant 11 : i32
      %add3A_265 = arith.addi %mul3A_178, %add3A_264 : i32
      %get3A_266 = arith.index_cast %add3A_265 : i32 to index
      %get3A_267 = arith.constant 0 : index
      %get3A_268 = tpu.vector_load %arg9[%get3A_266, %get3A_267] {strides = array<i32>} : memref<1280x16xi32, #tpu.memory_space<vmem>>, vector<16xi32>,
      %bitcast3A_269 = vector.bitcast %get3A_268 : vector<16xi32> to vector<32xbf16>
      %unpack3A_270 = tpu.unpack_subelements %bitcast3A_269, 0 {pack_format = #tpu.pack_format<interleaved>} : vector<32xbf16> -> vector<16xf32>
      %unpack3A_271 = tpu.unpack_subelements %bitcast3A_269, 1 {pack_format = #tpu.pack_format<interleaved>} : vector<32xbf16> -> vector<16xf32>
      %add3A_272 = arith.constant 12 : i32
      %add3A_273 = arith.addi %mul3A_178, %add3A_272 : i32
      %get3A_274 = arith.index_cast %add3A_273 : i32 to index
      %get3A_275 = arith.constant 0 : index
      %get3A_276 = tpu.vector_load %arg9[%get3A_274, %get3A_275] {strides = array<i32>} : memref<1280x16xi32, #tpu.memory_space<vmem>>, vector<16xi32>,
      %bitcast3A_277 = vector.bitcast %get3A_276 : vector<16xi32> to vector<32xbf16>
      %unpack3A_278 = tpu.unpack_subelements %bitcast3A_277, 0 {pack_format = #tpu.pack_format<interleaved>} : vector<32xbf16> -> vector<16xf32>
      %unpack3A_279 = tpu.unpack_subelements %bitcast3A_277, 1 {pack_format = #tpu.pack_format<interleaved>} : vector<32xbf16> -> vector<16xf32>
      %add3A_280 = arith.constant 13 : i32
      %add3A_281 = arith.addi %mul3A_178, %add3A_280 : i32
      %get3A_282 = arith.index_cast %add3A_281 : i32 to index
      %get3A_283 = arith.constant 0 : index
      %get3A_284 = tpu.vector_load %arg9[%get3A_282, %get3A_283] {strides = array<i32>} : memref<1280x16xi32, #tpu.memory_space<vmem>>, vector<16xi32>,
      %bitcast3A_285 = vector.bitcast %get3A_284 : vector<16xi32> to vector<32xbf16>
      %unpack3A_286 = tpu.unpack_subelements %bitcast3A_285, 0 {pack_format = #tpu.pack_format<interleaved>} : vector<32xbf16> -> vector<16xf32>
      %unpack3A_287 = tpu.unpack_subelements %bitcast3A_285, 1 {pack_format = #tpu.pack_format<interleaved>} : vector<32xbf16> -> vector<16xf32>
      %add3A_288 = arith.constant 14 : i32
      %add3A_289 = arith.addi %mul3A_178, %add3A_288 : i32
      %get3A_290 = arith.index_cast %add3A_289 : i32 to index
      %get3A_291 = arith.constant 0 : index
      %get3A_292 = tpu.vector_load %arg9[%get3A_290, %get3A_291] {strides = array<i32>} : memref<1280x16xi32, #tpu.memory_space<vmem>>, vector<16xi32>,
      %bitcast3A_293 = vector.bitcast %get3A_292 : vector<16xi32> to vector<32xbf16>
      %unpack3A_294 = tpu.unpack_subelements %bitcast3A_293, 0 {pack_format = #tpu.pack_format<interleaved>} : vector<32xbf16> -> vector<16xf32>
      %unpack3A_295 = tpu.unpack_subelements %bitcast3A_293, 1 {pack_format = #tpu.pack_format<interleaved>} : vector<32xbf16> -> vector<16xf32>
      %add3A_296 = arith.constant 15 : i32
      %add3A_297 = arith.addi %mul3A_178, %add3A_296 : i32
      %get3A_298 = arith.index_cast %add3A_297 : i32 to index
      %get3A_299 = arith.constant 0 : index
      %get3A_300 = tpu.vector_load %arg9[%get3A_298, %get3A_299] {strides = array<i32>} : memref<1280x16xi32, #tpu.memory_space<vmem>>, vector<16xi32>,
      %bitcast3A_301 = vector.bitcast %get3A_300 : vector<16xi32> to vector<32xbf16>
      %unpack3A_302 = tpu.unpack_subelements %bitcast3A_301, 0 {pack_format = #tpu.pack_format<interleaved>} : vector<32xbf16> -> vector<16xf32>
      %unpack3A_303 = tpu.unpack_subelements %bitcast3A_301, 1 {pack_format = #tpu.pack_format<interleaved>} : vector<32xbf16> -> vector<16xf32>
      %add3A_304 = arith.constant 16 : i32
      %add3A_305 = arith.addi %mul3A_178, %add3A_304 : i32
      %get3A_306 = arith.index_cast %add3A_305 : i32 to index
      %get3A_307 = arith.constant 0 : index
      %get3A_308 = tpu.vector_load %arg9[%get3A_306, %get3A_307] {strides = array<i32>} : memref<1280x16xi32, #tpu.memory_space<vmem>>, vector<16xi32>,
      %bitcast3A_309 = vector.bitcast %get3A_308 : vector<16xi32> to vector<32xbf16>
      %unpack3A_310 = tpu.unpack_subelements %bitcast3A_309, 0 {pack_format = #tpu.pack_format<interleaved>} : vector<32xbf16> -> vector<16xf32>
      %unpack3A_311 = tpu.unpack_subelements %bitcast3A_309, 1 {pack_format = #tpu.pack_format<interleaved>} : vector<32xbf16> -> vector<16xf32>
      %add3A_312 = arith.constant 17 : i32
      %add3A_313 = arith.addi %mul3A_178, %add3A_312 : i32
      %get3A_314 = arith.index_cast %add3A_313 : i32 to index
      %get3A_315 = arith.constant 0 : index
      %get3A_316 = tpu.vector_load %arg9[%get3A_314, %get3A_315] {strides = array<i32>} : memref<1280x16xi32, #tpu.memory_space<vmem>>, vector<16xi32>,
      %bitcast3A_317 = vector.bitcast %get3A_316 : vector<16xi32> to vector<32xbf16>
      %unpack3A_318 = tpu.unpack_subelements %bitcast3A_317, 0 {pack_format = #tpu.pack_format<interleaved>} : vector<32xbf16> -> vector<16xf32>
      %unpack3A_319 = tpu.unpack_subelements %bitcast3A_317, 1 {pack_format = #tpu.pack_format<interleaved>} : vector<32xbf16> -> vector<16xf32>
      %add3A_320 = arith.constant 18 : i32
      %add3A_321 = arith.addi %mul3A_178, %add3A_320 : i32
      %get3A_322 = arith.index_cast %add3A_321 : i32 to index
      %get3A_323 = arith.constant 0 : index
      %get3A_324 = tpu.vector_load %arg9[%get3A_322, %get3A_323] {strides = array<i32>} : memref<1280x16xi32, #tpu.memory_space<vmem>>, vector<16xi32>,
      %bitcast3A_325 = vector.bitcast %get3A_324 : vector<16xi32> to vector<32xbf16>
      %unpack3A_326 = tpu.unpack_subelements %bitcast3A_325, 0 {pack_format = #tpu.pack_format<interleaved>} : vector<32xbf16> -> vector<16xf32>
      %unpack3A_327 = tpu.unpack_subelements %bitcast3A_325, 1 {pack_format = #tpu.pack_format<interleaved>} : vector<32xbf16> -> vector<16xf32>
      %add3A_328 = arith.constant 19 : i32
      %add3A_329 = arith.addi %mul3A_178, %add3A_328 : i32
      %get3A_330 = arith.index_cast %add3A_329 : i32 to index
      %get3A_331 = arith.constant 0 : index
      %get3A_332 = tpu.vector_load %arg9[%get3A_330, %get3A_331] {strides = array<i32>} : memref<1280x16xi32, #tpu.memory_space<vmem>>, vector<16xi32>,
      %bitcast3A_333 = vector.bitcast %get3A_332 : vector<16xi32> to vector<32xbf16>
      %unpack3A_334 = tpu.unpack_subelements %bitcast3A_333, 0 {pack_format = #tpu.pack_format<interleaved>} : vector<32xbf16> -> vector<16xf32>
      %unpack3A_335 = tpu.unpack_subelements %bitcast3A_333, 1 {pack_format = #tpu.pack_format<interleaved>} : vector<32xbf16> -> vector<16xf32>
      %add3A_336 = arith.addf %unpack3A, %unpack3A_190 : vector<16xf32>
      %add3A_337 = arith.addf %unpack3A_198, %unpack3A_206 : vector<16xf32>
      %add3A_338 = arith.addf %unpack3A_214, %unpack3A_222 : vector<16xf32>
      %add3A_339 = arith.addf %unpack3A_230, %unpack3A_238 : vector<16xf32>
      %add3A_340 = arith.addf %unpack3A_246, %unpack3A_254 : vector<16xf32>
      %add3A_341 = arith.addf %unpack3A_262, %unpack3A_270 : vector<16xf32>
      %add3A_342 = arith.addf %unpack3A_278, %unpack3A_286 : vector<16xf32>
      %add3A_343 = arith.addf %unpack3A_294, %unpack3A_302 : vector<16xf32>
      %add3A_344 = arith.addf %unpack3A_310, %unpack3A_318 : vector<16xf32>
      %add3A_345 = arith.addf %unpack3A_326, %unpack3A_334 : vector<16xf32>
      %add3A_346 = arith.addf %add3A_336, %add3A_337 : vector<16xf32>
      %add3A_347 = arith.addf %add3A_338, %add3A_339 : vector<16xf32>
      %add3A_348 = arith.addf %add3A_340, %add3A_341 : vector<16xf32>
      %add3A_349 = arith.addf %add3A_342, %add3A_343 : vector<16xf32>
      %add3A_350 = arith.addf %add3A_344, %add3A_345 : vector<16xf32>
      %add3A_351 = arith.addf %add3A_346, %add3A_347 : vector<16xf32>
      %add3A_352 = arith.addf %add3A_348, %add3A_349 : vector<16xf32>
      %add3A_353 = arith.addf %add3A_351, %add3A_352 : vector<16xf32>
      %add3A_354 = arith.addf %add3A_353, %add3A_350 : vector<16xf32>
      %add3A_355 = arith.addf %unpack3A_183, %unpack3A_191 : vector<16xf32>
      %add3A_356 = arith.addf %unpack3A_199, %unpack3A_207 : vector<16xf32>
      %add3A_357 = arith.addf %unpack3A_215, %unpack3A_223 : vector<16xf32>
      %add3A_358 = arith.addf %unpack3A_231, %unpack3A_239 : vector<16xf32>
      %add3A_359 = arith.addf %unpack3A_247, %unpack3A_255 : vector<16xf32>
      %add3A_360 = arith.addf %unpack3A_263, %unpack3A_271 : vector<16xf32>
      %add3A_361 = arith.addf %unpack3A_279, %unpack3A_287 : vector<16xf32>
      %add3A_362 = arith.addf %unpack3A_295, %unpack3A_303 : vector<16xf32>
      %add3A_363 = arith.addf %unpack3A_311, %unpack3A_319 : vector<16xf32>
      %add3A_364 = arith.addf %unpack3A_327, %unpack3A_335 : vector<16xf32>
      %add3A_365 = arith.addf %add3A_355, %add3A_356 : vector<16xf32>
      %add3A_366 = arith.addf %add3A_357, %add3A_358 : vector<16xf32>
      %add3A_367 = arith.addf %add3A_359, %add3A_360 : vector<16xf32>
      %add3A_368 = arith.addf %add3A_361, %add3A_362 : vector<16xf32>
      %add3A_369 = arith.addf %add3A_363, %add3A_364 : vector<16xf32>
      %add3A_370 = arith.addf %add3A_365, %add3A_366 : vector<16xf32>
      %add3A_371 = arith.addf %add3A_367, %add3A_368 : vector<16xf32>
      %add3A_372 = arith.addf %add3A_370, %add3A_371 : vector<16xf32>
      %add3A_373 = arith.addf %add3A_372, %add3A_369 : vector<16xf32>
      %mul3A_374 = arith.constant 5.000000e-02 : f32
      %mul3A_375 = vector.broadcast %mul3A_374 : f32 to vector<16xf32>
      %mul3A_376 = arith.mulf %add3A_354, %mul3A_375 : vector<16xf32>
      %mul3A_377 = arith.constant 5.000000e-02 : f32
      %mul3A_378 = vector.broadcast %mul3A_377 : f32 to vector<16xf32>
      %mul3A_379 = arith.mulf %add3A_373, %mul3A_378 : vector<16xf32>
      %pack3A = tpu.pack_subelements %mul3A_376, %mul3A_379 {pack_format = #tpu.pack_format<interleaved>, positions = array<i32: 0, 1>} : vector<16xf32>, vector<16xf32> -> vector<32xbf16>
      %swap3A = arith.index_cast %scan3A_176 : i32 to index
      %swap3A_380 = arith.constant 0 : index
      %swap3A_381 = tpu.vector_load %arg10[%swap3A, %swap3A_380] {strides = array<i32>} : memref<64x32xbf16, #tpu.memory_space<vmem>>, vector<32xbf16>,
      tpu.vector_store %arg10[%swap3A, %swap3A_380], %pack3A {strides = array<i32>} : memref<64x32xbf16, #tpu.memory_space<vmem>>, vector<32xbf16>,
    }
    %scan3A_175 = arith.constant 64 : i32
    "tpu.region"() ({
      %run_scoped3A = tpu.sem_alloc : memref<!tpu.dma_semaphore, #tpu.memory_space<semaphore_mem>>
      %dma_start3A_176 = arith.constant 0 : i32
      %dma_start3A_177 = tpu.memref_slice %arg4[%add3A_169, %dma_start3A_176] : memref<16384x32xbf16, #tpu.memory_space<hbm>> -> memref<64x32xbf16, #tpu.memory_space<hbm>>
      %dma_start3A_178 = arith.constant 0 : i32
      %dma_start3A_179 = tpu.memref_slice %arg4[%add3A_169, %dma_start3A_178] : memref<16384x32xbf16, #tpu.memory_space<hbm>> -> memref<64x32xbf16, #tpu.memory_space<hbm>>
      tpu.enqueue_dma source(%arg10 : memref<64x32xbf16, #tpu.memory_space<vmem>>) target(%dma_start3A_179 : memref<64x32xbf16, #tpu.memory_space<hbm>>) target_semaphore(%run_scoped3A : memref<!tpu.dma_semaphore, #tpu.memory_space<semaphore_mem>>)
      %dma_wait3A_180 = arith.constant 0 : i32
      %dma_wait3A_181 = tpu.memref_slice %arg4[%add3A_169, %dma_wait3A_180] : memref<16384x32xbf16, #tpu.memory_space<hbm>> -> memref<64x32xbf16, #tpu.memory_space<hbm>>
      %dma_wait3A_182 = arith.constant 0 : i32
      %dma_wait3A_183 = tpu.memref_slice %arg4[%add3A_169, %dma_wait3A_182] : memref<16384x32xbf16, #tpu.memory_space<hbm>> -> memref<64x32xbf16, #tpu.memory_space<hbm>>
      tpu.wait_dma2 semaphore(%run_scoped3A : memref<!tpu.dma_semaphore, #tpu.memory_space<semaphore_mem>>) src(%arg10 : memref<64x32xbf16, #tpu.memory_space<vmem>>) dst(%dma_wait3A_183 : memref<64x32xbf16, #tpu.memory_space<hbm>>)
      tpu.yield
    }) : () -> ()
    return
  }
}

module attributes {stable_mosaic.version = 14 : i64} {
  func.func @_tr_body(%arg0: i32, %arg1: memref<32x32768xf32, #tpu.memory_space<vmem>>, %arg2: memref<256x128xf32, #tpu.memory_space<vmem>>, %arg3: memref<256x128xf32, #tpu.memory_space<vmem>>, %arg4: memref<4096x128xi32, #tpu.memory_space<vmem>>) attributes {dimension_semantics = [#tpu.dimension_semantics<arbitrary>], iteration_bounds = array<i64: 31>, scalar_prefetch = 0 : i64, scratch_operands = 0 : i64, tpu.core_type = #tpu.core_type<tc>, window_params = [{transform_indices = @transform_0, window_bounds = array<i64: 32, 32768>}, {pipeline_mode = #tpu.pipeline_mode<synchronous>, transform_indices = @transform_1, window_bounds = array<i64: 256, 128>}, {pipeline_mode = #tpu.pipeline_mode<synchronous>, transform_indices = @transform_2, window_bounds = array<i64: 256, 128>}, {transform_indices = @transform_3, window_bounds = array<i64: 4096, 128>}]} {
    %get3A = arith.constant 0 : index
    %get3A_0 = arith.constant 0 : index
    %get3A_1 = vector.load %arg1[%get3A, %get3A_0] : memref<32x32768xf32, #tpu.memory_space<vmem>>, vector<32x32768xf32>
    %slice3A = vector.extract_strided_slice %get3A_1 {offsets = [0, 0], sizes = [32, 4096], strides = [1, 1]} : vector<32x32768xf32> to vector<32x4096xf32>
    %slice3A_2 = vector.extract_strided_slice %get3A_1 {offsets = [0, 4096], sizes = [32, 4096], strides = [1, 1]} : vector<32x32768xf32> to vector<32x4096xf32>
    %slice3A_3 = vector.extract_strided_slice %get3A_1 {offsets = [0, 8192], sizes = [32, 4096], strides = [1, 1]} : vector<32x32768xf32> to vector<32x4096xf32>
    %slice3A_4 = vector.extract_strided_slice %get3A_1 {offsets = [0, 12288], sizes = [32, 4096], strides = [1, 1]} : vector<32x32768xf32> to vector<32x4096xf32>
    %slice3A_5 = vector.extract_strided_slice %get3A_1 {offsets = [0, 16384], sizes = [32, 4096], strides = [1, 1]} : vector<32x32768xf32> to vector<32x4096xf32>
    %slice3A_6 = vector.extract_strided_slice %get3A_1 {offsets = [0, 20480], sizes = [32, 4096], strides = [1, 1]} : vector<32x32768xf32> to vector<32x4096xf32>
    %slice3A_7 = vector.extract_strided_slice %get3A_1 {offsets = [0, 24576], sizes = [32, 4096], strides = [1, 1]} : vector<32x32768xf32> to vector<32x4096xf32>
    %slice3A_8 = vector.extract_strided_slice %get3A_1 {offsets = [0, 28672], sizes = [32, 4096], strides = [1, 1]} : vector<32x32768xf32> to vector<32x4096xf32>
    %concatenate3A = tpu.concatenate %slice3A, %slice3A_2, %slice3A_3, %slice3A_4, %slice3A_5, %slice3A_6, %slice3A_7, %slice3A_8 in 0 : vector<32x4096xf32>, vector<32x4096xf32>, vector<32x4096xf32>, vector<32x4096xf32>, vector<32x4096xf32>, vector<32x4096xf32>, vector<32x4096xf32>, vector<32x4096xf32> -> vector<256x4096xf32>
    %get3A_9 = arith.constant 0 : index
    %get3A_10 = arith.constant 0 : index
    %get3A_11 = vector.load %arg2[%get3A_9, %get3A_10] : memref<256x128xf32, #tpu.memory_space<vmem>>, vector<256x128xf32>
    %dot_general3A = arith.constant dense<0.000000e+00> : vector<4096x128xf32>
    %dot_general3A_12 = tpu.matmul %concatenate3A, %get3A_11, %dot_general3A {dimension_numbers = #tpu.dot_dimension_numbers<[0], [0], [1], [1], [0, 1, 1, 1], [], []>, transpose_lhs_hint = false} : vector<256x4096xf32>, vector<256x128xf32>, vector<4096x128xf32> -> vector<4096x128xf32>
    %convert_element_type3A = arith.truncf %dot_general3A_12 : vector<4096x128xf32> to vector<4096x128xbf16>
    %bitcast_convert_type3A = tpu.bitcast %convert_element_type3A : vector<4096x128xbf16> -> vector<4096x128xi16>
    %convert_element_type3A_13 = arith.extui %bitcast_convert_type3A : vector<4096x128xi16> to vector<4096x128xi32>
    %get3A_14 = arith.constant 0 : index
    %get3A_15 = arith.constant 0 : index
    %get3A_16 = vector.load %arg3[%get3A_14, %get3A_15] : memref<256x128xf32, #tpu.memory_space<vmem>>, vector<256x128xf32>
    %dot_general3A_17 = arith.constant dense<0.000000e+00> : vector<4096x128xf32>
    %dot_general3A_18 = tpu.matmul %concatenate3A, %get3A_16, %dot_general3A_17 {dimension_numbers = #tpu.dot_dimension_numbers<[0], [0], [1], [1], [0, 1, 1, 1], [], []>, transpose_lhs_hint = false} : vector<256x4096xf32>, vector<256x128xf32>, vector<4096x128xf32> -> vector<4096x128xf32>
    %convert_element_type3A_19 = arith.truncf %dot_general3A_18 : vector<4096x128xf32> to vector<4096x128xbf16>
    %bitcast_convert_type3A_20 = tpu.bitcast %convert_element_type3A_19 : vector<4096x128xbf16> -> vector<4096x128xi16>
    %convert_element_type3A_21 = arith.extui %bitcast_convert_type3A_20 : vector<4096x128xi16> to vector<4096x128xi32>
    %shift_left3A = arith.constant 16 : i32
    %shift_left3A_22 = vector.broadcast %shift_left3A : i32 to vector<4096x128xi32>
    %shift_left3A_23 = arith.shli %convert_element_type3A_21, %shift_left3A_22 : vector<4096x128xi32>
    %or3A = arith.ori %convert_element_type3A_13, %shift_left3A_23 : vector<4096x128xi32>
    %swap3A = arith.constant 0 : index
    %swap3A_24 = arith.constant 0 : index
    %swap3A_25 = vector.load %arg4[%swap3A, %swap3A_24] : memref<4096x128xi32, #tpu.memory_space<vmem>>, vector<4096x128xi32>
    tpu.vector_store %arg4[%swap3A, %swap3A_24], %or3A {strides = array<i32>} : memref<4096x128xi32, #tpu.memory_space<vmem>>, vector<4096x128xi32>,
    return
  }
  func.func @transform_0(%arg0: i32) -> (i32, i32) {
    %c0_i32 = arith.constant 0 : i32
    %c0_i32_0 = arith.constant 0 : i32
    return %c0_i32, %arg0 : i32, i32
  }
  func.func @transform_1(%arg0: i32) -> (i32, i32) {
    %c0_i32 = arith.constant 0 : i32
    %c0_i32_0 = arith.constant 0 : i32
    %c0_i32_1 = arith.constant 0 : i32
    return %c0_i32, %c0_i32_0 : i32, i32
  }
  func.func @transform_2(%arg0: i32) -> (i32, i32) {
    %c0_i32 = arith.constant 0 : i32
    %c0_i32_0 = arith.constant 0 : i32
    %c0_i32_1 = arith.constant 0 : i32
    return %c0_i32, %c0_i32_0 : i32, i32
  }
  func.func @transform_3(%arg0: i32) -> (i32, i32) {
    %c0_i32 = arith.constant 0 : i32
    %c0_i32_0 = arith.constant 0 : i32
    return %arg0, %c0_i32 : i32, i32
  }
}

</mosaic_0001>

<sc_bundles>
// kernel: _cbow.4.cloned.1.call-start
scs
__scs_entry_jumppad:
0x0: {  	(pc) =	sbr.rel $0x88, $3  }
0x1: {  	(tag) =	ssettag $0x0;
	lr =	simm.s32 $0x1  }
0x2: {  	[smem:$0x3F9F] =	sst lr;
	_ =	strace $0xD0000000  }
0x3: {  	_ = 	snop  }
0x4: {  	_ = 	snop  }
0x5: {  	_ = 	snop  }
0x6: {  	_ = 	snop  }
0x7: {  	_ = 	snop  }
__scs_overlays_trampoline_lowered:
0x8: {  	[smem:$0x3FAE] =	sst s0  }
0x9: {  	[smem:$0x3FAF] =	sst s1  }
0xa: {  	[smem:$0x3FB0] =	sst s2  }
0xb: {  	[smem:$0x3FB1] =	sst s3  }
0xc: {  	[smem:$0x3FB2] =	sst s4  }
0xd: {  	[smem:$0x3FB3] =	sst s5  }
0xe: {  	[smem:$0x3FB4] =	sst s6  }
0xf: {  	[smem:$0x3FB5] =	sst s7  }
0x10: {  	[smem:$0x3FB6] =	sst s8  }
0x11: {  	[smem:$0x3FB7] =	sst s9;
	s0 =	simm.s32 @!p0 $0x0  }
0x12: {  	s1 =	sld [smem:$0x3F9D];
	s0 =	simm.s32 @p0 $0x1  }
0x13: {  	[smem:$0x3FB8] =	sst s0;
	s0 =	simm.s32 @!p1 $0x0  }
0x14: {  	s2 =	sld [smem:$0x3F9C];
	s0 =	simm.s32 @p1 $0x1  }
0x15: {  	[smem:$0x3FB9] =	sst s0;
	s0 =	simm.s32 @!p2 $0x0  }
0x16: {  	s3 =	sld [smem:$0x3FDB];
	s0 =	simm.s32 @p2 $0x1  }
0x17: {  	s4 =	simm.s32 $0x1BF5;
	[smem:$0x3FBB] =	sst s0  }
0x18: {  	s0 =	sld [smem:$0x3F9E];
	_ =	swait.ge [sflag:s4], $0x0  }
0x19: {  	s7 =	sld [smem:$0x3F9F]  }
0x1a: {  	s8 =	sadd.s32 $0xFFFFE003, lr  }
0x1b: {  	s9 =	sadd.s32 $0xFFFFFEF7, lr;
	s5 =	simm.s32 $0xFFFFFFFF;
	p2 =	slt.u32 s8, $0xFFFFF086  }
0x1c: {  	p1 =	slt.u32 s9, $0xF7A;
	s5 =	simm.s32 @!p2 $0x0  }
0x1d: {  	s5 =	simm.s32 @p1 $0x1;
	p0 =	seq.s32 s7, s2  }
0x1e: {  	s7 =	smul.u32 @!p0 $0xF7A, s2;
	p2 =	seq.s32 @!p0 s5, $0x0  }
0x1f: {  	s9 =	smul.u32 $0xF7A, s1;
	s8 =	simm.s32 @!p0 $0x1BF5;
	p2 =	por !p2, p0  }
0x20: {  	[sflag:s8] =	ssyncset.s32 @!p0 $0xFFFFF086;
	s6 =	sadd.s32 @!p0 s3, s7;
	s7 =	simm.s32 @!p0 $0x108  }
0x21: {  	s3 =	sadd.s32 s3, s9;
	s6 =	sadd.s32 @!p0 $0x88, s6;
	s7 =	simm.s32 @p2 $0x1082  }
0x22: {  	[simem:s7], [sflag:s8] =	dma.local @!p0 [hbm:s6], $0xF7A  }
0x23: {  	s9 =	sor.u32 $0xD0000000, s2;
	s6 =	simm.s32 $0x108;
	_ =	swait.ge @!p0 [sflag:s8], $0x0  }
0x24: {  	s3 =	sadd.s32 $0x88, s3;
	s6 =	simm.s32 @!p1 $0x1082;
	[sflag:s4] =	ssyncset.s32 $0xFFFFF086  }
0x25: {  	[simem:s6], [sflag:s4] =	dma.local [hbm:s3], $0xF7A  }
0x26: {  	[smem:$0x3F9F] =	sst s1;
	(tag) =	ssettag s2;
	_ =	strace s9  }
0x27: {  	s1 =	sld [smem:$0x3FAF]  }
0x28: {  	s2 =	sld [smem:$0x3FB0]  }
0x29: {  	s4 =	sld [smem:$0x3FB2]  }
0x2a: {  	p0 =	seq.s32 s5, $0x0;
	s5 =	sld [smem:$0x3FB3]  }
0x2b: {  	s6 =	sld [smem:$0x3FB4]  }
0x2c: {  	s7 =	sld [smem:$0x3FB5]  }
0x2d: {  	s3 =	simm.s32 $0x108;
	s8 =	sld [smem:$0x3FB6]  }
0x2e: {  	s3 =	simm.s32 @!p0 $0x1082;
	s9 =	sld [smem:$0x3FB7]  }
0x2f: {  	lr =	sadd.s32 s0, s3;
	s0 =	sld [smem:$0x3FAE]  }
0x30: {  	s3 =	sld [smem:$0x3FB1]  }
0x31: {  	[smem:$0x3FBA] =	sst s10  }
0x32: {  	s10 =	sld [smem:$0x3FB8];
	_ =	sdelay $0x3  }
0x33: {  	p0 =	seq.s32 s10, $0x1;
	s10 =	sld [smem:$0x3FBA];
	_ =	sdelay $0x3  }
0x34: {  	[smem:$0x3FBA] =	sst s10  }
0x35: {  	s10 =	sld [smem:$0x3FB9];
	_ =	sdelay $0x3  }
0x36: {  	p1 =	seq.s32 s10, $0x1;
	s10 =	sld [smem:$0x3FBA];
	_ =	sdelay $0x3  }
0x37: {  	[smem:$0x3FBA] =	sst s10  }
0x38: {  	s10 =	sld [smem:$0x3FBB]  }
0x39: {  	_ = 	snop;
	(pc) =	sbr.ind lr, $3  }
0x3a: {  	_ = 	snop  }
0x3b: {  	_ = 	snop  }
0x3c: {  	p2 =	seq.s32 s10, $0x1;
	s10 =	sld [smem:$0x3FBA]  }
0x3d: {  	_ =	shalt  }
0x3e: {  	_ =	shalt  }
0x3f: {  	_ =	shalt  }
0x40: {  	_ =	shalt  }
0x41: {  	_ =	shalt  }
0x42: {  	_ =	shalt  }
0x43: {  	_ =	shalt  }
0x44: {  	_ =	shalt  }
0x45: {  	_ =	shalt  }
0x46: {  	_ =	shalt  }
0x47: {  	_ =	shalt  }
0x48: {  	_ =	shalt  }
0x49: {  	_ =	shalt  }
0x4a: {  	_ =	shalt  }
0x4b: {  	_ =	shalt  }
0x4c: {  	_ =	shalt  }
0x4d: {  	_ =	shalt  }
0x4e: {  	_ =	shalt  }
0x4f: {  	_ =	shalt  }
0x50: {  	_ =	shalt  }
0x51: {  	_ =	shalt  }
0x52: {  	_ =	shalt  }
0x53: {  	_ =	shalt  }
0x54: {  	_ =	shalt  }
0x55: {  	_ =	shalt  }
0x56: {  	_ =	shalt  }
0x57: {  	_ =	shalt  }
0x58: {  	_ =	shalt  }
0x59: {  	_ =	shalt  }
0x5a: {  	_ =	shalt  }
0x5b: {  	_ =	shalt  }
0x5c: {  	_ =	shalt  }
0x5d: {  	_ =	shalt  }
0x5e: {  	_ =	shalt  }
0x5f: {  	_ =	shalt  }
0x60: {  	_ =	shalt  }
0x61: {  	_ =	shalt  }
0x62: {  	_ =	shalt  }
0x63: {  	_ =	shalt  }
0x64: {  	_ =	shalt  }
0x65: {  	_ =	shalt  }
0x66: {  	_ =	shalt  }
0x67: {  	_ =	shalt  }
0x68: {  	_ =	shalt  }
0x69: {  	_ =	shalt  }
0x6a: {  	_ =	shalt  }
0x6b: {  	_ =	shalt  }
0x6c: {  	_ =	shalt  }
0x6d: {  	_ =	shalt  }
0x6e: {  	_ =	shalt  }
0x6f: {  	_ =	shalt  }
0x70: {  	_ =	shalt  }
0x71: {  	_ =	shalt  }
0x72: {  	_ =	shalt  }
0x73: {  	_ =	shalt  }
0x74: {  	_ =	shalt  }
0x75: {  	_ =	shalt  }
0x76: {  	_ =	shalt  }
0x77: {  	_ =	shalt  }
0x78: {  	_ =	shalt  }
0x79: {  	_ =	shalt  }
0x7a: {  	_ =	shalt  }
0x7b: {  	_ =	shalt  }
0x7c: {  	_ =	shalt  }
0x7d: {  	_ =	shalt  }
0x7e: {  	_ =	shalt  }
0x7f: {  	_ =	shalt  }
0x80: {  	_ =	shalt  }
0x81: {  	_ =	shalt  }
0x82: {  	_ =	shalt  }
0x83: {  	_ =	shalt  }
0x84: {  	_ =	shalt  }
0x85: {  	_ =	shalt  }
0x86: {  	_ =	shalt  }
0x87: {  	_ =	shalt  }
.Lfunc_end0:
.L_simem_size_0:
called_computation_lowered:
.L_overlay_start_0:
0x88: {  	s2 =	sld [smem:$0x3FD9]  }
0x89: {  	s3 =	sld [smem:$0x3FFE];
	_ =	sdelay $0x1  }
0x8a: {  	s1 =	srdreg.scid  }
0x8b: {  	s0 =	sand.u32 $0x1, s1  }
0x8c: {  	s17 =	sshll.u32 s0, $0xA;
	s2 =	sadd.s32 s3, s2  }
0x8d: {  	s2 =	sadd.s32 s2, s17  }
0x8e: {  	[smem:$0x3FC6] =	sst s2  }
0x8f: {  	_ = 	snop  }
0x90: {  	s2 =	sld [smem:$0x3FD0];
	(tm) =	ssettm $0x1  }
0x91: {  	s18 =	sld [smem:$0x3FFB];
	_ =	sdelay $0x3  }
0x92: {  	_ =	strace s18  }
0x93: {  	s3 =	sld [smem:$0x3FFC];
	_ =	sdelay $0x3  }
0x94: {  	_ =	strace s3  }
0x95: {  	s3 =	sld [smem:$0x3FFD];
	_ =	sdelay $0x3  }
0x96: {  	_ =	strace s3  }
0x97: {  	_ =	strace $0x8FFFFFFF  }
0x98: {  	s19 =	sld [smem:$0x3FDB];
	_ =	sdelay $0x1  }
0x99: {  	s4 =	simm.s32 $_scs_section_size  }
0x9a: {  	s5 =	simm.s32 $_size__tile_overlayer_lowered;
	s6 =	simm.s32 $_tile_overlayer_lowered  }
0x9b: {  	s22 =	simm.s32 $0x1BFF;
	s21 =	sshll.u32 s6, $0x1;
	s3 =	sadd.s32 s4, s19  }
0x9c: {  	s7 =	simm.s32 $0x0;
	s20 =	sshll.u32 s5, $0x1;
	s5 =	sadd.s32 s21, s3  }
0x9d: {  	[timem:s7], [sflag:s22] =	dma.local [hbm:s5], s20  }
0x9e: {  	_ =	swait.ge [sflag:s22], s20  }
0x9f: {  	s4 =	ssub.s32 $0x0, s20;
	[sflag:s22] =	ssyncset.done $0x0  }
0xa0: {  	[sflag:s22] =	ssyncadd.s32 s4;
	_ =	sdelay $0x1  }
0xa1: {  	s23 =	simm.s32 $0x1B8B  }
0xa2: {  	_ =	swait.ge [sflag:s23], $0x1  }
0xa3: {  	[sflag:s23] =	ssyncset.done $0x0  }
0xa4: {  	s25 =	simm.s32 $0x1B8E;
	s24 =	sld [smem:$0x3FFE];
	[sflag:s23] =	ssyncadd.s32 $0xFFFFFFFF  }
0xa5: {  	s26 =	simm.s32 $execute0_lowered;
	[smem:$0x3FD2] =	sst s25  }
0xa6: {  	s5 =	sshll.u32 s26, $0x1;
	_ =	strace $0x80000046;
	[dreg:$0x1] =	wrdreg $0xFFFFFFFF  }
0xa7: {  	s28 =	simm.s32 $_size_execute0_lowered;
	s3 =	sadd.s32 s3, s5;
	[dreg:$0x0] =	wrdreg $0x0  }
0xa8: {  	s5 =	sshll.u32 s28, $0x1;
	[dreg:$0x2] =	wrdreg s3  }
0xa9: {  	[dreg:$0x3] =	wrdreg s5  }
0xaa: {  	[dreg:$0x4] =	wrdreg $0xC0  }
0xab: {  	_ =	task [dreg:s7], $0x5FFFF  }
0xac: {  	[dreg:$0x1] =	wrdreg $0xFFFFFFFF  }
0xad: {  	[dreg:$0x0] =	wrdreg $0x60  }
0xae: {  	[dreg:$0x2] =	wrdreg s24  }
0xaf: {  	[dreg:$0x3] =	wrdreg s2  }
0xb0: {  	[dreg:$0x4] =	wrdreg $0x9  }
0xb1: {  	_ =	task.clear_ibuf [dreg:s7], $0x5FFFF;
	_ =	strace $0x90000046  }
0xb2: {  	s29 =	simm.s32 $0x9;
	_ =	strace $0x80000048  }
0xb3: {  	_ =	swait.ge [sflag:s29], $0x1  }
0xb4: {  	[sflag:s29] =	ssyncadd.s32 $0xFFFFFFFF  }
0xb5: {  	_ =	strace $0x90000048  }
0xb6: {  	_ =	sfence  }
0xb7: {  	s30 =	sld [smem:$0x0];
	_ =	sdelay $0x2  }
0xb8: {  	s31 =	sshll.u32 s1, $0xD;
	s1 =	sshrl.u32 s1, $0x2  }
0xb9: {  	s3 =	sand.u32 $0x4000, s31;
	s1 =	sadd.s32 s1, s30  }
0xba: {  	s0 =	sor.u32 s3, s0;
	s1 =	sshll.u32 s1, $0x11  }
0xbb: {  	s0 =	sor.u32 s1, s0  }
0xbc: {  	s0 =	sadd.s32 $0x8F2B, s0  }
0xbd: {  	[sflag:s0] =	ssyncadd.remote.s32 $0x1  }
0xbe: {  	_ =	sfence.sel $0xFFFF  }
0xbf: {  	[dreg:$0x0] =	wrdreg $0xFFFFFFFF;
	(pc) =	sbr.abs _section_cstart, $3  }
0xc0: {  	[dreg:$0x1] =	wrdreg $0xFFFFFFFF  }
0xc1: {  	_ =	task.clear_ibuf [dreg:s7], $0x2FFFF;
	_ =	strace $0x9FFFFFFF  }
0xc2: {  	(tm) =	ssettm $0x7FFFFFFF  }
0xc3: {  	_ =	shalt  }
tec
execute0_lowered:
.L_overlay_start_1:
0x0: {  	(tag) =	ssettag $0x1  }
0x1: {  	s0 =	rddreg [dreg:$0x0]  }
0x2: {  	s1 =	rddreg [dreg:$0x1];
	s2 =	simm.s32 $0x0  }
0x3: {  	s19 =	srdreg.scid;
	s3 =	stileid.u32;
	s28 =	simm.s32 $0x1  }
0x4: {  	s29 =	simm.s32 $0xCA00;
	s30 =	simm.s32 $0x2;
	s31 =	simm.s32 $0x0  }
0x5: {  	[smem:$0x7FF] =	sst s2;
	s17 =	sadd.s32 $0x800, s0;
	s2 =	sand.u32 $0x1, s19  }
0x6: {  	s5 =	sshll.u32 s3, $0xA;
	s4 =	ssub.s32 $0x2, s2;
	s2 =	sshll.u32 s2, $0x9  }
0x7: {  	s3 =	sadd.s32 $0x40800, s0;
	s20 =	sshrl.u32 s4, $0x1;
	s2 =	sor.u32 s2, s5  }
0x8: {  	_ =	strace $0x80000047;
	s0 =	ssub.s32 s4, s20;
	s21 =	sshll.u32 s2, $0x4  }
0x9: {  	s7 =	sor.u32 $0x40, s2;
	s6 =	sshll.u32 s2, $0x1;
	s10 =	sor.u32 $0x80, s2  }
0xa: {  	s11 =	sor.u32 $0xC0, s2;
	s13 =	sor.u32 $0x100, s2;
	s16 =	sor.u32 $0x140, s2  }
0xb: {  	s18 =	sor.u32 $0x180, s2;
	s2 =	sor.u32 $0x1C0, s2;
	s4 =	sadd.s32 s17, s21  }
0xc: {  	s22 =	sshll.u32 s7, $0x4;
	s6 =	sadd.s32 s1, s6;
	s8 =	sshll.u32 s10, $0x4  }
0xd: {  	s9 =	sshll.u32 s7, $0x1;
	s24 =	sshll.u32 s11, $0x4;
	s10 =	sshll.u32 s10, $0x1  }
0xe: {  	s12 =	sshll.u32 s13, $0x4;
	s14 =	sshll.u32 s11, $0x1;
	s25 =	sshll.u32 s16, $0x4  }
0xf: {  	s15 =	sshll.u32 s13, $0x1;
	s26 =	sshll.u32 s18, $0x4;
	s16 =	sshll.u32 s16, $0x1  }
0x10: {  	s19 =	sshll.u32 s2, $0x4;
	s18 =	sshll.u32 s18, $0x1;
	s2 =	sshll.u32 s2, $0x1  }
0x11: {  	s20 =	smax.u32 s0, $0x1;
	s0 =	simm.s32 $0x0;
	s21 =	simm.s32 $0x3  }
0x12: {  	[dreg:$0x3] =	wrdreg s4;
	s23 =	sadd.s32 s17, s22;
	s7 =	sadd.s32 s17, s8  }
0x13: {  	s8 =	sadd.s32 s1, s9;
	s9 =	sadd.s32 s17, s24;
	s10 =	sadd.s32 s1, s10  }
0x14: {  	s11 =	sadd.s32 s17, s12;
	s12 =	sadd.s32 s1, s14;
	s13 =	sadd.s32 s17, s25  }
0x15: {  	s14 =	sadd.s32 s1, s15;
	s15 =	sadd.s32 s17, s26;
	s16 =	sadd.s32 s1, s16  }
0x16: {  	s17 =	sadd.s32 s17, s19;
	s18 =	sadd.s32 s1, s18;
	s19 =	sadd.s32 s1, s2  }
0x17: {  	s22 =	simm.s32 $0x500;
	s24 =	simm.s32 $0x2A00;
	s25 =	simm.s32 $0x2500  }
0x18: {  	s26 =	simm.s32 $0x7A00;
	[dreg:$0x4] =	wrdreg s23;
	s23 =	simm.s32 $0x2000  }
.LBB2_1:
0x19: {  	s1 =	rddreg [dreg:$0x3]  }
0x1a: {  	[tilespmem:s0], [sflag:$0x3] =	stream.linear.gather [hbm4b:s1+s0], $0x2000, $0x38;
	[tilespmem:$0xCE00] =	vst v63  }
0x1b: {  	_ =	swait.ge [sflag:s21], $0x2000  }
0x1c: {  	[sflag:s21] =	ssyncset.done $0x0  }
0x1d: {  	s0 =	simm.s32 $0x4;
	[sflag:s21] =	ssyncadd.s32 $0xFFFFE000  }
0x1e: {  	v0 =	vld [tilespmem:s0+$0xFFFFFFFC];
	_ =	sdelay $0x4  }
0x1f: {  	v1 =	vshll.u32 v0, $0x3  }
0x20: {  	v2 =	vshrl.u32 v0, $0xC;
	v0 =	vand.u32 $0xFFFF8000, v0;
	v1 =	vand.u32 $0x7FF8, v1  }
0x21: {  	v0 =	vor.u32 v0, v1;
	v1 =	vand.u32 $0x7, v2  }
0x22: {  	s2 =	simm.s32 $0x0;
	v0 =	vor.u32 v1, v0  }
0x23: {  	[tilespmem:s2+$0x2000] =	vst v0  }
0x24: {  	v0 =	vld [tilespmem:s0+$0x0];
	_ =	sdelay $0x4  }
0x25: {  	v1 =	vshll.u32 v0, $0x3  }
0x26: {  	v2 =	vshrl.u32 v0, $0xC;
	v0 =	vand.u32 $0xFFFF8000, v0;
	v1 =	vand.u32 $0x7FF8, v1  }
0x27: {  	v0 =	vor.u32 v0, v1;
	v1 =	vand.u32 $0x7, v2  }
0x28: {  	s1 =	simm.s32 $0x50;
	v0 =	vor.u32 v1, v0  }
.LBB2_2:
0x29: {  	p0 =	sne.s32 s1, $0x13B0  }
0x2a: {  	[tilespmem:s2+$0x2004] =	vst v0;
	s0 =	sadd.s32 $0x80, s0;
	s2 =	smov.u32 s1;
	s1 =	sadd.s32 $0x50, s1  }
0x2b: {  	v0 =	vld [tilespmem:s0+$0xFFFFFFFC];
	_ =	sdelay $0x4  }
0x2c: {  	v1 =	vshll.u32 v0, $0x3;
	v2 =	vshrl.u32 v0, $0xC  }
0x2d: {  	v0 =	vand.u32 $0xFFFF8000, v0;
	v1 =	vand.u32 $0x7FF8, v1  }
0x2e: {  	v0 =	vor.u32 v0, v1;
	v1 =	vand.u32 $0x7, v2  }
0x2f: {  	s2 =	sshra.s32 s2, $0x2;
	v0 =	vor.u32 v1, v0  }
0x30: {  	[tilespmem:s2+$0x2000] =	vst v0  }
0x31: {  	v0 =	vld [tilespmem:s0+$0x0];
	_ =	sdelay $0x3  }
.Ltmp0:
0x32: {  	(pc) =	sbr.rel @p0 .LBB2_2-.Ltmp0, $4  }
0x33: {  	v1 =	vshll.u32 v0, $0x3;
	v2 =	vshrl.u32 v0, $0xC  }
0x34: {  	v0 =	vand.u32 $0xFFFF8000, v0;
	v1 =	vand.u32 $0x7FF8, v1  }
0x35: {  	v0 =	vor.u32 v0, v1;
	v1 =	vand.u32 $0x7, v2  }
0x36: {  	v0 =	vor.u32 v1, v0  }
0x37: {  	[tilespmem:s2+$0x2004] =	vst v0  }
0x38: {  	[tilespmem:s24], [sflag:$0x1] =	stream.indirect.gather [hbm4b:s3+s22], $0x10, s23, s22, $0xb8;
	[tilespmem:$0xCE00] =	vst v63  }
0x39: {  	s0 =	simm.s32 $0x0;
	s1 =	rddreg [dreg:$0x4]  }
0x3a: {  	[tilespmem:s0], [sflag:$0x3] =	stream.linear.gather [hbm4b:s1+s0], $0x2000, $0x38;
	[tilespmem:$0xCE00] =	vst v63  }
0x3b: {  	_ =	swait.ge [sflag:s21], $0x2000  }
0x3c: {  	[sflag:s21] =	ssyncset.done $0x0  }
0x3d: {  	s0 =	simm.s32 $0x4;
	[sflag:s21] =	ssyncadd.s32 $0xFFFFE000  }
0x3e: {  	v0 =	vld [tilespmem:s0+$0xFFFFFFFC];
	_ =	sdelay $0x4  }
0x3f: {  	v1 =	vshll.u32 v0, $0x3  }
0x40: {  	v2 =	vshrl.u32 v0, $0xC;
	v0 =	vand.u32 $0xFFFF8000, v0;
	v1 =	vand.u32 $0x7FF8, v1  }
0x41: {  	v0 =	vor.u32 v0, v1;
	v1 =	vand.u32 $0x7, v2  }
0x42: {  	s2 =	simm.s32 $0x0;
	v0 =	vor.u32 v1, v0  }
0x43: {  	[tilespmem:s2+$0x2500] =	vst v0  }
0x44: {  	v0 =	vld [tilespmem:s0+$0x0];
	_ =	sdelay $0x4  }
0x45: {  	v1 =	vshll.u32 v0, $0x3  }
0x46: {  	v2 =	vshrl.u32 v0, $0xC;
	v0 =	vand.u32 $0xFFFF8000, v0;
	v1 =	vand.u32 $0x7FF8, v1  }
0x47: {  	v0 =	vor.u32 v0, v1;
	v1 =	vand.u32 $0x7, v2  }
0x48: {  	s1 =	simm.s32 $0x50;
	v0 =	vor.u32 v1, v0  }
.LBB2_4:
0x49: {  	p0 =	sne.s32 s1, $0x13B0  }
0x4a: {  	[tilespmem:s2+$0x2504] =	vst v0;
	s0 =	sadd.s32 $0x80, s0;
	s2 =	smov.u32 s1;
	s1 =	sadd.s32 $0x50, s1  }
0x4b: {  	v0 =	vld [tilespmem:s0+$0xFFFFFFFC];
	_ =	sdelay $0x4  }
0x4c: {  	v1 =	vshll.u32 v0, $0x3;
	v2 =	vshrl.u32 v0, $0xC  }
0x4d: {  	v0 =	vand.u32 $0xFFFF8000, v0;
	v1 =	vand.u32 $0x7FF8, v1  }
0x4e: {  	v0 =	vor.u32 v0, v1;
	v1 =	vand.u32 $0x7, v2  }
0x4f: {  	s2 =	sshra.s32 s2, $0x2;
	v0 =	vor.u32 v1, v0  }
0x50: {  	[tilespmem:s2+$0x2500] =	vst v0  }
0x51: {  	v0 =	vld [tilespmem:s0+$0x0];
	_ =	sdelay $0x3  }
.Ltmp1:
0x52: {  	(pc) =	sbr.rel @p0 .LBB2_4-.Ltmp1, $4  }
0x53: {  	v1 =	vshll.u32 v0, $0x3;
	v2 =	vshrl.u32 v0, $0xC  }
0x54: {  	v0 =	vand.u32 $0xFFFF8000, v0;
	v1 =	vand.u32 $0x7FF8, v1  }
0x55: {  	v0 =	vor.u32 v0, v1;
	v1 =	vand.u32 $0x7, v2  }
0x56: {  	v0 =	vor.u32 v1, v0  }
0x57: {  	[tilespmem:s2+$0x2504] =	vst v0  }
0x58: {  	[tilespmem:s26], [sflag:$0x2] =	stream.indirect.gather [hbm4b:s3+s22], $0x10, s25, s22, $0xb8;
	[tilespmem:$0xCE00] =	vst v63  }
0x59: {  	_ =	swait.ge [sflag:s28], $0x5000  }
0x5a: {  	[sflag:s28] =	ssyncset.done $0x0  }
0x5b: {  	s0 =	simm.s32 $0x2AA0;
	[sflag:s28] =	ssyncadd.s32 $0xFFFFB000  }
0x5c: {  	v0 =	vld [tilespmem:s0+$0xFFFFFFE0]  }
0x5d: {  	v1 =	vld [tilespmem:s0+$0xFFFFFFF0]  }
0x5e: {  	v2 =	vld [tilespmem:s0+$0xFFFFFFD0]  }
0x5f: {  	v3 =	vld [tilespmem:s0+$0x10]  }
0x60: {  	v4 =	vld [tilespmem:s0+$0x0]  }
0x61: {  	v5 =	vld [tilespmem:s0+$0xFFFFFFC0]  }
0x62: {  	v7 =	vld [tilespmem:s0+$0xFFFFFF60]  }
0x63: {  	v9 =	vld [tilespmem:s0+$0xFFFFFF90]  }
0x64: {  	v40 =	vld [tilespmem:s0+$0xFFFFFF80]  }
0x65: {  	v12 =	vld [tilespmem:s0+$0x20]  }
0x66: {  	v14 =	vld [tilespmem:s0+$0x40];
	v6 =	vunpack.i.u.bf16.f32 v0  }
0x67: {  	v15 =	vld [tilespmem:s0+$0x30];
	v0 =	vunpack.i.l.bf16.f32 v0;
	v8 =	vunpack.i.u.bf16.f32 v1;
	v1 =	vunpack.i.l.bf16.f32 v1  }
0x68: {  	v17 =	vld [tilespmem:s0+$0xFFFFFFA0];
	v41 =	vunpack.i.u.bf16.f32 v2;
	v2 =	vunpack.i.l.bf16.f32 v2;
	v10 =	vunpack.i.u.bf16.f32 v3  }
0x69: {  	v44 =	vld [tilespmem:s0+$0xFFFFFF70];
	v11 =	vunpack.i.u.bf16.f32 v4;
	v4 =	vunpack.i.l.bf16.f32 v4;
	v3 =	vunpack.i.l.bf16.f32 v3  }
0x6a: {  	v19 =	vld [tilespmem:s0+$0xFFFFFFB0];
	v13 =	vunpack.i.l.bf16.f32 v5;
	v5 =	vunpack.i.u.bf16.f32 v5;
	v42 =	vunpack.i.l.bf16.f32 v7  }
0x6b: {  	v21 =	vld [tilespmem:s0+$0x90];
	v43 =	vunpack.i.u.bf16.f32 v9;
	v9 =	vunpack.i.l.bf16.f32 v9;
	v16 =	vunpack.i.u.bf16.f32 v40  }
0x6c: {  	v49 =	vld [tilespmem:s0+$0x70];
	v18 =	vunpack.i.u.bf16.f32 v12;
	v12 =	vunpack.i.l.bf16.f32 v12;
	v45 =	vunpack.i.u.bf16.f32 v14  }
0x6d: {  	v22 =	vld [tilespmem:s0+$0x80];
	v14 =	vunpack.i.l.bf16.f32 v14;
	v46 =	vunpack.i.u.bf16.f32 v15;
	v15 =	vunpack.i.l.bf16.f32 v15  }
0x6e: {  	v47 =	vunpack.i.u.bf16.f32 v17;
	v17 =	vunpack.i.l.bf16.f32 v17;
	v48 =	vunpack.i.l.bf16.f32 v44  }
0x6f: {  	v51 =	vunpack.i.l.bf16.f32 v19;
	v53 =	vunpack.i.u.bf16.f32 v19;
	v0 =	vadd.f32 v1, v0  }
0x70: {  	v52 =	vld [tilespmem:s0+$0x60];
	v55 =	vunpack.i.l.bf16.f32 v21;
	v1 =	vadd.f32 v8, v6;
	v3 =	vadd.f32 v3, v4  }
0x71: {  	v57 =	vunpack.i.l.bf16.f32 v49;
	v2 =	vadd.f32 v2, v13;
	v5 =	vadd.f32 v41, v5  }
0x72: {  	v60 =	vunpack.i.u.bf16.f32 v22;
	v13 =	vadd.f32 v43, v16;
	v10 =	vadd.f32 v10, v11  }
0x73: {  	v61 =	vunpack.i.u.bf16.f32 v21;
	v8 =	vadd.f32 v48, v42;
	v12 =	vadd.f32 v15, v12  }
0x74: {  	v4 =	vld [tilespmem:s0+$0x50];
	v6 =	vunpack.i.l.bf16.f32 v40;
	v54 =	vadd.f32 v51, v17;
	v11 =	vadd.f32 v46, v18  }
0x75: {  	v58 =	vunpack.i.l.bf16.f32 v52;
	v63 =	vadd.f32 v61, v60;
	v6 =	vadd.f32 v9, v6  }
0x76: {  	v9 =	vadd.f32 v57, v58;
	v0 =	vadd.f32 v3, v0;
	v3 =	vunpack.i.u.bf16.f32 v7  }
0x77: {  	v1 =	vadd.f32 v10, v1;
	v7 =	vunpack.i.u.bf16.f32 v44;
	v2 =	vadd.f32 v2, v54  }
0x78: {  	v56 =	vunpack.i.l.bf16.f32 v22;
	v3 =	vadd.f32 v7, v3;
	v6 =	vadd.f32 v6, v8  }
0x79: {  	v7 =	vadd.f32 v53, v47;
	v20 =	vunpack.i.u.bf16.f32 v4;
	v4 =	vunpack.i.l.bf16.f32 v4  }
0x7a: {  	v8 =	vadd.f32 v55, v56;
	v4 =	vadd.f32 v4, v14  }
0x7b: {  	v3 =	vadd.f32 v13, v3;
	v50 =	vadd.f32 v20, v45  }
0x7c: {  	v5 =	vadd.f32 v5, v7;
	v4 =	vadd.f32 v4, v12  }
0x7d: {  	v59 =	vunpack.i.u.bf16.f32 v52;
	v2 =	vadd.f32 v2, v6;
	v10 =	vadd.f32 v50, v11  }
0x7e: {  	v3 =	vadd.f32 v5, v3;
	v5 =	vunpack.i.u.bf16.f32 v49;
	v4 =	vadd.f32 v4, v0  }
0x7f: {  	v5 =	vadd.f32 v5, v59;
	v62 =	vadd.f32 v10, v1  }
0x80: {  	v0 =	vadd.f32 v8, v9;
	v1 =	vadd.f32 v4, v2  }
0x81: {  	s2 =	simm.s32 $0x0;
	s1 =	simm.s32 $0x40;
	v2 =	vadd.f32 v63, v5;
	v3 =	vadd.f32 v62, v3  }
.LBB2_6:
0x82: {  	p0 =	sne.s32 s1, $0xFC0  }
0x83: {  	s0 =	sadd.s32 $0x140, s0;
	s4 =	smov.u32 s1;
	s1 =	sadd.s32 $0x40, s1  }
0x84: {  	v0 =	vadd.f32 v0, v1;
	v1 =	vadd.f32 v2, v3;
	_ =	sdelay $0x1  }
0x85: {  	v0 =	vmul.f32 $5.000000070e-02, v0;
	v1 =	vmul.f32 $5.000000070e-02, v1;
	_ =	sdelay $0x1  }
0x86: {  	s5 =	sshra.s32 s2, $0x2;
	s2 =	smov.u32 s4;
	v0 =	vpack.i.f32.bf16 v1, v0  }
0x87: {  	[tilespmem:s5+$0xCA00] =	vst v0  }
0x88: {  	v0 =	vld [tilespmem:s0+$0xFFFFFFE0]  }
0x89: {  	v1 =	vld [tilespmem:s0+$0xFFFFFFF0]  }
0x8a: {  	v2 =	vld [tilespmem:s0+$0xFFFFFFD0]  }
0x8b: {  	v3 =	vld [tilespmem:s0+$0x10]  }
0x8c: {  	v4 =	vld [tilespmem:s0+$0x0]  }
0x8d: {  	v5 =	vld [tilespmem:s0+$0xFFFFFFC0];
	v6 =	vunpack.i.u.bf16.f32 v0;
	v0 =	vunpack.i.l.bf16.f32 v0  }
0x8e: {  	v7 =	vld [tilespmem:s0+$0xFFFFFF60];
	v8 =	vunpack.i.u.bf16.f32 v1;
	v1 =	vunpack.i.l.bf16.f32 v1  }
0x8f: {  	v9 =	vld [tilespmem:s0+$0xFFFFFF90];
	v0 =	vadd.f32 v1, v0;
	v1 =	vadd.f32 v8, v6  }
0x90: {  	v8 =	vunpack.i.u.bf16.f32 v2;
	v2 =	vunpack.i.l.bf16.f32 v2;
	v6 =	vld [tilespmem:s0+$0xFFFFFF80];
	v10 =	vunpack.i.u.bf16.f32 v3  }
0x91: {  	v3 =	vunpack.i.l.bf16.f32 v3;
	v11 =	vunpack.i.u.bf16.f32 v4;
	v4 =	vunpack.i.l.bf16.f32 v4;
	v12 =	vld [tilespmem:s0+$0x20]  }
0x92: {  	v13 =	vunpack.i.u.bf16.f32 v5;
	v5 =	vunpack.i.l.bf16.f32 v5;
	v14 =	vld [tilespmem:s0+$0x40];
	v3 =	vadd.f32 v3, v4  }
0x93: {  	v4 =	vld [tilespmem:s0+$0x50];
	v2 =	vadd.f32 v2, v5;
	v5 =	vadd.f32 v8, v13  }
0x94: {  	v8 =	vunpack.i.l.bf16.f32 v7;
	v13 =	vunpack.i.u.bf16.f32 v9;
	v9 =	vunpack.i.l.bf16.f32 v9;
	v15 =	vld [tilespmem:s0+$0x30]  }
0x95: {  	v0 =	vadd.f32 v3, v0;
	v16 =	vunpack.i.u.bf16.f32 v6;
	v6 =	vunpack.i.l.bf16.f32 v6;
	v17 =	vld [tilespmem:s0+$0xFFFFFFA0]  }
0x96: {  	v3 =	vunpack.i.u.bf16.f32 v7;
	v7 =	vld [tilespmem:s0+$0xFFFFFF70];
	v18 =	vunpack.i.u.bf16.f32 v12;
	v13 =	vadd.f32 v13, v16  }
0x97: {  	v12 =	vunpack.i.l.bf16.f32 v12;
	v16 =	vld [tilespmem:s0+$0xFFFFFFB0];
	v19 =	vunpack.i.u.bf16.f32 v14;
	v14 =	vunpack.i.l.bf16.f32 v14  }
0x98: {  	v10 =	vadd.f32 v10, v11;
	v20 =	vunpack.i.u.bf16.f32 v4;
	v4 =	vunpack.i.l.bf16.f32 v4  }
0x99: {  	v6 =	vadd.f32 v9, v6;
	v11 =	vunpack.i.u.bf16.f32 v15;
	v15 =	vunpack.i.l.bf16.f32 v15  }
0x9a: {  	v1 =	vadd.f32 v10, v1;
	v9 =	vunpack.i.u.bf16.f32 v17;
	v17 =	vunpack.i.l.bf16.f32 v17;
	v21 =	vld [tilespmem:s0+$0x90]  }
0x9b: {  	v4 =	vadd.f32 v4, v14;
	v10 =	vunpack.i.u.bf16.f32 v7;
	v7 =	vunpack.i.l.bf16.f32 v7;
	v22 =	vld [tilespmem:s0+$0x80]  }
0x9c: {  	v14 =	vunpack.i.l.bf16.f32 v16;
	v23 =	vld [tilespmem:s0+$0x70];
	v7 =	vadd.f32 v7, v8;
	v8 =	vadd.f32 v20, v19  }
0x9d: {  	v12 =	vadd.f32 v15, v12;
	v3 =	vadd.f32 v10, v3;
	v19 =	vld [tilespmem:s0+$0x60]  }
0x9e: {  	v10 =	vunpack.i.u.bf16.f32 v16;
	v14 =	vadd.f32 v14, v17;
	v6 =	vadd.f32 v6, v7  }
0x9f: {  	v11 =	vadd.f32 v11, v18;
	v3 =	vadd.f32 v13, v3;
	v7 =	vunpack.i.l.bf16.f32 v21  }
0xa0: {  	v4 =	vadd.f32 v4, v12;
	v9 =	vadd.f32 v10, v9;
	v13 =	vunpack.i.l.bf16.f32 v22  }
0xa1: {  	v8 =	vadd.f32 v8, v11;
	v10 =	vunpack.i.l.bf16.f32 v23;
	v7 =	vadd.f32 v7, v13  }
0xa2: {  	v2 =	vadd.f32 v2, v14;
	v5 =	vadd.f32 v5, v9;
	v11 =	vunpack.i.l.bf16.f32 v19  }
0xa3: {  	v12 =	vunpack.i.u.bf16.f32 v22;
	v9 =	vunpack.i.u.bf16.f32 v19;
	v10 =	vadd.f32 v10, v11  }
.Ltmp2:
0xa4: {  	v2 =	vadd.f32 v2, v6;
	v3 =	vadd.f32 v5, v3;
	v11 =	vunpack.i.u.bf16.f32 v21;
	(pc) =	sbr.rel @p0 .LBB2_6-.Ltmp2, $4  }
0xa5: {  	v4 =	vadd.f32 v4, v0;
	v5 =	vunpack.i.u.bf16.f32 v23;
	v6 =	vadd.f32 v8, v1  }
0xa6: {  	v5 =	vadd.f32 v5, v9;
	v8 =	vadd.f32 v11, v12  }
0xa7: {  	v1 =	vadd.f32 v4, v2;
	v0 =	vadd.f32 v7, v10  }
0xa8: {  	v3 =	vadd.f32 v6, v3;
	v2 =	vadd.f32 v8, v5  }
0xa9: {  	_ = 	snop  }
0xaa: {  	v0 =	vadd.f32 v0, v1;
	v1 =	vadd.f32 v2, v3;
	_ =	sdelay $0x1  }
0xab: {  	v0 =	vmul.f32 $5.000000070e-02, v0;
	v1 =	vmul.f32 $5.000000070e-02, v1;
	_ =	sdelay $0x1  }
0xac: {  	s0 =	sshra.s32 s2, $0x2;
	v0 =	vpack.i.f32.bf16 v1, v0  }
0xad: {  	s5 =	simm.s32 $0x0;
	[tilespmem:s0+$0xCA00] =	vst v0  }
0xae: {  	[hbm4b:s6+s5] =	stream.linear.scatter [tilespmem:s29], [sflag:$0x3], $0x400, $0x38;
	[tilespmem:$0xCE00] =	vst v63  }
0xaf: {  	_ =	swait.ge [sflag:s21], $0x400  }
0xb0: {  	[sflag:s21] =	ssyncset.done $0x0  }
0xb1: {  	[sflag:s21] =	ssyncadd.s32 $0xFFFFFC00  }
0xb2: {  	[tilespmem:s5], [sflag:$0x3] =	stream.linear.gather [hbm4b:s7+s5], $0x2000, $0x38;
	[tilespmem:$0xCE00] =	vst v63  }
0xb3: {  	_ =	swait.ge [sflag:s21], $0x2000  }
0xb4: {  	[sflag:s21] =	ssyncset.done $0x0  }
0xb5: {  	s0 =	simm.s32 $0x4;
	[sflag:s21] =	ssyncadd.s32 $0xFFFFE000  }
0xb6: {  	v0 =	vld [tilespmem:s0+$0xFFFFFFFC];
	_ =	sdelay $0x4  }
0xb7: {  	v1 =	vshll.u32 v0, $0x3  }
0xb8: {  	v2 =	vshrl.u32 v0, $0xC;
	v0 =	vand.u32 $0xFFFF8000, v0;
	v1 =	vand.u32 $0x7FF8, v1  }
0xb9: {  	v0 =	vor.u32 v0, v1;
	v1 =	vand.u32 $0x7, v2  }
0xba: {  	s2 =	simm.s32 $0x0;
	v0 =	vor.u32 v1, v0  }
0xbb: {  	[tilespmem:s2+$0x2000] =	vst v0  }
0xbc: {  	v0 =	vld [tilespmem:s0+$0x0];
	_ =	sdelay $0x4  }
0xbd: {  	v1 =	vshll.u32 v0, $0x3  }
0xbe: {  	v2 =	vshrl.u32 v0, $0xC;
	v0 =	vand.u32 $0xFFFF8000, v0;
	v1 =	vand.u32 $0x7FF8, v1  }
0xbf: {  	v0 =	vor.u32 v0, v1;
	v1 =	vand.u32 $0x7, v2  }
0xc0: {  	s1 =	simm.s32 $0x50;
	v0 =	vor.u32 v1, v0  }
.LBB2_8:
0xc1: {  	p0 =	sne.s32 s1, $0x13B0  }
0xc2: {  	[tilespmem:s2+$0x2004] =	vst v0;
	s0 =	sadd.s32 $0x80, s0;
	s2 =	smov.u32 s1;
	s1 =	sadd.s32 $0x50, s1  }
0xc3: {  	v0 =	vld [tilespmem:s0+$0xFFFFFFFC];
	_ =	sdelay $0x4  }
0xc4: {  	v1 =	vshll.u32 v0, $0x3;
	v2 =	vshrl.u32 v0, $0xC  }
0xc5: {  	v0 =	vand.u32 $0xFFFF8000, v0;
	v1 =	vand.u32 $0x7FF8, v1  }
0xc6: {  	v0 =	vor.u32 v0, v1;
	v1 =	vand.u32 $0x7, v2  }
0xc7: {  	s2 =	sshra.s32 s2, $0x2;
	v0 =	vor.u32 v1, v0  }
0xc8: {  	[tilespmem:s2+$0x2000] =	vst v0  }
0xc9: {  	v0 =	vld [tilespmem:s0+$0x0];
	_ =	sdelay $0x3  }
.Ltmp3:
0xca: {  	(pc) =	sbr.rel @p0 .LBB2_8-.Ltmp3, $4  }
0xcb: {  	v1 =	vshll.u32 v0, $0x3;
	v2 =	vshrl.u32 v0, $0xC  }
0xcc: {  	v0 =	vand.u32 $0xFFFF8000, v0;
	v1 =	vand.u32 $0x7FF8, v1  }
0xcd: {  	v0 =	vor.u32 v0, v1;
	v1 =	vand.u32 $0x7, v2  }
0xce: {  	v0 =	vor.u32 v1, v0  }
0xcf: {  	[tilespmem:s2+$0x2004] =	vst v0  }
0xd0: {  	[tilespmem:s24], [sflag:$0x1] =	stream.indirect.gather [hbm4b:s3+s22], $0x10, s23, s22, $0xb8;
	[tilespmem:$0xCE00] =	vst v63  }
0xd1: {  	_ =	swait.ge [sflag:s30], $0x5000  }
0xd2: {  	[sflag:s30] =	ssyncset.done $0x0  }
0xd3: {  	s0 =	simm.s32 $0x7AA0;
	[sflag:s30] =	ssyncadd.s32 $0xFFFFB000  }
0xd4: {  	v0 =	vld [tilespmem:s0+$0xFFFFFFE0]  }
0xd5: {  	v1 =	vld [tilespmem:s0+$0xFFFFFFF0]  }
0xd6: {  	v2 =	vld [tilespmem:s0+$0xFFFFFFD0]  }
0xd7: {  	v3 =	vld [tilespmem:s0+$0x10]  }
0xd8: {  	v4 =	vld [tilespmem:s0+$0x0]  }
0xd9: {  	v5 =	vld [tilespmem:s0+$0xFFFFFFC0]  }
0xda: {  	v7 =	vld [tilespmem:s0+$0xFFFFFF60]  }
0xdb: {  	v9 =	vld [tilespmem:s0+$0xFFFFFF90]  }
0xdc: {  	v40 =	vld [tilespmem:s0+$0xFFFFFF80]  }
0xdd: {  	v12 =	vld [tilespmem:s0+$0x20]  }
0xde: {  	v14 =	vld [tilespmem:s0+$0x40];
	v6 =	vunpack.i.u.bf16.f32 v0  }
0xdf: {  	v15 =	vld [tilespmem:s0+$0x30];
	v0 =	vunpack.i.l.bf16.f32 v0;
	v8 =	vunpack.i.u.bf16.f32 v1;
	v1 =	vunpack.i.l.bf16.f32 v1  }
0xe0: {  	v17 =	vld [tilespmem:s0+$0xFFFFFFA0];
	v41 =	vunpack.i.u.bf16.f32 v2;
	v2 =	vunpack.i.l.bf16.f32 v2;
	v10 =	vunpack.i.u.bf16.f32 v3  }
0xe1: {  	v44 =	vld [tilespmem:s0+$0xFFFFFF70];
	v11 =	vunpack.i.u.bf16.f32 v4;
	v4 =	vunpack.i.l.bf16.f32 v4;
	v3 =	vunpack.i.l.bf16.f32 v3  }
0xe2: {  	v19 =	vld [tilespmem:s0+$0xFFFFFFB0];
	v13 =	vunpack.i.l.bf16.f32 v5;
	v5 =	vunpack.i.u.bf16.f32 v5;
	v42 =	vunpack.i.l.bf16.f32 v7  }
0xe3: {  	v21 =	vld [tilespmem:s0+$0x90];
	v43 =	vunpack.i.u.bf16.f32 v9;
	v9 =	vunpack.i.l.bf16.f32 v9;
	v16 =	vunpack.i.u.bf16.f32 v40  }
0xe4: {  	v49 =	vld [tilespmem:s0+$0x70];
	v18 =	vunpack.i.u.bf16.f32 v12;
	v12 =	vunpack.i.l.bf16.f32 v12;
	v45 =	vunpack.i.u.bf16.f32 v14  }
0xe5: {  	v22 =	vld [tilespmem:s0+$0x80];
	v14 =	vunpack.i.l.bf16.f32 v14;
	v46 =	vunpack.i.u.bf16.f32 v15;
	v15 =	vunpack.i.l.bf16.f32 v15  }
0xe6: {  	v47 =	vunpack.i.u.bf16.f32 v17;
	v17 =	vunpack.i.l.bf16.f32 v17;
	v48 =	vunpack.i.l.bf16.f32 v44  }
0xe7: {  	v51 =	vunpack.i.l.bf16.f32 v19;
	v53 =	vunpack.i.u.bf16.f32 v19;
	v0 =	vadd.f32 v1, v0  }
0xe8: {  	v52 =	vld [tilespmem:s0+$0x60];
	v55 =	vunpack.i.l.bf16.f32 v21;
	v1 =	vadd.f32 v8, v6;
	v3 =	vadd.f32 v3, v4  }
0xe9: {  	v57 =	vunpack.i.l.bf16.f32 v49;
	v2 =	vadd.f32 v2, v13;
	v5 =	vadd.f32 v41, v5  }
0xea: {  	v60 =	vunpack.i.u.bf16.f32 v22;
	v13 =	vadd.f32 v43, v16;
	v10 =	vadd.f32 v10, v11  }
0xeb: {  	v61 =	vunpack.i.u.bf16.f32 v21;
	v8 =	vadd.f32 v48, v42;
	v12 =	vadd.f32 v15, v12  }
0xec: {  	v4 =	vld [tilespmem:s0+$0x50];
	v6 =	vunpack.i.l.bf16.f32 v40;
	v54 =	vadd.f32 v51, v17;
	v11 =	vadd.f32 v46, v18  }
0xed: {  	v58 =	vunpack.i.l.bf16.f32 v52;
	v63 =	vadd.f32 v61, v60;
	v6 =	vadd.f32 v9, v6  }
0xee: {  	v9 =	vadd.f32 v57, v58;
	v0 =	vadd.f32 v3, v0;
	v3 =	vunpack.i.u.bf16.f32 v7  }
0xef: {  	v1 =	vadd.f32 v10, v1;
	v7 =	vunpack.i.u.bf16.f32 v44;
	v2 =	vadd.f32 v2, v54  }
0xf0: {  	v56 =	vunpack.i.l.bf16.f32 v22;
	v3 =	vadd.f32 v7, v3;
	v6 =	vadd.f32 v6, v8  }
0xf1: {  	v7 =	vadd.f32 v53, v47;
	v20 =	vunpack.i.u.bf16.f32 v4;
	v4 =	vunpack.i.l.bf16.f32 v4  }
0xf2: {  	v8 =	vadd.f32 v55, v56;
	v4 =	vadd.f32 v4, v14  }
0xf3: {  	v3 =	vadd.f32 v13, v3;
	v50 =	vadd.f32 v20, v45  }
0xf4: {  	v5 =	vadd.f32 v5, v7;
	v4 =	vadd.f32 v4, v12  }
0xf5: {  	v59 =	vunpack.i.u.bf16.f32 v52;
	v2 =	vadd.f32 v2, v6;
	v10 =	vadd.f32 v50, v11  }
0xf6: {  	v3 =	vadd.f32 v5, v3;
	v5 =	vunpack.i.u.bf16.f32 v49;
	v4 =	vadd.f32 v4, v0  }
0xf7: {  	v5 =	vadd.f32 v5, v59;
	v62 =	vadd.f32 v10, v1  }
0xf8: {  	v0 =	vadd.f32 v8, v9;
	v1 =	vadd.f32 v4, v2  }
0xf9: {  	s2 =	simm.s32 $0x0;
	s1 =	simm.s32 $0x40;
	v2 =	vadd.f32 v63, v5;
	v3 =	vadd.f32 v62, v3  }
.LBB2_10:
0xfa: {  	p0 =	sne.s32 s1, $0xFC0  }
0xfb: {  	s0 =	sadd.s32 $0x140, s0;
	s4 =	smov.u32 s1;
	s1 =	sadd.s32 $0x40, s1  }
0xfc: {  	v0 =	vadd.f32 v0, v1;
	v1 =	vadd.f32 v2, v3;
	_ =	sdelay $0x1  }
0xfd: {  	v0 =	vmul.f32 $5.000000070e-02, v0;
	v1 =	vmul.f32 $5.000000070e-02, v1;
	_ =	sdelay $0x1  }
0xfe: {  	s5 =	sshra.s32 s2, $0x2;
	s2 =	smov.u32 s4;
	v0 =	vpack.i.f32.bf16 v1, v0  }
0xff: {  	[tilespmem:s5+$0xCA00] =	vst v0  }
0x100: {  	v0 =	vld [tilespmem:s0+$0xFFFFFFE0]  }
0x101: {  	v1 =	vld [tilespmem:s0+$0xFFFFFFF0]  }
0x102: {  	v2 =	vld [tilespmem:s0+$0xFFFFFFD0]  }
0x103: {  	v3 =	vld [tilespmem:s0+$0x10]  }
0x104: {  	v4 =	vld [tilespmem:s0+$0x0]  }
0x105: {  	v5 =	vld [tilespmem:s0+$0xFFFFFFC0];
	v6 =	vunpack.i.u.bf16.f32 v0;
	v0 =	vunpack.i.l.bf16.f32 v0  }
0x106: {  	v7 =	vld [tilespmem:s0+$0xFFFFFF60];
	v8 =	vunpack.i.u.bf16.f32 v1;
	v1 =	vunpack.i.l.bf16.f32 v1  }
0x107: {  	v9 =	vld [tilespmem:s0+$0xFFFFFF90];
	v0 =	vadd.f32 v1, v0;
	v1 =	vadd.f32 v8, v6  }
0x108: {  	v8 =	vunpack.i.u.bf16.f32 v2;
	v2 =	vunpack.i.l.bf16.f32 v2;
	v6 =	vld [tilespmem:s0+$0xFFFFFF80];
	v10 =	vunpack.i.u.bf16.f32 v3  }
0x109: {  	v3 =	vunpack.i.l.bf16.f32 v3;
	v11 =	vunpack.i.u.bf16.f32 v4;
	v4 =	vunpack.i.l.bf16.f32 v4;
	v12 =	vld [tilespmem:s0+$0x20]  }
0x10a: {  	v13 =	vunpack.i.u.bf16.f32 v5;
	v5 =	vunpack.i.l.bf16.f32 v5;
	v14 =	vld [tilespmem:s0+$0x40];
	v3 =	vadd.f32 v3, v4  }
0x10b: {  	v4 =	vld [tilespmem:s0+$0x50];
	v2 =	vadd.f32 v2, v5;
	v5 =	vadd.f32 v8, v13  }
0x10c: {  	v8 =	vunpack.i.l.bf16.f32 v7;
	v13 =	vunpack.i.u.bf16.f32 v9;
	v9 =	vunpack.i.l.bf16.f32 v9;
	v15 =	vld [tilespmem:s0+$0x30]  }
0x10d: {  	v0 =	vadd.f32 v3, v0;
	v16 =	vunpack.i.u.bf16.f32 v6;
	v6 =	vunpack.i.l.bf16.f32 v6;
	v17 =	vld [tilespmem:s0+$0xFFFFFFA0]  }
0x10e: {  	v3 =	vunpack.i.u.bf16.f32 v7;
	v7 =	vld [tilespmem:s0+$0xFFFFFF70];
	v18 =	vunpack.i.u.bf16.f32 v12;
	v13 =	vadd.f32 v13, v16  }
0x10f: {  	v12 =	vunpack.i.l.bf16.f32 v12;
	v16 =	vld [tilespmem:s0+$0xFFFFFFB0];
	v19 =	vunpack.i.u.bf16.f32 v14;
	v14 =	vunpack.i.l.bf16.f32 v14  }
0x110: {  	v10 =	vadd.f32 v10, v11;
	v20 =	vunpack.i.u.bf16.f32 v4;
	v4 =	vunpack.i.l.bf16.f32 v4  }
0x111: {  	v6 =	vadd.f32 v9, v6;
	v11 =	vunpack.i.u.bf16.f32 v15;
	v15 =	vunpack.i.l.bf16.f32 v15  }
0x112: {  	v1 =	vadd.f32 v10, v1;
	v9 =	vunpack.i.u.bf16.f32 v17;
	v17 =	vunpack.i.l.bf16.f32 v17;
	v21 =	vld [tilespmem:s0+$0x90]  }
0x113: {  	v4 =	vadd.f32 v4, v14;
	v10 =	vunpack.i.u.bf16.f32 v7;
	v7 =	vunpack.i.l.bf16.f32 v7;
	v22 =	vld [tilespmem:s0+$0x80]  }
0x114: {  	v14 =	vunpack.i.l.bf16.f32 v16;
	v23 =	vld [tilespmem:s0+$0x70];
	v7 =	vadd.f32 v7, v8;
	v8 =	vadd.f32 v20, v19  }
0x115: {  	v12 =	vadd.f32 v15, v12;
	v3 =	vadd.f32 v10, v3;
	v19 =	vld [tilespmem:s0+$0x60]  }
0x116: {  	v10 =	vunpack.i.u.bf16.f32 v16;
	v14 =	vadd.f32 v14, v17;
	v6 =	vadd.f32 v6, v7  }
0x117: {  	v11 =	vadd.f32 v11, v18;
	v3 =	vadd.f32 v13, v3;
	v7 =	vunpack.i.l.bf16.f32 v21  }
0x118: {  	v4 =	vadd.f32 v4, v12;
	v9 =	vadd.f32 v10, v9;
	v13 =	vunpack.i.l.bf16.f32 v22  }
0x119: {  	v8 =	vadd.f32 v8, v11;
	v10 =	vunpack.i.l.bf16.f32 v23;
	v7 =	vadd.f32 v7, v13  }
0x11a: {  	v2 =	vadd.f32 v2, v14;
	v5 =	vadd.f32 v5, v9;
	v11 =	vunpack.i.l.bf16.f32 v19  }
0x11b: {  	v12 =	vunpack.i.u.bf16.f32 v22;
	v9 =	vunpack.i.u.bf16.f32 v19;
	v10 =	vadd.f32 v10, v11  }
.Ltmp4:
0x11c: {  	v2 =	vadd.f32 v2, v6;
	v3 =	vadd.f32 v5, v3;
	v11 =	vunpack.i.u.bf16.f32 v21;
	(pc) =	sbr.rel @p0 .LBB2_10-.Ltmp4, $4  }
0x11d: {  	v4 =	vadd.f32 v4, v0;
	v5 =	vunpack.i.u.bf16.f32 v23;
	v6 =	vadd.f32 v8, v1  }
0x11e: {  	v5 =	vadd.f32 v5, v9;
	v8 =	vadd.f32 v11, v12  }
0x11f: {  	v1 =	vadd.f32 v4, v2;
	v0 =	vadd.f32 v7, v10  }
0x120: {  	v3 =	vadd.f32 v6, v3;
	v2 =	vadd.f32 v8, v5  }
0x121: {  	_ = 	snop  }
0x122: {  	v0 =	vadd.f32 v0, v1;
	v1 =	vadd.f32 v2, v3;
	_ =	sdelay $0x1  }
0x123: {  	v0 =	vmul.f32 $5.000000070e-02, v0;
	v1 =	vmul.f32 $5.000000070e-02, v1;
	_ =	sdelay $0x1  }
0x124: {  	s0 =	sshra.s32 s2, $0x2;
	v0 =	vpack.i.f32.bf16 v1, v0  }
0x125: {  	s5 =	simm.s32 $0x0;
	[tilespmem:s0+$0xCA00] =	vst v0  }
0x126: {  	[hbm4b:s8+s5] =	stream.linear.scatter [tilespmem:s29], [sflag:$0x3], $0x400, $0x38;
	[tilespmem:$0xCE00] =	vst v63  }
0x127: {  	_ =	swait.ge [sflag:s21], $0x400  }
0x128: {  	[sflag:s21] =	ssyncset.done $0x0  }
0x129: {  	[sflag:s21] =	ssyncadd.s32 $0xFFFFFC00  }
0x12a: {  	[tilespmem:s5], [sflag:$0x3] =	stream.linear.gather [hbm4b:s9+s5], $0x2000, $0x38;
	[tilespmem:$0xCE00] =	vst v63  }
0x12b: {  	_ =	swait.ge [sflag:s21], $0x2000  }
0x12c: {  	[sflag:s21] =	ssyncset.done $0x0  }
0x12d: {  	s0 =	simm.s32 $0x4;
	[sflag:s21] =	ssyncadd.s32 $0xFFFFE000  }
0x12e: {  	v0 =	vld [tilespmem:s0+$0xFFFFFFFC];
	_ =	sdelay $0x4  }
0x12f: {  	v1 =	vshll.u32 v0, $0x3  }
0x130: {  	v2 =	vshrl.u32 v0, $0xC;
	v0 =	vand.u32 $0xFFFF8000, v0;
	v1 =	vand.u32 $0x7FF8, v1  }
0x131: {  	v0 =	vor.u32 v0, v1;
	v1 =	vand.u32 $0x7, v2  }
0x132: {  	s2 =	simm.s32 $0x0;
	v0 =	vor.u32 v1, v0  }
0x133: {  	[tilespmem:s2+$0x2500] =	vst v0  }
0x134: {  	v0 =	vld [tilespmem:s0+$0x0];
	_ =	sdelay $0x4  }
0x135: {  	v1 =	vshll.u32 v0, $0x3  }
0x136: {  	v2 =	vshrl.u32 v0, $0xC;
	v0 =	vand.u32 $0xFFFF8000, v0;
	v1 =	vand.u32 $0x7FF8, v1  }
0x137: {  	v0 =	vor.u32 v0, v1;
	v1 =	vand.u32 $0x7, v2  }
0x138: {  	s1 =	simm.s32 $0x50;
	v0 =	vor.u32 v1, v0  }
.LBB2_12:
0x139: {  	p0 =	sne.s32 s1, $0x13B0  }
0x13a: {  	[tilespmem:s2+$0x2504] =	vst v0;
	s0 =	sadd.s32 $0x80, s0;
	s2 =	smov.u32 s1;
	s1 =	sadd.s32 $0x50, s1  }
0x13b: {  	v0 =	vld [tilespmem:s0+$0xFFFFFFFC];
	_ =	sdelay $0x4  }
0x13c: {  	v1 =	vshll.u32 v0, $0x3;
	v2 =	vshrl.u32 v0, $0xC  }
0x13d: {  	v0 =	vand.u32 $0xFFFF8000, v0;
	v1 =	vand.u32 $0x7FF8, v1  }
0x13e: {  	v0 =	vor.u32 v0, v1;
	v1 =	vand.u32 $0x7, v2  }
0x13f: {  	s2 =	sshra.s32 s2, $0x2;
	v0 =	vor.u32 v1, v0  }
0x140: {  	[tilespmem:s2+$0x2500] =	vst v0  }
0x141: {  	v0 =	vld [tilespmem:s0+$0x0];
	_ =	sdelay $0x3  }
.Ltmp5:
0x142: {  	(pc) =	sbr.rel @p0 .LBB2_12-.Ltmp5, $4  }
0x143: {  	v1 =	vshll.u32 v0, $0x3;
	v2 =	vshrl.u32 v0, $0xC  }
0x144: {  	v0 =	vand.u32 $0xFFFF8000, v0;
	v1 =	vand.u32 $0x7FF8, v1  }
0x145: {  	v0 =	vor.u32 v0, v1;
	v1 =	vand.u32 $0x7, v2  }
0x146: {  	v0 =	vor.u32 v1, v0  }
0x147: {  	[tilespmem:s2+$0x2504] =	vst v0  }
0x148: {  	[tilespmem:s26], [sflag:$0x2] =	stream.indirect.gather [hbm4b:s3+s22], $0x10, s25, s22, $0xb8;
	[tilespmem:$0xCE00] =	vst v63  }
0x149: {  	_ =	swait.ge [sflag:s28], $0x5000  }
0x14a: {  	[sflag:s28] =	ssyncset.done $0x0  }
0x14b: {  	s0 =	simm.s32 $0x2AA0;
	[sflag:s28] =	ssyncadd.s32 $0xFFFFB000  }
0x14c: {  	v0 =	vld [tilespmem:s0+$0xFFFFFFE0]  }
0x14d: {  	v1 =	vld [tilespmem:s0+$0xFFFFFFF0]  }
0x14e: {  	v2 =	vld [tilespmem:s0+$0xFFFFFFD0]  }
0x14f: {  	v3 =	vld [tilespmem:s0+$0x10]  }
0x150: {  	v4 =	vld [tilespmem:s0+$0x0]  }
0x151: {  	v5 =	vld [tilespmem:s0+$0xFFFFFFC0]  }
0x152: {  	v7 =	vld [tilespmem:s0+$0xFFFFFF60]  }
0x153: {  	v9 =	vld [tilespmem:s0+$0xFFFFFF90]  }
0x154: {  	v40 =	vld [tilespmem:s0+$0xFFFFFF80]  }
0x155: {  	v12 =	vld [tilespmem:s0+$0x20]  }
0x156: {  	v14 =	vld [tilespmem:s0+$0x40];
	v6 =	vunpack.i.u.bf16.f32 v0  }
0x157: {  	v15 =	vld [tilespmem:s0+$0x30];
	v0 =	vunpack.i.l.bf16.f32 v0;
	v8 =	vunpack.i.u.bf16.f32 v1;
	v1 =	vunpack.i.l.bf16.f32 v1  }
0x158: {  	v17 =	vld [tilespmem:s0+$0xFFFFFFA0];
	v41 =	vunpack.i.u.bf16.f32 v2;
	v2 =	vunpack.i.l.bf16.f32 v2;
	v10 =	vunpack.i.u.bf16.f32 v3  }
0x159: {  	v44 =	vld [tilespmem:s0+$0xFFFFFF70];
	v11 =	vunpack.i.u.bf16.f32 v4;
	v4 =	vunpack.i.l.bf16.f32 v4;
	v3 =	vunpack.i.l.bf16.f32 v3  }
0x15a: {  	v19 =	vld [tilespmem:s0+$0xFFFFFFB0];
	v13 =	vunpack.i.l.bf16.f32 v5;
	v5 =	vunpack.i.u.bf16.f32 v5;
	v42 =	vunpack.i.l.bf16.f32 v7  }
0x15b: {  	v21 =	vld [tilespmem:s0+$0x90];
	v43 =	vunpack.i.u.bf16.f32 v9;
	v9 =	vunpack.i.l.bf16.f32 v9;
	v16 =	vunpack.i.u.bf16.f32 v40  }
0x15c: {  	v49 =	vld [tilespmem:s0+$0x70];
	v18 =	vunpack.i.u.bf16.f32 v12;
	v12 =	vunpack.i.l.bf16.f32 v12;
	v45 =	vunpack.i.u.bf16.f32 v14  }
0x15d: {  	v22 =	vld [tilespmem:s0+$0x80];
	v14 =	vunpack.i.l.bf16.f32 v14;
	v46 =	vunpack.i.u.bf16.f32 v15;
	v15 =	vunpack.i.l.bf16.f32 v15  }
0x15e: {  	v47 =	vunpack.i.u.bf16.f32 v17;
	v17 =	vunpack.i.l.bf16.f32 v17;
	v48 =	vunpack.i.l.bf16.f32 v44  }
0x15f: {  	v51 =	vunpack.i.l.bf16.f32 v19;
	v53 =	vunpack.i.u.bf16.f32 v19;
	v0 =	vadd.f32 v1, v0  }
0x160: {  	v52 =	vld [tilespmem:s0+$0x60];
	v55 =	vunpack.i.l.bf16.f32 v21;
	v1 =	vadd.f32 v8, v6;
	v3 =	vadd.f32 v3, v4  }
0x161: {  	v57 =	vunpack.i.l.bf16.f32 v49;
	v2 =	vadd.f32 v2, v13;
	v5 =	vadd.f32 v41, v5  }
0x162: {  	v60 =	vunpack.i.u.bf16.f32 v22;
	v13 =	vadd.f32 v43, v16;
	v10 =	vadd.f32 v10, v11  }
0x163: {  	v61 =	vunpack.i.u.bf16.f32 v21;
	v8 =	vadd.f32 v48, v42;
	v12 =	vadd.f32 v15, v12  }
0x164: {  	v4 =	vld [tilespmem:s0+$0x50];
	v6 =	vunpack.i.l.bf16.f32 v40;
	v54 =	vadd.f32 v51, v17;
	v11 =	vadd.f32 v46, v18  }
0x165: {  	v58 =	vunpack.i.l.bf16.f32 v52;
	v63 =	vadd.f32 v61, v60;
	v6 =	vadd.f32 v9, v6  }
0x166: {  	v9 =	vadd.f32 v57, v58;
	v0 =	vadd.f32 v3, v0;
	v3 =	vunpack.i.u.bf16.f32 v7  }
0x167: {  	v1 =	vadd.f32 v10, v1;
	v7 =	vunpack.i.u.bf16.f32 v44;
	v2 =	vadd.f32 v2, v54  }
0x168: {  	v56 =	vunpack.i.l.bf16.f32 v22;
	v3 =	vadd.f32 v7, v3;
	v6 =	vadd.f32 v6, v8  }
0x169: {  	v7 =	vadd.f32 v53, v47;
	v20 =	vunpack.i.u.bf16.f32 v4;
	v4 =	vunpack.i.l.bf16.f32 v4  }
0x16a: {  	v8 =	vadd.f32 v55, v56;
	v4 =	vadd.f32 v4, v14  }
0x16b: {  	v3 =	vadd.f32 v13, v3;
	v50 =	vadd.f32 v20, v45  }
0x16c: {  	v5 =	vadd.f32 v5, v7;
	v4 =	vadd.f32 v4, v12  }
0x16d: {  	v59 =	vunpack.i.u.bf16.f32 v52;
	v2 =	vadd.f32 v2, v6;
	v10 =	vadd.f32 v50, v11  }
0x16e: {  	v3 =	vadd.f32 v5, v3;
	v5 =	vunpack.i.u.bf16.f32 v49;
	v4 =	vadd.f32 v4, v0  }
0x16f: {  	v5 =	vadd.f32 v5, v59;
	v62 =	vadd.f32 v10, v1  }
0x170: {  	v0 =	vadd.f32 v8, v9;
	v1 =	vadd.f32 v4, v2  }
0x171: {  	s2 =	simm.s32 $0x0;
	s1 =	simm.s32 $0x40;
	v2 =	vadd.f32 v63, v5;
	v3 =	vadd.f32 v62, v3  }
.LBB2_14:
0x172: {  	p0 =	sne.s32 s1, $0xFC0  }
0x173: {  	s0 =	sadd.s32 $0x140, s0;
	s4 =	smov.u32 s1;
	s1 =	sadd.s32 $0x40, s1  }
0x174: {  	v0 =	vadd.f32 v0, v1;
	v1 =	vadd.f32 v2, v3;
	_ =	sdelay $0x1  }
0x175: {  	v0 =	vmul.f32 $5.000000070e-02, v0;
	v1 =	vmul.f32 $5.000000070e-02, v1;
	_ =	sdelay $0x1  }
0x176: {  	s5 =	sshra.s32 s2, $0x2;
	s2 =	smov.u32 s4;
	v0 =	vpack.i.f32.bf16 v1, v0  }
0x177: {  	[tilespmem:s5+$0xCA00] =	vst v0  }
0x178: {  	v0 =	vld [tilespmem:s0+$0xFFFFFFE0]  }
0x179: {  	v1 =	vld [tilespmem:s0+$0xFFFFFFF0]  }
0x17a: {  	v2 =	vld [tilespmem:s0+$0xFFFFFFD0]  }
0x17b: {  	v3 =	vld [tilespmem:s0+$0x10]  }
0x17c: {  	v4 =	vld [tilespmem:s0+$0x0]  }
0x17d: {  	v5 =	vld [tilespmem:s0+$0xFFFFFFC0];
	v6 =	vunpack.i.u.bf16.f32 v0;
	v0 =	vunpack.i.l.bf16.f32 v0  }
0x17e: {  	v7 =	vld [tilespmem:s0+$0xFFFFFF60];
	v8 =	vunpack.i.u.bf16.f32 v1;
	v1 =	vunpack.i.l.bf16.f32 v1  }
0x17f: {  	v9 =	vld [tilespmem:s0+$0xFFFFFF90];
	v0 =	vadd.f32 v1, v0;
	v1 =	vadd.f32 v8, v6  }
0x180: {  	v8 =	vunpack.i.u.bf16.f32 v2;
	v2 =	vunpack.i.l.bf16.f32 v2;
	v6 =	vld [tilespmem:s0+$0xFFFFFF80];
	v10 =	vunpack.i.u.bf16.f32 v3  }
0x181: {  	v3 =	vunpack.i.l.bf16.f32 v3;
	v11 =	vunpack.i.u.bf16.f32 v4;
	v4 =	vunpack.i.l.bf16.f32 v4;
	v12 =	vld [tilespmem:s0+$0x20]  }
0x182: {  	v13 =	vunpack.i.u.bf16.f32 v5;
	v5 =	vunpack.i.l.bf16.f32 v5;
	v14 =	vld [tilespmem:s0+$0x40];
	v3 =	vadd.f32 v3, v4  }
0x183: {  	v4 =	vld [tilespmem:s0+$0x50];
	v2 =	vadd.f32 v2, v5;
	v5 =	vadd.f32 v8, v13  }
0x184: {  	v8 =	vunpack.i.l.bf16.f32 v7;
	v13 =	vunpack.i.u.bf16.f32 v9;
	v9 =	vunpack.i.l.bf16.f32 v9;
	v15 =	vld [tilespmem:s0+$0x30]  }
0x185: {  	v0 =	vadd.f32 v3, v0;
	v16 =	vunpack.i.u.bf16.f32 v6;
	v6 =	vunpack.i.l.bf16.f32 v6;
	v17 =	vld [tilespmem:s0+$0xFFFFFFA0]  }
0x186: {  	v3 =	vunpack.i.u.bf16.f32 v7;
	v7 =	vld [tilespmem:s0+$0xFFFFFF70];
	v18 =	vunpack.i.u.bf16.f32 v12;
	v13 =	vadd.f32 v13, v16  }
0x187: {  	v12 =	vunpack.i.l.bf16.f32 v12;
	v16 =	vld [tilespmem:s0+$0xFFFFFFB0];
	v19 =	vunpack.i.u.bf16.f32 v14;
	v14 =	vunpack.i.l.bf16.f32 v14  }
0x188: {  	v10 =	vadd.f32 v10, v11;
	v20 =	vunpack.i.u.bf16.f32 v4;
	v4 =	vunpack.i.l.bf16.f32 v4  }
0x189: {  	v6 =	vadd.f32 v9, v6;
	v11 =	vunpack.i.u.bf16.f32 v15;
	v15 =	vunpack.i.l.bf16.f32 v15  }
0x18a: {  	v1 =	vadd.f32 v10, v1;
	v9 =	vunpack.i.u.bf16.f32 v17;
	v17 =	vunpack.i.l.bf16.f32 v17;
	v21 =	vld [tilespmem:s0+$0x90]  }
0x18b: {  	v4 =	vadd.f32 v4, v14;
	v10 =	vunpack.i.u.bf16.f32 v7;
	v7 =	vunpack.i.l.bf16.f32 v7;
	v22 =	vld [tilespmem:s0+$0x80]  }
0x18c: {  	v14 =	vunpack.i.l.bf16.f32 v16;
	v23 =	vld [tilespmem:s0+$0x70];
	v7 =	vadd.f32 v7, v8;
	v8 =	vadd.f32 v20, v19  }
0x18d: {  	v12 =	vadd.f32 v15, v12;
	v3 =	vadd.f32 v10, v3;
	v19 =	vld [tilespmem:s0+$0x60]  }
0x18e: {  	v10 =	vunpack.i.u.bf16.f32 v16;
	v14 =	vadd.f32 v14, v17;
	v6 =	vadd.f32 v6, v7  }
0x18f: {  	v11 =	vadd.f32 v11, v18;
	v3 =	vadd.f32 v13, v3;
	v7 =	vunpack.i.l.bf16.f32 v21  }
0x190: {  	v4 =	vadd.f32 v4, v12;
	v9 =	vadd.f32 v10, v9;
	v13 =	vunpack.i.l.bf16.f32 v22  }
0x191: {  	v8 =	vadd.f32 v8, v11;
	v10 =	vunpack.i.l.bf16.f32 v23;
	v7 =	vadd.f32 v7, v13  }
0x192: {  	v2 =	vadd.f32 v2, v14;
	v5 =	vadd.f32 v5, v9;
	v11 =	vunpack.i.l.bf16.f32 v19  }
0x193: {  	v12 =	vunpack.i.u.bf16.f32 v22;
	v9 =	vunpack.i.u.bf16.f32 v19;
	v10 =	vadd.f32 v10, v11  }
.Ltmp6:
0x194: {  	v2 =	vadd.f32 v2, v6;
	v3 =	vadd.f32 v5, v3;
	v11 =	vunpack.i.u.bf16.f32 v21;
	(pc) =	sbr.rel @p0 .LBB2_14-.Ltmp6, $4  }
0x195: {  	v4 =	vadd.f32 v4, v0;
	v5 =	vunpack.i.u.bf16.f32 v23;
	v6 =	vadd.f32 v8, v1  }
0x196: {  	v5 =	vadd.f32 v5, v9;
	v8 =	vadd.f32 v11, v12  }
0x197: {  	v1 =	vadd.f32 v4, v2;
	v0 =	vadd.f32 v7, v10  }
0x198: {  	v3 =	vadd.f32 v6, v3;
	v2 =	vadd.f32 v8, v5  }
0x199: {  	_ = 	snop  }
0x19a: {  	v0 =	vadd.f32 v0, v1;
	v1 =	vadd.f32 v2, v3;
	_ =	sdelay $0x1  }
0x19b: {  	v0 =	vmul.f32 $5.000000070e-02, v0;
	v1 =	vmul.f32 $5.000000070e-02, v1;
	_ =	sdelay $0x1  }
0x19c: {  	s0 =	sshra.s32 s2, $0x2;
	v0 =	vpack.i.f32.bf16 v1, v0  }
0x19d: {  	s5 =	simm.s32 $0x0;
	[tilespmem:s0+$0xCA00] =	vst v0  }
0x19e: {  	[hbm4b:s10+s5] =	stream.linear.scatter [tilespmem:s29], [sflag:$0x3], $0x400, $0x38;
	[tilespmem:$0xCE00] =	vst v63  }
0x19f: {  	_ =	swait.ge [sflag:s21], $0x400  }
0x1a0: {  	[sflag:s21] =	ssyncset.done $0x0  }
0x1a1: {  	[sflag:s21] =	ssyncadd.s32 $0xFFFFFC00  }
0x1a2: {  	[tilespmem:s5], [sflag:$0x3] =	stream.linear.gather [hbm4b:s11+s5], $0x2000, $0x38;
	[tilespmem:$0xCE00] =	vst v63  }
0x1a3: {  	_ =	swait.ge [sflag:s21], $0x2000  }
0x1a4: {  	[sflag:s21] =	ssyncset.done $0x0  }
0x1a5: {  	s0 =	simm.s32 $0x4;
	[sflag:s21] =	ssyncadd.s32 $0xFFFFE000  }
0x1a6: {  	v0 =	vld [tilespmem:s0+$0xFFFFFFFC];
	_ =	sdelay $0x4  }
0x1a7: {  	v1 =	vshll.u32 v0, $0x3  }
0x1a8: {  	v2 =	vshrl.u32 v0, $0xC;
	v0 =	vand.u32 $0xFFFF8000, v0;
	v1 =	vand.u32 $0x7FF8, v1  }
0x1a9: {  	v0 =	vor.u32 v0, v1;
	v1 =	vand.u32 $0x7, v2  }
0x1aa: {  	s2 =	simm.s32 $0x0;
	v0 =	vor.u32 v1, v0  }
0x1ab: {  	[tilespmem:s2+$0x2000] =	vst v0  }
0x1ac: {  	v0 =	vld [tilespmem:s0+$0x0];
	_ =	sdelay $0x4  }
0x1ad: {  	v1 =	vshll.u32 v0, $0x3  }
0x1ae: {  	v2 =	vshrl.u32 v0, $0xC;
	v0 =	vand.u32 $0xFFFF8000, v0;
	v1 =	vand.u32 $0x7FF8, v1  }
0x1af: {  	v0 =	vor.u32 v0, v1;
	v1 =	vand.u32 $0x7, v2  }
0x1b0: {  	s1 =	simm.s32 $0x50;
	v0 =	vor.u32 v1, v0  }
.LBB2_16:
0x1b1: {  	p0 =	sne.s32 s1, $0x13B0  }
0x1b2: {  	[tilespmem:s2+$0x2004] =	vst v0;
	s0 =	sadd.s32 $0x80, s0;
	s2 =	smov.u32 s1;
	s1 =	sadd.s32 $0x50, s1  }
0x1b3: {  	v0 =	vld [tilespmem:s0+$0xFFFFFFFC];
	_ =	sdelay $0x4  }
0x1b4: {  	v1 =	vshll.u32 v0, $0x3;
	v2 =	vshrl.u32 v0, $0xC  }
0x1b5: {  	v0 =	vand.u32 $0xFFFF8000, v0;
	v1 =	vand.u32 $0x7FF8, v1  }
0x1b6: {  	v0 =	vor.u32 v0, v1;
	v1 =	vand.u32 $0x7, v2  }
0x1b7: {  	s2 =	sshra.s32 s2, $0x2;
	v0 =	vor.u32 v1, v0  }
0x1b8: {  	[tilespmem:s2+$0x2000] =	vst v0  }
0x1b9: {  	v0 =	vld [tilespmem:s0+$0x0];
	_ =	sdelay $0x3  }
.Ltmp7:
0x1ba: {  	(pc) =	sbr.rel @p0 .LBB2_16-.Ltmp7, $4  }
0x1bb: {  	v1 =	vshll.u32 v0, $0x3;
	v2 =	vshrl.u32 v0, $0xC  }
0x1bc: {  	v0 =	vand.u32 $0xFFFF8000, v0;
	v1 =	vand.u32 $0x7FF8, v1  }
0x1bd: {  	v0 =	vor.u32 v0, v1;
	v1 =	vand.u32 $0x7, v2  }
0x1be: {  	v0 =	vor.u32 v1, v0  }
0x1bf: {  	[tilespmem:s2+$0x2004] =	vst v0  }
0x1c0: {  	[tilespmem:s24], [sflag:$0x1] =	stream.indirect.gather [hbm4b:s3+s22], $0x10, s23, s22, $0xb8;
	[tilespmem:$0xCE00] =	vst v63  }
0x1c1: {  	_ =	swait.ge [sflag:s30], $0x5000  }
0x1c2: {  	[sflag:s30] =	ssyncset.done $0x0  }
0x1c3: {  	s0 =	simm.s32 $0x7AA0;
	[sflag:s30] =	ssyncadd.s32 $0xFFFFB000  }
0x1c4: {  	v0 =	vld [tilespmem:s0+$0xFFFFFFE0]  }
0x1c5: {  	v1 =	vld [tilespmem:s0+$0xFFFFFFF0]  }
0x1c6: {  	v2 =	vld [tilespmem:s0+$0xFFFFFFD0]  }
0x1c7: {  	v3 =	vld [tilespmem:s0+$0x10]  }
0x1c8: {  	v4 =	vld [tilespmem:s0+$0x0]  }
0x1c9: {  	v5 =	vld [tilespmem:s0+$0xFFFFFFC0]  }
0x1ca: {  	v7 =	vld [tilespmem:s0+$0xFFFFFF60]  }
0x1cb: {  	v9 =	vld [tilespmem:s0+$0xFFFFFF90]  }
0x1cc: {  	v40 =	vld [tilespmem:s0+$0xFFFFFF80]  }
0x1cd: {  	v12 =	vld [tilespmem:s0+$0x20]  }
0x1ce: {  	v14 =	vld [tilespmem:s0+$0x40];
	v6 =	vunpack.i.u.bf16.f32 v0  }
0x1cf: {  	v15 =	vld [tilespmem:s0+$0x30];
	v0 =	vunpack.i.l.bf16.f32 v0;
	v8 =	vunpack.i.u.bf16.f32 v1;
	v1 =	vunpack.i.l.bf16.f32 v1  }
0x1d0: {  	v17 =	vld [tilespmem:s0+$0xFFFFFFA0];
	v41 =	vunpack.i.u.bf16.f32 v2;
	v2 =	vunpack.i.l.bf16.f32 v2;
	v10 =	vunpack.i.u.bf16.f32 v3  }
0x1d1: {  	v44 =	vld [tilespmem:s0+$0xFFFFFF70];
	v11 =	vunpack.i.u.bf16.f32 v4;
	v4 =	vunpack.i.l.bf16.f32 v4;
	v3 =	vunpack.i.l.bf16.f32 v3  }
0x1d2: {  	v19 =	vld [tilespmem:s0+$0xFFFFFFB0];
	v13 =	vunpack.i.l.bf16.f32 v5;
	v5 =	vunpack.i.u.bf16.f32 v5;
	v42 =	vunpack.i.l.bf16.f32 v7  }
0x1d3: {  	v21 =	vld [tilespmem:s0+$0x90];
	v43 =	vunpack.i.u.bf16.f32 v9;
	v9 =	vunpack.i.l.bf16.f32 v9;
	v16 =	vunpack.i.u.bf16.f32 v40  }
0x1d4: {  	v49 =	vld [tilespmem:s0+$0x70];
	v18 =	vunpack.i.u.bf16.f32 v12;
	v12 =	vunpack.i.l.bf16.f32 v12;
	v45 =	vunpack.i.u.bf16.f32 v14  }
0x1d5: {  	v22 =	vld [tilespmem:s0+$0x80];
	v14 =	vunpack.i.l.bf16.f32 v14;
	v46 =	vunpack.i.u.bf16.f32 v15;
	v15 =	vunpack.i.l.bf16.f32 v15  }
0x1d6: {  	v47 =	vunpack.i.u.bf16.f32 v17;
	v17 =	vunpack.i.l.bf16.f32 v17;
	v48 =	vunpack.i.l.bf16.f32 v44  }
0x1d7: {  	v51 =	vunpack.i.l.bf16.f32 v19;
	v53 =	vunpack.i.u.bf16.f32 v19;
	v0 =	vadd.f32 v1, v0  }
0x1d8: {  	v52 =	vld [tilespmem:s0+$0x60];
	v55 =	vunpack.i.l.bf16.f32 v21;
	v1 =	vadd.f32 v8, v6;
	v3 =	vadd.f32 v3, v4  }
0x1d9: {  	v57 =	vunpack.i.l.bf16.f32 v49;
	v2 =	vadd.f32 v2, v13;
	v5 =	vadd.f32 v41, v5  }
0x1da: {  	v60 =	vunpack.i.u.bf16.f32 v22;
	v13 =	vadd.f32 v43, v16;
	v10 =	vadd.f32 v10, v11  }
0x1db: {  	v61 =	vunpack.i.u.bf16.f32 v21;
	v8 =	vadd.f32 v48, v42;
	v12 =	vadd.f32 v15, v12  }
0x1dc: {  	v4 =	vld [tilespmem:s0+$0x50];
	v6 =	vunpack.i.l.bf16.f32 v40;
	v54 =	vadd.f32 v51, v17;
	v11 =	vadd.f32 v46, v18  }
0x1dd: {  	v58 =	vunpack.i.l.bf16.f32 v52;
	v63 =	vadd.f32 v61, v60;
	v6 =	vadd.f32 v9, v6  }
0x1de: {  	v9 =	vadd.f32 v57, v58;
	v0 =	vadd.f32 v3, v0;
	v3 =	vunpack.i.u.bf16.f32 v7  }
0x1df: {  	v1 =	vadd.f32 v10, v1;
	v7 =	vunpack.i.u.bf16.f32 v44;
	v2 =	vadd.f32 v2, v54  }
0x1e0: {  	v56 =	vunpack.i.l.bf16.f32 v22;
	v3 =	vadd.f32 v7, v3;
	v6 =	vadd.f32 v6, v8  }
0x1e1: {  	v7 =	vadd.f32 v53, v47;
	v20 =	vunpack.i.u.bf16.f32 v4;
	v4 =	vunpack.i.l.bf16.f32 v4  }
0x1e2: {  	v8 =	vadd.f32 v55, v56;
	v4 =	vadd.f32 v4, v14  }
0x1e3: {  	v3 =	vadd.f32 v13, v3;
	v50 =	vadd.f32 v20, v45  }
0x1e4: {  	v5 =	vadd.f32 v5, v7;
	v4 =	vadd.f32 v4, v12  }
0x1e5: {  	v59 =	vunpack.i.u.bf16.f32 v52;
	v2 =	vadd.f32 v2, v6;
	v10 =	vadd.f32 v50, v11  }
0x1e6: {  	v3 =	vadd.f32 v5, v3;
	v5 =	vunpack.i.u.bf16.f32 v49;
	v4 =	vadd.f32 v4, v0  }
0x1e7: {  	v5 =	vadd.f32 v5, v59;
	v62 =	vadd.f32 v10, v1  }
0x1e8: {  	v0 =	vadd.f32 v8, v9;
	v1 =	vadd.f32 v4, v2  }
0x1e9: {  	s2 =	simm.s32 $0x0;
	s1 =	simm.s32 $0x40;
	v2 =	vadd.f32 v63, v5;
	v3 =	vadd.f32 v62, v3  }
.LBB2_18:
0x1ea: {  	p0 =	sne.s32 s1, $0xFC0  }
0x1eb: {  	s0 =	sadd.s32 $0x140, s0;
	s4 =	smov.u32 s1;
	s1 =	sadd.s32 $0x40, s1  }
0x1ec: {  	v0 =	vadd.f32 v0, v1;
	v1 =	vadd.f32 v2, v3;
	_ =	sdelay $0x1  }
0x1ed: {  	v0 =	vmul.f32 $5.000000070e-02, v0;
	v1 =	vmul.f32 $5.000000070e-02, v1;
	_ =	sdelay $0x1  }
0x1ee: {  	s5 =	sshra.s32 s2, $0x2;
	s2 =	smov.u32 s4;
	v0 =	vpack.i.f32.bf16 v1, v0  }
0x1ef: {  	[tilespmem:s5+$0xCA00] =	vst v0  }
0x1f0: {  	v0 =	vld [tilespmem:s0+$0xFFFFFFE0]  }
0x1f1: {  	v1 =	vld [tilespmem:s0+$0xFFFFFFF0]  }
0x1f2: {  	v2 =	vld [tilespmem:s0+$0xFFFFFFD0]  }
0x1f3: {  	v3 =	vld [tilespmem:s0+$0x10]  }
0x1f4: {  	v4 =	vld [tilespmem:s0+$0x0]  }
0x1f5: {  	v5 =	vld [tilespmem:s0+$0xFFFFFFC0];
	v6 =	vunpack.i.u.bf16.f32 v0;
	v0 =	vunpack.i.l.bf16.f32 v0  }
0x1f6: {  	v7 =	vld [tilespmem:s0+$0xFFFFFF60];
	v8 =	vunpack.i.u.bf16.f32 v1;
	v1 =	vunpack.i.l.bf16.f32 v1  }
0x1f7: {  	v9 =	vld [tilespmem:s0+$0xFFFFFF90];
	v0 =	vadd.f32 v1, v0;
	v1 =	vadd.f32 v8, v6  }
0x1f8: {  	v8 =	vunpack.i.u.bf16.f32 v2;
	v2 =	vunpack.i.l.bf16.f32 v2;
	v6 =	vld [tilespmem:s0+$0xFFFFFF80];
	v10 =	vunpack.i.u.bf16.f32 v3  }
0x1f9: {  	v3 =	vunpack.i.l.bf16.f32 v3;
	v11 =	vunpack.i.u.bf16.f32 v4;
	v4 =	vunpack.i.l.bf16.f32 v4;
	v12 =	vld [tilespmem:s0+$0x20]  }
0x1fa: {  	v13 =	vunpack.i.u.bf16.f32 v5;
	v5 =	vunpack.i.l.bf16.f32 v5;
	v14 =	vld [tilespmem:s0+$0x40];
	v3 =	vadd.f32 v3, v4  }
0x1fb: {  	v4 =	vld [tilespmem:s0+$0x50];
	v2 =	vadd.f32 v2, v5;
	v5 =	vadd.f32 v8, v13  }
0x1fc: {  	v8 =	vunpack.i.l.bf16.f32 v7;
	v13 =	vunpack.i.u.bf16.f32 v9;
	v9 =	vunpack.i.l.bf16.f32 v9;
	v15 =	vld [tilespmem:s0+$0x30]  }
0x1fd: {  	v0 =	vadd.f32 v3, v0;
	v16 =	vunpack.i.u.bf16.f32 v6;
	v6 =	vunpack.i.l.bf16.f32 v6;
	v17 =	vld [tilespmem:s0+$0xFFFFFFA0]  }
0x1fe: {  	v3 =	vunpack.i.u.bf16.f32 v7;
	v7 =	vld [tilespmem:s0+$0xFFFFFF70];
	v18 =	vunpack.i.u.bf16.f32 v12;
	v13 =	vadd.f32 v13, v16  }
0x1ff: {  	v12 =	vunpack.i.l.bf16.f32 v12;
	v16 =	vld [tilespmem:s0+$0xFFFFFFB0];
	v19 =	vunpack.i.u.bf16.f32 v14;
	v14 =	vunpack.i.l.bf16.f32 v14  }
0x200: {  	v10 =	vadd.f32 v10, v11;
	v20 =	vunpack.i.u.bf16.f32 v4;
	v4 =	vunpack.i.l.bf16.f32 v4  }
0x201: {  	v6 =	vadd.f32 v9, v6;
	v11 =	vunpack.i.u.bf16.f32 v15;
	v15 =	vunpack.i.l.bf16.f32 v15  }
0x202: {  	v1 =	vadd.f32 v10, v1;
	v9 =	vunpack.i.u.bf16.f32 v17;
	v17 =	vunpack.i.l.bf16.f32 v17;
	v21 =	vld [tilespmem:s0+$0x90]  }
0x203: {  	v4 =	vadd.f32 v4, v14;
	v10 =	vunpack.i.u.bf16.f32 v7;
	v7 =	vunpack.i.l.bf16.f32 v7;
	v22 =	vld [tilespmem:s0+$0x80]  }
0x204: {  	v14 =	vunpack.i.l.bf16.f32 v16;
	v23 =	vld [tilespmem:s0+$0x70];
	v7 =	vadd.f32 v7, v8;
	v8 =	vadd.f32 v20, v19  }
0x205: {  	v12 =	vadd.f32 v15, v12;
	v3 =	vadd.f32 v10, v3;
	v19 =	vld [tilespmem:s0+$0x60]  }
0x206: {  	v10 =	vunpack.i.u.bf16.f32 v16;
	v14 =	vadd.f32 v14, v17;
	v6 =	vadd.f32 v6, v7  }
0x207: {  	v11 =	vadd.f32 v11, v18;
	v3 =	vadd.f32 v13, v3;
	v7 =	vunpack.i.l.bf16.f32 v21  }
0x208: {  	v4 =	vadd.f32 v4, v12;
	v9 =	vadd.f32 v10, v9;
	v13 =	vunpack.i.l.bf16.f32 v22  }
0x209: {  	v8 =	vadd.f32 v8, v11;
	v10 =	vunpack.i.l.bf16.f32 v23;
	v7 =	vadd.f32 v7, v13  }
0x20a: {  	v2 =	vadd.f32 v2, v14;
	v5 =	vadd.f32 v5, v9;
	v11 =	vunpack.i.l.bf16.f32 v19  }
0x20b: {  	v12 =	vunpack.i.u.bf16.f32 v22;
	v9 =	vunpack.i.u.bf16.f32 v19;
	v10 =	vadd.f32 v10, v11  }
.Ltmp8:
0x20c: {  	v2 =	vadd.f32 v2, v6;
	v3 =	vadd.f32 v5, v3;
	v11 =	vunpack.i.u.bf16.f32 v21;
	(pc) =	sbr.rel @p0 .LBB2_18-.Ltmp8, $4  }
0x20d: {  	v4 =	vadd.f32 v4, v0;
	v5 =	vunpack.i.u.bf16.f32 v23;
	v6 =	vadd.f32 v8, v1  }
0x20e: {  	v5 =	vadd.f32 v5, v9;
	v8 =	vadd.f32 v11, v12  }
0x20f: {  	v1 =	vadd.f32 v4, v2;
	v0 =	vadd.f32 v7, v10  }
0x210: {  	v3 =	vadd.f32 v6, v3;
	v2 =	vadd.f32 v8, v5  }
0x211: {  	_ = 	snop  }
0x212: {  	v0 =	vadd.f32 v0, v1;
	v1 =	vadd.f32 v2, v3;
	_ =	sdelay $0x1  }
0x213: {  	v0 =	vmul.f32 $5.000000070e-02, v0;
	v1 =	vmul.f32 $5.000000070e-02, v1;
	_ =	sdelay $0x1  }
0x214: {  	s0 =	sshra.s32 s2, $0x2;
	v0 =	vpack.i.f32.bf16 v1, v0  }
0x215: {  	s5 =	simm.s32 $0x0;
	[tilespmem:s0+$0xCA00] =	vst v0  }
0x216: {  	[hbm4b:s12+s5] =	stream.linear.scatter [tilespmem:s29], [sflag:$0x3], $0x400, $0x38;
	[tilespmem:$0xCE00] =	vst v63  }
0x217: {  	_ =	swait.ge [sflag:s21], $0x400  }
0x218: {  	[sflag:s21] =	ssyncset.done $0x0  }
0x219: {  	[sflag:s21] =	ssyncadd.s32 $0xFFFFFC00  }
0x21a: {  	[tilespmem:s5], [sflag:$0x3] =	stream.linear.gather [hbm4b:s13+s5], $0x2000, $0x38;
	[tilespmem:$0xCE00] =	vst v63  }
0x21b: {  	_ =	swait.ge [sflag:s21], $0x2000  }
0x21c: {  	[sflag:s21] =	ssyncset.done $0x0  }
0x21d: {  	s0 =	simm.s32 $0x4;
	[sflag:s21] =	ssyncadd.s32 $0xFFFFE000  }
0x21e: {  	v0 =	vld [tilespmem:s0+$0xFFFFFFFC];
	_ =	sdelay $0x4  }
0x21f: {  	v1 =	vshll.u32 v0, $0x3  }
0x220: {  	v2 =	vshrl.u32 v0, $0xC;
	v0 =	vand.u32 $0xFFFF8000, v0;
	v1 =	vand.u32 $0x7FF8, v1  }
0x221: {  	v0 =	vor.u32 v0, v1;
	v1 =	vand.u32 $0x7, v2  }
0x222: {  	s2 =	simm.s32 $0x0;
	v0 =	vor.u32 v1, v0  }
0x223: {  	[tilespmem:s2+$0x2500] =	vst v0  }
0x224: {  	v0 =	vld [tilespmem:s0+$0x0];
	_ =	sdelay $0x4  }
0x225: {  	v1 =	vshll.u32 v0, $0x3  }
0x226: {  	v2 =	vshrl.u32 v0, $0xC;
	v0 =	vand.u32 $0xFFFF8000, v0;
	v1 =	vand.u32 $0x7FF8, v1  }
0x227: {  	v0 =	vor.u32 v0, v1;
	v1 =	vand.u32 $0x7, v2  }
0x228: {  	s1 =	simm.s32 $0x50;
	v0 =	vor.u32 v1, v0  }
.LBB2_20:
0x229: {  	p0 =	sne.s32 s1, $0x13B0  }
0x22a: {  	[tilespmem:s2+$0x2504] =	vst v0;
	s0 =	sadd.s32 $0x80, s0;
	s2 =	smov.u32 s1;
	s1 =	sadd.s32 $0x50, s1  }
0x22b: {  	v0 =	vld [tilespmem:s0+$0xFFFFFFFC];
	_ =	sdelay $0x4  }
0x22c: {  	v1 =	vshll.u32 v0, $0x3;
	v2 =	vshrl.u32 v0, $0xC  }
0x22d: {  	v0 =	vand.u32 $0xFFFF8000, v0;
	v1 =	vand.u32 $0x7FF8, v1  }
0x22e: {  	v0 =	vor.u32 v0, v1;
	v1 =	vand.u32 $0x7, v2  }
0x22f: {  	s2 =	sshra.s32 s2, $0x2;
	v0 =	vor.u32 v1, v0  }
0x230: {  	[tilespmem:s2+$0x2500] =	vst v0  }
0x231: {  	v0 =	vld [tilespmem:s0+$0x0];
	_ =	sdelay $0x3  }
.Ltmp9:
0x232: {  	(pc) =	sbr.rel @p0 .LBB2_20-.Ltmp9, $4  }
0x233: {  	v1 =	vshll.u32 v0, $0x3;
	v2 =	vshrl.u32 v0, $0xC  }
0x234: {  	v0 =	vand.u32 $0xFFFF8000, v0;
	v1 =	vand.u32 $0x7FF8, v1  }
0x235: {  	v0 =	vor.u32 v0, v1;
	v1 =	vand.u32 $0x7, v2  }
0x236: {  	v0 =	vor.u32 v1, v0  }
0x237: {  	[tilespmem:s2+$0x2504] =	vst v0  }
0x238: {  	[tilespmem:s26], [sflag:$0x2] =	stream.indirect.gather [hbm4b:s3+s22], $0x10, s25, s22, $0xb8;
	[tilespmem:$0xCE00] =	vst v63  }
0x239: {  	_ =	swait.ge [sflag:s28], $0x5000  }
0x23a: {  	[sflag:s28] =	ssyncset.done $0x0  }
0x23b: {  	s0 =	simm.s32 $0x2AA0;
	[sflag:s28] =	ssyncadd.s32 $0xFFFFB000  }
0x23c: {  	v0 =	vld [tilespmem:s0+$0xFFFFFFE0]  }
0x23d: {  	v1 =	vld [tilespmem:s0+$0xFFFFFFF0]  }
0x23e: {  	v2 =	vld [tilespmem:s0+$0xFFFFFFD0]  }
0x23f: {  	v3 =	vld [tilespmem:s0+$0x10]  }
0x240: {  	v4 =	vld [tilespmem:s0+$0x0]  }
0x241: {  	v5 =	vld [tilespmem:s0+$0xFFFFFFC0]  }
0x242: {  	v7 =	vld [tilespmem:s0+$0xFFFFFF60]  }
0x243: {  	v9 =	vld [tilespmem:s0+$0xFFFFFF90]  }
0x244: {  	v40 =	vld [tilespmem:s0+$0xFFFFFF80]  }
0x245: {  	v12 =	vld [tilespmem:s0+$0x20]  }
0x246: {  	v14 =	vld [tilespmem:s0+$0x40];
	v6 =	vunpack.i.u.bf16.f32 v0  }
0x247: {  	v15 =	vld [tilespmem:s0+$0x30];
	v0 =	vunpack.i.l.bf16.f32 v0;
	v8 =	vunpack.i.u.bf16.f32 v1;
	v1 =	vunpack.i.l.bf16.f32 v1  }
0x248: {  	v17 =	vld [tilespmem:s0+$0xFFFFFFA0];
	v41 =	vunpack.i.u.bf16.f32 v2;
	v2 =	vunpack.i.l.bf16.f32 v2;
	v10 =	vunpack.i.u.bf16.f32 v3  }
0x249: {  	v44 =	vld [tilespmem:s0+$0xFFFFFF70];
	v11 =	vunpack.i.u.bf16.f32 v4;
	v4 =	vunpack.i.l.bf16.f32 v4;
	v3 =	vunpack.i.l.bf16.f32 v3  }
0x24a: {  	v19 =	vld [tilespmem:s0+$0xFFFFFFB0];
	v13 =	vunpack.i.l.bf16.f32 v5;
	v5 =	vunpack.i.u.bf16.f32 v5;
	v42 =	vunpack.i.l.bf16.f32 v7  }
0x24b: {  	v21 =	vld [tilespmem:s0+$0x90];
	v43 =	vunpack.i.u.bf16.f32 v9;
	v9 =	vunpack.i.l.bf16.f32 v9;
	v16 =	vunpack.i.u.bf16.f32 v40  }
0x24c: {  	v49 =	vld [tilespmem:s0+$0x70];
	v18 =	vunpack.i.u.bf16.f32 v12;
	v12 =	vunpack.i.l.bf16.f32 v12;
	v45 =	vunpack.i.u.bf16.f32 v14  }
0x24d: {  	v22 =	vld [tilespmem:s0+$0x80];
	v14 =	vunpack.i.l.bf16.f32 v14;
	v46 =	vunpack.i.u.bf16.f32 v15;
	v15 =	vunpack.i.l.bf16.f32 v15  }
0x24e: {  	v47 =	vunpack.i.u.bf16.f32 v17;
	v17 =	vunpack.i.l.bf16.f32 v17;
	v48 =	vunpack.i.l.bf16.f32 v44  }
0x24f: {  	v51 =	vunpack.i.l.bf16.f32 v19;
	v53 =	vunpack.i.u.bf16.f32 v19;
	v0 =	vadd.f32 v1, v0  }
0x250: {  	v52 =	vld [tilespmem:s0+$0x60];
	v55 =	vunpack.i.l.bf16.f32 v21;
	v1 =	vadd.f32 v8, v6;
	v3 =	vadd.f32 v3, v4  }
0x251: {  	v57 =	vunpack.i.l.bf16.f32 v49;
	v2 =	vadd.f32 v2, v13;
	v5 =	vadd.f32 v41, v5  }
0x252: {  	v60 =	vunpack.i.u.bf16.f32 v22;
	v13 =	vadd.f32 v43, v16;
	v10 =	vadd.f32 v10, v11  }
0x253: {  	v61 =	vunpack.i.u.bf16.f32 v21;
	v8 =	vadd.f32 v48, v42;
	v12 =	vadd.f32 v15, v12  }
0x254: {  	v4 =	vld [tilespmem:s0+$0x50];
	v6 =	vunpack.i.l.bf16.f32 v40;
	v54 =	vadd.f32 v51, v17;
	v11 =	vadd.f32 v46, v18  }
0x255: {  	v58 =	vunpack.i.l.bf16.f32 v52;
	v63 =	vadd.f32 v61, v60;
	v6 =	vadd.f32 v9, v6  }
0x256: {  	v9 =	vadd.f32 v57, v58;
	v0 =	vadd.f32 v3, v0;
	v3 =	vunpack.i.u.bf16.f32 v7  }
0x257: {  	v1 =	vadd.f32 v10, v1;
	v7 =	vunpack.i.u.bf16.f32 v44;
	v2 =	vadd.f32 v2, v54  }
0x258: {  	v56 =	vunpack.i.l.bf16.f32 v22;
	v3 =	vadd.f32 v7, v3;
	v6 =	vadd.f32 v6, v8  }
0x259: {  	v7 =	vadd.f32 v53, v47;
	v20 =	vunpack.i.u.bf16.f32 v4;
	v4 =	vunpack.i.l.bf16.f32 v4  }
0x25a: {  	v8 =	vadd.f32 v55, v56;
	v4 =	vadd.f32 v4, v14  }
0x25b: {  	v3 =	vadd.f32 v13, v3;
	v50 =	vadd.f32 v20, v45  }
0x25c: {  	v5 =	vadd.f32 v5, v7;
	v4 =	vadd.f32 v4, v12  }
0x25d: {  	v59 =	vunpack.i.u.bf16.f32 v52;
	v2 =	vadd.f32 v2, v6;
	v10 =	vadd.f32 v50, v11  }
0x25e: {  	v3 =	vadd.f32 v5, v3;
	v5 =	vunpack.i.u.bf16.f32 v49;
	v4 =	vadd.f32 v4, v0  }
0x25f: {  	v5 =	vadd.f32 v5, v59;
	v62 =	vadd.f32 v10, v1  }
0x260: {  	v0 =	vadd.f32 v8, v9;
	v1 =	vadd.f32 v4, v2  }
0x261: {  	s2 =	simm.s32 $0x0;
	s1 =	simm.s32 $0x40;
	v2 =	vadd.f32 v63, v5;
	v3 =	vadd.f32 v62, v3  }
.LBB2_22:
0x262: {  	p0 =	sne.s32 s1, $0xFC0  }
0x263: {  	s0 =	sadd.s32 $0x140, s0;
	s4 =	smov.u32 s1;
	s1 =	sadd.s32 $0x40, s1  }
0x264: {  	v0 =	vadd.f32 v0, v1;
	v1 =	vadd.f32 v2, v3;
	_ =	sdelay $0x1  }
0x265: {  	v0 =	vmul.f32 $5.000000070e-02, v0;
	v1 =	vmul.f32 $5.000000070e-02, v1;
	_ =	sdelay $0x1  }
0x266: {  	s5 =	sshra.s32 s2, $0x2;
	s2 =	smov.u32 s4;
	v0 =	vpack.i.f32.bf16 v1, v0  }
0x267: {  	[tilespmem:s5+$0xCA00] =	vst v0  }
0x268: {  	v0 =	vld [tilespmem:s0+$0xFFFFFFE0]  }
0x269: {  	v1 =	vld [tilespmem:s0+$0xFFFFFFF0]  }
0x26a: {  	v2 =	vld [tilespmem:s0+$0xFFFFFFD0]  }
0x26b: {  	v3 =	vld [tilespmem:s0+$0x10]  }
0x26c: {  	v4 =	vld [tilespmem:s0+$0x0]  }
0x26d: {  	v5 =	vld [tilespmem:s0+$0xFFFFFFC0];
	v6 =	vunpack.i.u.bf16.f32 v0;
	v0 =	vunpack.i.l.bf16.f32 v0  }
0x26e: {  	v7 =	vld [tilespmem:s0+$0xFFFFFF60];
	v8 =	vunpack.i.u.bf16.f32 v1;
	v1 =	vunpack.i.l.bf16.f32 v1  }
0x26f: {  	v9 =	vld [tilespmem:s0+$0xFFFFFF90];
	v0 =	vadd.f32 v1, v0;
	v1 =	vadd.f32 v8, v6  }
0x270: {  	v8 =	vunpack.i.u.bf16.f32 v2;
	v2 =	vunpack.i.l.bf16.f32 v2;
	v6 =	vld [tilespmem:s0+$0xFFFFFF80];
	v10 =	vunpack.i.u.bf16.f32 v3  }
0x271: {  	v3 =	vunpack.i.l.bf16.f32 v3;
	v11 =	vunpack.i.u.bf16.f32 v4;
	v4 =	vunpack.i.l.bf16.f32 v4;
	v12 =	vld [tilespmem:s0+$0x20]  }
0x272: {  	v13 =	vunpack.i.u.bf16.f32 v5;
	v5 =	vunpack.i.l.bf16.f32 v5;
	v14 =	vld [tilespmem:s0+$0x40];
	v3 =	vadd.f32 v3, v4  }
0x273: {  	v4 =	vld [tilespmem:s0+$0x50];
	v2 =	vadd.f32 v2, v5;
	v5 =	vadd.f32 v8, v13  }
0x274: {  	v8 =	vunpack.i.l.bf16.f32 v7;
	v13 =	vunpack.i.u.bf16.f32 v9;
	v9 =	vunpack.i.l.bf16.f32 v9;
	v15 =	vld [tilespmem:s0+$0x30]  }
0x275: {  	v0 =	vadd.f32 v3, v0;
	v16 =	vunpack.i.u.bf16.f32 v6;
	v6 =	vunpack.i.l.bf16.f32 v6;
	v17 =	vld [tilespmem:s0+$0xFFFFFFA0]  }
0x276: {  	v3 =	vunpack.i.u.bf16.f32 v7;
	v7 =	vld [tilespmem:s0+$0xFFFFFF70];
	v18 =	vunpack.i.u.bf16.f32 v12;
	v13 =	vadd.f32 v13, v16  }
0x277: {  	v12 =	vunpack.i.l.bf16.f32 v12;
	v16 =	vld [tilespmem:s0+$0xFFFFFFB0];
	v19 =	vunpack.i.u.bf16.f32 v14;
	v14 =	vunpack.i.l.bf16.f32 v14  }
0x278: {  	v10 =	vadd.f32 v10, v11;
	v20 =	vunpack.i.u.bf16.f32 v4;
	v4 =	vunpack.i.l.bf16.f32 v4  }
0x279: {  	v6 =	vadd.f32 v9, v6;
	v11 =	vunpack.i.u.bf16.f32 v15;
	v15 =	vunpack.i.l.bf16.f32 v15  }
0x27a: {  	v1 =	vadd.f32 v10, v1;
	v9 =	vunpack.i.u.bf16.f32 v17;
	v17 =	vunpack.i.l.bf16.f32 v17;
	v21 =	vld [tilespmem:s0+$0x90]  }
0x27b: {  	v4 =	vadd.f32 v4, v14;
	v10 =	vunpack.i.u.bf16.f32 v7;
	v7 =	vunpack.i.l.bf16.f32 v7;
	v22 =	vld [tilespmem:s0+$0x80]  }
0x27c: {  	v14 =	vunpack.i.l.bf16.f32 v16;
	v23 =	vld [tilespmem:s0+$0x70];
	v7 =	vadd.f32 v7, v8;
	v8 =	vadd.f32 v20, v19  }
0x27d: {  	v12 =	vadd.f32 v15, v12;
	v3 =	vadd.f32 v10, v3;
	v19 =	vld [tilespmem:s0+$0x60]  }
0x27e: {  	v10 =	vunpack.i.u.bf16.f32 v16;
	v14 =	vadd.f32 v14, v17;
	v6 =	vadd.f32 v6, v7  }
0x27f: {  	v11 =	vadd.f32 v11, v18;
	v3 =	vadd.f32 v13, v3;
	v7 =	vunpack.i.l.bf16.f32 v21  }
0x280: {  	v4 =	vadd.f32 v4, v12;
	v9 =	vadd.f32 v10, v9;
	v13 =	vunpack.i.l.bf16.f32 v22  }
0x281: {  	v8 =	vadd.f32 v8, v11;
	v10 =	vunpack.i.l.bf16.f32 v23;
	v7 =	vadd.f32 v7, v13  }
0x282: {  	v2 =	vadd.f32 v2, v14;
	v5 =	vadd.f32 v5, v9;
	v11 =	vunpack.i.l.bf16.f32 v19  }
0x283: {  	v12 =	vunpack.i.u.bf16.f32 v22;
	v9 =	vunpack.i.u.bf16.f32 v19;
	v10 =	vadd.f32 v10, v11  }
.Ltmp10:
0x284: {  	v2 =	vadd.f32 v2, v6;
	v3 =	vadd.f32 v5, v3;
	v11 =	vunpack.i.u.bf16.f32 v21;
	(pc) =	sbr.rel @p0 .LBB2_22-.Ltmp10, $4  }
0x285: {  	v4 =	vadd.f32 v4, v0;
	v5 =	vunpack.i.u.bf16.f32 v23;
	v6 =	vadd.f32 v8, v1  }
0x286: {  	v5 =	vadd.f32 v5, v9;
	v8 =	vadd.f32 v11, v12  }
0x287: {  	v1 =	vadd.f32 v4, v2;
	v0 =	vadd.f32 v7, v10  }
0x288: {  	v3 =	vadd.f32 v6, v3;
	v2 =	vadd.f32 v8, v5  }
0x289: {  	_ = 	snop  }
0x28a: {  	v0 =	vadd.f32 v0, v1;
	v1 =	vadd.f32 v2, v3;
	_ =	sdelay $0x1  }
0x28b: {  	v0 =	vmul.f32 $5.000000070e-02, v0;
	v1 =	vmul.f32 $5.000000070e-02, v1;
	_ =	sdelay $0x1  }
0x28c: {  	s0 =	sshra.s32 s2, $0x2;
	v0 =	vpack.i.f32.bf16 v1, v0  }
0x28d: {  	s5 =	simm.s32 $0x0;
	[tilespmem:s0+$0xCA00] =	vst v0  }
0x28e: {  	[hbm4b:s14+s5] =	stream.linear.scatter [tilespmem:s29], [sflag:$0x3], $0x400, $0x38;
	[tilespmem:$0xCE00] =	vst v63  }
0x28f: {  	_ =	swait.ge [sflag:s21], $0x400  }
0x290: {  	[sflag:s21] =	ssyncset.done $0x0  }
0x291: {  	[sflag:s21] =	ssyncadd.s32 $0xFFFFFC00  }
0x292: {  	[tilespmem:s5], [sflag:$0x3] =	stream.linear.gather [hbm4b:s15+s5], $0x2000, $0x38;
	[tilespmem:$0xCE00] =	vst v63  }
0x293: {  	_ =	swait.ge [sflag:s21], $0x2000  }
0x294: {  	[sflag:s21] =	ssyncset.done $0x0  }
0x295: {  	s0 =	simm.s32 $0x4;
	[sflag:s21] =	ssyncadd.s32 $0xFFFFE000  }
0x296: {  	v0 =	vld [tilespmem:s0+$0xFFFFFFFC];
	_ =	sdelay $0x4  }
0x297: {  	v1 =	vshll.u32 v0, $0x3  }
0x298: {  	v2 =	vshrl.u32 v0, $0xC;
	v0 =	vand.u32 $0xFFFF8000, v0;
	v1 =	vand.u32 $0x7FF8, v1  }
0x299: {  	v0 =	vor.u32 v0, v1;
	v1 =	vand.u32 $0x7, v2  }
0x29a: {  	s2 =	simm.s32 $0x0;
	v0 =	vor.u32 v1, v0  }
0x29b: {  	[tilespmem:s2+$0x2000] =	vst v0  }
0x29c: {  	v0 =	vld [tilespmem:s0+$0x0];
	_ =	sdelay $0x4  }
0x29d: {  	v1 =	vshll.u32 v0, $0x3  }
0x29e: {  	v2 =	vshrl.u32 v0, $0xC;
	v0 =	vand.u32 $0xFFFF8000, v0;
	v1 =	vand.u32 $0x7FF8, v1  }
0x29f: {  	v0 =	vor.u32 v0, v1;
	v1 =	vand.u32 $0x7, v2  }
0x2a0: {  	s1 =	simm.s32 $0x50;
	v0 =	vor.u32 v1, v0  }
.LBB2_24:
0x2a1: {  	p0 =	sne.s32 s1, $0x13B0  }
0x2a2: {  	[tilespmem:s2+$0x2004] =	vst v0;
	s0 =	sadd.s32 $0x80, s0;
	s2 =	smov.u32 s1;
	s1 =	sadd.s32 $0x50, s1  }
0x2a3: {  	v0 =	vld [tilespmem:s0+$0xFFFFFFFC];
	_ =	sdelay $0x4  }
0x2a4: {  	v1 =	vshll.u32 v0, $0x3;
	v2 =	vshrl.u32 v0, $0xC  }
0x2a5: {  	v0 =	vand.u32 $0xFFFF8000, v0;
	v1 =	vand.u32 $0x7FF8, v1  }
0x2a6: {  	v0 =	vor.u32 v0, v1;
	v1 =	vand.u32 $0x7, v2  }
0x2a7: {  	s2 =	sshra.s32 s2, $0x2;
	v0 =	vor.u32 v1, v0  }
0x2a8: {  	[tilespmem:s2+$0x2000] =	vst v0  }
0x2a9: {  	v0 =	vld [tilespmem:s0+$0x0];
	_ =	sdelay $0x3  }
.Ltmp11:
0x2aa: {  	(pc) =	sbr.rel @p0 .LBB2_24-.Ltmp11, $4  }
0x2ab: {  	v1 =	vshll.u32 v0, $0x3;
	v2 =	vshrl.u32 v0, $0xC  }
0x2ac: {  	v0 =	vand.u32 $0xFFFF8000, v0;
	v1 =	vand.u32 $0x7FF8, v1  }
0x2ad: {  	v0 =	vor.u32 v0, v1;
	v1 =	vand.u32 $0x7, v2  }
0x2ae: {  	v0 =	vor.u32 v1, v0  }
0x2af: {  	[tilespmem:s2+$0x2004] =	vst v0  }
0x2b0: {  	[tilespmem:s24], [sflag:$0x1] =	stream.indirect.gather [hbm4b:s3+s22], $0x10, s23, s22, $0xb8;
	[tilespmem:$0xCE00] =	vst v63  }
0x2b1: {  	_ =	swait.ge [sflag:s30], $0x5000  }
0x2b2: {  	[sflag:s30] =	ssyncset.done $0x0  }
0x2b3: {  	s0 =	simm.s32 $0x7AA0;
	[sflag:s30] =	ssyncadd.s32 $0xFFFFB000  }
0x2b4: {  	v0 =	vld [tilespmem:s0+$0xFFFFFFE0]  }
0x2b5: {  	v1 =	vld [tilespmem:s0+$0xFFFFFFF0]  }
0x2b6: {  	v2 =	vld [tilespmem:s0+$0xFFFFFFD0]  }
0x2b7: {  	v3 =	vld [tilespmem:s0+$0x10]  }
0x2b8: {  	v4 =	vld [tilespmem:s0+$0x0]  }
0x2b9: {  	v5 =	vld [tilespmem:s0+$0xFFFFFFC0]  }
0x2ba: {  	v7 =	vld [tilespmem:s0+$0xFFFFFF60]  }
0x2bb: {  	v9 =	vld [tilespmem:s0+$0xFFFFFF90]  }
0x2bc: {  	v40 =	vld [tilespmem:s0+$0xFFFFFF80]  }
0x2bd: {  	v12 =	vld [tilespmem:s0+$0x20]  }
0x2be: {  	v14 =	vld [tilespmem:s0+$0x40];
	v6 =	vunpack.i.u.bf16.f32 v0  }
0x2bf: {  	v15 =	vld [tilespmem:s0+$0x30];
	v0 =	vunpack.i.l.bf16.f32 v0;
	v8 =	vunpack.i.u.bf16.f32 v1;
	v1 =	vunpack.i.l.bf16.f32 v1  }
0x2c0: {  	v17 =	vld [tilespmem:s0+$0xFFFFFFA0];
	v41 =	vunpack.i.u.bf16.f32 v2;
	v2 =	vunpack.i.l.bf16.f32 v2;
	v10 =	vunpack.i.u.bf16.f32 v3  }
0x2c1: {  	v44 =	vld [tilespmem:s0+$0xFFFFFF70];
	v11 =	vunpack.i.u.bf16.f32 v4;
	v4 =	vunpack.i.l.bf16.f32 v4;
	v3 =	vunpack.i.l.bf16.f32 v3  }
0x2c2: {  	v19 =	vld [tilespmem:s0+$0xFFFFFFB0];
	v13 =	vunpack.i.l.bf16.f32 v5;
	v5 =	vunpack.i.u.bf16.f32 v5;
	v42 =	vunpack.i.l.bf16.f32 v7  }
0x2c3: {  	v21 =	vld [tilespmem:s0+$0x90];
	v43 =	vunpack.i.u.bf16.f32 v9;
	v9 =	vunpack.i.l.bf16.f32 v9;
	v16 =	vunpack.i.u.bf16.f32 v40  }
0x2c4: {  	v49 =	vld [tilespmem:s0+$0x70];
	v18 =	vunpack.i.u.bf16.f32 v12;
	v12 =	vunpack.i.l.bf16.f32 v12;
	v45 =	vunpack.i.u.bf16.f32 v14  }
0x2c5: {  	v22 =	vld [tilespmem:s0+$0x80];
	v14 =	vunpack.i.l.bf16.f32 v14;
	v46 =	vunpack.i.u.bf16.f32 v15;
	v15 =	vunpack.i.l.bf16.f32 v15  }
0x2c6: {  	v47 =	vunpack.i.u.bf16.f32 v17;
	v17 =	vunpack.i.l.bf16.f32 v17;
	v48 =	vunpack.i.l.bf16.f32 v44  }
0x2c7: {  	v51 =	vunpack.i.l.bf16.f32 v19;
	v53 =	vunpack.i.u.bf16.f32 v19;
	v0 =	vadd.f32 v1, v0  }
0x2c8: {  	v52 =	vld [tilespmem:s0+$0x60];
	v55 =	vunpack.i.l.bf16.f32 v21;
	v1 =	vadd.f32 v8, v6;
	v3 =	vadd.f32 v3, v4  }
0x2c9: {  	v57 =	vunpack.i.l.bf16.f32 v49;
	v2 =	vadd.f32 v2, v13;
	v5 =	vadd.f32 v41, v5  }
0x2ca: {  	v60 =	vunpack.i.u.bf16.f32 v22;
	v13 =	vadd.f32 v43, v16;
	v10 =	vadd.f32 v10, v11  }
0x2cb: {  	v61 =	vunpack.i.u.bf16.f32 v21;
	v8 =	vadd.f32 v48, v42;
	v12 =	vadd.f32 v15, v12  }
0x2cc: {  	v4 =	vld [tilespmem:s0+$0x50];
	v6 =	vunpack.i.l.bf16.f32 v40;
	v54 =	vadd.f32 v51, v17;
	v11 =	vadd.f32 v46, v18  }
0x2cd: {  	v58 =	vunpack.i.l.bf16.f32 v52;
	v63 =	vadd.f32 v61, v60;
	v6 =	vadd.f32 v9, v6  }
0x2ce: {  	v9 =	vadd.f32 v57, v58;
	v0 =	vadd.f32 v3, v0;
	v3 =	vunpack.i.u.bf16.f32 v7  }
0x2cf: {  	v1 =	vadd.f32 v10, v1;
	v7 =	vunpack.i.u.bf16.f32 v44;
	v2 =	vadd.f32 v2, v54  }
0x2d0: {  	v56 =	vunpack.i.l.bf16.f32 v22;
	v3 =	vadd.f32 v7, v3;
	v6 =	vadd.f32 v6, v8  }
0x2d1: {  	v7 =	vadd.f32 v53, v47;
	v20 =	vunpack.i.u.bf16.f32 v4;
	v4 =	vunpack.i.l.bf16.f32 v4  }
0x2d2: {  	v8 =	vadd.f32 v55, v56;
	v4 =	vadd.f32 v4, v14  }
0x2d3: {  	v3 =	vadd.f32 v13, v3;
	v50 =	vadd.f32 v20, v45  }
0x2d4: {  	v5 =	vadd.f32 v5, v7;
	v4 =	vadd.f32 v4, v12  }
0x2d5: {  	v59 =	vunpack.i.u.bf16.f32 v52;
	v2 =	vadd.f32 v2, v6;
	v10 =	vadd.f32 v50, v11  }
0x2d6: {  	v3 =	vadd.f32 v5, v3;
	v5 =	vunpack.i.u.bf16.f32 v49;
	v4 =	vadd.f32 v4, v0  }
0x2d7: {  	v5 =	vadd.f32 v5, v59;
	v62 =	vadd.f32 v10, v1  }
0x2d8: {  	v0 =	vadd.f32 v8, v9;
	v1 =	vadd.f32 v4, v2  }
0x2d9: {  	s2 =	simm.s32 $0x0;
	s1 =	simm.s32 $0x40;
	v2 =	vadd.f32 v63, v5;
	v3 =	vadd.f32 v62, v3  }
.LBB2_26:
0x2da: {  	p0 =	sne.s32 s1, $0xFC0  }
0x2db: {  	s0 =	sadd.s32 $0x140, s0;
	s4 =	smov.u32 s1;
	s1 =	sadd.s32 $0x40, s1  }
0x2dc: {  	v0 =	vadd.f32 v0, v1;
	v1 =	vadd.f32 v2, v3;
	_ =	sdelay $0x1  }
0x2dd: {  	v0 =	vmul.f32 $5.000000070e-02, v0;
	v1 =	vmul.f32 $5.000000070e-02, v1;
	_ =	sdelay $0x1  }
0x2de: {  	s5 =	sshra.s32 s2, $0x2;
	s2 =	smov.u32 s4;
	v0 =	vpack.i.f32.bf16 v1, v0  }
0x2df: {  	[tilespmem:s5+$0xCA00] =	vst v0  }
0x2e0: {  	v0 =	vld [tilespmem:s0+$0xFFFFFFE0]  }
0x2e1: {  	v1 =	vld [tilespmem:s0+$0xFFFFFFF0]  }
0x2e2: {  	v2 =	vld [tilespmem:s0+$0xFFFFFFD0]  }
0x2e3: {  	v3 =	vld [tilespmem:s0+$0x10]  }
0x2e4: {  	v4 =	vld [tilespmem:s0+$0x0]  }
0x2e5: {  	v5 =	vld [tilespmem:s0+$0xFFFFFFC0];
	v6 =	vunpack.i.u.bf16.f32 v0;
	v0 =	vunpack.i.l.bf16.f32 v0  }
0x2e6: {  	v7 =	vld [tilespmem:s0+$0xFFFFFF60];
	v8 =	vunpack.i.u.bf16.f32 v1;
	v1 =	vunpack.i.l.bf16.f32 v1  }
0x2e7: {  	v9 =	vld [tilespmem:s0+$0xFFFFFF90];
	v0 =	vadd.f32 v1, v0;
	v1 =	vadd.f32 v8, v6  }
0x2e8: {  	v8 =	vunpack.i.u.bf16.f32 v2;
	v2 =	vunpack.i.l.bf16.f32 v2;
	v6 =	vld [tilespmem:s0+$0xFFFFFF80];
	v10 =	vunpack.i.u.bf16.f32 v3  }
0x2e9: {  	v3 =	vunpack.i.l.bf16.f32 v3;
	v11 =	vunpack.i.u.bf16.f32 v4;
	v4 =	vunpack.i.l.bf16.f32 v4;
	v12 =	vld [tilespmem:s0+$0x20]  }
0x2ea: {  	v13 =	vunpack.i.u.bf16.f32 v5;
	v5 =	vunpack.i.l.bf16.f32 v5;
	v14 =	vld [tilespmem:s0+$0x40];
	v3 =	vadd.f32 v3, v4  }
0x2eb: {  	v4 =	vld [tilespmem:s0+$0x50];
	v2 =	vadd.f32 v2, v5;
	v5 =	vadd.f32 v8, v13  }
0x2ec: {  	v8 =	vunpack.i.l.bf16.f32 v7;
	v13 =	vunpack.i.u.bf16.f32 v9;
	v9 =	vunpack.i.l.bf16.f32 v9;
	v15 =	vld [tilespmem:s0+$0x30]  }
0x2ed: {  	v0 =	vadd.f32 v3, v0;
	v16 =	vunpack.i.u.bf16.f32 v6;
	v6 =	vunpack.i.l.bf16.f32 v6;
	v17 =	vld [tilespmem:s0+$0xFFFFFFA0]  }
0x2ee: {  	v3 =	vunpack.i.u.bf16.f32 v7;
	v7 =	vld [tilespmem:s0+$0xFFFFFF70];
	v18 =	vunpack.i.u.bf16.f32 v12;
	v13 =	vadd.f32 v13, v16  }
0x2ef: {  	v12 =	vunpack.i.l.bf16.f32 v12;
	v16 =	vld [tilespmem:s0+$0xFFFFFFB0];
	v19 =	vunpack.i.u.bf16.f32 v14;
	v14 =	vunpack.i.l.bf16.f32 v14  }
0x2f0: {  	v10 =	vadd.f32 v10, v11;
	v20 =	vunpack.i.u.bf16.f32 v4;
	v4 =	vunpack.i.l.bf16.f32 v4  }
0x2f1: {  	v6 =	vadd.f32 v9, v6;
	v11 =	vunpack.i.u.bf16.f32 v15;
	v15 =	vunpack.i.l.bf16.f32 v15  }
0x2f2: {  	v1 =	vadd.f32 v10, v1;
	v9 =	vunpack.i.u.bf16.f32 v17;
	v17 =	vunpack.i.l.bf16.f32 v17;
	v21 =	vld [tilespmem:s0+$0x90]  }
0x2f3: {  	v4 =	vadd.f32 v4, v14;
	v10 =	vunpack.i.u.bf16.f32 v7;
	v7 =	vunpack.i.l.bf16.f32 v7;
	v22 =	vld [tilespmem:s0+$0x80]  }
0x2f4: {  	v14 =	vunpack.i.l.bf16.f32 v16;
	v23 =	vld [tilespmem:s0+$0x70];
	v7 =	vadd.f32 v7, v8;
	v8 =	vadd.f32 v20, v19  }
0x2f5: {  	v12 =	vadd.f32 v15, v12;
	v3 =	vadd.f32 v10, v3;
	v19 =	vld [tilespmem:s0+$0x60]  }
0x2f6: {  	v10 =	vunpack.i.u.bf16.f32 v16;
	v14 =	vadd.f32 v14, v17;
	v6 =	vadd.f32 v6, v7  }
0x2f7: {  	v11 =	vadd.f32 v11, v18;
	v3 =	vadd.f32 v13, v3;
	v7 =	vunpack.i.l.bf16.f32 v21  }
0x2f8: {  	v4 =	vadd.f32 v4, v12;
	v9 =	vadd.f32 v10, v9;
	v13 =	vunpack.i.l.bf16.f32 v22  }
0x2f9: {  	v8 =	vadd.f32 v8, v11;
	v10 =	vunpack.i.l.bf16.f32 v23;
	v7 =	vadd.f32 v7, v13  }
0x2fa: {  	v2 =	vadd.f32 v2, v14;
	v5 =	vadd.f32 v5, v9;
	v11 =	vunpack.i.l.bf16.f32 v19  }
0x2fb: {  	v12 =	vunpack.i.u.bf16.f32 v22;
	v9 =	vunpack.i.u.bf16.f32 v19;
	v10 =	vadd.f32 v10, v11  }
.Ltmp12:
0x2fc: {  	v2 =	vadd.f32 v2, v6;
	v3 =	vadd.f32 v5, v3;
	v11 =	vunpack.i.u.bf16.f32 v21;
	(pc) =	sbr.rel @p0 .LBB2_26-.Ltmp12, $4  }
0x2fd: {  	v4 =	vadd.f32 v4, v0;
	v5 =	vunpack.i.u.bf16.f32 v23;
	v6 =	vadd.f32 v8, v1  }
0x2fe: {  	v5 =	vadd.f32 v5, v9;
	v8 =	vadd.f32 v11, v12  }
0x2ff: {  	v1 =	vadd.f32 v4, v2;
	v0 =	vadd.f32 v7, v10  }
0x300: {  	v3 =	vadd.f32 v6, v3;
	v2 =	vadd.f32 v8, v5  }
0x301: {  	_ = 	snop  }
0x302: {  	v0 =	vadd.f32 v0, v1;
	v1 =	vadd.f32 v2, v3;
	_ =	sdelay $0x1  }
0x303: {  	v0 =	vmul.f32 $5.000000070e-02, v0;
	v1 =	vmul.f32 $5.000000070e-02, v1;
	_ =	sdelay $0x1  }
0x304: {  	s0 =	sshra.s32 s2, $0x2;
	v0 =	vpack.i.f32.bf16 v1, v0  }
0x305: {  	s5 =	simm.s32 $0x0;
	[tilespmem:s0+$0xCA00] =	vst v0  }
0x306: {  	[hbm4b:s16+s5] =	stream.linear.scatter [tilespmem:s29], [sflag:$0x3], $0x400, $0x38;
	[tilespmem:$0xCE00] =	vst v63  }
0x307: {  	_ =	swait.ge [sflag:s21], $0x400  }
0x308: {  	[sflag:s21] =	ssyncset.done $0x0  }
0x309: {  	[sflag:s21] =	ssyncadd.s32 $0xFFFFFC00  }
0x30a: {  	[tilespmem:s5], [sflag:$0x3] =	stream.linear.gather [hbm4b:s17+s5], $0x2000, $0x38;
	[tilespmem:$0xCE00] =	vst v63  }
0x30b: {  	_ =	swait.ge [sflag:s21], $0x2000  }
0x30c: {  	[sflag:s21] =	ssyncset.done $0x0  }
0x30d: {  	s0 =	simm.s32 $0x4;
	[sflag:s21] =	ssyncadd.s32 $0xFFFFE000  }
0x30e: {  	v0 =	vld [tilespmem:s0+$0xFFFFFFFC];
	_ =	sdelay $0x4  }
0x30f: {  	v1 =	vshll.u32 v0, $0x3  }
0x310: {  	v2 =	vshrl.u32 v0, $0xC;
	v0 =	vand.u32 $0xFFFF8000, v0;
	v1 =	vand.u32 $0x7FF8, v1  }
0x311: {  	v0 =	vor.u32 v0, v1;
	v1 =	vand.u32 $0x7, v2  }
0x312: {  	s2 =	simm.s32 $0x0;
	v0 =	vor.u32 v1, v0  }
0x313: {  	[tilespmem:s2+$0x2500] =	vst v0  }
0x314: {  	v0 =	vld [tilespmem:s0+$0x0];
	_ =	sdelay $0x4  }
0x315: {  	v1 =	vshll.u32 v0, $0x3  }
0x316: {  	v2 =	vshrl.u32 v0, $0xC;
	v0 =	vand.u32 $0xFFFF8000, v0;
	v1 =	vand.u32 $0x7FF8, v1  }
0x317: {  	v0 =	vor.u32 v0, v1;
	v1 =	vand.u32 $0x7, v2  }
0x318: {  	s1 =	simm.s32 $0x50;
	v0 =	vor.u32 v1, v0  }
.LBB2_28:
0x319: {  	p0 =	sne.s32 s1, $0x13B0  }
0x31a: {  	[tilespmem:s2+$0x2504] =	vst v0;
	s0 =	sadd.s32 $0x80, s0;
	s2 =	smov.u32 s1;
	s1 =	sadd.s32 $0x50, s1  }
0x31b: {  	v0 =	vld [tilespmem:s0+$0xFFFFFFFC];
	_ =	sdelay $0x4  }
0x31c: {  	v1 =	vshll.u32 v0, $0x3;
	v2 =	vshrl.u32 v0, $0xC  }
0x31d: {  	v0 =	vand.u32 $0xFFFF8000, v0;
	v1 =	vand.u32 $0x7FF8, v1  }
0x31e: {  	v0 =	vor.u32 v0, v1;
	v1 =	vand.u32 $0x7, v2  }
0x31f: {  	s2 =	sshra.s32 s2, $0x2;
	v0 =	vor.u32 v1, v0  }
0x320: {  	[tilespmem:s2+$0x2500] =	vst v0  }
0x321: {  	v0 =	vld [tilespmem:s0+$0x0];
	_ =	sdelay $0x3  }
.Ltmp13:
0x322: {  	(pc) =	sbr.rel @p0 .LBB2_28-.Ltmp13, $4  }
0x323: {  	v1 =	vshll.u32 v0, $0x3;
	v2 =	vshrl.u32 v0, $0xC  }
0x324: {  	v0 =	vand.u32 $0xFFFF8000, v0;
	v1 =	vand.u32 $0x7FF8, v1  }
0x325: {  	v0 =	vor.u32 v0, v1;
	v1 =	vand.u32 $0x7, v2  }
0x326: {  	v0 =	vor.u32 v1, v0  }
0x327: {  	[tilespmem:s2+$0x2504] =	vst v0  }
0x328: {  	[tilespmem:s26], [sflag:$0x2] =	stream.indirect.gather [hbm4b:s3+s22], $0x10, s25, s22, $0xb8;
	[tilespmem:$0xCE00] =	vst v63  }
0x329: {  	_ =	swait.ge [sflag:s28], $0x5000  }
0x32a: {  	[sflag:s28] =	ssyncset.done $0x0  }
0x32b: {  	s0 =	simm.s32 $0x2AA0;
	[sflag:s28] =	ssyncadd.s32 $0xFFFFB000  }
0x32c: {  	v0 =	vld [tilespmem:s0+$0xFFFFFFE0]  }
0x32d: {  	v1 =	vld [tilespmem:s0+$0xFFFFFFF0]  }
0x32e: {  	v2 =	vld [tilespmem:s0+$0xFFFFFFD0]  }
0x32f: {  	v3 =	vld [tilespmem:s0+$0x10]  }
0x330: {  	v4 =	vld [tilespmem:s0+$0x0]  }
0x331: {  	v5 =	vld [tilespmem:s0+$0xFFFFFFC0]  }
0x332: {  	v7 =	vld [tilespmem:s0+$0xFFFFFF60]  }
0x333: {  	v9 =	vld [tilespmem:s0+$0xFFFFFF90]  }
0x334: {  	v40 =	vld [tilespmem:s0+$0xFFFFFF80]  }
0x335: {  	v12 =	vld [tilespmem:s0+$0x20]  }
0x336: {  	v14 =	vld [tilespmem:s0+$0x40];
	v6 =	vunpack.i.u.bf16.f32 v0  }
0x337: {  	v15 =	vld [tilespmem:s0+$0x30];
	v0 =	vunpack.i.l.bf16.f32 v0;
	v8 =	vunpack.i.u.bf16.f32 v1;
	v1 =	vunpack.i.l.bf16.f32 v1  }
0x338: {  	v17 =	vld [tilespmem:s0+$0xFFFFFFA0];
	v41 =	vunpack.i.u.bf16.f32 v2;
	v2 =	vunpack.i.l.bf16.f32 v2;
	v10 =	vunpack.i.u.bf16.f32 v3  }
0x339: {  	v44 =	vld [tilespmem:s0+$0xFFFFFF70];
	v11 =	vunpack.i.u.bf16.f32 v4;
	v4 =	vunpack.i.l.bf16.f32 v4;
	v3 =	vunpack.i.l.bf16.f32 v3  }
0x33a: {  	v19 =	vld [tilespmem:s0+$0xFFFFFFB0];
	v13 =	vunpack.i.l.bf16.f32 v5;
	v5 =	vunpack.i.u.bf16.f32 v5;
	v42 =	vunpack.i.l.bf16.f32 v7  }
0x33b: {  	v21 =	vld [tilespmem:s0+$0x90];
	v43 =	vunpack.i.u.bf16.f32 v9;
	v9 =	vunpack.i.l.bf16.f32 v9;
	v16 =	vunpack.i.u.bf16.f32 v40  }
0x33c: {  	v49 =	vld [tilespmem:s0+$0x70];
	v18 =	vunpack.i.u.bf16.f32 v12;
	v12 =	vunpack.i.l.bf16.f32 v12;
	v45 =	vunpack.i.u.bf16.f32 v14  }
0x33d: {  	v22 =	vld [tilespmem:s0+$0x80];
	v14 =	vunpack.i.l.bf16.f32 v14;
	v46 =	vunpack.i.u.bf16.f32 v15;
	v15 =	vunpack.i.l.bf16.f32 v15  }
0x33e: {  	v47 =	vunpack.i.u.bf16.f32 v17;
	v17 =	vunpack.i.l.bf16.f32 v17;
	v48 =	vunpack.i.l.bf16.f32 v44  }
0x33f: {  	v51 =	vunpack.i.l.bf16.f32 v19;
	v53 =	vunpack.i.u.bf16.f32 v19;
	v0 =	vadd.f32 v1, v0  }
0x340: {  	v52 =	vld [tilespmem:s0+$0x60];
	v55 =	vunpack.i.l.bf16.f32 v21;
	v1 =	vadd.f32 v8, v6;
	v3 =	vadd.f32 v3, v4  }
0x341: {  	v57 =	vunpack.i.l.bf16.f32 v49;
	v2 =	vadd.f32 v2, v13;
	v5 =	vadd.f32 v41, v5  }
0x342: {  	v60 =	vunpack.i.u.bf16.f32 v22;
	v13 =	vadd.f32 v43, v16;
	v10 =	vadd.f32 v10, v11  }
0x343: {  	v61 =	vunpack.i.u.bf16.f32 v21;
	v8 =	vadd.f32 v48, v42;
	v12 =	vadd.f32 v15, v12  }
0x344: {  	v4 =	vld [tilespmem:s0+$0x50];
	v6 =	vunpack.i.l.bf16.f32 v40;
	v54 =	vadd.f32 v51, v17;
	v11 =	vadd.f32 v46, v18  }
0x345: {  	v58 =	vunpack.i.l.bf16.f32 v52;
	v63 =	vadd.f32 v61, v60;
	v6 =	vadd.f32 v9, v6  }
0x346: {  	v9 =	vadd.f32 v57, v58;
	v0 =	vadd.f32 v3, v0;
	v3 =	vunpack.i.u.bf16.f32 v7  }
0x347: {  	v1 =	vadd.f32 v10, v1;
	v7 =	vunpack.i.u.bf16.f32 v44;
	v2 =	vadd.f32 v2, v54  }
0x348: {  	v56 =	vunpack.i.l.bf16.f32 v22;
	v3 =	vadd.f32 v7, v3;
	v6 =	vadd.f32 v6, v8  }
0x349: {  	v7 =	vadd.f32 v53, v47;
	v20 =	vunpack.i.u.bf16.f32 v4;
	v4 =	vunpack.i.l.bf16.f32 v4  }
0x34a: {  	v8 =	vadd.f32 v55, v56;
	v4 =	vadd.f32 v4, v14  }
0x34b: {  	v3 =	vadd.f32 v13, v3;
	v50 =	vadd.f32 v20, v45  }
0x34c: {  	v5 =	vadd.f32 v5, v7;
	v4 =	vadd.f32 v4, v12  }
0x34d: {  	v59 =	vunpack.i.u.bf16.f32 v52;
	v2 =	vadd.f32 v2, v6;
	v10 =	vadd.f32 v50, v11  }
0x34e: {  	v3 =	vadd.f32 v5, v3;
	v5 =	vunpack.i.u.bf16.f32 v49;
	v4 =	vadd.f32 v4, v0  }
0x34f: {  	v5 =	vadd.f32 v5, v59;
	v62 =	vadd.f32 v10, v1  }
0x350: {  	v0 =	vadd.f32 v8, v9;
	v1 =	vadd.f32 v4, v2  }
0x351: {  	s2 =	simm.s32 $0x0;
	s1 =	simm.s32 $0x40;
	v2 =	vadd.f32 v63, v5;
	v3 =	vadd.f32 v62, v3  }
.LBB2_30:
0x352: {  	p0 =	sne.s32 s1, $0xFC0  }
0x353: {  	s0 =	sadd.s32 $0x140, s0;
	s4 =	smov.u32 s1;
	s1 =	sadd.s32 $0x40, s1  }
0x354: {  	v0 =	vadd.f32 v0, v1;
	v1 =	vadd.f32 v2, v3;
	_ =	sdelay $0x1  }
0x355: {  	v0 =	vmul.f32 $5.000000070e-02, v0;
	v1 =	vmul.f32 $5.000000070e-02, v1;
	_ =	sdelay $0x1  }
0x356: {  	s5 =	sshra.s32 s2, $0x2;
	s2 =	smov.u32 s4;
	v0 =	vpack.i.f32.bf16 v1, v0  }
0x357: {  	[tilespmem:s5+$0xCA00] =	vst v0  }
0x358: {  	v0 =	vld [tilespmem:s0+$0xFFFFFFE0]  }
0x359: {  	v1 =	vld [tilespmem:s0+$0xFFFFFFF0]  }
0x35a: {  	v2 =	vld [tilespmem:s0+$0xFFFFFFD0]  }
0x35b: {  	v3 =	vld [tilespmem:s0+$0x10]  }
0x35c: {  	v4 =	vld [tilespmem:s0+$0x0]  }
0x35d: {  	v5 =	vld [tilespmem:s0+$0xFFFFFFC0];
	v6 =	vunpack.i.u.bf16.f32 v0;
	v0 =	vunpack.i.l.bf16.f32 v0  }
0x35e: {  	v7 =	vld [tilespmem:s0+$0xFFFFFF60];
	v8 =	vunpack.i.u.bf16.f32 v1;
	v1 =	vunpack.i.l.bf16.f32 v1  }
0x35f: {  	v9 =	vld [tilespmem:s0+$0xFFFFFF90];
	v0 =	vadd.f32 v1, v0;
	v1 =	vadd.f32 v8, v6  }
0x360: {  	v8 =	vunpack.i.u.bf16.f32 v2;
	v2 =	vunpack.i.l.bf16.f32 v2;
	v6 =	vld [tilespmem:s0+$0xFFFFFF80];
	v10 =	vunpack.i.u.bf16.f32 v3  }
0x361: {  	v3 =	vunpack.i.l.bf16.f32 v3;
	v11 =	vunpack.i.u.bf16.f32 v4;
	v4 =	vunpack.i.l.bf16.f32 v4;
	v12 =	vld [tilespmem:s0+$0x20]  }
0x362: {  	v13 =	vunpack.i.u.bf16.f32 v5;
	v5 =	vunpack.i.l.bf16.f32 v5;
	v14 =	vld [tilespmem:s0+$0x40];
	v3 =	vadd.f32 v3, v4  }
0x363: {  	v4 =	vld [tilespmem:s0+$0x50];
	v2 =	vadd.f32 v2, v5;
	v5 =	vadd.f32 v8, v13  }
0x364: {  	v8 =	vunpack.i.l.bf16.f32 v7;
	v13 =	vunpack.i.u.bf16.f32 v9;
	v9 =	vunpack.i.l.bf16.f32 v9;
	v15 =	vld [tilespmem:s0+$0x30]  }
0x365: {  	v0 =	vadd.f32 v3, v0;
	v16 =	vunpack.i.u.bf16.f32 v6;
	v6 =	vunpack.i.l.bf16.f32 v6;
	v17 =	vld [tilespmem:s0+$0xFFFFFFA0]  }
0x366: {  	v3 =	vunpack.i.u.bf16.f32 v7;
	v7 =	vld [tilespmem:s0+$0xFFFFFF70];
	v18 =	vunpack.i.u.bf16.f32 v12;
	v13 =	vadd.f32 v13, v16  }
0x367: {  	v12 =	vunpack.i.l.bf16.f32 v12;
	v16 =	vld [tilespmem:s0+$0xFFFFFFB0];
	v19 =	vunpack.i.u.bf16.f32 v14;
	v14 =	vunpack.i.l.bf16.f32 v14  }
0x368: {  	v10 =	vadd.f32 v10, v11;
	v20 =	vunpack.i.u.bf16.f32 v4;
	v4 =	vunpack.i.l.bf16.f32 v4  }
0x369: {  	v6 =	vadd.f32 v9, v6;
	v11 =	vunpack.i.u.bf16.f32 v15;
	v15 =	vunpack.i.l.bf16.f32 v15  }
0x36a: {  	v1 =	vadd.f32 v10, v1;
	v9 =	vunpack.i.u.bf16.f32 v17;
	v17 =	vunpack.i.l.bf16.f32 v17;
	v21 =	vld [tilespmem:s0+$0x90]  }
0x36b: {  	v4 =	vadd.f32 v4, v14;
	v10 =	vunpack.i.u.bf16.f32 v7;
	v7 =	vunpack.i.l.bf16.f32 v7;
	v22 =	vld [tilespmem:s0+$0x80]  }
0x36c: {  	v14 =	vunpack.i.l.bf16.f32 v16;
	v23 =	vld [tilespmem:s0+$0x70];
	v7 =	vadd.f32 v7, v8;
	v8 =	vadd.f32 v20, v19  }
0x36d: {  	v12 =	vadd.f32 v15, v12;
	v3 =	vadd.f32 v10, v3;
	v19 =	vld [tilespmem:s0+$0x60]  }
0x36e: {  	v10 =	vunpack.i.u.bf16.f32 v16;
	v14 =	vadd.f32 v14, v17;
	v6 =	vadd.f32 v6, v7  }
0x36f: {  	v11 =	vadd.f32 v11, v18;
	v3 =	vadd.f32 v13, v3;
	v7 =	vunpack.i.l.bf16.f32 v21  }
0x370: {  	v4 =	vadd.f32 v4, v12;
	v9 =	vadd.f32 v10, v9;
	v13 =	vunpack.i.l.bf16.f32 v22  }
0x371: {  	v8 =	vadd.f32 v8, v11;
	v10 =	vunpack.i.l.bf16.f32 v23;
	v7 =	vadd.f32 v7, v13  }
0x372: {  	v2 =	vadd.f32 v2, v14;
	v5 =	vadd.f32 v5, v9;
	v11 =	vunpack.i.l.bf16.f32 v19  }
0x373: {  	v12 =	vunpack.i.u.bf16.f32 v22;
	v9 =	vunpack.i.u.bf16.f32 v19;
	v10 =	vadd.f32 v10, v11  }
.Ltmp14:
0x374: {  	v2 =	vadd.f32 v2, v6;
	v3 =	vadd.f32 v5, v3;
	v11 =	vunpack.i.u.bf16.f32 v21;
	(pc) =	sbr.rel @p0 .LBB2_30-.Ltmp14, $4  }
0x375: {  	v4 =	vadd.f32 v4, v0;
	v5 =	vunpack.i.u.bf16.f32 v23;
	v6 =	vadd.f32 v8, v1  }
0x376: {  	v5 =	vadd.f32 v5, v9;
	v8 =	vadd.f32 v11, v12  }
0x377: {  	v1 =	vadd.f32 v4, v2;
	v0 =	vadd.f32 v7, v10  }
0x378: {  	v3 =	vadd.f32 v6, v3;
	v2 =	vadd.f32 v8, v5  }
0x379: {  	_ = 	snop  }
0x37a: {  	v0 =	vadd.f32 v0, v1;
	v1 =	vadd.f32 v2, v3;
	_ =	sdelay $0x1  }
0x37b: {  	v0 =	vmul.f32 $5.000000070e-02, v0;
	v1 =	vmul.f32 $5.000000070e-02, v1;
	_ =	sdelay $0x1  }
0x37c: {  	s0 =	sshra.s32 s2, $0x2;
	v0 =	vpack.i.f32.bf16 v1, v0  }
0x37d: {  	[tilespmem:s0+$0xCA00] =	vst v0;
	s0 =	simm.s32 $0x0  }
0x37e: {  	[hbm4b:s18+s0] =	stream.linear.scatter [tilespmem:s29], [sflag:$0x3], $0x400, $0x38;
	[tilespmem:$0xCE00] =	vst v63  }
0x37f: {  	_ =	swait.ge [sflag:s21], $0x400  }
0x380: {  	[sflag:s21] =	ssyncset.done $0x0  }
0x381: {  	[sflag:s21] =	ssyncadd.s32 $0xFFFFFC00  }
0x382: {  	_ =	swait.ge [sflag:s30], $0x5000  }
0x383: {  	[sflag:s30] =	ssyncset.done $0x0  }
0x384: {  	s2 =	simm.s32 $0x7AA0;
	[sflag:s30] =	ssyncadd.s32 $0xFFFFB000  }
0x385: {  	v0 =	vld [tilespmem:s2+$0xFFFFFFE0]  }
0x386: {  	v1 =	vld [tilespmem:s2+$0xFFFFFFF0]  }
0x387: {  	v2 =	vld [tilespmem:s2+$0xFFFFFFD0]  }
0x388: {  	v3 =	vld [tilespmem:s2+$0x10]  }
0x389: {  	v4 =	vld [tilespmem:s2+$0x0]  }
0x38a: {  	v5 =	vld [tilespmem:s2+$0xFFFFFFC0]  }
0x38b: {  	v7 =	vld [tilespmem:s2+$0xFFFFFF60]  }
0x38c: {  	v9 =	vld [tilespmem:s2+$0xFFFFFF90]  }
0x38d: {  	v40 =	vld [tilespmem:s2+$0xFFFFFF80]  }
0x38e: {  	v12 =	vld [tilespmem:s2+$0x20]  }
0x38f: {  	v14 =	vld [tilespmem:s2+$0x40];
	v6 =	vunpack.i.u.bf16.f32 v0  }
0x390: {  	v15 =	vld [tilespmem:s2+$0x30];
	v0 =	vunpack.i.l.bf16.f32 v0;
	v8 =	vunpack.i.u.bf16.f32 v1;
	v1 =	vunpack.i.l.bf16.f32 v1  }
0x391: {  	v17 =	vld [tilespmem:s2+$0xFFFFFFA0];
	v41 =	vunpack.i.u.bf16.f32 v2;
	v2 =	vunpack.i.l.bf16.f32 v2;
	v10 =	vunpack.i.u.bf16.f32 v3  }
0x392: {  	v44 =	vld [tilespmem:s2+$0xFFFFFF70];
	v11 =	vunpack.i.u.bf16.f32 v4;
	v4 =	vunpack.i.l.bf16.f32 v4;
	v3 =	vunpack.i.l.bf16.f32 v3  }
0x393: {  	v19 =	vld [tilespmem:s2+$0xFFFFFFB0];
	v13 =	vunpack.i.l.bf16.f32 v5;
	v5 =	vunpack.i.u.bf16.f32 v5;
	v42 =	vunpack.i.l.bf16.f32 v7  }
0x394: {  	v21 =	vld [tilespmem:s2+$0x90];
	v43 =	vunpack.i.u.bf16.f32 v9;
	v9 =	vunpack.i.l.bf16.f32 v9;
	v16 =	vunpack.i.u.bf16.f32 v40  }
0x395: {  	v49 =	vld [tilespmem:s2+$0x70];
	v18 =	vunpack.i.u.bf16.f32 v12;
	v12 =	vunpack.i.l.bf16.f32 v12;
	v45 =	vunpack.i.u.bf16.f32 v14  }
0x396: {  	v22 =	vld [tilespmem:s2+$0x80];
	v14 =	vunpack.i.l.bf16.f32 v14;
	v46 =	vunpack.i.u.bf16.f32 v15;
	v15 =	vunpack.i.l.bf16.f32 v15  }
0x397: {  	v47 =	vunpack.i.u.bf16.f32 v17;
	v17 =	vunpack.i.l.bf16.f32 v17;
	v48 =	vunpack.i.l.bf16.f32 v44  }
0x398: {  	v51 =	vunpack.i.l.bf16.f32 v19;
	v53 =	vunpack.i.u.bf16.f32 v19;
	v0 =	vadd.f32 v1, v0  }
0x399: {  	v52 =	vld [tilespmem:s2+$0x60];
	v55 =	vunpack.i.l.bf16.f32 v21;
	v1 =	vadd.f32 v8, v6;
	v3 =	vadd.f32 v3, v4  }
0x39a: {  	v57 =	vunpack.i.l.bf16.f32 v49;
	v2 =	vadd.f32 v2, v13;
	v5 =	vadd.f32 v41, v5  }
0x39b: {  	v60 =	vunpack.i.u.bf16.f32 v22;
	v13 =	vadd.f32 v43, v16;
	v10 =	vadd.f32 v10, v11  }
0x39c: {  	v61 =	vunpack.i.u.bf16.f32 v21;
	v8 =	vadd.f32 v48, v42;
	v12 =	vadd.f32 v15, v12  }
0x39d: {  	v4 =	vld [tilespmem:s2+$0x50];
	v6 =	vunpack.i.l.bf16.f32 v40;
	v54 =	vadd.f32 v51, v17;
	v11 =	vadd.f32 v46, v18  }
0x39e: {  	v58 =	vunpack.i.l.bf16.f32 v52;
	v63 =	vadd.f32 v61, v60;
	v6 =	vadd.f32 v9, v6  }
0x39f: {  	v9 =	vadd.f32 v57, v58;
	v0 =	vadd.f32 v3, v0;
	v3 =	vunpack.i.u.bf16.f32 v7  }
0x3a0: {  	v1 =	vadd.f32 v10, v1;
	v7 =	vunpack.i.u.bf16.f32 v44;
	v2 =	vadd.f32 v2, v54  }
0x3a1: {  	v56 =	vunpack.i.l.bf16.f32 v22;
	v3 =	vadd.f32 v7, v3;
	v6 =	vadd.f32 v6, v8  }
0x3a2: {  	v7 =	vadd.f32 v53, v47;
	v20 =	vunpack.i.u.bf16.f32 v4;
	v4 =	vunpack.i.l.bf16.f32 v4  }
0x3a3: {  	v8 =	vadd.f32 v55, v56;
	v4 =	vadd.f32 v4, v14  }
0x3a4: {  	v3 =	vadd.f32 v13, v3;
	v50 =	vadd.f32 v20, v45  }
0x3a5: {  	v5 =	vadd.f32 v5, v7;
	v4 =	vadd.f32 v4, v12  }
0x3a6: {  	v59 =	vunpack.i.u.bf16.f32 v52;
	v2 =	vadd.f32 v2, v6;
	v10 =	vadd.f32 v50, v11  }
0x3a7: {  	v3 =	vadd.f32 v5, v3;
	v5 =	vunpack.i.u.bf16.f32 v49;
	v4 =	vadd.f32 v4, v0  }
0x3a8: {  	v5 =	vadd.f32 v5, v59;
	v62 =	vadd.f32 v10, v1  }
0x3a9: {  	v0 =	vadd.f32 v8, v9;
	v1 =	vadd.f32 v4, v2  }
0x3aa: {  	s1 =	simm.s32 $0x40;
	v2 =	vadd.f32 v63, v5;
	v3 =	vadd.f32 v62, v3  }
.LBB2_32:
0x3ab: {  	p0 =	sne.s32 s1, $0xFC0  }
0x3ac: {  	s2 =	sadd.s32 $0x140, s2;
	s4 =	smov.u32 s1;
	s1 =	sadd.s32 $0x40, s1  }
0x3ad: {  	v0 =	vadd.f32 v0, v1;
	v1 =	vadd.f32 v2, v3;
	_ =	sdelay $0x1  }
0x3ae: {  	v0 =	vmul.f32 $5.000000070e-02, v0;
	v1 =	vmul.f32 $5.000000070e-02, v1;
	_ =	sdelay $0x1  }
0x3af: {  	s5 =	sshra.s32 s0, $0x2;
	s0 =	smov.u32 s4;
	v0 =	vpack.i.f32.bf16 v1, v0  }
0x3b0: {  	[tilespmem:s5+$0xCA00] =	vst v0  }
0x3b1: {  	v0 =	vld [tilespmem:s2+$0xFFFFFFE0]  }
0x3b2: {  	v1 =	vld [tilespmem:s2+$0xFFFFFFF0]  }
0x3b3: {  	v2 =	vld [tilespmem:s2+$0xFFFFFFD0]  }
0x3b4: {  	v3 =	vld [tilespmem:s2+$0x10]  }
0x3b5: {  	v4 =	vld [tilespmem:s2+$0x0]  }
0x3b6: {  	v5 =	vld [tilespmem:s2+$0xFFFFFFC0];
	v6 =	vunpack.i.u.bf16.f32 v0;
	v0 =	vunpack.i.l.bf16.f32 v0  }
0x3b7: {  	v7 =	vld [tilespmem:s2+$0xFFFFFF60];
	v8 =	vunpack.i.u.bf16.f32 v1;
	v1 =	vunpack.i.l.bf16.f32 v1  }
0x3b8: {  	v9 =	vld [tilespmem:s2+$0xFFFFFF90];
	v0 =	vadd.f32 v1, v0;
	v1 =	vadd.f32 v8, v6  }
0x3b9: {  	v8 =	vunpack.i.u.bf16.f32 v2;
	v2 =	vunpack.i.l.bf16.f32 v2;
	v6 =	vld [tilespmem:s2+$0xFFFFFF80];
	v10 =	vunpack.i.u.bf16.f32 v3  }
0x3ba: {  	v3 =	vunpack.i.l.bf16.f32 v3;
	v11 =	vunpack.i.u.bf16.f32 v4;
	v4 =	vunpack.i.l.bf16.f32 v4;
	v12 =	vld [tilespmem:s2+$0x20]  }
0x3bb: {  	v13 =	vunpack.i.u.bf16.f32 v5;
	v5 =	vunpack.i.l.bf16.f32 v5;
	v14 =	vld [tilespmem:s2+$0x40];
	v3 =	vadd.f32 v3, v4  }
0x3bc: {  	v4 =	vld [tilespmem:s2+$0x50];
	v2 =	vadd.f32 v2, v5;
	v5 =	vadd.f32 v8, v13  }
0x3bd: {  	v8 =	vunpack.i.l.bf16.f32 v7;
	v13 =	vunpack.i.u.bf16.f32 v9;
	v9 =	vunpack.i.l.bf16.f32 v9;
	v15 =	vld [tilespmem:s2+$0x30]  }
0x3be: {  	v0 =	vadd.f32 v3, v0;
	v16 =	vunpack.i.u.bf16.f32 v6;
	v6 =	vunpack.i.l.bf16.f32 v6;
	v17 =	vld [tilespmem:s2+$0xFFFFFFA0]  }
0x3bf: {  	v3 =	vunpack.i.u.bf16.f32 v7;
	v7 =	vld [tilespmem:s2+$0xFFFFFF70];
	v18 =	vunpack.i.u.bf16.f32 v12;
	v13 =	vadd.f32 v13, v16  }
0x3c0: {  	v12 =	vunpack.i.l.bf16.f32 v12;
	v16 =	vld [tilespmem:s2+$0xFFFFFFB0];
	v19 =	vunpack.i.u.bf16.f32 v14;
	v14 =	vunpack.i.l.bf16.f32 v14  }
0x3c1: {  	v10 =	vadd.f32 v10, v11;
	v20 =	vunpack.i.u.bf16.f32 v4;
	v4 =	vunpack.i.l.bf16.f32 v4  }
0x3c2: {  	v6 =	vadd.f32 v9, v6;
	v11 =	vunpack.i.u.bf16.f32 v15;
	v15 =	vunpack.i.l.bf16.f32 v15  }
0x3c3: {  	v1 =	vadd.f32 v10, v1;
	v9 =	vunpack.i.u.bf16.f32 v17;
	v17 =	vunpack.i.l.bf16.f32 v17;
	v21 =	vld [tilespmem:s2+$0x90]  }
0x3c4: {  	v4 =	vadd.f32 v4, v14;
	v10 =	vunpack.i.u.bf16.f32 v7;
	v7 =	vunpack.i.l.bf16.f32 v7;
	v22 =	vld [tilespmem:s2+$0x80]  }
0x3c5: {  	v14 =	vunpack.i.l.bf16.f32 v16;
	v23 =	vld [tilespmem:s2+$0x70];
	v7 =	vadd.f32 v7, v8;
	v8 =	vadd.f32 v20, v19  }
0x3c6: {  	v12 =	vadd.f32 v15, v12;
	v3 =	vadd.f32 v10, v3;
	v19 =	vld [tilespmem:s2+$0x60]  }
0x3c7: {  	v10 =	vunpack.i.u.bf16.f32 v16;
	v14 =	vadd.f32 v14, v17;
	v6 =	vadd.f32 v6, v7  }
0x3c8: {  	v11 =	vadd.f32 v11, v18;
	v3 =	vadd.f32 v13, v3;
	v7 =	vunpack.i.l.bf16.f32 v21  }
0x3c9: {  	v4 =	vadd.f32 v4, v12;
	v9 =	vadd.f32 v10, v9;
	v13 =	vunpack.i.l.bf16.f32 v22  }
0x3ca: {  	v8 =	vadd.f32 v8, v11;
	v10 =	vunpack.i.l.bf16.f32 v23;
	v7 =	vadd.f32 v7, v13  }
0x3cb: {  	v2 =	vadd.f32 v2, v14;
	v5 =	vadd.f32 v5, v9;
	v11 =	vunpack.i.l.bf16.f32 v19  }
0x3cc: {  	v12 =	vunpack.i.u.bf16.f32 v22;
	v9 =	vunpack.i.u.bf16.f32 v19;
	v10 =	vadd.f32 v10, v11  }
.Ltmp15:
0x3cd: {  	v2 =	vadd.f32 v2, v6;
	v3 =	vadd.f32 v5, v3;
	v11 =	vunpack.i.u.bf16.f32 v21;
	(pc) =	sbr.rel @p0 .LBB2_32-.Ltmp15, $4  }
0x3ce: {  	v4 =	vadd.f32 v4, v0;
	v5 =	vunpack.i.u.bf16.f32 v23;
	v6 =	vadd.f32 v8, v1  }
0x3cf: {  	v5 =	vadd.f32 v5, v9;
	v8 =	vadd.f32 v11, v12  }
0x3d0: {  	v1 =	vadd.f32 v4, v2;
	v0 =	vadd.f32 v7, v10  }
0x3d1: {  	v3 =	vadd.f32 v6, v3;
	v2 =	vadd.f32 v8, v5  }
0x3d2: {  	_ = 	snop  }
0x3d3: {  	v0 =	vadd.f32 v0, v1;
	v63 =	vadd.f32 v2, v3;
	_ =	sdelay $0x1  }
0x3d4: {  	v0 =	vmul.f32 $5.000000070e-02, v0;
	v1 =	vmul.f32 $5.000000070e-02, v63  }
0x3d5: {  	s31 =	sadd.s32 $0x1, s31  }
0x3d6: {  	s0 =	sshra.s32 s0, $0x2;
	p0 =	sne.s32 s31, s20;
	v0 =	vpack.i.f32.bf16 v1, v0  }
.Ltmp16:
0x3d7: {  	[tilespmem:s0+$0xCA00] =	vst v0;
	s0 =	simm.s32 $0x0;
	(pc) =	sbr.rel @p0 .LBB2_1-.Ltmp16, $4  }
0x3d8: {  	[hbm4b:s19+s0] =	stream.linear.scatter [tilespmem:s29], [sflag:$0x3], $0x400, $0x38;
	[tilespmem:$0xCE00] =	vst v63  }
0x3d9: {  	_ =	swait.ge [sflag:s21], $0x400  }
0x3da: {  	[sflag:s21] =	ssyncset.done $0x0  }
0x3db: {  	[sflag:s21] =	ssyncadd.s32 $0xFFFFFC00  }
0x3dc: {  	_ =	sfence.sel $0x180000  }
0x3dd: {  	[bflag:$0x0] =	sbarrier.arrive $0xFFFF  }
0x3de: {  	_ =	strace $0x90000047  }
0x3df: {  	s0 =	stileid.u32;
	[bflag:$0x2] =	sbarrier.arrive $0xFFFF  }
0x3e0: {  	p0 =	sne.s32 s0, $0x0;
	s0 =	rddreg [dreg:$0x2]  }
0x3e1: {  	s0 =	sadd.s32 @!p0 $0x100000, s0  }
0x3e2: {  	[sflag:s0] =	ssyncadd.tile.s32 @!p0 $0x1;
	_ =	shalt  }
.Lfunc_end2:
_tile_overlayer_lowered:
.L_overlay_start_2:
0x3e3: {  	(tag) =	ssettag $0x2  }
0x3e4: {  	s0 =	rddreg [dreg:$0x0];
	s2 =	stileid.u32  }
0x3e5: {  	s1 =	rddreg [dreg:$0x1];
	p0 =	sne.s32 s2, $0x0  }
0x3e6: {  	s3 =	rddreg [dreg:$0x2];
	[bflag:$0x3] =	sbarrier.arrive $0xFFFF;
	s2 =	simm.s32 @!p0 $0x1C03  }
0x3e7: {  	[timem:s3], [sflag:s2] =	dma.local @!p0 [hbm:s0], s1  }
0x3e8: {  	s0 =	simm.s32 @!p0 $0x3  }
0x3e9: {  	_ =	swait.ge @!p0 [sflag:s0], s1  }
0x3ea: {  	s1 =	ssub.s32 @!p0 $0x0, s1;
	[sflag:s0] =	ssyncset.done @!p0 $0x0  }
0x3eb: {  	[sflag:s0] =	ssyncadd.s32 @!p0 s1  }
0x3ec: {  	[bflag:$0x3] =	sbarrier.arrive $0xFFFF  }
0x3ed: {  	_ =	shalt  }

</sc_bundles>
